<compile_context>
chip_gen: v7x
topology: tpu7x:2x2x1
jax: 0.10.2.dev20260603
libtpu: 0.0.44.dev20260713+nightly
codegen_flags: <defaults>
</compile_context>

<pallas_src>
import jax
import jax.numpy as jnp
from jax import lax
from jax.experimental import pallas as pl
from jax.experimental.pallas import tpu as pltpu
from jax.experimental.pallas import tpu_sc as plsc

_B, _P, _D, _L = 64, 1024, 256, 80
_N = _B * _P
_NC, _NS = 2, 16
_NW = _NC * _NS
_RPW = _N // _NW
_BLK = 128
_NBLK = _RPW // _BLK
_LANES = 16


def _sc_encoder(x_hbm, y_hbm, lab_hbm, tab_hbm, w0_hbm, w1_hbm, out_hbm,
                tab_v, x_v, y_v, lab_v, w0_v, w1_v, out_v0, out_v1,
                sem0, sem1):
    wid = lax.axis_index("s") * _NC + lax.axis_index("c")
    base = wid * _RPW

    pltpu.sync_copy(x_hbm.at[pl.ds(base, _RPW)], x_v.at[pl.ds(0, _RPW)])
    pltpu.sync_copy(y_hbm.at[pl.ds(base, _RPW)], y_v.at[pl.ds(0, _RPW)])
    pltpu.sync_copy(lab_hbm.at[pl.ds(base, _RPW)], lab_v.at[pl.ds(0, _RPW)])
    pltpu.sync_copy(tab_hbm, tab_v)
    pltpu.sync_copy(w0_hbm, w0_v)
    pltpu.sync_copy(w1_hbm, w1_v)

    w0r = [w0_v[pl.ds(jb * _LANES, _LANES)] for jb in range(_D // _LANES)]
    w1r = [w1_v[pl.ds(jb * _LANES, _LANES)] for jb in range(_D // _LANES)]

    def compute_block(buf, off):
        @plsc.parallel_loop(0, _BLK, unroll=2)
        def body(i):
            p = i + off
            xv = x_v[pl.ds(p, _LANES)]
            yv = y_v[pl.ds(p, _LANES)]
            lv = lab_v[pl.ds(p, _LANES)]
            xs = xv[0]
            ys = yv[0]
            rowbase = lv[0]
            for jb in range(_D // _LANES):
                tbl = tab_v[pl.ds(rowbase + jb * _LANES, _LANES)]
                val = tbl + xs * w0r[jb] + ys * w1r[jb]
                buf[i, pl.ds(jb * _LANES, _LANES)] = val

    def issue(buf, off, sem):
        pltpu.async_copy(buf, out_hbm.at[pl.ds(base + off, _BLK)], sem)

    def drain(buf, off, sem):
        pltpu.make_async_copy(buf, out_hbm.at[pl.ds(base + off, _BLK)], sem).wait()

    compute_block(out_v0, 0)
    issue(out_v0, 0, sem0)
    compute_block(out_v1, _BLK)
    issue(out_v1, _BLK, sem1)

    def sb_body(sb, carry):
        off = sb * (2 * _BLK)
        drain(out_v0, off, sem0)
        compute_block(out_v0, off)
        issue(out_v0, off, sem0)
        drain(out_v1, off + _BLK, sem1)
        compute_block(out_v1, off + _BLK)
        issue(out_v1, off + _BLK, sem1)
        return carry

    lax.fori_loop(1, _NBLK // 2, sb_body, 0)
    drain(out_v0, 0, sem0)
    drain(out_v1, _BLK, sem1)


def kernel(points, labels, W_pos, b_pos, label_table):
    x = points[:, :, 0].reshape(-1).astype(jnp.float32)
    y = points[:, :, 1].reshape(-1).astype(jnp.float32)
    lab256 = labels.reshape(-1).astype(jnp.int32) * _D
    tab2 = (label_table + b_pos[None, :]).reshape(-1).astype(jnp.float32)
    w0 = W_pos[0].astype(jnp.float32)
    w1 = W_pos[1].astype(jnp.float32)

    mesh = plsc.VectorSubcoreMesh(core_axis_name="c", subcore_axis_name="s")
    enc = pl.kernel(
        _sc_encoder,
        out_type=jax.ShapeDtypeStruct((_N, _D), jnp.float32),
        mesh=mesh,
        compiler_params=pltpu.CompilerParams(needs_layout_passes=False),
        scratch_types=[
            pltpu.VMEM((_L * _D,), jnp.float32),
            pltpu.VMEM((_RPW + _LANES,), jnp.float32),
            pltpu.VMEM((_RPW + _LANES,), jnp.float32),
            pltpu.VMEM((_RPW + _LANES,), jnp.int32),
            pltpu.VMEM((_D,), jnp.float32),
            pltpu.VMEM((_D,), jnp.float32),
            pltpu.VMEM((_BLK, _D), jnp.float32),
            pltpu.VMEM((_BLK, _D), jnp.float32),
            pltpu.SemaphoreType.DMA,
            pltpu.SemaphoreType.DMA,
        ],
    )
    out = enc(x, y, lab256, tab2, w0, w1)
    return out.reshape(_B, _P, _D)

# --- scband reference (transcript-rebuilt; emitter-appended) ---
"""Pipeline reference for scband-point-encoder-32006096289964 (READ-ONLY COPY).

The authoritative reference and input builder live on the scoring server;
editing this copy changes nothing except your own understanding.
"""

import jax, jax.numpy as jnp
import numpy as np

B, P, D, L = 64, 1024, 256, 80

def setup_inputs(seed: int = 0) -> dict:
    key = jax.random.key(seed)
    k1, k2, k3, k4, k5 = jax.random.split(key, 5)
    points = jax.random.uniform(k1, (B, P, 2), dtype=jnp.float32)
    labels = jax.random.randint(k2, (B, P), 0, L, dtype=jnp.int64)
    W_pos = jax.random.normal(k3, (2, D), dtype=jnp.float32)
    b_pos = jax.random.normal(k4, (D,), dtype=jnp.float32)
    label_table = jax.random.normal(k5, (L, D), dtype=jnp.float32)
    return {"points": points, "labels": labels, "W_pos": W_pos, "b_pos": b_pos, "label_table": label_table}

def reference(points, labels, W_pos, b_pos, label_table):
    # pos_encoder.calc_emb: linear projection of 2D point coords to D dims
    position_embedding = jnp.einsum('bpc,cd->bpd', points, W_pos) + b_pos
    # label_encoder.calc_emb: embedding-table gather on integer labels
    label_embedding = jnp.take(label_table, labels, axis=0)
    # per-sample sum, batched (equivalent to the python loop over batch)
    return position_embedding + label_embedding

if __name__ == "__main__":
    import jax
    _d = setup_inputs()
    print(jax.jit(kernel)(*tuple(_d.values())))

</pallas_src>

<mosaic_0001>
#map = affine_map<(d0, d1) -> (0)>
#map1 = affine_map<(d0, d1) -> (0, 0)>
module attributes {stable_mosaic.version = 14 : i64} {
  func.func @_sc_encoder(%arg0: i32, %arg1: i32, %arg2: memref<65536xf32, #tpu.memory_space<hbm>>, %arg3: memref<65536xf32, #tpu.memory_space<hbm>>, %arg4: memref<65536xi32, #tpu.memory_space<hbm>>, %arg5: memref<20480xf32, #tpu.memory_space<hbm>>, %arg6: memref<256xf32, #tpu.memory_space<hbm>>, %arg7: memref<256xf32, #tpu.memory_space<hbm>>, %arg8: memref<65536x256xf32, #tpu.memory_space<hbm>>, %arg9: memref<20480xf32, #tpu.memory_space<vmem>>, %arg10: memref<2064xf32, #tpu.memory_space<vmem>>, %arg11: memref<2064xf32, #tpu.memory_space<vmem>>, %arg12: memref<2064xi32, #tpu.memory_space<vmem>>, %arg13: memref<256xf32, #tpu.memory_space<vmem>>, %arg14: memref<256xf32, #tpu.memory_space<vmem>>, %arg15: memref<128x256xf32, #tpu.memory_space<vmem>>, %arg16: memref<128x256xf32, #tpu.memory_space<vmem>>, %arg17: memref<!tpu.dma_semaphore, #tpu.memory_space<semaphore_mem>>, %arg18: memref<!tpu.dma_semaphore, #tpu.memory_space<semaphore_mem>>) attributes {dimension_semantics = [#tpu.dimension_semantics<core_parallel>, #tpu.dimension_semantics<subcore_parallel>], iteration_bounds = array<i64: 2, 16>, scalar_prefetch = 0 : i64, scratch_operands = 10 : i64, tpu.core_type = #tpu.core_type<sc_vector_subcore>, window_params = [{transform_indices = #map}, {transform_indices = #map}, {transform_indices = #map}, {transform_indices = #map}, {transform_indices = #map}, {transform_indices = #map}, {transform_indices = #map1}]} {
    %mul3A = arith.constant 2 : i32
    %mul3A_0 = arith.muli %arg1, %mul3A : i32
    %add3A = arith.addi %mul3A_0, %arg0 : i32
    %mul3A_1 = arith.constant 2048 : i32
    %mul3A_2 = arith.muli %add3A, %mul3A_1 : i32
    "tpu.region"() ({
      %run_scoped3A = tpu.sem_alloc : memref<!tpu.dma_semaphore, #tpu.memory_space<semaphore_mem>>
      %dma_start3A_98 = arith.constant 0 : i32
      %dma_start3A_99 = tpu.memref_slice %arg10[%dma_start3A_98] : memref<2064xf32, #tpu.memory_space<vmem>> -> memref<2048xf32, #tpu.memory_space<vmem>>
      %dma_start3A_100 = tpu.memref_slice %arg2[%mul3A_2] : memref<65536xf32, #tpu.memory_space<hbm>> -> memref<2048xf32, #tpu.memory_space<hbm>>
      %dma_start3A_101 = arith.constant 0 : i32
      %dma_start3A_102 = tpu.memref_slice %arg10[%dma_start3A_101] : memref<2064xf32, #tpu.memory_space<vmem>> -> memref<2048xf32, #tpu.memory_space<vmem>>
      %dma_start3A_103 = tpu.memref_slice %arg2[%mul3A_2] : memref<65536xf32, #tpu.memory_space<hbm>> -> memref<2048xf32, #tpu.memory_space<hbm>>
      tpu.enqueue_dma source(%dma_start3A_103 : memref<2048xf32, #tpu.memory_space<hbm>>) target(%dma_start3A_102 : memref<2048xf32, #tpu.memory_space<vmem>>) target_semaphore(%run_scoped3A : memref<!tpu.dma_semaphore, #tpu.memory_space<semaphore_mem>>)
      %dma_wait3A_104 = arith.constant 0 : i32
      %dma_wait3A_105 = tpu.memref_slice %arg10[%dma_wait3A_104] : memref<2064xf32, #tpu.memory_space<vmem>> -> memref<2048xf32, #tpu.memory_space<vmem>>
      %dma_wait3A_106 = tpu.memref_slice %arg2[%mul3A_2] : memref<65536xf32, #tpu.memory_space<hbm>> -> memref<2048xf32, #tpu.memory_space<hbm>>
      %dma_wait3A_107 = arith.constant 0 : i32
      %dma_wait3A_108 = tpu.memref_slice %arg10[%dma_wait3A_107] : memref<2064xf32, #tpu.memory_space<vmem>> -> memref<2048xf32, #tpu.memory_space<vmem>>
      %dma_wait3A_109 = tpu.memref_slice %arg2[%mul3A_2] : memref<65536xf32, #tpu.memory_space<hbm>> -> memref<2048xf32, #tpu.memory_space<hbm>>
      tpu.wait_dma2 semaphore(%run_scoped3A : memref<!tpu.dma_semaphore, #tpu.memory_space<semaphore_mem>>) src(%dma_wait3A_109 : memref<2048xf32, #tpu.memory_space<hbm>>) dst(%dma_wait3A_108 : memref<2048xf32, #tpu.memory_space<vmem>>)
      tpu.yield
    }) : () -> ()
    "tpu.region"() ({
      %run_scoped3A = tpu.sem_alloc : memref<!tpu.dma_semaphore, #tpu.memory_space<semaphore_mem>>
      %dma_start3A_98 = arith.constant 0 : i32
      %dma_start3A_99 = tpu.memref_slice %arg11[%dma_start3A_98] : memref<2064xf32, #tpu.memory_space<vmem>> -> memref<2048xf32, #tpu.memory_space<vmem>>
      %dma_start3A_100 = tpu.memref_slice %arg3[%mul3A_2] : memref<65536xf32, #tpu.memory_space<hbm>> -> memref<2048xf32, #tpu.memory_space<hbm>>
      %dma_start3A_101 = arith.constant 0 : i32
      %dma_start3A_102 = tpu.memref_slice %arg11[%dma_start3A_101] : memref<2064xf32, #tpu.memory_space<vmem>> -> memref<2048xf32, #tpu.memory_space<vmem>>
      %dma_start3A_103 = tpu.memref_slice %arg3[%mul3A_2] : memref<65536xf32, #tpu.memory_space<hbm>> -> memref<2048xf32, #tpu.memory_space<hbm>>
      tpu.enqueue_dma source(%dma_start3A_103 : memref<2048xf32, #tpu.memory_space<hbm>>) target(%dma_start3A_102 : memref<2048xf32, #tpu.memory_space<vmem>>) target_semaphore(%run_scoped3A : memref<!tpu.dma_semaphore, #tpu.memory_space<semaphore_mem>>)
      %dma_wait3A_104 = arith.constant 0 : i32
      %dma_wait3A_105 = tpu.memref_slice %arg11[%dma_wait3A_104] : memref<2064xf32, #tpu.memory_space<vmem>> -> memref<2048xf32, #tpu.memory_space<vmem>>
      %dma_wait3A_106 = tpu.memref_slice %arg3[%mul3A_2] : memref<65536xf32, #tpu.memory_space<hbm>> -> memref<2048xf32, #tpu.memory_space<hbm>>
      %dma_wait3A_107 = arith.constant 0 : i32
      %dma_wait3A_108 = tpu.memref_slice %arg11[%dma_wait3A_107] : memref<2064xf32, #tpu.memory_space<vmem>> -> memref<2048xf32, #tpu.memory_space<vmem>>
      %dma_wait3A_109 = tpu.memref_slice %arg3[%mul3A_2] : memref<65536xf32, #tpu.memory_space<hbm>> -> memref<2048xf32, #tpu.memory_space<hbm>>
      tpu.wait_dma2 semaphore(%run_scoped3A : memref<!tpu.dma_semaphore, #tpu.memory_space<semaphore_mem>>) src(%dma_wait3A_109 : memref<2048xf32, #tpu.memory_space<hbm>>) dst(%dma_wait3A_108 : memref<2048xf32, #tpu.memory_space<vmem>>)
      tpu.yield
    }) : () -> ()
    "tpu.region"() ({
      %run_scoped3A = tpu.sem_alloc : memref<!tpu.dma_semaphore, #tpu.memory_space<semaphore_mem>>
      %dma_start3A_98 = arith.constant 0 : i32
      %dma_start3A_99 = tpu.memref_slice %arg12[%dma_start3A_98] : memref<2064xi32, #tpu.memory_space<vmem>> -> memref<2048xi32, #tpu.memory_space<vmem>>
      %dma_start3A_100 = tpu.memref_slice %arg4[%mul3A_2] : memref<65536xi32, #tpu.memory_space<hbm>> -> memref<2048xi32, #tpu.memory_space<hbm>>
      %dma_start3A_101 = arith.constant 0 : i32
      %dma_start3A_102 = tpu.memref_slice %arg12[%dma_start3A_101] : memref<2064xi32, #tpu.memory_space<vmem>> -> memref<2048xi32, #tpu.memory_space<vmem>>
      %dma_start3A_103 = tpu.memref_slice %arg4[%mul3A_2] : memref<65536xi32, #tpu.memory_space<hbm>> -> memref<2048xi32, #tpu.memory_space<hbm>>
      tpu.enqueue_dma source(%dma_start3A_103 : memref<2048xi32, #tpu.memory_space<hbm>>) target(%dma_start3A_102 : memref<2048xi32, #tpu.memory_space<vmem>>) target_semaphore(%run_scoped3A : memref<!tpu.dma_semaphore, #tpu.memory_space<semaphore_mem>>)
      %dma_wait3A_104 = arith.constant 0 : i32
      %dma_wait3A_105 = tpu.memref_slice %arg12[%dma_wait3A_104] : memref<2064xi32, #tpu.memory_space<vmem>> -> memref<2048xi32, #tpu.memory_space<vmem>>
      %dma_wait3A_106 = tpu.memref_slice %arg4[%mul3A_2] : memref<65536xi32, #tpu.memory_space<hbm>> -> memref<2048xi32, #tpu.memory_space<hbm>>
      %dma_wait3A_107 = arith.constant 0 : i32
      %dma_wait3A_108 = tpu.memref_slice %arg12[%dma_wait3A_107] : memref<2064xi32, #tpu.memory_space<vmem>> -> memref<2048xi32, #tpu.memory_space<vmem>>
      %dma_wait3A_109 = tpu.memref_slice %arg4[%mul3A_2] : memref<65536xi32, #tpu.memory_space<hbm>> -> memref<2048xi32, #tpu.memory_space<hbm>>
      tpu.wait_dma2 semaphore(%run_scoped3A : memref<!tpu.dma_semaphore, #tpu.memory_space<semaphore_mem>>) src(%dma_wait3A_109 : memref<2048xi32, #tpu.memory_space<hbm>>) dst(%dma_wait3A_108 : memref<2048xi32, #tpu.memory_space<vmem>>)
      tpu.yield
    }) : () -> ()
    "tpu.region"() ({
      %run_scoped3A = tpu.sem_alloc : memref<!tpu.dma_semaphore, #tpu.memory_space<semaphore_mem>>
      tpu.enqueue_dma source(%arg5 : memref<20480xf32, #tpu.memory_space<hbm>>) target(%arg9 : memref<20480xf32, #tpu.memory_space<vmem>>) target_semaphore(%run_scoped3A : memref<!tpu.dma_semaphore, #tpu.memory_space<semaphore_mem>>)
      tpu.wait_dma2 semaphore(%run_scoped3A : memref<!tpu.dma_semaphore, #tpu.memory_space<semaphore_mem>>) src(%arg5 : memref<20480xf32, #tpu.memory_space<hbm>>) dst(%arg9 : memref<20480xf32, #tpu.memory_space<vmem>>)
      tpu.yield
    }) : () -> ()
    "tpu.region"() ({
      %run_scoped3A = tpu.sem_alloc : memref<!tpu.dma_semaphore, #tpu.memory_space<semaphore_mem>>
      tpu.enqueue_dma source(%arg6 : memref<256xf32, #tpu.memory_space<hbm>>) target(%arg13 : memref<256xf32, #tpu.memory_space<vmem>>) target_semaphore(%run_scoped3A : memref<!tpu.dma_semaphore, #tpu.memory_space<semaphore_mem>>)
      tpu.wait_dma2 semaphore(%run_scoped3A : memref<!tpu.dma_semaphore, #tpu.memory_space<semaphore_mem>>) src(%arg6 : memref<256xf32, #tpu.memory_space<hbm>>) dst(%arg13 : memref<256xf32, #tpu.memory_space<vmem>>)
      tpu.yield
    }) : () -> ()
    "tpu.region"() ({
      %run_scoped3A = tpu.sem_alloc : memref<!tpu.dma_semaphore, #tpu.memory_space<semaphore_mem>>
      tpu.enqueue_dma source(%arg7 : memref<256xf32, #tpu.memory_space<hbm>>) target(%arg14 : memref<256xf32, #tpu.memory_space<vmem>>) target_semaphore(%run_scoped3A : memref<!tpu.dma_semaphore, #tpu.memory_space<semaphore_mem>>)
      tpu.wait_dma2 semaphore(%run_scoped3A : memref<!tpu.dma_semaphore, #tpu.memory_space<semaphore_mem>>) src(%arg7 : memref<256xf32, #tpu.memory_space<hbm>>) dst(%arg14 : memref<256xf32, #tpu.memory_space<vmem>>)
      tpu.yield
    }) : () -> ()
    %get3A = arith.constant 0 : index
    %get3A_3 = tpu.vector_load %arg13[%get3A] {strides = array<i32>} : memref<256xf32, #tpu.memory_space<vmem>>, vector<16xf32>,
    %get3A_4 = arith.constant 16 : index
    %get3A_5 = tpu.vector_load %arg13[%get3A_4] {strides = array<i32>} : memref<256xf32, #tpu.memory_space<vmem>>, vector<16xf32>,
    %get3A_6 = arith.constant 32 : index
    %get3A_7 = tpu.vector_load %arg13[%get3A_6] {strides = array<i32>} : memref<256xf32, #tpu.memory_space<vmem>>, vector<16xf32>,
    %get3A_8 = arith.constant 48 : index
    %get3A_9 = tpu.vector_load %arg13[%get3A_8] {strides = array<i32>} : memref<256xf32, #tpu.memory_space<vmem>>, vector<16xf32>,
    %get3A_10 = arith.constant 64 : index
    %get3A_11 = tpu.vector_load %arg13[%get3A_10] {strides = array<i32>} : memref<256xf32, #tpu.memory_space<vmem>>, vector<16xf32>,
    %get3A_12 = arith.constant 80 : index
    %get3A_13 = tpu.vector_load %arg13[%get3A_12] {strides = array<i32>} : memref<256xf32, #tpu.memory_space<vmem>>, vector<16xf32>,
    %get3A_14 = arith.constant 96 : index
    %get3A_15 = tpu.vector_load %arg13[%get3A_14] {strides = array<i32>} : memref<256xf32, #tpu.memory_space<vmem>>, vector<16xf32>,
    %get3A_16 = arith.constant 112 : index
    %get3A_17 = tpu.vector_load %arg13[%get3A_16] {strides = array<i32>} : memref<256xf32, #tpu.memory_space<vmem>>, vector<16xf32>,
    %get3A_18 = arith.constant 128 : index
    %get3A_19 = tpu.vector_load %arg13[%get3A_18] {strides = array<i32>} : memref<256xf32, #tpu.memory_space<vmem>>, vector<16xf32>,
    %get3A_20 = arith.constant 144 : index
    %get3A_21 = tpu.vector_load %arg13[%get3A_20] {strides = array<i32>} : memref<256xf32, #tpu.memory_space<vmem>>, vector<16xf32>,
    %get3A_22 = arith.constant 160 : index
    %get3A_23 = tpu.vector_load %arg13[%get3A_22] {strides = array<i32>} : memref<256xf32, #tpu.memory_space<vmem>>, vector<16xf32>,
    %get3A_24 = arith.constant 176 : index
    %get3A_25 = tpu.vector_load %arg13[%get3A_24] {strides = array<i32>} : memref<256xf32, #tpu.memory_space<vmem>>, vector<16xf32>,
    %get3A_26 = arith.constant 192 : index
    %get3A_27 = tpu.vector_load %arg13[%get3A_26] {strides = array<i32>} : memref<256xf32, #tpu.memory_space<vmem>>, vector<16xf32>,
    %get3A_28 = arith.constant 208 : index
    %get3A_29 = tpu.vector_load %arg13[%get3A_28] {strides = array<i32>} : memref<256xf32, #tpu.memory_space<vmem>>, vector<16xf32>,
    %get3A_30 = arith.constant 224 : index
    %get3A_31 = tpu.vector_load %arg13[%get3A_30] {strides = array<i32>} : memref<256xf32, #tpu.memory_space<vmem>>, vector<16xf32>,
    %get3A_32 = arith.constant 240 : index
    %get3A_33 = tpu.vector_load %arg13[%get3A_32] {strides = array<i32>} : memref<256xf32, #tpu.memory_space<vmem>>, vector<16xf32>,
    %get3A_34 = arith.constant 0 : index
    %get3A_35 = tpu.vector_load %arg14[%get3A_34] {strides = array<i32>} : memref<256xf32, #tpu.memory_space<vmem>>, vector<16xf32>,
    %get3A_36 = arith.constant 16 : index
    %get3A_37 = tpu.vector_load %arg14[%get3A_36] {strides = array<i32>} : memref<256xf32, #tpu.memory_space<vmem>>, vector<16xf32>,
    %get3A_38 = arith.constant 32 : index
    %get3A_39 = tpu.vector_load %arg14[%get3A_38] {strides = array<i32>} : memref<256xf32, #tpu.memory_space<vmem>>, vector<16xf32>,
    %get3A_40 = arith.constant 48 : index
    %get3A_41 = tpu.vector_load %arg14[%get3A_40] {strides = array<i32>} : memref<256xf32, #tpu.memory_space<vmem>>, vector<16xf32>,
    %get3A_42 = arith.constant 64 : index
    %get3A_43 = tpu.vector_load %arg14[%get3A_42] {strides = array<i32>} : memref<256xf32, #tpu.memory_space<vmem>>, vector<16xf32>,
    %get3A_44 = arith.constant 80 : index
    %get3A_45 = tpu.vector_load %arg14[%get3A_44] {strides = array<i32>} : memref<256xf32, #tpu.memory_space<vmem>>, vector<16xf32>,
    %get3A_46 = arith.constant 96 : index
    %get3A_47 = tpu.vector_load %arg14[%get3A_46] {strides = array<i32>} : memref<256xf32, #tpu.memory_space<vmem>>, vector<16xf32>,
    %get3A_48 = arith.constant 112 : index
    %get3A_49 = tpu.vector_load %arg14[%get3A_48] {strides = array<i32>} : memref<256xf32, #tpu.memory_space<vmem>>, vector<16xf32>,
    %get3A_50 = arith.constant 128 : index
    %get3A_51 = tpu.vector_load %arg14[%get3A_50] {strides = array<i32>} : memref<256xf32, #tpu.memory_space<vmem>>, vector<16xf32>,
    %get3A_52 = arith.constant 144 : index
    %get3A_53 = tpu.vector_load %arg14[%get3A_52] {strides = array<i32>} : memref<256xf32, #tpu.memory_space<vmem>>, vector<16xf32>,
    %get3A_54 = arith.constant 160 : index
    %get3A_55 = tpu.vector_load %arg14[%get3A_54] {strides = array<i32>} : memref<256xf32, #tpu.memory_space<vmem>>, vector<16xf32>,
    %get3A_56 = arith.constant 176 : index
    %get3A_57 = tpu.vector_load %arg14[%get3A_56] {strides = array<i32>} : memref<256xf32, #tpu.memory_space<vmem>>, vector<16xf32>,
    %get3A_58 = arith.constant 192 : index
    %get3A_59 = tpu.vector_load %arg14[%get3A_58] {strides = array<i32>} : memref<256xf32, #tpu.memory_space<vmem>>, vector<16xf32>,
    %get3A_60 = arith.constant 208 : index
    %get3A_61 = tpu.vector_load %arg14[%get3A_60] {strides = array<i32>} : memref<256xf32, #tpu.memory_space<vmem>>, vector<16xf32>,
    %get3A_62 = arith.constant 224 : index
    %get3A_63 = tpu.vector_load %arg14[%get3A_62] {strides = array<i32>} : memref<256xf32, #tpu.memory_space<vmem>>, vector<16xf32>,
    %get3A_64 = arith.constant 240 : index
    %get3A_65 = tpu.vector_load %arg14[%get3A_64] {strides = array<i32>} : memref<256xf32, #tpu.memory_space<vmem>>, vector<16xf32>,
    %parallel_loop3A = arith.constant 0 : i32
    %parallel_loop3A_66 = arith.constant 128 : i32
    %parallel_loop3A_67 = arith.constant 1 : i32
    scf.for %parallel_loop3A_98 = %parallel_loop3A to %parallel_loop3A_66 step %parallel_loop3A_67  : i32 {
      %parallel_loop3A_99 = arith.constant 0 : i32
      %parallel_loop3A_100 = arith.addi %parallel_loop3A_98, %parallel_loop3A_99 : i32
      %parallel_loop3A_101 = arith.index_cast %parallel_loop3A_100 : i32 to index
      %parallel_loop3A_102 = tpu.vector_load %arg10[%parallel_loop3A_101] {strides = array<i32>} : memref<2064xf32, #tpu.memory_space<vmem>>, vector<16xf32>,
      %parallel_loop3A_103 = arith.index_cast %parallel_loop3A_100 : i32 to index
      %parallel_loop3A_104 = tpu.vector_load %arg11[%parallel_loop3A_103] {strides = array<i32>} : memref<2064xf32, #tpu.memory_space<vmem>>, vector<16xf32>,
      %parallel_loop3A_105 = arith.index_cast %parallel_loop3A_100 : i32 to index
      %parallel_loop3A_106 = tpu.vector_load %arg12[%parallel_loop3A_105] {strides = array<i32>} : memref<2064xi32, #tpu.memory_space<vmem>>, vector<16xi32>,
      %parallel_loop3A_107 = vector.extract_strided_slice %parallel_loop3A_102 {offsets = [0], sizes = [1], strides = [1]} : vector<16xf32> to vector<1xf32>
      %parallel_loop3A_108 = vector.extract %parallel_loop3A_107[0] : f32 from vector<1xf32>
      %parallel_loop3A_109 = vector.extract_strided_slice %parallel_loop3A_104 {offsets = [0], sizes = [1], strides = [1]} : vector<16xf32> to vector<1xf32>
      %parallel_loop3A_110 = vector.extract %parallel_loop3A_109[0] : f32 from vector<1xf32>
      %parallel_loop3A_111 = vector.extract_strided_slice %parallel_loop3A_106 {offsets = [0], sizes = [1], strides = [1]} : vector<16xi32> to vector<1xi32>
      %parallel_loop3A_112 = vector.extract %parallel_loop3A_111[0] : i32 from vector<1xi32>
      %parallel_loop3A_113 = arith.constant 0 : i32
      %parallel_loop3A_114 = arith.addi %parallel_loop3A_112, %parallel_loop3A_113 : i32
      %parallel_loop3A_115 = arith.index_cast %parallel_loop3A_114 : i32 to index
      %parallel_loop3A_116 = tpu.vector_load %arg9[%parallel_loop3A_115] {strides = array<i32>} : memref<20480xf32, #tpu.memory_space<vmem>>, vector<16xf32>,
      %parallel_loop3A_117 = vector.broadcast %parallel_loop3A_108 : f32 to vector<16xf32>
      %parallel_loop3A_118 = arith.mulf %parallel_loop3A_117, %get3A_3 : vector<16xf32>
      %parallel_loop3A_119 = arith.addf %parallel_loop3A_116, %parallel_loop3A_118 : vector<16xf32>
      %parallel_loop3A_120 = vector.broadcast %parallel_loop3A_110 : f32 to vector<16xf32>
      %parallel_loop3A_121 = arith.mulf %parallel_loop3A_120, %get3A_35 : vector<16xf32>
      %parallel_loop3A_122 = arith.addf %parallel_loop3A_119, %parallel_loop3A_121 : vector<16xf32>
      %parallel_loop3A_123 = arith.index_cast %parallel_loop3A_98 : i32 to index
      %parallel_loop3A_124 = arith.constant 0 : index
      %parallel_loop3A_125 = tpu.vector_load %arg15[%parallel_loop3A_123, %parallel_loop3A_124] {strides = array<i32>} : memref<128x256xf32, #tpu.memory_space<vmem>>, vector<16xf32>,
      tpu.vector_store %arg15[%parallel_loop3A_123, %parallel_loop3A_124], %parallel_loop3A_122 {strides = array<i32>} : memref<128x256xf32, #tpu.memory_space<vmem>>, vector<16xf32>,
      %parallel_loop3A_126 = arith.constant 16 : i32
      %parallel_loop3A_127 = arith.addi %parallel_loop3A_112, %parallel_loop3A_126 : i32
      %parallel_loop3A_128 = arith.index_cast %parallel_loop3A_127 : i32 to index
      %parallel_loop3A_129 = tpu.vector_load %arg9[%parallel_loop3A_128] {strides = array<i32>} : memref<20480xf32, #tpu.memory_space<vmem>>, vector<16xf32>,
      %parallel_loop3A_130 = vector.broadcast %parallel_loop3A_108 : f32 to vector<16xf32>
      %parallel_loop3A_131 = arith.mulf %parallel_loop3A_130, %get3A_5 : vector<16xf32>
      %parallel_loop3A_132 = arith.addf %parallel_loop3A_129, %parallel_loop3A_131 : vector<16xf32>
      %parallel_loop3A_133 = vector.broadcast %parallel_loop3A_110 : f32 to vector<16xf32>
      %parallel_loop3A_134 = arith.mulf %parallel_loop3A_133, %get3A_37 : vector<16xf32>
      %parallel_loop3A_135 = arith.addf %parallel_loop3A_132, %parallel_loop3A_134 : vector<16xf32>
      %parallel_loop3A_136 = arith.index_cast %parallel_loop3A_98 : i32 to index
      %parallel_loop3A_137 = arith.constant 16 : index
      %parallel_loop3A_138 = tpu.vector_load %arg15[%parallel_loop3A_136, %parallel_loop3A_137] {strides = array<i32>} : memref<128x256xf32, #tpu.memory_space<vmem>>, vector<16xf32>,
      tpu.vector_store %arg15[%parallel_loop3A_136, %parallel_loop3A_137], %parallel_loop3A_135 {strides = array<i32>} : memref<128x256xf32, #tpu.memory_space<vmem>>, vector<16xf32>,
      %parallel_loop3A_139 = arith.constant 32 : i32
      %parallel_loop3A_140 = arith.addi %parallel_loop3A_112, %parallel_loop3A_139 : i32
      %parallel_loop3A_141 = arith.index_cast %parallel_loop3A_140 : i32 to index
      %parallel_loop3A_142 = tpu.vector_load %arg9[%parallel_loop3A_141] {strides = array<i32>} : memref<20480xf32, #tpu.memory_space<vmem>>, vector<16xf32>,
      %parallel_loop3A_143 = vector.broadcast %parallel_loop3A_108 : f32 to vector<16xf32>
      %parallel_loop3A_144 = arith.mulf %parallel_loop3A_143, %get3A_7 : vector<16xf32>
      %parallel_loop3A_145 = arith.addf %parallel_loop3A_142, %parallel_loop3A_144 : vector<16xf32>
      %parallel_loop3A_146 = vector.broadcast %parallel_loop3A_110 : f32 to vector<16xf32>
      %parallel_loop3A_147 = arith.mulf %parallel_loop3A_146, %get3A_39 : vector<16xf32>
      %parallel_loop3A_148 = arith.addf %parallel_loop3A_145, %parallel_loop3A_147 : vector<16xf32>
      %parallel_loop3A_149 = arith.index_cast %parallel_loop3A_98 : i32 to index
      %parallel_loop3A_150 = arith.constant 32 : index
      %parallel_loop3A_151 = tpu.vector_load %arg15[%parallel_loop3A_149, %parallel_loop3A_150] {strides = array<i32>} : memref<128x256xf32, #tpu.memory_space<vmem>>, vector<16xf32>,
      tpu.vector_store %arg15[%parallel_loop3A_149, %parallel_loop3A_150], %parallel_loop3A_148 {strides = array<i32>} : memref<128x256xf32, #tpu.memory_space<vmem>>, vector<16xf32>,
      %parallel_loop3A_152 = arith.constant 48 : i32
      %parallel_loop3A_153 = arith.addi %parallel_loop3A_112, %parallel_loop3A_152 : i32
      %parallel_loop3A_154 = arith.index_cast %parallel_loop3A_153 : i32 to index
      %parallel_loop3A_155 = tpu.vector_load %arg9[%parallel_loop3A_154] {strides = array<i32>} : memref<20480xf32, #tpu.memory_space<vmem>>, vector<16xf32>,
      %parallel_loop3A_156 = vector.broadcast %parallel_loop3A_108 : f32 to vector<16xf32>
      %parallel_loop3A_157 = arith.mulf %parallel_loop3A_156, %get3A_9 : vector<16xf32>
      %parallel_loop3A_158 = arith.addf %parallel_loop3A_155, %parallel_loop3A_157 : vector<16xf32>
      %parallel_loop3A_159 = vector.broadcast %parallel_loop3A_110 : f32 to vector<16xf32>
      %parallel_loop3A_160 = arith.mulf %parallel_loop3A_159, %get3A_41 : vector<16xf32>
      %parallel_loop3A_161 = arith.addf %parallel_loop3A_158, %parallel_loop3A_160 : vector<16xf32>
      %parallel_loop3A_162 = arith.index_cast %parallel_loop3A_98 : i32 to index
      %parallel_loop3A_163 = arith.constant 48 : index
      %parallel_loop3A_164 = tpu.vector_load %arg15[%parallel_loop3A_162, %parallel_loop3A_163] {strides = array<i32>} : memref<128x256xf32, #tpu.memory_space<vmem>>, vector<16xf32>,
      tpu.vector_store %arg15[%parallel_loop3A_162, %parallel_loop3A_163], %parallel_loop3A_161 {strides = array<i32>} : memref<128x256xf32, #tpu.memory_space<vmem>>, vector<16xf32>,
      %parallel_loop3A_165 = arith.constant 64 : i32
      %parallel_loop3A_166 = arith.addi %parallel_loop3A_112, %parallel_loop3A_165 : i32
      %parallel_loop3A_167 = arith.index_cast %parallel_loop3A_166 : i32 to index
      %parallel_loop3A_168 = tpu.vector_load %arg9[%parallel_loop3A_167] {strides = array<i32>} : memref<20480xf32, #tpu.memory_space<vmem>>, vector<16xf32>,
      %parallel_loop3A_169 = vector.broadcast %parallel_loop3A_108 : f32 to vector<16xf32>
      %parallel_loop3A_170 = arith.mulf %parallel_loop3A_169, %get3A_11 : vector<16xf32>
      %parallel_loop3A_171 = arith.addf %parallel_loop3A_168, %parallel_loop3A_170 : vector<16xf32>
      %parallel_loop3A_172 = vector.broadcast %parallel_loop3A_110 : f32 to vector<16xf32>
      %parallel_loop3A_173 = arith.mulf %parallel_loop3A_172, %get3A_43 : vector<16xf32>
      %parallel_loop3A_174 = arith.addf %parallel_loop3A_171, %parallel_loop3A_173 : vector<16xf32>
      %parallel_loop3A_175 = arith.index_cast %parallel_loop3A_98 : i32 to index
      %parallel_loop3A_176 = arith.constant 64 : index
      %parallel_loop3A_177 = tpu.vector_load %arg15[%parallel_loop3A_175, %parallel_loop3A_176] {strides = array<i32>} : memref<128x256xf32, #tpu.memory_space<vmem>>, vector<16xf32>,
      tpu.vector_store %arg15[%parallel_loop3A_175, %parallel_loop3A_176], %parallel_loop3A_174 {strides = array<i32>} : memref<128x256xf32, #tpu.memory_space<vmem>>, vector<16xf32>,
      %parallel_loop3A_178 = arith.constant 80 : i32
      %parallel_loop3A_179 = arith.addi %parallel_loop3A_112, %parallel_loop3A_178 : i32
      %parallel_loop3A_180 = arith.index_cast %parallel_loop3A_179 : i32 to index
      %parallel_loop3A_181 = tpu.vector_load %arg9[%parallel_loop3A_180] {strides = array<i32>} : memref<20480xf32, #tpu.memory_space<vmem>>, vector<16xf32>,
      %parallel_loop3A_182 = vector.broadcast %parallel_loop3A_108 : f32 to vector<16xf32>
      %parallel_loop3A_183 = arith.mulf %parallel_loop3A_182, %get3A_13 : vector<16xf32>
      %parallel_loop3A_184 = arith.addf %parallel_loop3A_181, %parallel_loop3A_183 : vector<16xf32>
      %parallel_loop3A_185 = vector.broadcast %parallel_loop3A_110 : f32 to vector<16xf32>
      %parallel_loop3A_186 = arith.mulf %parallel_loop3A_185, %get3A_45 : vector<16xf32>
      %parallel_loop3A_187 = arith.addf %parallel_loop3A_184, %parallel_loop3A_186 : vector<16xf32>
      %parallel_loop3A_188 = arith.index_cast %parallel_loop3A_98 : i32 to index
      %parallel_loop3A_189 = arith.constant 80 : index
      %parallel_loop3A_190 = tpu.vector_load %arg15[%parallel_loop3A_188, %parallel_loop3A_189] {strides = array<i32>} : memref<128x256xf32, #tpu.memory_space<vmem>>, vector<16xf32>,
      tpu.vector_store %arg15[%parallel_loop3A_188, %parallel_loop3A_189], %parallel_loop3A_187 {strides = array<i32>} : memref<128x256xf32, #tpu.memory_space<vmem>>, vector<16xf32>,
      %parallel_loop3A_191 = arith.constant 96 : i32
      %parallel_loop3A_192 = arith.addi %parallel_loop3A_112, %parallel_loop3A_191 : i32
      %parallel_loop3A_193 = arith.index_cast %parallel_loop3A_192 : i32 to index
      %parallel_loop3A_194 = tpu.vector_load %arg9[%parallel_loop3A_193] {strides = array<i32>} : memref<20480xf32, #tpu.memory_space<vmem>>, vector<16xf32>,
      %parallel_loop3A_195 = vector.broadcast %parallel_loop3A_108 : f32 to vector<16xf32>
      %parallel_loop3A_196 = arith.mulf %parallel_loop3A_195, %get3A_15 : vector<16xf32>
      %parallel_loop3A_197 = arith.addf %parallel_loop3A_194, %parallel_loop3A_196 : vector<16xf32>
      %parallel_loop3A_198 = vector.broadcast %parallel_loop3A_110 : f32 to vector<16xf32>
      %parallel_loop3A_199 = arith.mulf %parallel_loop3A_198, %get3A_47 : vector<16xf32>
      %parallel_loop3A_200 = arith.addf %parallel_loop3A_197, %parallel_loop3A_199 : vector<16xf32>
      %parallel_loop3A_201 = arith.index_cast %parallel_loop3A_98 : i32 to index
      %parallel_loop3A_202 = arith.constant 96 : index
      %parallel_loop3A_203 = tpu.vector_load %arg15[%parallel_loop3A_201, %parallel_loop3A_202] {strides = array<i32>} : memref<128x256xf32, #tpu.memory_space<vmem>>, vector<16xf32>,
      tpu.vector_store %arg15[%parallel_loop3A_201, %parallel_loop3A_202], %parallel_loop3A_200 {strides = array<i32>} : memref<128x256xf32, #tpu.memory_space<vmem>>, vector<16xf32>,
      %parallel_loop3A_204 = arith.constant 112 : i32
      %parallel_loop3A_205 = arith.addi %parallel_loop3A_112, %parallel_loop3A_204 : i32
      %parallel_loop3A_206 = arith.index_cast %parallel_loop3A_205 : i32 to index
      %parallel_loop3A_207 = tpu.vector_load %arg9[%parallel_loop3A_206] {strides = array<i32>} : memref<20480xf32, #tpu.memory_space<vmem>>, vector<16xf32>,
      %parallel_loop3A_208 = vector.broadcast %parallel_loop3A_108 : f32 to vector<16xf32>
      %parallel_loop3A_209 = arith.mulf %parallel_loop3A_208, %get3A_17 : vector<16xf32>
      %parallel_loop3A_210 = arith.addf %parallel_loop3A_207, %parallel_loop3A_209 : vector<16xf32>
      %parallel_loop3A_211 = vector.broadcast %parallel_loop3A_110 : f32 to vector<16xf32>
      %parallel_loop3A_212 = arith.mulf %parallel_loop3A_211, %get3A_49 : vector<16xf32>
      %parallel_loop3A_213 = arith.addf %parallel_loop3A_210, %parallel_loop3A_212 : vector<16xf32>
      %parallel_loop3A_214 = arith.index_cast %parallel_loop3A_98 : i32 to index
      %parallel_loop3A_215 = arith.constant 112 : index
      %parallel_loop3A_216 = tpu.vector_load %arg15[%parallel_loop3A_214, %parallel_loop3A_215] {strides = array<i32>} : memref<128x256xf32, #tpu.memory_space<vmem>>, vector<16xf32>,
      tpu.vector_store %arg15[%parallel_loop3A_214, %parallel_loop3A_215], %parallel_loop3A_213 {strides = array<i32>} : memref<128x256xf32, #tpu.memory_space<vmem>>, vector<16xf32>,
      %parallel_loop3A_217 = arith.constant 128 : i32
      %parallel_loop3A_218 = arith.addi %parallel_loop3A_112, %parallel_loop3A_217 : i32
      %parallel_loop3A_219 = arith.index_cast %parallel_loop3A_218 : i32 to index
      %parallel_loop3A_220 = tpu.vector_load %arg9[%parallel_loop3A_219] {strides = array<i32>} : memref<20480xf32, #tpu.memory_space<vmem>>, vector<16xf32>,
      %parallel_loop3A_221 = vector.broadcast %parallel_loop3A_108 : f32 to vector<16xf32>
      %parallel_loop3A_222 = arith.mulf %parallel_loop3A_221, %get3A_19 : vector<16xf32>
      %parallel_loop3A_223 = arith.addf %parallel_loop3A_220, %parallel_loop3A_222 : vector<16xf32>
      %parallel_loop3A_224 = vector.broadcast %parallel_loop3A_110 : f32 to vector<16xf32>
      %parallel_loop3A_225 = arith.mulf %parallel_loop3A_224, %get3A_51 : vector<16xf32>
      %parallel_loop3A_226 = arith.addf %parallel_loop3A_223, %parallel_loop3A_225 : vector<16xf32>
      %parallel_loop3A_227 = arith.index_cast %parallel_loop3A_98 : i32 to index
      %parallel_loop3A_228 = arith.constant 128 : index
      %parallel_loop3A_229 = tpu.vector_load %arg15[%parallel_loop3A_227, %parallel_loop3A_228] {strides = array<i32>} : memref<128x256xf32, #tpu.memory_space<vmem>>, vector<16xf32>,
      tpu.vector_store %arg15[%parallel_loop3A_227, %parallel_loop3A_228], %parallel_loop3A_226 {strides = array<i32>} : memref<128x256xf32, #tpu.memory_space<vmem>>, vector<16xf32>,
      %parallel_loop3A_230 = arith.constant 144 : i32
      %parallel_loop3A_231 = arith.addi %parallel_loop3A_112, %parallel_loop3A_230 : i32
      %parallel_loop3A_232 = arith.index_cast %parallel_loop3A_231 : i32 to index
      %parallel_loop3A_233 = tpu.vector_load %arg9[%parallel_loop3A_232] {strides = array<i32>} : memref<20480xf32, #tpu.memory_space<vmem>>, vector<16xf32>,
      %parallel_loop3A_234 = vector.broadcast %parallel_loop3A_108 : f32 to vector<16xf32>
      %parallel_loop3A_235 = arith.mulf %parallel_loop3A_234, %get3A_21 : vector<16xf32>
      %parallel_loop3A_236 = arith.addf %parallel_loop3A_233, %parallel_loop3A_235 : vector<16xf32>
      %parallel_loop3A_237 = vector.broadcast %parallel_loop3A_110 : f32 to vector<16xf32>
      %parallel_loop3A_238 = arith.mulf %parallel_loop3A_237, %get3A_53 : vector<16xf32>
      %parallel_loop3A_239 = arith.addf %parallel_loop3A_236, %parallel_loop3A_238 : vector<16xf32>
      %parallel_loop3A_240 = arith.index_cast %parallel_loop3A_98 : i32 to index
      %parallel_loop3A_241 = arith.constant 144 : index
      %parallel_loop3A_242 = tpu.vector_load %arg15[%parallel_loop3A_240, %parallel_loop3A_241] {strides = array<i32>} : memref<128x256xf32, #tpu.memory_space<vmem>>, vector<16xf32>,
      tpu.vector_store %arg15[%parallel_loop3A_240, %parallel_loop3A_241], %parallel_loop3A_239 {strides = array<i32>} : memref<128x256xf32, #tpu.memory_space<vmem>>, vector<16xf32>,
      %parallel_loop3A_243 = arith.constant 160 : i32
      %parallel_loop3A_244 = arith.addi %parallel_loop3A_112, %parallel_loop3A_243 : i32
      %parallel_loop3A_245 = arith.index_cast %parallel_loop3A_244 : i32 to index
      %parallel_loop3A_246 = tpu.vector_load %arg9[%parallel_loop3A_245] {strides = array<i32>} : memref<20480xf32, #tpu.memory_space<vmem>>, vector<16xf32>,
      %parallel_loop3A_247 = vector.broadcast %parallel_loop3A_108 : f32 to vector<16xf32>
      %parallel_loop3A_248 = arith.mulf %parallel_loop3A_247, %get3A_23 : vector<16xf32>
      %parallel_loop3A_249 = arith.addf %parallel_loop3A_246, %parallel_loop3A_248 : vector<16xf32>
      %parallel_loop3A_250 = vector.broadcast %parallel_loop3A_110 : f32 to vector<16xf32>
      %parallel_loop3A_251 = arith.mulf %parallel_loop3A_250, %get3A_55 : vector<16xf32>
      %parallel_loop3A_252 = arith.addf %parallel_loop3A_249, %parallel_loop3A_251 : vector<16xf32>
      %parallel_loop3A_253 = arith.index_cast %parallel_loop3A_98 : i32 to index
      %parallel_loop3A_254 = arith.constant 160 : index
      %parallel_loop3A_255 = tpu.vector_load %arg15[%parallel_loop3A_253, %parallel_loop3A_254] {strides = array<i32>} : memref<128x256xf32, #tpu.memory_space<vmem>>, vector<16xf32>,
      tpu.vector_store %arg15[%parallel_loop3A_253, %parallel_loop3A_254], %parallel_loop3A_252 {strides = array<i32>} : memref<128x256xf32, #tpu.memory_space<vmem>>, vector<16xf32>,
      %parallel_loop3A_256 = arith.constant 176 : i32
      %parallel_loop3A_257 = arith.addi %parallel_loop3A_112, %parallel_loop3A_256 : i32
      %parallel_loop3A_258 = arith.index_cast %parallel_loop3A_257 : i32 to index
      %parallel_loop3A_259 = tpu.vector_load %arg9[%parallel_loop3A_258] {strides = array<i32>} : memref<20480xf32, #tpu.memory_space<vmem>>, vector<16xf32>,
      %parallel_loop3A_260 = vector.broadcast %parallel_loop3A_108 : f32 to vector<16xf32>
      %parallel_loop3A_261 = arith.mulf %parallel_loop3A_260, %get3A_25 : vector<16xf32>
      %parallel_loop3A_262 = arith.addf %parallel_loop3A_259, %parallel_loop3A_261 : vector<16xf32>
      %parallel_loop3A_263 = vector.broadcast %parallel_loop3A_110 : f32 to vector<16xf32>
      %parallel_loop3A_264 = arith.mulf %parallel_loop3A_263, %get3A_57 : vector<16xf32>
      %parallel_loop3A_265 = arith.addf %parallel_loop3A_262, %parallel_loop3A_264 : vector<16xf32>
      %parallel_loop3A_266 = arith.index_cast %parallel_loop3A_98 : i32 to index
      %parallel_loop3A_267 = arith.constant 176 : index
      %parallel_loop3A_268 = tpu.vector_load %arg15[%parallel_loop3A_266, %parallel_loop3A_267] {strides = array<i32>} : memref<128x256xf32, #tpu.memory_space<vmem>>, vector<16xf32>,
      tpu.vector_store %arg15[%parallel_loop3A_266, %parallel_loop3A_267], %parallel_loop3A_265 {strides = array<i32>} : memref<128x256xf32, #tpu.memory_space<vmem>>, vector<16xf32>,
      %parallel_loop3A_269 = arith.constant 192 : i32
      %parallel_loop3A_270 = arith.addi %parallel_loop3A_112, %parallel_loop3A_269 : i32
      %parallel_loop3A_271 = arith.index_cast %parallel_loop3A_270 : i32 to index
      %parallel_loop3A_272 = tpu.vector_load %arg9[%parallel_loop3A_271] {strides = array<i32>} : memref<20480xf32, #tpu.memory_space<vmem>>, vector<16xf32>,
      %parallel_loop3A_273 = vector.broadcast %parallel_loop3A_108 : f32 to vector<16xf32>
      %parallel_loop3A_274 = arith.mulf %parallel_loop3A_273, %get3A_27 : vector<16xf32>
      %parallel_loop3A_275 = arith.addf %parallel_loop3A_272, %parallel_loop3A_274 : vector<16xf32>
      %parallel_loop3A_276 = vector.broadcast %parallel_loop3A_110 : f32 to vector<16xf32>
      %parallel_loop3A_277 = arith.mulf %parallel_loop3A_276, %get3A_59 : vector<16xf32>
      %parallel_loop3A_278 = arith.addf %parallel_loop3A_275, %parallel_loop3A_277 : vector<16xf32>
      %parallel_loop3A_279 = arith.index_cast %parallel_loop3A_98 : i32 to index
      %parallel_loop3A_280 = arith.constant 192 : index
      %parallel_loop3A_281 = tpu.vector_load %arg15[%parallel_loop3A_279, %parallel_loop3A_280] {strides = array<i32>} : memref<128x256xf32, #tpu.memory_space<vmem>>, vector<16xf32>,
      tpu.vector_store %arg15[%parallel_loop3A_279, %parallel_loop3A_280], %parallel_loop3A_278 {strides = array<i32>} : memref<128x256xf32, #tpu.memory_space<vmem>>, vector<16xf32>,
      %parallel_loop3A_282 = arith.constant 208 : i32
      %parallel_loop3A_283 = arith.addi %parallel_loop3A_112, %parallel_loop3A_282 : i32
      %parallel_loop3A_284 = arith.index_cast %parallel_loop3A_283 : i32 to index
      %parallel_loop3A_285 = tpu.vector_load %arg9[%parallel_loop3A_284] {strides = array<i32>} : memref<20480xf32, #tpu.memory_space<vmem>>, vector<16xf32>,
      %parallel_loop3A_286 = vector.broadcast %parallel_loop3A_108 : f32 to vector<16xf32>
      %parallel_loop3A_287 = arith.mulf %parallel_loop3A_286, %get3A_29 : vector<16xf32>
      %parallel_loop3A_288 = arith.addf %parallel_loop3A_285, %parallel_loop3A_287 : vector<16xf32>
      %parallel_loop3A_289 = vector.broadcast %parallel_loop3A_110 : f32 to vector<16xf32>
      %parallel_loop3A_290 = arith.mulf %parallel_loop3A_289, %get3A_61 : vector<16xf32>
      %parallel_loop3A_291 = arith.addf %parallel_loop3A_288, %parallel_loop3A_290 : vector<16xf32>
      %parallel_loop3A_292 = arith.index_cast %parallel_loop3A_98 : i32 to index
      %parallel_loop3A_293 = arith.constant 208 : index
      %parallel_loop3A_294 = tpu.vector_load %arg15[%parallel_loop3A_292, %parallel_loop3A_293] {strides = array<i32>} : memref<128x256xf32, #tpu.memory_space<vmem>>, vector<16xf32>,
      tpu.vector_store %arg15[%parallel_loop3A_292, %parallel_loop3A_293], %parallel_loop3A_291 {strides = array<i32>} : memref<128x256xf32, #tpu.memory_space<vmem>>, vector<16xf32>,
      %parallel_loop3A_295 = arith.constant 224 : i32
      %parallel_loop3A_296 = arith.addi %parallel_loop3A_112, %parallel_loop3A_295 : i32
      %parallel_loop3A_297 = arith.index_cast %parallel_loop3A_296 : i32 to index
      %parallel_loop3A_298 = tpu.vector_load %arg9[%parallel_loop3A_297] {strides = array<i32>} : memref<20480xf32, #tpu.memory_space<vmem>>, vector<16xf32>,
      %parallel_loop3A_299 = vector.broadcast %parallel_loop3A_108 : f32 to vector<16xf32>
      %parallel_loop3A_300 = arith.mulf %parallel_loop3A_299, %get3A_31 : vector<16xf32>
      %parallel_loop3A_301 = arith.addf %parallel_loop3A_298, %parallel_loop3A_300 : vector<16xf32>
      %parallel_loop3A_302 = vector.broadcast %parallel_loop3A_110 : f32 to vector<16xf32>
      %parallel_loop3A_303 = arith.mulf %parallel_loop3A_302, %get3A_63 : vector<16xf32>
      %parallel_loop3A_304 = arith.addf %parallel_loop3A_301, %parallel_loop3A_303 : vector<16xf32>
      %parallel_loop3A_305 = arith.index_cast %parallel_loop3A_98 : i32 to index
      %parallel_loop3A_306 = arith.constant 224 : index
      %parallel_loop3A_307 = tpu.vector_load %arg15[%parallel_loop3A_305, %parallel_loop3A_306] {strides = array<i32>} : memref<128x256xf32, #tpu.memory_space<vmem>>, vector<16xf32>,
      tpu.vector_store %arg15[%parallel_loop3A_305, %parallel_loop3A_306], %parallel_loop3A_304 {strides = array<i32>} : memref<128x256xf32, #tpu.memory_space<vmem>>, vector<16xf32>,
      %parallel_loop3A_308 = arith.constant 240 : i32
      %parallel_loop3A_309 = arith.addi %parallel_loop3A_112, %parallel_loop3A_308 : i32
      %parallel_loop3A_310 = arith.index_cast %parallel_loop3A_309 : i32 to index
      %parallel_loop3A_311 = tpu.vector_load %arg9[%parallel_loop3A_310] {strides = array<i32>} : memref<20480xf32, #tpu.memory_space<vmem>>, vector<16xf32>,
      %parallel_loop3A_312 = vector.broadcast %parallel_loop3A_108 : f32 to vector<16xf32>
      %parallel_loop3A_313 = arith.mulf %parallel_loop3A_312, %get3A_33 : vector<16xf32>
      %parallel_loop3A_314 = arith.addf %parallel_loop3A_311, %parallel_loop3A_313 : vector<16xf32>
      %parallel_loop3A_315 = vector.broadcast %parallel_loop3A_110 : f32 to vector<16xf32>
      %parallel_loop3A_316 = arith.mulf %parallel_loop3A_315, %get3A_65 : vector<16xf32>
      %parallel_loop3A_317 = arith.addf %parallel_loop3A_314, %parallel_loop3A_316 : vector<16xf32>
      %parallel_loop3A_318 = arith.index_cast %parallel_loop3A_98 : i32 to index
      %parallel_loop3A_319 = arith.constant 240 : index
      %parallel_loop3A_320 = tpu.vector_load %arg15[%parallel_loop3A_318, %parallel_loop3A_319] {strides = array<i32>} : memref<128x256xf32, #tpu.memory_space<vmem>>, vector<16xf32>,
      tpu.vector_store %arg15[%parallel_loop3A_318, %parallel_loop3A_319], %parallel_loop3A_317 {strides = array<i32>} : memref<128x256xf32, #tpu.memory_space<vmem>>, vector<16xf32>,
    } {sc.loop_unroll_factor = 2 : i64, sc.parallel_access}
    %add3A_68 = arith.constant 0 : i32
    %add3A_69 = arith.addi %mul3A_2, %add3A_68 : i32
    %dma_start3A = arith.constant 0 : i32
    %dma_start3A_70 = tpu.memref_slice %arg8[%add3A_69, %dma_start3A] : memref<65536x256xf32, #tpu.memory_space<hbm>> -> memref<128x256xf32, #tpu.memory_space<hbm>>
    %dma_start3A_71 = arith.constant 0 : i32
    %dma_start3A_72 = tpu.memref_slice %arg8[%add3A_69, %dma_start3A_71] : memref<65536x256xf32, #tpu.memory_space<hbm>> -> memref<128x256xf32, #tpu.memory_space<hbm>>
    tpu.enqueue_dma source(%arg15 : memref<128x256xf32, #tpu.memory_space<vmem>>) target(%dma_start3A_72 : memref<128x256xf32, #tpu.memory_space<hbm>>) target_semaphore(%arg17 : memref<!tpu.dma_semaphore, #tpu.memory_space<semaphore_mem>>)
    %parallel_loop3A_73 = arith.constant 0 : i32
    %parallel_loop3A_74 = arith.constant 128 : i32
    %parallel_loop3A_75 = arith.constant 1 : i32
    scf.for %parallel_loop3A_98 = %parallel_loop3A_73 to %parallel_loop3A_74 step %parallel_loop3A_75  : i32 {
      %parallel_loop3A_99 = arith.constant 128 : i32
      %parallel_loop3A_100 = arith.addi %parallel_loop3A_98, %parallel_loop3A_99 : i32
      %parallel_loop3A_101 = arith.index_cast %parallel_loop3A_100 : i32 to index
      %parallel_loop3A_102 = tpu.vector_load %arg10[%parallel_loop3A_101] {strides = array<i32>} : memref<2064xf32, #tpu.memory_space<vmem>>, vector<16xf32>,
      %parallel_loop3A_103 = arith.index_cast %parallel_loop3A_100 : i32 to index
      %parallel_loop3A_104 = tpu.vector_load %arg11[%parallel_loop3A_103] {strides = array<i32>} : memref<2064xf32, #tpu.memory_space<vmem>>, vector<16xf32>,
      %parallel_loop3A_105 = arith.index_cast %parallel_loop3A_100 : i32 to index
      %parallel_loop3A_106 = tpu.vector_load %arg12[%parallel_loop3A_105] {strides = array<i32>} : memref<2064xi32, #tpu.memory_space<vmem>>, vector<16xi32>,
      %parallel_loop3A_107 = vector.extract_strided_slice %parallel_loop3A_102 {offsets = [0], sizes = [1], strides = [1]} : vector<16xf32> to vector<1xf32>
      %parallel_loop3A_108 = vector.extract %parallel_loop3A_107[0] : f32 from vector<1xf32>
      %parallel_loop3A_109 = vector.extract_strided_slice %parallel_loop3A_104 {offsets = [0], sizes = [1], strides = [1]} : vector<16xf32> to vector<1xf32>
      %parallel_loop3A_110 = vector.extract %parallel_loop3A_109[0] : f32 from vector<1xf32>
      %parallel_loop3A_111 = vector.extract_strided_slice %parallel_loop3A_106 {offsets = [0], sizes = [1], strides = [1]} : vector<16xi32> to vector<1xi32>
      %parallel_loop3A_112 = vector.extract %parallel_loop3A_111[0] : i32 from vector<1xi32>
      %parallel_loop3A_113 = arith.constant 0 : i32
      %parallel_loop3A_114 = arith.addi %parallel_loop3A_112, %parallel_loop3A_113 : i32
      %parallel_loop3A_115 = arith.index_cast %parallel_loop3A_114 : i32 to index
      %parallel_loop3A_116 = tpu.vector_load %arg9[%parallel_loop3A_115] {strides = array<i32>} : memref<20480xf32, #tpu.memory_space<vmem>>, vector<16xf32>,
      %parallel_loop3A_117 = vector.broadcast %parallel_loop3A_108 : f32 to vector<16xf32>
      %parallel_loop3A_118 = arith.mulf %parallel_loop3A_117, %get3A_3 : vector<16xf32>
      %parallel_loop3A_119 = arith.addf %parallel_loop3A_116, %parallel_loop3A_118 : vector<16xf32>
      %parallel_loop3A_120 = vector.broadcast %parallel_loop3A_110 : f32 to vector<16xf32>
      %parallel_loop3A_121 = arith.mulf %parallel_loop3A_120, %get3A_35 : vector<16xf32>
      %parallel_loop3A_122 = arith.addf %parallel_loop3A_119, %parallel_loop3A_121 : vector<16xf32>
      %parallel_loop3A_123 = arith.index_cast %parallel_loop3A_98 : i32 to index
      %parallel_loop3A_124 = arith.constant 0 : index
      %parallel_loop3A_125 = tpu.vector_load %arg16[%parallel_loop3A_123, %parallel_loop3A_124] {strides = array<i32>} : memref<128x256xf32, #tpu.memory_space<vmem>>, vector<16xf32>,
      tpu.vector_store %arg16[%parallel_loop3A_123, %parallel_loop3A_124], %parallel_loop3A_122 {strides = array<i32>} : memref<128x256xf32, #tpu.memory_space<vmem>>, vector<16xf32>,
      %parallel_loop3A_126 = arith.constant 16 : i32
      %parallel_loop3A_127 = arith.addi %parallel_loop3A_112, %parallel_loop3A_126 : i32
      %parallel_loop3A_128 = arith.index_cast %parallel_loop3A_127 : i32 to index
      %parallel_loop3A_129 = tpu.vector_load %arg9[%parallel_loop3A_128] {strides = array<i32>} : memref<20480xf32, #tpu.memory_space<vmem>>, vector<16xf32>,
      %parallel_loop3A_130 = vector.broadcast %parallel_loop3A_108 : f32 to vector<16xf32>
      %parallel_loop3A_131 = arith.mulf %parallel_loop3A_130, %get3A_5 : vector<16xf32>
      %parallel_loop3A_132 = arith.addf %parallel_loop3A_129, %parallel_loop3A_131 : vector<16xf32>
      %parallel_loop3A_133 = vector.broadcast %parallel_loop3A_110 : f32 to vector<16xf32>
      %parallel_loop3A_134 = arith.mulf %parallel_loop3A_133, %get3A_37 : vector<16xf32>
      %parallel_loop3A_135 = arith.addf %parallel_loop3A_132, %parallel_loop3A_134 : vector<16xf32>
      %parallel_loop3A_136 = arith.index_cast %parallel_loop3A_98 : i32 to index
      %parallel_loop3A_137 = arith.constant 16 : index
      %parallel_loop3A_138 = tpu.vector_load %arg16[%parallel_loop3A_136, %parallel_loop3A_137] {strides = array<i32>} : memref<128x256xf32, #tpu.memory_space<vmem>>, vector<16xf32>,
      tpu.vector_store %arg16[%parallel_loop3A_136, %parallel_loop3A_137], %parallel_loop3A_135 {strides = array<i32>} : memref<128x256xf32, #tpu.memory_space<vmem>>, vector<16xf32>,
      %parallel_loop3A_139 = arith.constant 32 : i32
      %parallel_loop3A_140 = arith.addi %parallel_loop3A_112, %parallel_loop3A_139 : i32
      %parallel_loop3A_141 = arith.index_cast %parallel_loop3A_140 : i32 to index
      %parallel_loop3A_142 = tpu.vector_load %arg9[%parallel_loop3A_141] {strides = array<i32>} : memref<20480xf32, #tpu.memory_space<vmem>>, vector<16xf32>,
      %parallel_loop3A_143 = vector.broadcast %parallel_loop3A_108 : f32 to vector<16xf32>
      %parallel_loop3A_144 = arith.mulf %parallel_loop3A_143, %get3A_7 : vector<16xf32>
      %parallel_loop3A_145 = arith.addf %parallel_loop3A_142, %parallel_loop3A_144 : vector<16xf32>
      %parallel_loop3A_146 = vector.broadcast %parallel_loop3A_110 : f32 to vector<16xf32>
      %parallel_loop3A_147 = arith.mulf %parallel_loop3A_146, %get3A_39 : vector<16xf32>
      %parallel_loop3A_148 = arith.addf %parallel_loop3A_145, %parallel_loop3A_147 : vector<16xf32>
      %parallel_loop3A_149 = arith.index_cast %parallel_loop3A_98 : i32 to index
      %parallel_loop3A_150 = arith.constant 32 : index
      %parallel_loop3A_151 = tpu.vector_load %arg16[%parallel_loop3A_149, %parallel_loop3A_150] {strides = array<i32>} : memref<128x256xf32, #tpu.memory_space<vmem>>, vector<16xf32>,
      tpu.vector_store %arg16[%parallel_loop3A_149, %parallel_loop3A_150], %parallel_loop3A_148 {strides = array<i32>} : memref<128x256xf32, #tpu.memory_space<vmem>>, vector<16xf32>,
      %parallel_loop3A_152 = arith.constant 48 : i32
      %parallel_loop3A_153 = arith.addi %parallel_loop3A_112, %parallel_loop3A_152 : i32
      %parallel_loop3A_154 = arith.index_cast %parallel_loop3A_153 : i32 to index
      %parallel_loop3A_155 = tpu.vector_load %arg9[%parallel_loop3A_154] {strides = array<i32>} : memref<20480xf32, #tpu.memory_space<vmem>>, vector<16xf32>,
      %parallel_loop3A_156 = vector.broadcast %parallel_loop3A_108 : f32 to vector<16xf32>
      %parallel_loop3A_157 = arith.mulf %parallel_loop3A_156, %get3A_9 : vector<16xf32>
      %parallel_loop3A_158 = arith.addf %parallel_loop3A_155, %parallel_loop3A_157 : vector<16xf32>
      %parallel_loop3A_159 = vector.broadcast %parallel_loop3A_110 : f32 to vector<16xf32>
      %parallel_loop3A_160 = arith.mulf %parallel_loop3A_159, %get3A_41 : vector<16xf32>
      %parallel_loop3A_161 = arith.addf %parallel_loop3A_158, %parallel_loop3A_160 : vector<16xf32>
      %parallel_loop3A_162 = arith.index_cast %parallel_loop3A_98 : i32 to index
      %parallel_loop3A_163 = arith.constant 48 : index
      %parallel_loop3A_164 = tpu.vector_load %arg16[%parallel_loop3A_162, %parallel_loop3A_163] {strides = array<i32>} : memref<128x256xf32, #tpu.memory_space<vmem>>, vector<16xf32>,
      tpu.vector_store %arg16[%parallel_loop3A_162, %parallel_loop3A_163], %parallel_loop3A_161 {strides = array<i32>} : memref<128x256xf32, #tpu.memory_space<vmem>>, vector<16xf32>,
      %parallel_loop3A_165 = arith.constant 64 : i32
      %parallel_loop3A_166 = arith.addi %parallel_loop3A_112, %parallel_loop3A_165 : i32
      %parallel_loop3A_167 = arith.index_cast %parallel_loop3A_166 : i32 to index
      %parallel_loop3A_168 = tpu.vector_load %arg9[%parallel_loop3A_167] {strides = array<i32>} : memref<20480xf32, #tpu.memory_space<vmem>>, vector<16xf32>,
      %parallel_loop3A_169 = vector.broadcast %parallel_loop3A_108 : f32 to vector<16xf32>
      %parallel_loop3A_170 = arith.mulf %parallel_loop3A_169, %get3A_11 : vector<16xf32>
      %parallel_loop3A_171 = arith.addf %parallel_loop3A_168, %parallel_loop3A_170 : vector<16xf32>
      %parallel_loop3A_172 = vector.broadcast %parallel_loop3A_110 : f32 to vector<16xf32>
      %parallel_loop3A_173 = arith.mulf %parallel_loop3A_172, %get3A_43 : vector<16xf32>
      %parallel_loop3A_174 = arith.addf %parallel_loop3A_171, %parallel_loop3A_173 : vector<16xf32>
      %parallel_loop3A_175 = arith.index_cast %parallel_loop3A_98 : i32 to index
      %parallel_loop3A_176 = arith.constant 64 : index
      %parallel_loop3A_177 = tpu.vector_load %arg16[%parallel_loop3A_175, %parallel_loop3A_176] {strides = array<i32>} : memref<128x256xf32, #tpu.memory_space<vmem>>, vector<16xf32>,
      tpu.vector_store %arg16[%parallel_loop3A_175, %parallel_loop3A_176], %parallel_loop3A_174 {strides = array<i32>} : memref<128x256xf32, #tpu.memory_space<vmem>>, vector<16xf32>,
      %parallel_loop3A_178 = arith.constant 80 : i32
      %parallel_loop3A_179 = arith.addi %parallel_loop3A_112, %parallel_loop3A_178 : i32
      %parallel_loop3A_180 = arith.index_cast %parallel_loop3A_179 : i32 to index
      %parallel_loop3A_181 = tpu.vector_load %arg9[%parallel_loop3A_180] {strides = array<i32>} : memref<20480xf32, #tpu.memory_space<vmem>>, vector<16xf32>,
      %parallel_loop3A_182 = vector.broadcast %parallel_loop3A_108 : f32 to vector<16xf32>
      %parallel_loop3A_183 = arith.mulf %parallel_loop3A_182, %get3A_13 : vector<16xf32>
      %parallel_loop3A_184 = arith.addf %parallel_loop3A_181, %parallel_loop3A_183 : vector<16xf32>
      %parallel_loop3A_185 = vector.broadcast %parallel_loop3A_110 : f32 to vector<16xf32>
      %parallel_loop3A_186 = arith.mulf %parallel_loop3A_185, %get3A_45 : vector<16xf32>
      %parallel_loop3A_187 = arith.addf %parallel_loop3A_184, %parallel_loop3A_186 : vector<16xf32>
      %parallel_loop3A_188 = arith.index_cast %parallel_loop3A_98 : i32 to index
      %parallel_loop3A_189 = arith.constant 80 : index
      %parallel_loop3A_190 = tpu.vector_load %arg16[%parallel_loop3A_188, %parallel_loop3A_189] {strides = array<i32>} : memref<128x256xf32, #tpu.memory_space<vmem>>, vector<16xf32>,
      tpu.vector_store %arg16[%parallel_loop3A_188, %parallel_loop3A_189], %parallel_loop3A_187 {strides = array<i32>} : memref<128x256xf32, #tpu.memory_space<vmem>>, vector<16xf32>,
      %parallel_loop3A_191 = arith.constant 96 : i32
      %parallel_loop3A_192 = arith.addi %parallel_loop3A_112, %parallel_loop3A_191 : i32
      %parallel_loop3A_193 = arith.index_cast %parallel_loop3A_192 : i32 to index
      %parallel_loop3A_194 = tpu.vector_load %arg9[%parallel_loop3A_193] {strides = array<i32>} : memref<20480xf32, #tpu.memory_space<vmem>>, vector<16xf32>,
      %parallel_loop3A_195 = vector.broadcast %parallel_loop3A_108 : f32 to vector<16xf32>
      %parallel_loop3A_196 = arith.mulf %parallel_loop3A_195, %get3A_15 : vector<16xf32>
      %parallel_loop3A_197 = arith.addf %parallel_loop3A_194, %parallel_loop3A_196 : vector<16xf32>
      %parallel_loop3A_198 = vector.broadcast %parallel_loop3A_110 : f32 to vector<16xf32>
      %parallel_loop3A_199 = arith.mulf %parallel_loop3A_198, %get3A_47 : vector<16xf32>
      %parallel_loop3A_200 = arith.addf %parallel_loop3A_197, %parallel_loop3A_199 : vector<16xf32>
      %parallel_loop3A_201 = arith.index_cast %parallel_loop3A_98 : i32 to index
      %parallel_loop3A_202 = arith.constant 96 : index
      %parallel_loop3A_203 = tpu.vector_load %arg16[%parallel_loop3A_201, %parallel_loop3A_202] {strides = array<i32>} : memref<128x256xf32, #tpu.memory_space<vmem>>, vector<16xf32>,
      tpu.vector_store %arg16[%parallel_loop3A_201, %parallel_loop3A_202], %parallel_loop3A_200 {strides = array<i32>} : memref<128x256xf32, #tpu.memory_space<vmem>>, vector<16xf32>,
      %parallel_loop3A_204 = arith.constant 112 : i32
      %parallel_loop3A_205 = arith.addi %parallel_loop3A_112, %parallel_loop3A_204 : i32
      %parallel_loop3A_206 = arith.index_cast %parallel_loop3A_205 : i32 to index
      %parallel_loop3A_207 = tpu.vector_load %arg9[%parallel_loop3A_206] {strides = array<i32>} : memref<20480xf32, #tpu.memory_space<vmem>>, vector<16xf32>,
      %parallel_loop3A_208 = vector.broadcast %parallel_loop3A_108 : f32 to vector<16xf32>
      %parallel_loop3A_209 = arith.mulf %parallel_loop3A_208, %get3A_17 : vector<16xf32>
      %parallel_loop3A_210 = arith.addf %parallel_loop3A_207, %parallel_loop3A_209 : vector<16xf32>
      %parallel_loop3A_211 = vector.broadcast %parallel_loop3A_110 : f32 to vector<16xf32>
      %parallel_loop3A_212 = arith.mulf %parallel_loop3A_211, %get3A_49 : vector<16xf32>
      %parallel_loop3A_213 = arith.addf %parallel_loop3A_210, %parallel_loop3A_212 : vector<16xf32>
      %parallel_loop3A_214 = arith.index_cast %parallel_loop3A_98 : i32 to index
      %parallel_loop3A_215 = arith.constant 112 : index
      %parallel_loop3A_216 = tpu.vector_load %arg16[%parallel_loop3A_214, %parallel_loop3A_215] {strides = array<i32>} : memref<128x256xf32, #tpu.memory_space<vmem>>, vector<16xf32>,
      tpu.vector_store %arg16[%parallel_loop3A_214, %parallel_loop3A_215], %parallel_loop3A_213 {strides = array<i32>} : memref<128x256xf32, #tpu.memory_space<vmem>>, vector<16xf32>,
      %parallel_loop3A_217 = arith.constant 128 : i32
      %parallel_loop3A_218 = arith.addi %parallel_loop3A_112, %parallel_loop3A_217 : i32
      %parallel_loop3A_219 = arith.index_cast %parallel_loop3A_218 : i32 to index
      %parallel_loop3A_220 = tpu.vector_load %arg9[%parallel_loop3A_219] {strides = array<i32>} : memref<20480xf32, #tpu.memory_space<vmem>>, vector<16xf32>,
      %parallel_loop3A_221 = vector.broadcast %parallel_loop3A_108 : f32 to vector<16xf32>
      %parallel_loop3A_222 = arith.mulf %parallel_loop3A_221, %get3A_19 : vector<16xf32>
      %parallel_loop3A_223 = arith.addf %parallel_loop3A_220, %parallel_loop3A_222 : vector<16xf32>
      %parallel_loop3A_224 = vector.broadcast %parallel_loop3A_110 : f32 to vector<16xf32>
      %parallel_loop3A_225 = arith.mulf %parallel_loop3A_224, %get3A_51 : vector<16xf32>
      %parallel_loop3A_226 = arith.addf %parallel_loop3A_223, %parallel_loop3A_225 : vector<16xf32>
      %parallel_loop3A_227 = arith.index_cast %parallel_loop3A_98 : i32 to index
      %parallel_loop3A_228 = arith.constant 128 : index
      %parallel_loop3A_229 = tpu.vector_load %arg16[%parallel_loop3A_227, %parallel_loop3A_228] {strides = array<i32>} : memref<128x256xf32, #tpu.memory_space<vmem>>, vector<16xf32>,
      tpu.vector_store %arg16[%parallel_loop3A_227, %parallel_loop3A_228], %parallel_loop3A_226 {strides = array<i32>} : memref<128x256xf32, #tpu.memory_space<vmem>>, vector<16xf32>,
      %parallel_loop3A_230 = arith.constant 144 : i32
      %parallel_loop3A_231 = arith.addi %parallel_loop3A_112, %parallel_loop3A_230 : i32
      %parallel_loop3A_232 = arith.index_cast %parallel_loop3A_231 : i32 to index
      %parallel_loop3A_233 = tpu.vector_load %arg9[%parallel_loop3A_232] {strides = array<i32>} : memref<20480xf32, #tpu.memory_space<vmem>>, vector<16xf32>,
      %parallel_loop3A_234 = vector.broadcast %parallel_loop3A_108 : f32 to vector<16xf32>
      %parallel_loop3A_235 = arith.mulf %parallel_loop3A_234, %get3A_21 : vector<16xf32>
      %parallel_loop3A_236 = arith.addf %parallel_loop3A_233, %parallel_loop3A_235 : vector<16xf32>
      %parallel_loop3A_237 = vector.broadcast %parallel_loop3A_110 : f32 to vector<16xf32>
      %parallel_loop3A_238 = arith.mulf %parallel_loop3A_237, %get3A_53 : vector<16xf32>
      %parallel_loop3A_239 = arith.addf %parallel_loop3A_236, %parallel_loop3A_238 : vector<16xf32>
      %parallel_loop3A_240 = arith.index_cast %parallel_loop3A_98 : i32 to index
      %parallel_loop3A_241 = arith.constant 144 : index
      %parallel_loop3A_242 = tpu.vector_load %arg16[%parallel_loop3A_240, %parallel_loop3A_241] {strides = array<i32>} : memref<128x256xf32, #tpu.memory_space<vmem>>, vector<16xf32>,
      tpu.vector_store %arg16[%parallel_loop3A_240, %parallel_loop3A_241], %parallel_loop3A_239 {strides = array<i32>} : memref<128x256xf32, #tpu.memory_space<vmem>>, vector<16xf32>,
      %parallel_loop3A_243 = arith.constant 160 : i32
      %parallel_loop3A_244 = arith.addi %parallel_loop3A_112, %parallel_loop3A_243 : i32
      %parallel_loop3A_245 = arith.index_cast %parallel_loop3A_244 : i32 to index
      %parallel_loop3A_246 = tpu.vector_load %arg9[%parallel_loop3A_245] {strides = array<i32>} : memref<20480xf32, #tpu.memory_space<vmem>>, vector<16xf32>,
      %parallel_loop3A_247 = vector.broadcast %parallel_loop3A_108 : f32 to vector<16xf32>
      %parallel_loop3A_248 = arith.mulf %parallel_loop3A_247, %get3A_23 : vector<16xf32>
      %parallel_loop3A_249 = arith.addf %parallel_loop3A_246, %parallel_loop3A_248 : vector<16xf32>
      %parallel_loop3A_250 = vector.broadcast %parallel_loop3A_110 : f32 to vector<16xf32>
      %parallel_loop3A_251 = arith.mulf %parallel_loop3A_250, %get3A_55 : vector<16xf32>
      %parallel_loop3A_252 = arith.addf %parallel_loop3A_249, %parallel_loop3A_251 : vector<16xf32>
      %parallel_loop3A_253 = arith.index_cast %parallel_loop3A_98 : i32 to index
      %parallel_loop3A_254 = arith.constant 160 : index
      %parallel_loop3A_255 = tpu.vector_load %arg16[%parallel_loop3A_253, %parallel_loop3A_254] {strides = array<i32>} : memref<128x256xf32, #tpu.memory_space<vmem>>, vector<16xf32>,
      tpu.vector_store %arg16[%parallel_loop3A_253, %parallel_loop3A_254], %parallel_loop3A_252 {strides = array<i32>} : memref<128x256xf32, #tpu.memory_space<vmem>>, vector<16xf32>,
      %parallel_loop3A_256 = arith.constant 176 : i32
      %parallel_loop3A_257 = arith.addi %parallel_loop3A_112, %parallel_loop3A_256 : i32
      %parallel_loop3A_258 = arith.index_cast %parallel_loop3A_257 : i32 to index
      %parallel_loop3A_259 = tpu.vector_load %arg9[%parallel_loop3A_258] {strides = array<i32>} : memref<20480xf32, #tpu.memory_space<vmem>>, vector<16xf32>,
      %parallel_loop3A_260 = vector.broadcast %parallel_loop3A_108 : f32 to vector<16xf32>
      %parallel_loop3A_261 = arith.mulf %parallel_loop3A_260, %get3A_25 : vector<16xf32>
      %parallel_loop3A_262 = arith.addf %parallel_loop3A_259, %parallel_loop3A_261 : vector<16xf32>
      %parallel_loop3A_263 = vector.broadcast %parallel_loop3A_110 : f32 to vector<16xf32>
      %parallel_loop3A_264 = arith.mulf %parallel_loop3A_263, %get3A_57 : vector<16xf32>
      %parallel_loop3A_265 = arith.addf %parallel_loop3A_262, %parallel_loop3A_264 : vector<16xf32>
      %parallel_loop3A_266 = arith.index_cast %parallel_loop3A_98 : i32 to index
      %parallel_loop3A_267 = arith.constant 176 : index
      %parallel_loop3A_268 = tpu.vector_load %arg16[%parallel_loop3A_266, %parallel_loop3A_267] {strides = array<i32>} : memref<128x256xf32, #tpu.memory_space<vmem>>, vector<16xf32>,
      tpu.vector_store %arg16[%parallel_loop3A_266, %parallel_loop3A_267], %parallel_loop3A_265 {strides = array<i32>} : memref<128x256xf32, #tpu.memory_space<vmem>>, vector<16xf32>,
      %parallel_loop3A_269 = arith.constant 192 : i32
      %parallel_loop3A_270 = arith.addi %parallel_loop3A_112, %parallel_loop3A_269 : i32
      %parallel_loop3A_271 = arith.index_cast %parallel_loop3A_270 : i32 to index
      %parallel_loop3A_272 = tpu.vector_load %arg9[%parallel_loop3A_271] {strides = array<i32>} : memref<20480xf32, #tpu.memory_space<vmem>>, vector<16xf32>,
      %parallel_loop3A_273 = vector.broadcast %parallel_loop3A_108 : f32 to vector<16xf32>
      %parallel_loop3A_274 = arith.mulf %parallel_loop3A_273, %get3A_27 : vector<16xf32>
      %parallel_loop3A_275 = arith.addf %parallel_loop3A_272, %parallel_loop3A_274 : vector<16xf32>
      %parallel_loop3A_276 = vector.broadcast %parallel_loop3A_110 : f32 to vector<16xf32>
      %parallel_loop3A_277 = arith.mulf %parallel_loop3A_276, %get3A_59 : vector<16xf32>
      %parallel_loop3A_278 = arith.addf %parallel_loop3A_275, %parallel_loop3A_277 : vector<16xf32>
      %parallel_loop3A_279 = arith.index_cast %parallel_loop3A_98 : i32 to index
      %parallel_loop3A_280 = arith.constant 192 : index
      %parallel_loop3A_281 = tpu.vector_load %arg16[%parallel_loop3A_279, %parallel_loop3A_280] {strides = array<i32>} : memref<128x256xf32, #tpu.memory_space<vmem>>, vector<16xf32>,
      tpu.vector_store %arg16[%parallel_loop3A_279, %parallel_loop3A_280], %parallel_loop3A_278 {strides = array<i32>} : memref<128x256xf32, #tpu.memory_space<vmem>>, vector<16xf32>,
      %parallel_loop3A_282 = arith.constant 208 : i32
      %parallel_loop3A_283 = arith.addi %parallel_loop3A_112, %parallel_loop3A_282 : i32
      %parallel_loop3A_284 = arith.index_cast %parallel_loop3A_283 : i32 to index
      %parallel_loop3A_285 = tpu.vector_load %arg9[%parallel_loop3A_284] {strides = array<i32>} : memref<20480xf32, #tpu.memory_space<vmem>>, vector<16xf32>,
      %parallel_loop3A_286 = vector.broadcast %parallel_loop3A_108 : f32 to vector<16xf32>
      %parallel_loop3A_287 = arith.mulf %parallel_loop3A_286, %get3A_29 : vector<16xf32>
      %parallel_loop3A_288 = arith.addf %parallel_loop3A_285, %parallel_loop3A_287 : vector<16xf32>
      %parallel_loop3A_289 = vector.broadcast %parallel_loop3A_110 : f32 to vector<16xf32>
      %parallel_loop3A_290 = arith.mulf %parallel_loop3A_289, %get3A_61 : vector<16xf32>
      %parallel_loop3A_291 = arith.addf %parallel_loop3A_288, %parallel_loop3A_290 : vector<16xf32>
      %parallel_loop3A_292 = arith.index_cast %parallel_loop3A_98 : i32 to index
      %parallel_loop3A_293 = arith.constant 208 : index
      %parallel_loop3A_294 = tpu.vector_load %arg16[%parallel_loop3A_292, %parallel_loop3A_293] {strides = array<i32>} : memref<128x256xf32, #tpu.memory_space<vmem>>, vector<16xf32>,
      tpu.vector_store %arg16[%parallel_loop3A_292, %parallel_loop3A_293], %parallel_loop3A_291 {strides = array<i32>} : memref<128x256xf32, #tpu.memory_space<vmem>>, vector<16xf32>,
      %parallel_loop3A_295 = arith.constant 224 : i32
      %parallel_loop3A_296 = arith.addi %parallel_loop3A_112, %parallel_loop3A_295 : i32
      %parallel_loop3A_297 = arith.index_cast %parallel_loop3A_296 : i32 to index
      %parallel_loop3A_298 = tpu.vector_load %arg9[%parallel_loop3A_297] {strides = array<i32>} : memref<20480xf32, #tpu.memory_space<vmem>>, vector<16xf32>,
      %parallel_loop3A_299 = vector.broadcast %parallel_loop3A_108 : f32 to vector<16xf32>
      %parallel_loop3A_300 = arith.mulf %parallel_loop3A_299, %get3A_31 : vector<16xf32>
      %parallel_loop3A_301 = arith.addf %parallel_loop3A_298, %parallel_loop3A_300 : vector<16xf32>
      %parallel_loop3A_302 = vector.broadcast %parallel_loop3A_110 : f32 to vector<16xf32>
      %parallel_loop3A_303 = arith.mulf %parallel_loop3A_302, %get3A_63 : vector<16xf32>
      %parallel_loop3A_304 = arith.addf %parallel_loop3A_301, %parallel_loop3A_303 : vector<16xf32>
      %parallel_loop3A_305 = arith.index_cast %parallel_loop3A_98 : i32 to index
      %parallel_loop3A_306 = arith.constant 224 : index
      %parallel_loop3A_307 = tpu.vector_load %arg16[%parallel_loop3A_305, %parallel_loop3A_306] {strides = array<i32>} : memref<128x256xf32, #tpu.memory_space<vmem>>, vector<16xf32>,
      tpu.vector_store %arg16[%parallel_loop3A_305, %parallel_loop3A_306], %parallel_loop3A_304 {strides = array<i32>} : memref<128x256xf32, #tpu.memory_space<vmem>>, vector<16xf32>,
      %parallel_loop3A_308 = arith.constant 240 : i32
      %parallel_loop3A_309 = arith.addi %parallel_loop3A_112, %parallel_loop3A_308 : i32
      %parallel_loop3A_310 = arith.index_cast %parallel_loop3A_309 : i32 to index
      %parallel_loop3A_311 = tpu.vector_load %arg9[%parallel_loop3A_310] {strides = array<i32>} : memref<20480xf32, #tpu.memory_space<vmem>>, vector<16xf32>,
      %parallel_loop3A_312 = vector.broadcast %parallel_loop3A_108 : f32 to vector<16xf32>
      %parallel_loop3A_313 = arith.mulf %parallel_loop3A_312, %get3A_33 : vector<16xf32>
      %parallel_loop3A_314 = arith.addf %parallel_loop3A_311, %parallel_loop3A_313 : vector<16xf32>
      %parallel_loop3A_315 = vector.broadcast %parallel_loop3A_110 : f32 to vector<16xf32>
      %parallel_loop3A_316 = arith.mulf %parallel_loop3A_315, %get3A_65 : vector<16xf32>
      %parallel_loop3A_317 = arith.addf %parallel_loop3A_314, %parallel_loop3A_316 : vector<16xf32>
      %parallel_loop3A_318 = arith.index_cast %parallel_loop3A_98 : i32 to index
      %parallel_loop3A_319 = arith.constant 240 : index
      %parallel_loop3A_320 = tpu.vector_load %arg16[%parallel_loop3A_318, %parallel_loop3A_319] {strides = array<i32>} : memref<128x256xf32, #tpu.memory_space<vmem>>, vector<16xf32>,
      tpu.vector_store %arg16[%parallel_loop3A_318, %parallel_loop3A_319], %parallel_loop3A_317 {strides = array<i32>} : memref<128x256xf32, #tpu.memory_space<vmem>>, vector<16xf32>,
    } {sc.loop_unroll_factor = 2 : i64, sc.parallel_access}
    %add3A_76 = arith.constant 128 : i32
    %add3A_77 = arith.addi %mul3A_2, %add3A_76 : i32
    %dma_start3A_78 = arith.constant 0 : i32
    %dma_start3A_79 = tpu.memref_slice %arg8[%add3A_77, %dma_start3A_78] : memref<65536x256xf32, #tpu.memory_space<hbm>> -> memref<128x256xf32, #tpu.memory_space<hbm>>
    %dma_start3A_80 = arith.constant 0 : i32
    %dma_start3A_81 = tpu.memref_slice %arg8[%add3A_77, %dma_start3A_80] : memref<65536x256xf32, #tpu.memory_space<hbm>> -> memref<128x256xf32, #tpu.memory_space<hbm>>
    tpu.enqueue_dma source(%arg16 : memref<128x256xf32, #tpu.memory_space<vmem>>) target(%dma_start3A_81 : memref<128x256xf32, #tpu.memory_space<hbm>>) target_semaphore(%arg18 : memref<!tpu.dma_semaphore, #tpu.memory_space<semaphore_mem>>)
    %scan3A = arith.constant 0 : i32
    %scan3A_82 = arith.constant 1 : i32
    %scan3A_83 = arith.constant 7 : i32
    %scan3A_84 = arith.addi %scan3A_82, %scan3A_83 : i32
    %scan3A_85 = arith.constant 1 : i32
    scf.for %scan3A_98 = %scan3A_82 to %scan3A_84 step %scan3A_85  : i32 {
      %mul3A_99 = arith.constant 256 : i32
      %mul3A_100 = arith.muli %scan3A_98, %mul3A_99 : i32
      %add3A_101 = arith.addi %mul3A_2, %mul3A_100 : i32
      %dma_wait3A_102 = arith.constant 0 : i32
      %dma_wait3A_103 = tpu.memref_slice %arg8[%add3A_101, %dma_wait3A_102] : memref<65536x256xf32, #tpu.memory_space<hbm>> -> memref<128x256xf32, #tpu.memory_space<hbm>>
      %dma_wait3A_104 = arith.constant 0 : i32
      %dma_wait3A_105 = tpu.memref_slice %arg8[%add3A_101, %dma_wait3A_104] : memref<65536x256xf32, #tpu.memory_space<hbm>> -> memref<128x256xf32, #tpu.memory_space<hbm>>
      tpu.wait_dma2 semaphore(%arg17 : memref<!tpu.dma_semaphore, #tpu.memory_space<semaphore_mem>>) src(%arg15 : memref<128x256xf32, #tpu.memory_space<vmem>>) dst(%dma_wait3A_105 : memref<128x256xf32, #tpu.memory_space<hbm>>)
      %parallel_loop3A_106 = arith.constant 0 : i32
      %parallel_loop3A_107 = arith.constant 128 : i32
      %parallel_loop3A_108 = arith.constant 1 : i32
      scf.for %parallel_loop3A_133 = %parallel_loop3A_106 to %parallel_loop3A_107 step %parallel_loop3A_108  : i32 {
        %parallel_loop3A_134 = arith.addi %parallel_loop3A_133, %mul3A_100 : i32
        %parallel_loop3A_135 = arith.index_cast %parallel_loop3A_134 : i32 to index
        %parallel_loop3A_136 = tpu.vector_load %arg10[%parallel_loop3A_135] {strides = array<i32>} : memref<2064xf32, #tpu.memory_space<vmem>>, vector<16xf32>,
        %parallel_loop3A_137 = arith.index_cast %parallel_loop3A_134 : i32 to index
        %parallel_loop3A_138 = tpu.vector_load %arg11[%parallel_loop3A_137] {strides = array<i32>} : memref<2064xf32, #tpu.memory_space<vmem>>, vector<16xf32>,
        %parallel_loop3A_139 = arith.index_cast %parallel_loop3A_134 : i32 to index
        %parallel_loop3A_140 = tpu.vector_load %arg12[%parallel_loop3A_139] {strides = array<i32>} : memref<2064xi32, #tpu.memory_space<vmem>>, vector<16xi32>,
        %parallel_loop3A_141 = vector.extract_strided_slice %parallel_loop3A_136 {offsets = [0], sizes = [1], strides = [1]} : vector<16xf32> to vector<1xf32>
        %parallel_loop3A_142 = vector.extract %parallel_loop3A_141[0] : f32 from vector<1xf32>
        %parallel_loop3A_143 = vector.extract_strided_slice %parallel_loop3A_138 {offsets = [0], sizes = [1], strides = [1]} : vector<16xf32> to vector<1xf32>
        %parallel_loop3A_144 = vector.extract %parallel_loop3A_143[0] : f32 from vector<1xf32>
        %parallel_loop3A_145 = vector.extract_strided_slice %parallel_loop3A_140 {offsets = [0], sizes = [1], strides = [1]} : vector<16xi32> to vector<1xi32>
        %parallel_loop3A_146 = vector.extract %parallel_loop3A_145[0] : i32 from vector<1xi32>
        %parallel_loop3A_147 = arith.constant 0 : i32
        %parallel_loop3A_148 = arith.addi %parallel_loop3A_146, %parallel_loop3A_147 : i32
        %parallel_loop3A_149 = arith.index_cast %parallel_loop3A_148 : i32 to index
        %parallel_loop3A_150 = tpu.vector_load %arg9[%parallel_loop3A_149] {strides = array<i32>} : memref<20480xf32, #tpu.memory_space<vmem>>, vector<16xf32>,
        %parallel_loop3A_151 = vector.broadcast %parallel_loop3A_142 : f32 to vector<16xf32>
        %parallel_loop3A_152 = arith.mulf %parallel_loop3A_151, %get3A_3 : vector<16xf32>
        %parallel_loop3A_153 = arith.addf %parallel_loop3A_150, %parallel_loop3A_152 : vector<16xf32>
        %parallel_loop3A_154 = vector.broadcast %parallel_loop3A_144 : f32 to vector<16xf32>
        %parallel_loop3A_155 = arith.mulf %parallel_loop3A_154, %get3A_35 : vector<16xf32>
        %parallel_loop3A_156 = arith.addf %parallel_loop3A_153, %parallel_loop3A_155 : vector<16xf32>
        %parallel_loop3A_157 = arith.index_cast %parallel_loop3A_133 : i32 to index
        %parallel_loop3A_158 = arith.constant 0 : index
        %parallel_loop3A_159 = tpu.vector_load %arg15[%parallel_loop3A_157, %parallel_loop3A_158] {strides = array<i32>} : memref<128x256xf32, #tpu.memory_space<vmem>>, vector<16xf32>,
        tpu.vector_store %arg15[%parallel_loop3A_157, %parallel_loop3A_158], %parallel_loop3A_156 {strides = array<i32>} : memref<128x256xf32, #tpu.memory_space<vmem>>, vector<16xf32>,
        %parallel_loop3A_160 = arith.constant 16 : i32
        %parallel_loop3A_161 = arith.addi %parallel_loop3A_146, %parallel_loop3A_160 : i32
        %parallel_loop3A_162 = arith.index_cast %parallel_loop3A_161 : i32 to index
        %parallel_loop3A_163 = tpu.vector_load %arg9[%parallel_loop3A_162] {strides = array<i32>} : memref<20480xf32, #tpu.memory_space<vmem>>, vector<16xf32>,
        %parallel_loop3A_164 = vector.broadcast %parallel_loop3A_142 : f32 to vector<16xf32>
        %parallel_loop3A_165 = arith.mulf %parallel_loop3A_164, %get3A_5 : vector<16xf32>
        %parallel_loop3A_166 = arith.addf %parallel_loop3A_163, %parallel_loop3A_165 : vector<16xf32>
        %parallel_loop3A_167 = vector.broadcast %parallel_loop3A_144 : f32 to vector<16xf32>
        %parallel_loop3A_168 = arith.mulf %parallel_loop3A_167, %get3A_37 : vector<16xf32>
        %parallel_loop3A_169 = arith.addf %parallel_loop3A_166, %parallel_loop3A_168 : vector<16xf32>
        %parallel_loop3A_170 = arith.index_cast %parallel_loop3A_133 : i32 to index
        %parallel_loop3A_171 = arith.constant 16 : index
        %parallel_loop3A_172 = tpu.vector_load %arg15[%parallel_loop3A_170, %parallel_loop3A_171] {strides = array<i32>} : memref<128x256xf32, #tpu.memory_space<vmem>>, vector<16xf32>,
        tpu.vector_store %arg15[%parallel_loop3A_170, %parallel_loop3A_171], %parallel_loop3A_169 {strides = array<i32>} : memref<128x256xf32, #tpu.memory_space<vmem>>, vector<16xf32>,
        %parallel_loop3A_173 = arith.constant 32 : i32
        %parallel_loop3A_174 = arith.addi %parallel_loop3A_146, %parallel_loop3A_173 : i32
        %parallel_loop3A_175 = arith.index_cast %parallel_loop3A_174 : i32 to index
        %parallel_loop3A_176 = tpu.vector_load %arg9[%parallel_loop3A_175] {strides = array<i32>} : memref<20480xf32, #tpu.memory_space<vmem>>, vector<16xf32>,
        %parallel_loop3A_177 = vector.broadcast %parallel_loop3A_142 : f32 to vector<16xf32>
        %parallel_loop3A_178 = arith.mulf %parallel_loop3A_177, %get3A_7 : vector<16xf32>
        %parallel_loop3A_179 = arith.addf %parallel_loop3A_176, %parallel_loop3A_178 : vector<16xf32>
        %parallel_loop3A_180 = vector.broadcast %parallel_loop3A_144 : f32 to vector<16xf32>
        %parallel_loop3A_181 = arith.mulf %parallel_loop3A_180, %get3A_39 : vector<16xf32>
        %parallel_loop3A_182 = arith.addf %parallel_loop3A_179, %parallel_loop3A_181 : vector<16xf32>
        %parallel_loop3A_183 = arith.index_cast %parallel_loop3A_133 : i32 to index
        %parallel_loop3A_184 = arith.constant 32 : index
        %parallel_loop3A_185 = tpu.vector_load %arg15[%parallel_loop3A_183, %parallel_loop3A_184] {strides = array<i32>} : memref<128x256xf32, #tpu.memory_space<vmem>>, vector<16xf32>,
        tpu.vector_store %arg15[%parallel_loop3A_183, %parallel_loop3A_184], %parallel_loop3A_182 {strides = array<i32>} : memref<128x256xf32, #tpu.memory_space<vmem>>, vector<16xf32>,
        %parallel_loop3A_186 = arith.constant 48 : i32
        %parallel_loop3A_187 = arith.addi %parallel_loop3A_146, %parallel_loop3A_186 : i32
        %parallel_loop3A_188 = arith.index_cast %parallel_loop3A_187 : i32 to index
        %parallel_loop3A_189 = tpu.vector_load %arg9[%parallel_loop3A_188] {strides = array<i32>} : memref<20480xf32, #tpu.memory_space<vmem>>, vector<16xf32>,
        %parallel_loop3A_190 = vector.broadcast %parallel_loop3A_142 : f32 to vector<16xf32>
        %parallel_loop3A_191 = arith.mulf %parallel_loop3A_190, %get3A_9 : vector<16xf32>
        %parallel_loop3A_192 = arith.addf %parallel_loop3A_189, %parallel_loop3A_191 : vector<16xf32>
        %parallel_loop3A_193 = vector.broadcast %parallel_loop3A_144 : f32 to vector<16xf32>
        %parallel_loop3A_194 = arith.mulf %parallel_loop3A_193, %get3A_41 : vector<16xf32>
        %parallel_loop3A_195 = arith.addf %parallel_loop3A_192, %parallel_loop3A_194 : vector<16xf32>
        %parallel_loop3A_196 = arith.index_cast %parallel_loop3A_133 : i32 to index
        %parallel_loop3A_197 = arith.constant 48 : index
        %parallel_loop3A_198 = tpu.vector_load %arg15[%parallel_loop3A_196, %parallel_loop3A_197] {strides = array<i32>} : memref<128x256xf32, #tpu.memory_space<vmem>>, vector<16xf32>,
        tpu.vector_store %arg15[%parallel_loop3A_196, %parallel_loop3A_197], %parallel_loop3A_195 {strides = array<i32>} : memref<128x256xf32, #tpu.memory_space<vmem>>, vector<16xf32>,
        %parallel_loop3A_199 = arith.constant 64 : i32
        %parallel_loop3A_200 = arith.addi %parallel_loop3A_146, %parallel_loop3A_199 : i32
        %parallel_loop3A_201 = arith.index_cast %parallel_loop3A_200 : i32 to index
        %parallel_loop3A_202 = tpu.vector_load %arg9[%parallel_loop3A_201] {strides = array<i32>} : memref<20480xf32, #tpu.memory_space<vmem>>, vector<16xf32>,
        %parallel_loop3A_203 = vector.broadcast %parallel_loop3A_142 : f32 to vector<16xf32>
        %parallel_loop3A_204 = arith.mulf %parallel_loop3A_203, %get3A_11 : vector<16xf32>
        %parallel_loop3A_205 = arith.addf %parallel_loop3A_202, %parallel_loop3A_204 : vector<16xf32>
        %parallel_loop3A_206 = vector.broadcast %parallel_loop3A_144 : f32 to vector<16xf32>
        %parallel_loop3A_207 = arith.mulf %parallel_loop3A_206, %get3A_43 : vector<16xf32>
        %parallel_loop3A_208 = arith.addf %parallel_loop3A_205, %parallel_loop3A_207 : vector<16xf32>
        %parallel_loop3A_209 = arith.index_cast %parallel_loop3A_133 : i32 to index
        %parallel_loop3A_210 = arith.constant 64 : index
        %parallel_loop3A_211 = tpu.vector_load %arg15[%parallel_loop3A_209, %parallel_loop3A_210] {strides = array<i32>} : memref<128x256xf32, #tpu.memory_space<vmem>>, vector<16xf32>,
        tpu.vector_store %arg15[%parallel_loop3A_209, %parallel_loop3A_210], %parallel_loop3A_208 {strides = array<i32>} : memref<128x256xf32, #tpu.memory_space<vmem>>, vector<16xf32>,
        %parallel_loop3A_212 = arith.constant 80 : i32
        %parallel_loop3A_213 = arith.addi %parallel_loop3A_146, %parallel_loop3A_212 : i32
        %parallel_loop3A_214 = arith.index_cast %parallel_loop3A_213 : i32 to index
        %parallel_loop3A_215 = tpu.vector_load %arg9[%parallel_loop3A_214] {strides = array<i32>} : memref<20480xf32, #tpu.memory_space<vmem>>, vector<16xf32>,
        %parallel_loop3A_216 = vector.broadcast %parallel_loop3A_142 : f32 to vector<16xf32>
        %parallel_loop3A_217 = arith.mulf %parallel_loop3A_216, %get3A_13 : vector<16xf32>
        %parallel_loop3A_218 = arith.addf %parallel_loop3A_215, %parallel_loop3A_217 : vector<16xf32>
        %parallel_loop3A_219 = vector.broadcast %parallel_loop3A_144 : f32 to vector<16xf32>
        %parallel_loop3A_220 = arith.mulf %parallel_loop3A_219, %get3A_45 : vector<16xf32>
        %parallel_loop3A_221 = arith.addf %parallel_loop3A_218, %parallel_loop3A_220 : vector<16xf32>
        %parallel_loop3A_222 = arith.index_cast %parallel_loop3A_133 : i32 to index
        %parallel_loop3A_223 = arith.constant 80 : index
        %parallel_loop3A_224 = tpu.vector_load %arg15[%parallel_loop3A_222, %parallel_loop3A_223] {strides = array<i32>} : memref<128x256xf32, #tpu.memory_space<vmem>>, vector<16xf32>,
        tpu.vector_store %arg15[%parallel_loop3A_222, %parallel_loop3A_223], %parallel_loop3A_221 {strides = array<i32>} : memref<128x256xf32, #tpu.memory_space<vmem>>, vector<16xf32>,
        %parallel_loop3A_225 = arith.constant 96 : i32
        %parallel_loop3A_226 = arith.addi %parallel_loop3A_146, %parallel_loop3A_225 : i32
        %parallel_loop3A_227 = arith.index_cast %parallel_loop3A_226 : i32 to index
        %parallel_loop3A_228 = tpu.vector_load %arg9[%parallel_loop3A_227] {strides = array<i32>} : memref<20480xf32, #tpu.memory_space<vmem>>, vector<16xf32>,
        %parallel_loop3A_229 = vector.broadcast %parallel_loop3A_142 : f32 to vector<16xf32>
        %parallel_loop3A_230 = arith.mulf %parallel_loop3A_229, %get3A_15 : vector<16xf32>
        %parallel_loop3A_231 = arith.addf %parallel_loop3A_228, %parallel_loop3A_230 : vector<16xf32>
        %parallel_loop3A_232 = vector.broadcast %parallel_loop3A_144 : f32 to vector<16xf32>
        %parallel_loop3A_233 = arith.mulf %parallel_loop3A_232, %get3A_47 : vector<16xf32>
        %parallel_loop3A_234 = arith.addf %parallel_loop3A_231, %parallel_loop3A_233 : vector<16xf32>
        %parallel_loop3A_235 = arith.index_cast %parallel_loop3A_133 : i32 to index
        %parallel_loop3A_236 = arith.constant 96 : index
        %parallel_loop3A_237 = tpu.vector_load %arg15[%parallel_loop3A_235, %parallel_loop3A_236] {strides = array<i32>} : memref<128x256xf32, #tpu.memory_space<vmem>>, vector<16xf32>,
        tpu.vector_store %arg15[%parallel_loop3A_235, %parallel_loop3A_236], %parallel_loop3A_234 {strides = array<i32>} : memref<128x256xf32, #tpu.memory_space<vmem>>, vector<16xf32>,
        %parallel_loop3A_238 = arith.constant 112 : i32
        %parallel_loop3A_239 = arith.addi %parallel_loop3A_146, %parallel_loop3A_238 : i32
        %parallel_loop3A_240 = arith.index_cast %parallel_loop3A_239 : i32 to index
        %parallel_loop3A_241 = tpu.vector_load %arg9[%parallel_loop3A_240] {strides = array<i32>} : memref<20480xf32, #tpu.memory_space<vmem>>, vector<16xf32>,
        %parallel_loop3A_242 = vector.broadcast %parallel_loop3A_142 : f32 to vector<16xf32>
        %parallel_loop3A_243 = arith.mulf %parallel_loop3A_242, %get3A_17 : vector<16xf32>
        %parallel_loop3A_244 = arith.addf %parallel_loop3A_241, %parallel_loop3A_243 : vector<16xf32>
        %parallel_loop3A_245 = vector.broadcast %parallel_loop3A_144 : f32 to vector<16xf32>
        %parallel_loop3A_246 = arith.mulf %parallel_loop3A_245, %get3A_49 : vector<16xf32>
        %parallel_loop3A_247 = arith.addf %parallel_loop3A_244, %parallel_loop3A_246 : vector<16xf32>
        %parallel_loop3A_248 = arith.index_cast %parallel_loop3A_133 : i32 to index
        %parallel_loop3A_249 = arith.constant 112 : index
        %parallel_loop3A_250 = tpu.vector_load %arg15[%parallel_loop3A_248, %parallel_loop3A_249] {strides = array<i32>} : memref<128x256xf32, #tpu.memory_space<vmem>>, vector<16xf32>,
        tpu.vector_store %arg15[%parallel_loop3A_248, %parallel_loop3A_249], %parallel_loop3A_247 {strides = array<i32>} : memref<128x256xf32, #tpu.memory_space<vmem>>, vector<16xf32>,
        %parallel_loop3A_251 = arith.constant 128 : i32
        %parallel_loop3A_252 = arith.addi %parallel_loop3A_146, %parallel_loop3A_251 : i32
        %parallel_loop3A_253 = arith.index_cast %parallel_loop3A_252 : i32 to index
        %parallel_loop3A_254 = tpu.vector_load %arg9[%parallel_loop3A_253] {strides = array<i32>} : memref<20480xf32, #tpu.memory_space<vmem>>, vector<16xf32>,
        %parallel_loop3A_255 = vector.broadcast %parallel_loop3A_142 : f32 to vector<16xf32>
        %parallel_loop3A_256 = arith.mulf %parallel_loop3A_255, %get3A_19 : vector<16xf32>
        %parallel_loop3A_257 = arith.addf %parallel_loop3A_254, %parallel_loop3A_256 : vector<16xf32>
        %parallel_loop3A_258 = vector.broadcast %parallel_loop3A_144 : f32 to vector<16xf32>
        %parallel_loop3A_259 = arith.mulf %parallel_loop3A_258, %get3A_51 : vector<16xf32>
        %parallel_loop3A_260 = arith.addf %parallel_loop3A_257, %parallel_loop3A_259 : vector<16xf32>
        %parallel_loop3A_261 = arith.index_cast %parallel_loop3A_133 : i32 to index
        %parallel_loop3A_262 = arith.constant 128 : index
        %parallel_loop3A_263 = tpu.vector_load %arg15[%parallel_loop3A_261, %parallel_loop3A_262] {strides = array<i32>} : memref<128x256xf32, #tpu.memory_space<vmem>>, vector<16xf32>,
        tpu.vector_store %arg15[%parallel_loop3A_261, %parallel_loop3A_262], %parallel_loop3A_260 {strides = array<i32>} : memref<128x256xf32, #tpu.memory_space<vmem>>, vector<16xf32>,
        %parallel_loop3A_264 = arith.constant 144 : i32
        %parallel_loop3A_265 = arith.addi %parallel_loop3A_146, %parallel_loop3A_264 : i32
        %parallel_loop3A_266 = arith.index_cast %parallel_loop3A_265 : i32 to index
        %parallel_loop3A_267 = tpu.vector_load %arg9[%parallel_loop3A_266] {strides = array<i32>} : memref<20480xf32, #tpu.memory_space<vmem>>, vector<16xf32>,
        %parallel_loop3A_268 = vector.broadcast %parallel_loop3A_142 : f32 to vector<16xf32>
        %parallel_loop3A_269 = arith.mulf %parallel_loop3A_268, %get3A_21 : vector<16xf32>
        %parallel_loop3A_270 = arith.addf %parallel_loop3A_267, %parallel_loop3A_269 : vector<16xf32>
        %parallel_loop3A_271 = vector.broadcast %parallel_loop3A_144 : f32 to vector<16xf32>
        %parallel_loop3A_272 = arith.mulf %parallel_loop3A_271, %get3A_53 : vector<16xf32>
        %parallel_loop3A_273 = arith.addf %parallel_loop3A_270, %parallel_loop3A_272 : vector<16xf32>
        %parallel_loop3A_274 = arith.index_cast %parallel_loop3A_133 : i32 to index
        %parallel_loop3A_275 = arith.constant 144 : index
        %parallel_loop3A_276 = tpu.vector_load %arg15[%parallel_loop3A_274, %parallel_loop3A_275] {strides = array<i32>} : memref<128x256xf32, #tpu.memory_space<vmem>>, vector<16xf32>,
        tpu.vector_store %arg15[%parallel_loop3A_274, %parallel_loop3A_275], %parallel_loop3A_273 {strides = array<i32>} : memref<128x256xf32, #tpu.memory_space<vmem>>, vector<16xf32>,
        %parallel_loop3A_277 = arith.constant 160 : i32
        %parallel_loop3A_278 = arith.addi %parallel_loop3A_146, %parallel_loop3A_277 : i32
        %parallel_loop3A_279 = arith.index_cast %parallel_loop3A_278 : i32 to index
        %parallel_loop3A_280 = tpu.vector_load %arg9[%parallel_loop3A_279] {strides = array<i32>} : memref<20480xf32, #tpu.memory_space<vmem>>, vector<16xf32>,
        %parallel_loop3A_281 = vector.broadcast %parallel_loop3A_142 : f32 to vector<16xf32>
        %parallel_loop3A_282 = arith.mulf %parallel_loop3A_281, %get3A_23 : vector<16xf32>
        %parallel_loop3A_283 = arith.addf %parallel_loop3A_280, %parallel_loop3A_282 : vector<16xf32>
        %parallel_loop3A_284 = vector.broadcast %parallel_loop3A_144 : f32 to vector<16xf32>
        %parallel_loop3A_285 = arith.mulf %parallel_loop3A_284, %get3A_55 : vector<16xf32>
        %parallel_loop3A_286 = arith.addf %parallel_loop3A_283, %parallel_loop3A_285 : vector<16xf32>
        %parallel_loop3A_287 = arith.index_cast %parallel_loop3A_133 : i32 to index
        %parallel_loop3A_288 = arith.constant 160 : index
        %parallel_loop3A_289 = tpu.vector_load %arg15[%parallel_loop3A_287, %parallel_loop3A_288] {strides = array<i32>} : memref<128x256xf32, #tpu.memory_space<vmem>>, vector<16xf32>,
        tpu.vector_store %arg15[%parallel_loop3A_287, %parallel_loop3A_288], %parallel_loop3A_286 {strides = array<i32>} : memref<128x256xf32, #tpu.memory_space<vmem>>, vector<16xf32>,
        %parallel_loop3A_290 = arith.constant 176 : i32
        %parallel_loop3A_291 = arith.addi %parallel_loop3A_146, %parallel_loop3A_290 : i32
        %parallel_loop3A_292 = arith.index_cast %parallel_loop3A_291 : i32 to index
        %parallel_loop3A_293 = tpu.vector_load %arg9[%parallel_loop3A_292] {strides = array<i32>} : memref<20480xf32, #tpu.memory_space<vmem>>, vector<16xf32>,
        %parallel_loop3A_294 = vector.broadcast %parallel_loop3A_142 : f32 to vector<16xf32>
        %parallel_loop3A_295 = arith.mulf %parallel_loop3A_294, %get3A_25 : vector<16xf32>
        %parallel_loop3A_296 = arith.addf %parallel_loop3A_293, %parallel_loop3A_295 : vector<16xf32>
        %parallel_loop3A_297 = vector.broadcast %parallel_loop3A_144 : f32 to vector<16xf32>
        %parallel_loop3A_298 = arith.mulf %parallel_loop3A_297, %get3A_57 : vector<16xf32>
        %parallel_loop3A_299 = arith.addf %parallel_loop3A_296, %parallel_loop3A_298 : vector<16xf32>
        %parallel_loop3A_300 = arith.index_cast %parallel_loop3A_133 : i32 to index
        %parallel_loop3A_301 = arith.constant 176 : index
        %parallel_loop3A_302 = tpu.vector_load %arg15[%parallel_loop3A_300, %parallel_loop3A_301] {strides = array<i32>} : memref<128x256xf32, #tpu.memory_space<vmem>>, vector<16xf32>,
        tpu.vector_store %arg15[%parallel_loop3A_300, %parallel_loop3A_301], %parallel_loop3A_299 {strides = array<i32>} : memref<128x256xf32, #tpu.memory_space<vmem>>, vector<16xf32>,
        %parallel_loop3A_303 = arith.constant 192 : i32
        %parallel_loop3A_304 = arith.addi %parallel_loop3A_146, %parallel_loop3A_303 : i32
        %parallel_loop3A_305 = arith.index_cast %parallel_loop3A_304 : i32 to index
        %parallel_loop3A_306 = tpu.vector_load %arg9[%parallel_loop3A_305] {strides = array<i32>} : memref<20480xf32, #tpu.memory_space<vmem>>, vector<16xf32>,
        %parallel_loop3A_307 = vector.broadcast %parallel_loop3A_142 : f32 to vector<16xf32>
        %parallel_loop3A_308 = arith.mulf %parallel_loop3A_307, %get3A_27 : vector<16xf32>
        %parallel_loop3A_309 = arith.addf %parallel_loop3A_306, %parallel_loop3A_308 : vector<16xf32>
        %parallel_loop3A_310 = vector.broadcast %parallel_loop3A_144 : f32 to vector<16xf32>
        %parallel_loop3A_311 = arith.mulf %parallel_loop3A_310, %get3A_59 : vector<16xf32>
        %parallel_loop3A_312 = arith.addf %parallel_loop3A_309, %parallel_loop3A_311 : vector<16xf32>
        %parallel_loop3A_313 = arith.index_cast %parallel_loop3A_133 : i32 to index
        %parallel_loop3A_314 = arith.constant 192 : index
        %parallel_loop3A_315 = tpu.vector_load %arg15[%parallel_loop3A_313, %parallel_loop3A_314] {strides = array<i32>} : memref<128x256xf32, #tpu.memory_space<vmem>>, vector<16xf32>,
        tpu.vector_store %arg15[%parallel_loop3A_313, %parallel_loop3A_314], %parallel_loop3A_312 {strides = array<i32>} : memref<128x256xf32, #tpu.memory_space<vmem>>, vector<16xf32>,
        %parallel_loop3A_316 = arith.constant 208 : i32
        %parallel_loop3A_317 = arith.addi %parallel_loop3A_146, %parallel_loop3A_316 : i32
        %parallel_loop3A_318 = arith.index_cast %parallel_loop3A_317 : i32 to index
        %parallel_loop3A_319 = tpu.vector_load %arg9[%parallel_loop3A_318] {strides = array<i32>} : memref<20480xf32, #tpu.memory_space<vmem>>, vector<16xf32>,
        %parallel_loop3A_320 = vector.broadcast %parallel_loop3A_142 : f32 to vector<16xf32>
        %parallel_loop3A_321 = arith.mulf %parallel_loop3A_320, %get3A_29 : vector<16xf32>
        %parallel_loop3A_322 = arith.addf %parallel_loop3A_319, %parallel_loop3A_321 : vector<16xf32>
        %parallel_loop3A_323 = vector.broadcast %parallel_loop3A_144 : f32 to vector<16xf32>
        %parallel_loop3A_324 = arith.mulf %parallel_loop3A_323, %get3A_61 : vector<16xf32>
        %parallel_loop3A_325 = arith.addf %parallel_loop3A_322, %parallel_loop3A_324 : vector<16xf32>
        %parallel_loop3A_326 = arith.index_cast %parallel_loop3A_133 : i32 to index
        %parallel_loop3A_327 = arith.constant 208 : index
        %parallel_loop3A_328 = tpu.vector_load %arg15[%parallel_loop3A_326, %parallel_loop3A_327] {strides = array<i32>} : memref<128x256xf32, #tpu.memory_space<vmem>>, vector<16xf32>,
        tpu.vector_store %arg15[%parallel_loop3A_326, %parallel_loop3A_327], %parallel_loop3A_325 {strides = array<i32>} : memref<128x256xf32, #tpu.memory_space<vmem>>, vector<16xf32>,
        %parallel_loop3A_329 = arith.constant 224 : i32
        %parallel_loop3A_330 = arith.addi %parallel_loop3A_146, %parallel_loop3A_329 : i32
        %parallel_loop3A_331 = arith.index_cast %parallel_loop3A_330 : i32 to index
        %parallel_loop3A_332 = tpu.vector_load %arg9[%parallel_loop3A_331] {strides = array<i32>} : memref<20480xf32, #tpu.memory_space<vmem>>, vector<16xf32>,
        %parallel_loop3A_333 = vector.broadcast %parallel_loop3A_142 : f32 to vector<16xf32>
        %parallel_loop3A_334 = arith.mulf %parallel_loop3A_333, %get3A_31 : vector<16xf32>
        %parallel_loop3A_335 = arith.addf %parallel_loop3A_332, %parallel_loop3A_334 : vector<16xf32>
        %parallel_loop3A_336 = vector.broadcast %parallel_loop3A_144 : f32 to vector<16xf32>
        %parallel_loop3A_337 = arith.mulf %parallel_loop3A_336, %get3A_63 : vector<16xf32>
        %parallel_loop3A_338 = arith.addf %parallel_loop3A_335, %parallel_loop3A_337 : vector<16xf32>
        %parallel_loop3A_339 = arith.index_cast %parallel_loop3A_133 : i32 to index
        %parallel_loop3A_340 = arith.constant 224 : index
        %parallel_loop3A_341 = tpu.vector_load %arg15[%parallel_loop3A_339, %parallel_loop3A_340] {strides = array<i32>} : memref<128x256xf32, #tpu.memory_space<vmem>>, vector<16xf32>,
        tpu.vector_store %arg15[%parallel_loop3A_339, %parallel_loop3A_340], %parallel_loop3A_338 {strides = array<i32>} : memref<128x256xf32, #tpu.memory_space<vmem>>, vector<16xf32>,
        %parallel_loop3A_342 = arith.constant 240 : i32
        %parallel_loop3A_343 = arith.addi %parallel_loop3A_146, %parallel_loop3A_342 : i32
        %parallel_loop3A_344 = arith.index_cast %parallel_loop3A_343 : i32 to index
        %parallel_loop3A_345 = tpu.vector_load %arg9[%parallel_loop3A_344] {strides = array<i32>} : memref<20480xf32, #tpu.memory_space<vmem>>, vector<16xf32>,
        %parallel_loop3A_346 = vector.broadcast %parallel_loop3A_142 : f32 to vector<16xf32>
        %parallel_loop3A_347 = arith.mulf %parallel_loop3A_346, %get3A_33 : vector<16xf32>
        %parallel_loop3A_348 = arith.addf %parallel_loop3A_345, %parallel_loop3A_347 : vector<16xf32>
        %parallel_loop3A_349 = vector.broadcast %parallel_loop3A_144 : f32 to vector<16xf32>
        %parallel_loop3A_350 = arith.mulf %parallel_loop3A_349, %get3A_65 : vector<16xf32>
        %parallel_loop3A_351 = arith.addf %parallel_loop3A_348, %parallel_loop3A_350 : vector<16xf32>
        %parallel_loop3A_352 = arith.index_cast %parallel_loop3A_133 : i32 to index
        %parallel_loop3A_353 = arith.constant 240 : index
        %parallel_loop3A_354 = tpu.vector_load %arg15[%parallel_loop3A_352, %parallel_loop3A_353] {strides = array<i32>} : memref<128x256xf32, #tpu.memory_space<vmem>>, vector<16xf32>,
        tpu.vector_store %arg15[%parallel_loop3A_352, %parallel_loop3A_353], %parallel_loop3A_351 {strides = array<i32>} : memref<128x256xf32, #tpu.memory_space<vmem>>, vector<16xf32>,
      } {sc.loop_unroll_factor = 2 : i64, sc.parallel_access}
      %add3A_109 = arith.addi %mul3A_2, %mul3A_100 : i32
      %dma_start3A_110 = arith.constant 0 : i32
      %dma_start3A_111 = tpu.memref_slice %arg8[%add3A_109, %dma_start3A_110] : memref<65536x256xf32, #tpu.memory_space<hbm>> -> memref<128x256xf32, #tpu.memory_space<hbm>>
      %dma_start3A_112 = arith.constant 0 : i32
      %dma_start3A_113 = tpu.memref_slice %arg8[%add3A_109, %dma_start3A_112] : memref<65536x256xf32, #tpu.memory_space<hbm>> -> memref<128x256xf32, #tpu.memory_space<hbm>>
      tpu.enqueue_dma source(%arg15 : memref<128x256xf32, #tpu.memory_space<vmem>>) target(%dma_start3A_113 : memref<128x256xf32, #tpu.memory_space<hbm>>) target_semaphore(%arg17 : memref<!tpu.dma_semaphore, #tpu.memory_space<semaphore_mem>>)
      %add3A_114 = arith.constant 128 : i32
      %add3A_115 = arith.addi %mul3A_100, %add3A_114 : i32
      %add3A_116 = arith.addi %mul3A_2, %add3A_115 : i32
      %dma_wait3A_117 = arith.constant 0 : i32
      %dma_wait3A_118 = tpu.memref_slice %arg8[%add3A_116, %dma_wait3A_117] : memref<65536x256xf32, #tpu.memory_space<hbm>> -> memref<128x256xf32, #tpu.memory_space<hbm>>
      %dma_wait3A_119 = arith.constant 0 : i32
      %dma_wait3A_120 = tpu.memref_slice %arg8[%add3A_116, %dma_wait3A_119] : memref<65536x256xf32, #tpu.memory_space<hbm>> -> memref<128x256xf32, #tpu.memory_space<hbm>>
      tpu.wait_dma2 semaphore(%arg18 : memref<!tpu.dma_semaphore, #tpu.memory_space<semaphore_mem>>) src(%arg16 : memref<128x256xf32, #tpu.memory_space<vmem>>) dst(%dma_wait3A_120 : memref<128x256xf32, #tpu.memory_space<hbm>>)
      %add3A_121 = arith.constant 128 : i32
      %add3A_122 = arith.addi %mul3A_100, %add3A_121 : i32
      %parallel_loop3A_123 = arith.constant 0 : i32
      %parallel_loop3A_124 = arith.constant 128 : i32
      %parallel_loop3A_125 = arith.constant 1 : i32
      scf.for %parallel_loop3A_133 = %parallel_loop3A_123 to %parallel_loop3A_124 step %parallel_loop3A_125  : i32 {
        %parallel_loop3A_134 = arith.addi %parallel_loop3A_133, %add3A_122 : i32
        %parallel_loop3A_135 = arith.index_cast %parallel_loop3A_134 : i32 to index
        %parallel_loop3A_136 = tpu.vector_load %arg10[%parallel_loop3A_135] {strides = array<i32>} : memref<2064xf32, #tpu.memory_space<vmem>>, vector<16xf32>,
        %parallel_loop3A_137 = arith.index_cast %parallel_loop3A_134 : i32 to index
        %parallel_loop3A_138 = tpu.vector_load %arg11[%parallel_loop3A_137] {strides = array<i32>} : memref<2064xf32, #tpu.memory_space<vmem>>, vector<16xf32>,
        %parallel_loop3A_139 = arith.index_cast %parallel_loop3A_134 : i32 to index
        %parallel_loop3A_140 = tpu.vector_load %arg12[%parallel_loop3A_139] {strides = array<i32>} : memref<2064xi32, #tpu.memory_space<vmem>>, vector<16xi32>,
        %parallel_loop3A_141 = vector.extract_strided_slice %parallel_loop3A_136 {offsets = [0], sizes = [1], strides = [1]} : vector<16xf32> to vector<1xf32>
        %parallel_loop3A_142 = vector.extract %parallel_loop3A_141[0] : f32 from vector<1xf32>
        %parallel_loop3A_143 = vector.extract_strided_slice %parallel_loop3A_138 {offsets = [0], sizes = [1], strides = [1]} : vector<16xf32> to vector<1xf32>
        %parallel_loop3A_144 = vector.extract %parallel_loop3A_143[0] : f32 from vector<1xf32>
        %parallel_loop3A_145 = vector.extract_strided_slice %parallel_loop3A_140 {offsets = [0], sizes = [1], strides = [1]} : vector<16xi32> to vector<1xi32>
        %parallel_loop3A_146 = vector.extract %parallel_loop3A_145[0] : i32 from vector<1xi32>
        %parallel_loop3A_147 = arith.constant 0 : i32
        %parallel_loop3A_148 = arith.addi %parallel_loop3A_146, %parallel_loop3A_147 : i32
        %parallel_loop3A_149 = arith.index_cast %parallel_loop3A_148 : i32 to index
        %parallel_loop3A_150 = tpu.vector_load %arg9[%parallel_loop3A_149] {strides = array<i32>} : memref<20480xf32, #tpu.memory_space<vmem>>, vector<16xf32>,
        %parallel_loop3A_151 = vector.broadcast %parallel_loop3A_142 : f32 to vector<16xf32>
        %parallel_loop3A_152 = arith.mulf %parallel_loop3A_151, %get3A_3 : vector<16xf32>
        %parallel_loop3A_153 = arith.addf %parallel_loop3A_150, %parallel_loop3A_152 : vector<16xf32>
        %parallel_loop3A_154 = vector.broadcast %parallel_loop3A_144 : f32 to vector<16xf32>
        %parallel_loop3A_155 = arith.mulf %parallel_loop3A_154, %get3A_35 : vector<16xf32>
        %parallel_loop3A_156 = arith.addf %parallel_loop3A_153, %parallel_loop3A_155 : vector<16xf32>
        %parallel_loop3A_157 = arith.index_cast %parallel_loop3A_133 : i32 to index
        %parallel_loop3A_158 = arith.constant 0 : index
        %parallel_loop3A_159 = tpu.vector_load %arg16[%parallel_loop3A_157, %parallel_loop3A_158] {strides = array<i32>} : memref<128x256xf32, #tpu.memory_space<vmem>>, vector<16xf32>,
        tpu.vector_store %arg16[%parallel_loop3A_157, %parallel_loop3A_158], %parallel_loop3A_156 {strides = array<i32>} : memref<128x256xf32, #tpu.memory_space<vmem>>, vector<16xf32>,
        %parallel_loop3A_160 = arith.constant 16 : i32
        %parallel_loop3A_161 = arith.addi %parallel_loop3A_146, %parallel_loop3A_160 : i32
        %parallel_loop3A_162 = arith.index_cast %parallel_loop3A_161 : i32 to index
        %parallel_loop3A_163 = tpu.vector_load %arg9[%parallel_loop3A_162] {strides = array<i32>} : memref<20480xf32, #tpu.memory_space<vmem>>, vector<16xf32>,
        %parallel_loop3A_164 = vector.broadcast %parallel_loop3A_142 : f32 to vector<16xf32>
        %parallel_loop3A_165 = arith.mulf %parallel_loop3A_164, %get3A_5 : vector<16xf32>
        %parallel_loop3A_166 = arith.addf %parallel_loop3A_163, %parallel_loop3A_165 : vector<16xf32>
        %parallel_loop3A_167 = vector.broadcast %parallel_loop3A_144 : f32 to vector<16xf32>
        %parallel_loop3A_168 = arith.mulf %parallel_loop3A_167, %get3A_37 : vector<16xf32>
        %parallel_loop3A_169 = arith.addf %parallel_loop3A_166, %parallel_loop3A_168 : vector<16xf32>
        %parallel_loop3A_170 = arith.index_cast %parallel_loop3A_133 : i32 to index
        %parallel_loop3A_171 = arith.constant 16 : index
        %parallel_loop3A_172 = tpu.vector_load %arg16[%parallel_loop3A_170, %parallel_loop3A_171] {strides = array<i32>} : memref<128x256xf32, #tpu.memory_space<vmem>>, vector<16xf32>,
        tpu.vector_store %arg16[%parallel_loop3A_170, %parallel_loop3A_171], %parallel_loop3A_169 {strides = array<i32>} : memref<128x256xf32, #tpu.memory_space<vmem>>, vector<16xf32>,
        %parallel_loop3A_173 = arith.constant 32 : i32
        %parallel_loop3A_174 = arith.addi %parallel_loop3A_146, %parallel_loop3A_173 : i32
        %parallel_loop3A_175 = arith.index_cast %parallel_loop3A_174 : i32 to index
        %parallel_loop3A_176 = tpu.vector_load %arg9[%parallel_loop3A_175] {strides = array<i32>} : memref<20480xf32, #tpu.memory_space<vmem>>, vector<16xf32>,
        %parallel_loop3A_177 = vector.broadcast %parallel_loop3A_142 : f32 to vector<16xf32>
        %parallel_loop3A_178 = arith.mulf %parallel_loop3A_177, %get3A_7 : vector<16xf32>
        %parallel_loop3A_179 = arith.addf %parallel_loop3A_176, %parallel_loop3A_178 : vector<16xf32>
        %parallel_loop3A_180 = vector.broadcast %parallel_loop3A_144 : f32 to vector<16xf32>
        %parallel_loop3A_181 = arith.mulf %parallel_loop3A_180, %get3A_39 : vector<16xf32>
        %parallel_loop3A_182 = arith.addf %parallel_loop3A_179, %parallel_loop3A_181 : vector<16xf32>
        %parallel_loop3A_183 = arith.index_cast %parallel_loop3A_133 : i32 to index
        %parallel_loop3A_184 = arith.constant 32 : index
        %parallel_loop3A_185 = tpu.vector_load %arg16[%parallel_loop3A_183, %parallel_loop3A_184] {strides = array<i32>} : memref<128x256xf32, #tpu.memory_space<vmem>>, vector<16xf32>,
        tpu.vector_store %arg16[%parallel_loop3A_183, %parallel_loop3A_184], %parallel_loop3A_182 {strides = array<i32>} : memref<128x256xf32, #tpu.memory_space<vmem>>, vector<16xf32>,
        %parallel_loop3A_186 = arith.constant 48 : i32
        %parallel_loop3A_187 = arith.addi %parallel_loop3A_146, %parallel_loop3A_186 : i32
        %parallel_loop3A_188 = arith.index_cast %parallel_loop3A_187 : i32 to index
        %parallel_loop3A_189 = tpu.vector_load %arg9[%parallel_loop3A_188] {strides = array<i32>} : memref<20480xf32, #tpu.memory_space<vmem>>, vector<16xf32>,
        %parallel_loop3A_190 = vector.broadcast %parallel_loop3A_142 : f32 to vector<16xf32>
        %parallel_loop3A_191 = arith.mulf %parallel_loop3A_190, %get3A_9 : vector<16xf32>
        %parallel_loop3A_192 = arith.addf %parallel_loop3A_189, %parallel_loop3A_191 : vector<16xf32>
        %parallel_loop3A_193 = vector.broadcast %parallel_loop3A_144 : f32 to vector<16xf32>
        %parallel_loop3A_194 = arith.mulf %parallel_loop3A_193, %get3A_41 : vector<16xf32>
        %parallel_loop3A_195 = arith.addf %parallel_loop3A_192, %parallel_loop3A_194 : vector<16xf32>
        %parallel_loop3A_196 = arith.index_cast %parallel_loop3A_133 : i32 to index
        %parallel_loop3A_197 = arith.constant 48 : index
        %parallel_loop3A_198 = tpu.vector_load %arg16[%parallel_loop3A_196, %parallel_loop3A_197] {strides = array<i32>} : memref<128x256xf32, #tpu.memory_space<vmem>>, vector<16xf32>,
        tpu.vector_store %arg16[%parallel_loop3A_196, %parallel_loop3A_197], %parallel_loop3A_195 {strides = array<i32>} : memref<128x256xf32, #tpu.memory_space<vmem>>, vector<16xf32>,
        %parallel_loop3A_199 = arith.constant 64 : i32
        %parallel_loop3A_200 = arith.addi %parallel_loop3A_146, %parallel_loop3A_199 : i32
        %parallel_loop3A_201 = arith.index_cast %parallel_loop3A_200 : i32 to index
        %parallel_loop3A_202 = tpu.vector_load %arg9[%parallel_loop3A_201] {strides = array<i32>} : memref<20480xf32, #tpu.memory_space<vmem>>, vector<16xf32>,
        %parallel_loop3A_203 = vector.broadcast %parallel_loop3A_142 : f32 to vector<16xf32>
        %parallel_loop3A_204 = arith.mulf %parallel_loop3A_203, %get3A_11 : vector<16xf32>
        %parallel_loop3A_205 = arith.addf %parallel_loop3A_202, %parallel_loop3A_204 : vector<16xf32>
        %parallel_loop3A_206 = vector.broadcast %parallel_loop3A_144 : f32 to vector<16xf32>
        %parallel_loop3A_207 = arith.mulf %parallel_loop3A_206, %get3A_43 : vector<16xf32>
        %parallel_loop3A_208 = arith.addf %parallel_loop3A_205, %parallel_loop3A_207 : vector<16xf32>
        %parallel_loop3A_209 = arith.index_cast %parallel_loop3A_133 : i32 to index
        %parallel_loop3A_210 = arith.constant 64 : index
        %parallel_loop3A_211 = tpu.vector_load %arg16[%parallel_loop3A_209, %parallel_loop3A_210] {strides = array<i32>} : memref<128x256xf32, #tpu.memory_space<vmem>>, vector<16xf32>,
        tpu.vector_store %arg16[%parallel_loop3A_209, %parallel_loop3A_210], %parallel_loop3A_208 {strides = array<i32>} : memref<128x256xf32, #tpu.memory_space<vmem>>, vector<16xf32>,
        %parallel_loop3A_212 = arith.constant 80 : i32
        %parallel_loop3A_213 = arith.addi %parallel_loop3A_146, %parallel_loop3A_212 : i32
        %parallel_loop3A_214 = arith.index_cast %parallel_loop3A_213 : i32 to index
        %parallel_loop3A_215 = tpu.vector_load %arg9[%parallel_loop3A_214] {strides = array<i32>} : memref<20480xf32, #tpu.memory_space<vmem>>, vector<16xf32>,
        %parallel_loop3A_216 = vector.broadcast %parallel_loop3A_142 : f32 to vector<16xf32>
        %parallel_loop3A_217 = arith.mulf %parallel_loop3A_216, %get3A_13 : vector<16xf32>
        %parallel_loop3A_218 = arith.addf %parallel_loop3A_215, %parallel_loop3A_217 : vector<16xf32>
        %parallel_loop3A_219 = vector.broadcast %parallel_loop3A_144 : f32 to vector<16xf32>
        %parallel_loop3A_220 = arith.mulf %parallel_loop3A_219, %get3A_45 : vector<16xf32>
        %parallel_loop3A_221 = arith.addf %parallel_loop3A_218, %parallel_loop3A_220 : vector<16xf32>
        %parallel_loop3A_222 = arith.index_cast %parallel_loop3A_133 : i32 to index
        %parallel_loop3A_223 = arith.constant 80 : index
        %parallel_loop3A_224 = tpu.vector_load %arg16[%parallel_loop3A_222, %parallel_loop3A_223] {strides = array<i32>} : memref<128x256xf32, #tpu.memory_space<vmem>>, vector<16xf32>,
        tpu.vector_store %arg16[%parallel_loop3A_222, %parallel_loop3A_223], %parallel_loop3A_221 {strides = array<i32>} : memref<128x256xf32, #tpu.memory_space<vmem>>, vector<16xf32>,
        %parallel_loop3A_225 = arith.constant 96 : i32
        %parallel_loop3A_226 = arith.addi %parallel_loop3A_146, %parallel_loop3A_225 : i32
        %parallel_loop3A_227 = arith.index_cast %parallel_loop3A_226 : i32 to index
        %parallel_loop3A_228 = tpu.vector_load %arg9[%parallel_loop3A_227] {strides = array<i32>} : memref<20480xf32, #tpu.memory_space<vmem>>, vector<16xf32>,
        %parallel_loop3A_229 = vector.broadcast %parallel_loop3A_142 : f32 to vector<16xf32>
        %parallel_loop3A_230 = arith.mulf %parallel_loop3A_229, %get3A_15 : vector<16xf32>
        %parallel_loop3A_231 = arith.addf %parallel_loop3A_228, %parallel_loop3A_230 : vector<16xf32>
        %parallel_loop3A_232 = vector.broadcast %parallel_loop3A_144 : f32 to vector<16xf32>
        %parallel_loop3A_233 = arith.mulf %parallel_loop3A_232, %get3A_47 : vector<16xf32>
        %parallel_loop3A_234 = arith.addf %parallel_loop3A_231, %parallel_loop3A_233 : vector<16xf32>
        %parallel_loop3A_235 = arith.index_cast %parallel_loop3A_133 : i32 to index
        %parallel_loop3A_236 = arith.constant 96 : index
        %parallel_loop3A_237 = tpu.vector_load %arg16[%parallel_loop3A_235, %parallel_loop3A_236] {strides = array<i32>} : memref<128x256xf32, #tpu.memory_space<vmem>>, vector<16xf32>,
        tpu.vector_store %arg16[%parallel_loop3A_235, %parallel_loop3A_236], %parallel_loop3A_234 {strides = array<i32>} : memref<128x256xf32, #tpu.memory_space<vmem>>, vector<16xf32>,
        %parallel_loop3A_238 = arith.constant 112 : i32
        %parallel_loop3A_239 = arith.addi %parallel_loop3A_146, %parallel_loop3A_238 : i32
        %parallel_loop3A_240 = arith.index_cast %parallel_loop3A_239 : i32 to index
        %parallel_loop3A_241 = tpu.vector_load %arg9[%parallel_loop3A_240] {strides = array<i32>} : memref<20480xf32, #tpu.memory_space<vmem>>, vector<16xf32>,
        %parallel_loop3A_242 = vector.broadcast %parallel_loop3A_142 : f32 to vector<16xf32>
        %parallel_loop3A_243 = arith.mulf %parallel_loop3A_242, %get3A_17 : vector<16xf32>
        %parallel_loop3A_244 = arith.addf %parallel_loop3A_241, %parallel_loop3A_243 : vector<16xf32>
        %parallel_loop3A_245 = vector.broadcast %parallel_loop3A_144 : f32 to vector<16xf32>
        %parallel_loop3A_246 = arith.mulf %parallel_loop3A_245, %get3A_49 : vector<16xf32>
        %parallel_loop3A_247 = arith.addf %parallel_loop3A_244, %parallel_loop3A_246 : vector<16xf32>
        %parallel_loop3A_248 = arith.index_cast %parallel_loop3A_133 : i32 to index
        %parallel_loop3A_249 = arith.constant 112 : index
        %parallel_loop3A_250 = tpu.vector_load %arg16[%parallel_loop3A_248, %parallel_loop3A_249] {strides = array<i32>} : memref<128x256xf32, #tpu.memory_space<vmem>>, vector<16xf32>,
        tpu.vector_store %arg16[%parallel_loop3A_248, %parallel_loop3A_249], %parallel_loop3A_247 {strides = array<i32>} : memref<128x256xf32, #tpu.memory_space<vmem>>, vector<16xf32>,
        %parallel_loop3A_251 = arith.constant 128 : i32
        %parallel_loop3A_252 = arith.addi %parallel_loop3A_146, %parallel_loop3A_251 : i32
        %parallel_loop3A_253 = arith.index_cast %parallel_loop3A_252 : i32 to index
        %parallel_loop3A_254 = tpu.vector_load %arg9[%parallel_loop3A_253] {strides = array<i32>} : memref<20480xf32, #tpu.memory_space<vmem>>, vector<16xf32>,
        %parallel_loop3A_255 = vector.broadcast %parallel_loop3A_142 : f32 to vector<16xf32>
        %parallel_loop3A_256 = arith.mulf %parallel_loop3A_255, %get3A_19 : vector<16xf32>
        %parallel_loop3A_257 = arith.addf %parallel_loop3A_254, %parallel_loop3A_256 : vector<16xf32>
        %parallel_loop3A_258 = vector.broadcast %parallel_loop3A_144 : f32 to vector<16xf32>
        %parallel_loop3A_259 = arith.mulf %parallel_loop3A_258, %get3A_51 : vector<16xf32>
        %parallel_loop3A_260 = arith.addf %parallel_loop3A_257, %parallel_loop3A_259 : vector<16xf32>
        %parallel_loop3A_261 = arith.index_cast %parallel_loop3A_133 : i32 to index
        %parallel_loop3A_262 = arith.constant 128 : index
        %parallel_loop3A_263 = tpu.vector_load %arg16[%parallel_loop3A_261, %parallel_loop3A_262] {strides = array<i32>} : memref<128x256xf32, #tpu.memory_space<vmem>>, vector<16xf32>,
        tpu.vector_store %arg16[%parallel_loop3A_261, %parallel_loop3A_262], %parallel_loop3A_260 {strides = array<i32>} : memref<128x256xf32, #tpu.memory_space<vmem>>, vector<16xf32>,
        %parallel_loop3A_264 = arith.constant 144 : i32
        %parallel_loop3A_265 = arith.addi %parallel_loop3A_146, %parallel_loop3A_264 : i32
        %parallel_loop3A_266 = arith.index_cast %parallel_loop3A_265 : i32 to index
        %parallel_loop3A_267 = tpu.vector_load %arg9[%parallel_loop3A_266] {strides = array<i32>} : memref<20480xf32, #tpu.memory_space<vmem>>, vector<16xf32>,
        %parallel_loop3A_268 = vector.broadcast %parallel_loop3A_142 : f32 to vector<16xf32>
        %parallel_loop3A_269 = arith.mulf %parallel_loop3A_268, %get3A_21 : vector<16xf32>
        %parallel_loop3A_270 = arith.addf %parallel_loop3A_267, %parallel_loop3A_269 : vector<16xf32>
        %parallel_loop3A_271 = vector.broadcast %parallel_loop3A_144 : f32 to vector<16xf32>
        %parallel_loop3A_272 = arith.mulf %parallel_loop3A_271, %get3A_53 : vector<16xf32>
        %parallel_loop3A_273 = arith.addf %parallel_loop3A_270, %parallel_loop3A_272 : vector<16xf32>
        %parallel_loop3A_274 = arith.index_cast %parallel_loop3A_133 : i32 to index
        %parallel_loop3A_275 = arith.constant 144 : index
        %parallel_loop3A_276 = tpu.vector_load %arg16[%parallel_loop3A_274, %parallel_loop3A_275] {strides = array<i32>} : memref<128x256xf32, #tpu.memory_space<vmem>>, vector<16xf32>,
        tpu.vector_store %arg16[%parallel_loop3A_274, %parallel_loop3A_275], %parallel_loop3A_273 {strides = array<i32>} : memref<128x256xf32, #tpu.memory_space<vmem>>, vector<16xf32>,
        %parallel_loop3A_277 = arith.constant 160 : i32
        %parallel_loop3A_278 = arith.addi %parallel_loop3A_146, %parallel_loop3A_277 : i32
        %parallel_loop3A_279 = arith.index_cast %parallel_loop3A_278 : i32 to index
        %parallel_loop3A_280 = tpu.vector_load %arg9[%parallel_loop3A_279] {strides = array<i32>} : memref<20480xf32, #tpu.memory_space<vmem>>, vector<16xf32>,
        %parallel_loop3A_281 = vector.broadcast %parallel_loop3A_142 : f32 to vector<16xf32>
        %parallel_loop3A_282 = arith.mulf %parallel_loop3A_281, %get3A_23 : vector<16xf32>
        %parallel_loop3A_283 = arith.addf %parallel_loop3A_280, %parallel_loop3A_282 : vector<16xf32>
        %parallel_loop3A_284 = vector.broadcast %parallel_loop3A_144 : f32 to vector<16xf32>
        %parallel_loop3A_285 = arith.mulf %parallel_loop3A_284, %get3A_55 : vector<16xf32>
        %parallel_loop3A_286 = arith.addf %parallel_loop3A_283, %parallel_loop3A_285 : vector<16xf32>
        %parallel_loop3A_287 = arith.index_cast %parallel_loop3A_133 : i32 to index
        %parallel_loop3A_288 = arith.constant 160 : index
        %parallel_loop3A_289 = tpu.vector_load %arg16[%parallel_loop3A_287, %parallel_loop3A_288] {strides = array<i32>} : memref<128x256xf32, #tpu.memory_space<vmem>>, vector<16xf32>,
        tpu.vector_store %arg16[%parallel_loop3A_287, %parallel_loop3A_288], %parallel_loop3A_286 {strides = array<i32>} : memref<128x256xf32, #tpu.memory_space<vmem>>, vector<16xf32>,
        %parallel_loop3A_290 = arith.constant 176 : i32
        %parallel_loop3A_291 = arith.addi %parallel_loop3A_146, %parallel_loop3A_290 : i32
        %parallel_loop3A_292 = arith.index_cast %parallel_loop3A_291 : i32 to index
        %parallel_loop3A_293 = tpu.vector_load %arg9[%parallel_loop3A_292] {strides = array<i32>} : memref<20480xf32, #tpu.memory_space<vmem>>, vector<16xf32>,
        %parallel_loop3A_294 = vector.broadcast %parallel_loop3A_142 : f32 to vector<16xf32>
        %parallel_loop3A_295 = arith.mulf %parallel_loop3A_294, %get3A_25 : vector<16xf32>
        %parallel_loop3A_296 = arith.addf %parallel_loop3A_293, %parallel_loop3A_295 : vector<16xf32>
        %parallel_loop3A_297 = vector.broadcast %parallel_loop3A_144 : f32 to vector<16xf32>
        %parallel_loop3A_298 = arith.mulf %parallel_loop3A_297, %get3A_57 : vector<16xf32>
        %parallel_loop3A_299 = arith.addf %parallel_loop3A_296, %parallel_loop3A_298 : vector<16xf32>
        %parallel_loop3A_300 = arith.index_cast %parallel_loop3A_133 : i32 to index
        %parallel_loop3A_301 = arith.constant 176 : index
        %parallel_loop3A_302 = tpu.vector_load %arg16[%parallel_loop3A_300, %parallel_loop3A_301] {strides = array<i32>} : memref<128x256xf32, #tpu.memory_space<vmem>>, vector<16xf32>,
        tpu.vector_store %arg16[%parallel_loop3A_300, %parallel_loop3A_301], %parallel_loop3A_299 {strides = array<i32>} : memref<128x256xf32, #tpu.memory_space<vmem>>, vector<16xf32>,
        %parallel_loop3A_303 = arith.constant 192 : i32
        %parallel_loop3A_304 = arith.addi %parallel_loop3A_146, %parallel_loop3A_303 : i32
        %parallel_loop3A_305 = arith.index_cast %parallel_loop3A_304 : i32 to index
        %parallel_loop3A_306 = tpu.vector_load %arg9[%parallel_loop3A_305] {strides = array<i32>} : memref<20480xf32, #tpu.memory_space<vmem>>, vector<16xf32>,
        %parallel_loop3A_307 = vector.broadcast %parallel_loop3A_142 : f32 to vector<16xf32>
        %parallel_loop3A_308 = arith.mulf %parallel_loop3A_307, %get3A_27 : vector<16xf32>
        %parallel_loop3A_309 = arith.addf %parallel_loop3A_306, %parallel_loop3A_308 : vector<16xf32>
        %parallel_loop3A_310 = vector.broadcast %parallel_loop3A_144 : f32 to vector<16xf32>
        %parallel_loop3A_311 = arith.mulf %parallel_loop3A_310, %get3A_59 : vector<16xf32>
        %parallel_loop3A_312 = arith.addf %parallel_loop3A_309, %parallel_loop3A_311 : vector<16xf32>
        %parallel_loop3A_313 = arith.index_cast %parallel_loop3A_133 : i32 to index
        %parallel_loop3A_314 = arith.constant 192 : index
        %parallel_loop3A_315 = tpu.vector_load %arg16[%parallel_loop3A_313, %parallel_loop3A_314] {strides = array<i32>} : memref<128x256xf32, #tpu.memory_space<vmem>>, vector<16xf32>,
        tpu.vector_store %arg16[%parallel_loop3A_313, %parallel_loop3A_314], %parallel_loop3A_312 {strides = array<i32>} : memref<128x256xf32, #tpu.memory_space<vmem>>, vector<16xf32>,
        %parallel_loop3A_316 = arith.constant 208 : i32
        %parallel_loop3A_317 = arith.addi %parallel_loop3A_146, %parallel_loop3A_316 : i32
        %parallel_loop3A_318 = arith.index_cast %parallel_loop3A_317 : i32 to index
        %parallel_loop3A_319 = tpu.vector_load %arg9[%parallel_loop3A_318] {strides = array<i32>} : memref<20480xf32, #tpu.memory_space<vmem>>, vector<16xf32>,
        %parallel_loop3A_320 = vector.broadcast %parallel_loop3A_142 : f32 to vector<16xf32>
        %parallel_loop3A_321 = arith.mulf %parallel_loop3A_320, %get3A_29 : vector<16xf32>
        %parallel_loop3A_322 = arith.addf %parallel_loop3A_319, %parallel_loop3A_321 : vector<16xf32>
        %parallel_loop3A_323 = vector.broadcast %parallel_loop3A_144 : f32 to vector<16xf32>
        %parallel_loop3A_324 = arith.mulf %parallel_loop3A_323, %get3A_61 : vector<16xf32>
        %parallel_loop3A_325 = arith.addf %parallel_loop3A_322, %parallel_loop3A_324 : vector<16xf32>
        %parallel_loop3A_326 = arith.index_cast %parallel_loop3A_133 : i32 to index
        %parallel_loop3A_327 = arith.constant 208 : index
        %parallel_loop3A_328 = tpu.vector_load %arg16[%parallel_loop3A_326, %parallel_loop3A_327] {strides = array<i32>} : memref<128x256xf32, #tpu.memory_space<vmem>>, vector<16xf32>,
        tpu.vector_store %arg16[%parallel_loop3A_326, %parallel_loop3A_327], %parallel_loop3A_325 {strides = array<i32>} : memref<128x256xf32, #tpu.memory_space<vmem>>, vector<16xf32>,
        %parallel_loop3A_329 = arith.constant 224 : i32
        %parallel_loop3A_330 = arith.addi %parallel_loop3A_146, %parallel_loop3A_329 : i32
        %parallel_loop3A_331 = arith.index_cast %parallel_loop3A_330 : i32 to index
        %parallel_loop3A_332 = tpu.vector_load %arg9[%parallel_loop3A_331] {strides = array<i32>} : memref<20480xf32, #tpu.memory_space<vmem>>, vector<16xf32>,
        %parallel_loop3A_333 = vector.broadcast %parallel_loop3A_142 : f32 to vector<16xf32>
        %parallel_loop3A_334 = arith.mulf %parallel_loop3A_333, %get3A_31 : vector<16xf32>
        %parallel_loop3A_335 = arith.addf %parallel_loop3A_332, %parallel_loop3A_334 : vector<16xf32>
        %parallel_loop3A_336 = vector.broadcast %parallel_loop3A_144 : f32 to vector<16xf32>
        %parallel_loop3A_337 = arith.mulf %parallel_loop3A_336, %get3A_63 : vector<16xf32>
        %parallel_loop3A_338 = arith.addf %parallel_loop3A_335, %parallel_loop3A_337 : vector<16xf32>
        %parallel_loop3A_339 = arith.index_cast %parallel_loop3A_133 : i32 to index
        %parallel_loop3A_340 = arith.constant 224 : index
        %parallel_loop3A_341 = tpu.vector_load %arg16[%parallel_loop3A_339, %parallel_loop3A_340] {strides = array<i32>} : memref<128x256xf32, #tpu.memory_space<vmem>>, vector<16xf32>,
        tpu.vector_store %arg16[%parallel_loop3A_339, %parallel_loop3A_340], %parallel_loop3A_338 {strides = array<i32>} : memref<128x256xf32, #tpu.memory_space<vmem>>, vector<16xf32>,
        %parallel_loop3A_342 = arith.constant 240 : i32
        %parallel_loop3A_343 = arith.addi %parallel_loop3A_146, %parallel_loop3A_342 : i32
        %parallel_loop3A_344 = arith.index_cast %parallel_loop3A_343 : i32 to index
        %parallel_loop3A_345 = tpu.vector_load %arg9[%parallel_loop3A_344] {strides = array<i32>} : memref<20480xf32, #tpu.memory_space<vmem>>, vector<16xf32>,
        %parallel_loop3A_346 = vector.broadcast %parallel_loop3A_142 : f32 to vector<16xf32>
        %parallel_loop3A_347 = arith.mulf %parallel_loop3A_346, %get3A_33 : vector<16xf32>
        %parallel_loop3A_348 = arith.addf %parallel_loop3A_345, %parallel_loop3A_347 : vector<16xf32>
        %parallel_loop3A_349 = vector.broadcast %parallel_loop3A_144 : f32 to vector<16xf32>
        %parallel_loop3A_350 = arith.mulf %parallel_loop3A_349, %get3A_65 : vector<16xf32>
        %parallel_loop3A_351 = arith.addf %parallel_loop3A_348, %parallel_loop3A_350 : vector<16xf32>
        %parallel_loop3A_352 = arith.index_cast %parallel_loop3A_133 : i32 to index
        %parallel_loop3A_353 = arith.constant 240 : index
        %parallel_loop3A_354 = tpu.vector_load %arg16[%parallel_loop3A_352, %parallel_loop3A_353] {strides = array<i32>} : memref<128x256xf32, #tpu.memory_space<vmem>>, vector<16xf32>,
        tpu.vector_store %arg16[%parallel_loop3A_352, %parallel_loop3A_353], %parallel_loop3A_351 {strides = array<i32>} : memref<128x256xf32, #tpu.memory_space<vmem>>, vector<16xf32>,
      } {sc.loop_unroll_factor = 2 : i64, sc.parallel_access}
      %add3A_126 = arith.constant 128 : i32
      %add3A_127 = arith.addi %mul3A_100, %add3A_126 : i32
      %add3A_128 = arith.addi %mul3A_2, %add3A_127 : i32
      %dma_start3A_129 = arith.constant 0 : i32
      %dma_start3A_130 = tpu.memref_slice %arg8[%add3A_128, %dma_start3A_129] : memref<65536x256xf32, #tpu.memory_space<hbm>> -> memref<128x256xf32, #tpu.memory_space<hbm>>
      %dma_start3A_131 = arith.constant 0 : i32
      %dma_start3A_132 = tpu.memref_slice %arg8[%add3A_128, %dma_start3A_131] : memref<65536x256xf32, #tpu.memory_space<hbm>> -> memref<128x256xf32, #tpu.memory_space<hbm>>
      tpu.enqueue_dma source(%arg16 : memref<128x256xf32, #tpu.memory_space<vmem>>) target(%dma_start3A_132 : memref<128x256xf32, #tpu.memory_space<hbm>>) target_semaphore(%arg18 : memref<!tpu.dma_semaphore, #tpu.memory_space<semaphore_mem>>)
    }
    %scan3A_86 = arith.constant 7 : i32
    %add3A_87 = arith.constant 0 : i32
    %add3A_88 = arith.addi %mul3A_2, %add3A_87 : i32
    %dma_wait3A = arith.constant 0 : i32
    %dma_wait3A_89 = tpu.memref_slice %arg8[%add3A_88, %dma_wait3A] : memref<65536x256xf32, #tpu.memory_space<hbm>> -> memref<128x256xf32, #tpu.memory_space<hbm>>
    %dma_wait3A_90 = arith.constant 0 : i32
    %dma_wait3A_91 = tpu.memref_slice %arg8[%add3A_88, %dma_wait3A_90] : memref<65536x256xf32, #tpu.memory_space<hbm>> -> memref<128x256xf32, #tpu.memory_space<hbm>>
    tpu.wait_dma2 semaphore(%arg17 : memref<!tpu.dma_semaphore, #tpu.memory_space<semaphore_mem>>) src(%arg15 : memref<128x256xf32, #tpu.memory_space<vmem>>) dst(%dma_wait3A_91 : memref<128x256xf32, #tpu.memory_space<hbm>>)
    %add3A_92 = arith.constant 128 : i32
    %add3A_93 = arith.addi %mul3A_2, %add3A_92 : i32
    %dma_wait3A_94 = arith.constant 0 : i32
    %dma_wait3A_95 = tpu.memref_slice %arg8[%add3A_93, %dma_wait3A_94] : memref<65536x256xf32, #tpu.memory_space<hbm>> -> memref<128x256xf32, #tpu.memory_space<hbm>>
    %dma_wait3A_96 = arith.constant 0 : i32
    %dma_wait3A_97 = tpu.memref_slice %arg8[%add3A_93, %dma_wait3A_96] : memref<65536x256xf32, #tpu.memory_space<hbm>> -> memref<128x256xf32, #tpu.memory_space<hbm>>
    tpu.wait_dma2 semaphore(%arg18 : memref<!tpu.dma_semaphore, #tpu.memory_space<semaphore_mem>>) src(%arg16 : memref<128x256xf32, #tpu.memory_space<vmem>>) dst(%dma_wait3A_97 : memref<128x256xf32, #tpu.memory_space<hbm>>)
    return
  }
}

</mosaic_0001>

<sc_bundles>
// kernel: kernel.3.cloned.1.call-start
scs
__scs_entry_jumppad:
0x0: {  	(pc) =	sbr.rel $0x88, $3  }
0x1: {  	(tag) =	ssettag $0x0;
	lr =	simm.s32 $0x1  }
0x2: {  	[smem:$0x3F9C] =	sst lr;
	_ =	strace $0xD0000000  }
0x3: {  	_ = 	snop  }
0x4: {  	_ = 	snop  }
0x5: {  	_ = 	snop  }
0x6: {  	_ = 	snop  }
0x7: {  	_ = 	snop  }
__scs_overlays_trampoline_lowered:
0x8: {  	[smem:$0x3FAB] =	sst s0  }
0x9: {  	[smem:$0x3FAC] =	sst s1  }
0xa: {  	[smem:$0x3FAD] =	sst s2  }
0xb: {  	[smem:$0x3FAE] =	sst s3  }
0xc: {  	[smem:$0x3FAF] =	sst s4  }
0xd: {  	[smem:$0x3FB0] =	sst s5  }
0xe: {  	[smem:$0x3FB1] =	sst s6  }
0xf: {  	[smem:$0x3FB2] =	sst s7  }
0x10: {  	[smem:$0x3FB3] =	sst s8  }
0x11: {  	[smem:$0x3FB4] =	sst s9;
	s0 =	simm.s32 @!p0 $0x0  }
0x12: {  	s1 =	sld [smem:$0x3F9A];
	s0 =	simm.s32 @p0 $0x1  }
0x13: {  	[smem:$0x3FB5] =	sst s0;
	s0 =	simm.s32 @!p1 $0x0  }
0x14: {  	s2 =	sld [smem:$0x3F99];
	s0 =	simm.s32 @p1 $0x1  }
0x15: {  	[smem:$0x3FB6] =	sst s0;
	s0 =	simm.s32 @!p2 $0x0  }
0x16: {  	s3 =	sld [smem:$0x3FDB];
	s0 =	simm.s32 @p2 $0x1  }
0x17: {  	s4 =	simm.s32 $0x1BF5;
	[smem:$0x3FB8] =	sst s0  }
0x18: {  	s0 =	sld [smem:$0x3F9B];
	_ =	swait.ge [sflag:s4], $0x0  }
0x19: {  	s7 =	sld [smem:$0x3F9C]  }
0x1a: {  	s8 =	sadd.s32 $0xFFFFE003, lr  }
0x1b: {  	s9 =	sadd.s32 $0xFFFFFEF7, lr;
	s5 =	simm.s32 $0xFFFFFFFF;
	p2 =	slt.u32 s8, $0xFFFFF086  }
0x1c: {  	p1 =	slt.u32 s9, $0xF7A;
	s5 =	simm.s32 @!p2 $0x0  }
0x1d: {  	s5 =	simm.s32 @p1 $0x1;
	p0 =	seq.s32 s7, s2  }
0x1e: {  	s7 =	smul.u32 @!p0 $0xF7A, s2;
	p2 =	seq.s32 @!p0 s5, $0x0  }
0x1f: {  	s9 =	smul.u32 $0xF7A, s1;
	s8 =	simm.s32 @!p0 $0x1BF5;
	p2 =	por !p2, p0  }
0x20: {  	[sflag:s8] =	ssyncset.s32 @!p0 $0xFFFFF086;
	s6 =	sadd.s32 @!p0 s3, s7;
	s7 =	simm.s32 @!p0 $0x108  }
0x21: {  	s3 =	sadd.s32 s3, s9;
	s6 =	sadd.s32 @!p0 $0x88, s6;
	s7 =	simm.s32 @p2 $0x1082  }
0x22: {  	[simem:s7], [sflag:s8] =	dma.local @!p0 [hbm:s6], $0xF7A  }
0x23: {  	s9 =	sor.u32 $0xD0000000, s2;
	s6 =	simm.s32 $0x108;
	_ =	swait.ge @!p0 [sflag:s8], $0x0  }
0x24: {  	s3 =	sadd.s32 $0x88, s3;
	s6 =	simm.s32 @!p1 $0x1082;
	[sflag:s4] =	ssyncset.s32 $0xFFFFF086  }
0x25: {  	[simem:s6], [sflag:s4] =	dma.local [hbm:s3], $0xF7A  }
0x26: {  	[smem:$0x3F9C] =	sst s1;
	(tag) =	ssettag s2;
	_ =	strace s9  }
0x27: {  	s1 =	sld [smem:$0x3FAC]  }
0x28: {  	s2 =	sld [smem:$0x3FAD]  }
0x29: {  	s4 =	sld [smem:$0x3FAF]  }
0x2a: {  	p0 =	seq.s32 s5, $0x0;
	s5 =	sld [smem:$0x3FB0]  }
0x2b: {  	s6 =	sld [smem:$0x3FB1]  }
0x2c: {  	s7 =	sld [smem:$0x3FB2]  }
0x2d: {  	s3 =	simm.s32 $0x108;
	s8 =	sld [smem:$0x3FB3]  }
0x2e: {  	s3 =	simm.s32 @!p0 $0x1082;
	s9 =	sld [smem:$0x3FB4]  }
0x2f: {  	lr =	sadd.s32 s0, s3;
	s0 =	sld [smem:$0x3FAB]  }
0x30: {  	s3 =	sld [smem:$0x3FAE]  }
0x31: {  	[smem:$0x3FB7] =	sst s10  }
0x32: {  	s10 =	sld [smem:$0x3FB5];
	_ =	sdelay $0x3  }
0x33: {  	p0 =	seq.s32 s10, $0x1;
	s10 =	sld [smem:$0x3FB7];
	_ =	sdelay $0x3  }
0x34: {  	[smem:$0x3FB7] =	sst s10  }
0x35: {  	s10 =	sld [smem:$0x3FB6];
	_ =	sdelay $0x3  }
0x36: {  	p1 =	seq.s32 s10, $0x1;
	s10 =	sld [smem:$0x3FB7];
	_ =	sdelay $0x3  }
0x37: {  	[smem:$0x3FB7] =	sst s10  }
0x38: {  	s10 =	sld [smem:$0x3FB8]  }
0x39: {  	_ = 	snop;
	(pc) =	sbr.ind lr, $3  }
0x3a: {  	_ = 	snop  }
0x3b: {  	_ = 	snop  }
0x3c: {  	p2 =	seq.s32 s10, $0x1;
	s10 =	sld [smem:$0x3FB7]  }
0x3d: {  	_ =	shalt  }
0x3e: {  	_ =	shalt  }
0x3f: {  	_ =	shalt  }
0x40: {  	_ =	shalt  }
0x41: {  	_ =	shalt  }
0x42: {  	_ =	shalt  }
0x43: {  	_ =	shalt  }
0x44: {  	_ =	shalt  }
0x45: {  	_ =	shalt  }
0x46: {  	_ =	shalt  }
0x47: {  	_ =	shalt  }
0x48: {  	_ =	shalt  }
0x49: {  	_ =	shalt  }
0x4a: {  	_ =	shalt  }
0x4b: {  	_ =	shalt  }
0x4c: {  	_ =	shalt  }
0x4d: {  	_ =	shalt  }
0x4e: {  	_ =	shalt  }
0x4f: {  	_ =	shalt  }
0x50: {  	_ =	shalt  }
0x51: {  	_ =	shalt  }
0x52: {  	_ =	shalt  }
0x53: {  	_ =	shalt  }
0x54: {  	_ =	shalt  }
0x55: {  	_ =	shalt  }
0x56: {  	_ =	shalt  }
0x57: {  	_ =	shalt  }
0x58: {  	_ =	shalt  }
0x59: {  	_ =	shalt  }
0x5a: {  	_ =	shalt  }
0x5b: {  	_ =	shalt  }
0x5c: {  	_ =	shalt  }
0x5d: {  	_ =	shalt  }
0x5e: {  	_ =	shalt  }
0x5f: {  	_ =	shalt  }
0x60: {  	_ =	shalt  }
0x61: {  	_ =	shalt  }
0x62: {  	_ =	shalt  }
0x63: {  	_ =	shalt  }
0x64: {  	_ =	shalt  }
0x65: {  	_ =	shalt  }
0x66: {  	_ =	shalt  }
0x67: {  	_ =	shalt  }
0x68: {  	_ =	shalt  }
0x69: {  	_ =	shalt  }
0x6a: {  	_ =	shalt  }
0x6b: {  	_ =	shalt  }
0x6c: {  	_ =	shalt  }
0x6d: {  	_ =	shalt  }
0x6e: {  	_ =	shalt  }
0x6f: {  	_ =	shalt  }
0x70: {  	_ =	shalt  }
0x71: {  	_ =	shalt  }
0x72: {  	_ =	shalt  }
0x73: {  	_ =	shalt  }
0x74: {  	_ =	shalt  }
0x75: {  	_ =	shalt  }
0x76: {  	_ =	shalt  }
0x77: {  	_ =	shalt  }
0x78: {  	_ =	shalt  }
0x79: {  	_ =	shalt  }
0x7a: {  	_ =	shalt  }
0x7b: {  	_ =	shalt  }
0x7c: {  	_ =	shalt  }
0x7d: {  	_ =	shalt  }
0x7e: {  	_ =	shalt  }
0x7f: {  	_ =	shalt  }
0x80: {  	_ =	shalt  }
0x81: {  	_ =	shalt  }
0x82: {  	_ =	shalt  }
0x83: {  	_ =	shalt  }
0x84: {  	_ =	shalt  }
0x85: {  	_ =	shalt  }
0x86: {  	_ =	shalt  }
0x87: {  	_ =	shalt  }
.Lfunc_end0:
.L_simem_size_0:
called_computation_lowered:
.L_overlay_start_0:
0x88: {  	s2 =	sld [smem:$0x3FD9]  }
0x89: {  	s3 =	sld [smem:$0x3FFE];
	_ =	sdelay $0x1  }
0x8a: {  	s1 =	srdreg.scid  }
0x8b: {  	s0 =	sand.u32 $0x1, s1  }
0x8c: {  	s17 =	sshll.u32 s0, $0xA;
	s2 =	sadd.s32 s3, s2  }
0x8d: {  	s2 =	sadd.s32 s2, s17  }
0x8e: {  	[smem:$0x3FC3] =	sst s2  }
0x8f: {  	_ = 	snop  }
0x90: {  	s2 =	sld [smem:$0x3FD0];
	(tm) =	ssettm $0x1  }
0x91: {  	s18 =	sld [smem:$0x3FFB];
	_ =	sdelay $0x3  }
0x92: {  	_ =	strace s18  }
0x93: {  	s3 =	sld [smem:$0x3FFC];
	_ =	sdelay $0x3  }
0x94: {  	_ =	strace s3  }
0x95: {  	s3 =	sld [smem:$0x3FFD];
	_ =	sdelay $0x3  }
0x96: {  	_ =	strace s3  }
0x97: {  	_ =	strace $0x8FFFFFFF  }
0x98: {  	s19 =	sld [smem:$0x3FDB];
	_ =	sdelay $0x1  }
0x99: {  	s4 =	simm.s32 $_scs_section_size  }
0x9a: {  	s5 =	simm.s32 $_size__tile_overlayer_lowered;
	s6 =	simm.s32 $_tile_overlayer_lowered  }
0x9b: {  	s22 =	simm.s32 $0x1BFF;
	s21 =	sshll.u32 s6, $0x1;
	s3 =	sadd.s32 s4, s19  }
0x9c: {  	s7 =	simm.s32 $0x0;
	s20 =	sshll.u32 s5, $0x1;
	s5 =	sadd.s32 s21, s3  }
0x9d: {  	[timem:s7], [sflag:s22] =	dma.local [hbm:s5], s20  }
0x9e: {  	_ =	swait.ge [sflag:s22], s20  }
0x9f: {  	s4 =	ssub.s32 $0x0, s20;
	[sflag:s22] =	ssyncset.done $0x0  }
0xa0: {  	[sflag:s22] =	ssyncadd.s32 s4;
	_ =	sdelay $0x1  }
0xa1: {  	s23 =	simm.s32 $0x1B8B  }
0xa2: {  	_ =	swait.ge [sflag:s23], $0x1  }
0xa3: {  	[sflag:s23] =	ssyncset.done $0x0  }
0xa4: {  	s25 =	simm.s32 $0x1B8E;
	s24 =	sld [smem:$0x3FFE];
	[sflag:s23] =	ssyncadd.s32 $0xFFFFFFFF  }
0xa5: {  	s26 =	simm.s32 $execute0_lowered;
	[smem:$0x3FD2] =	sst s25  }
0xa6: {  	s5 =	sshll.u32 s26, $0x1;
	_ =	strace $0x80000046;
	[dreg:$0x1] =	wrdreg $0xFFFFFFFF  }
0xa7: {  	s28 =	simm.s32 $_size_execute0_lowered;
	s3 =	sadd.s32 s3, s5;
	[dreg:$0x0] =	wrdreg $0x0  }
0xa8: {  	s5 =	sshll.u32 s28, $0x1;
	[dreg:$0x2] =	wrdreg s3  }
0xa9: {  	[dreg:$0x3] =	wrdreg s5  }
0xaa: {  	[dreg:$0x4] =	wrdreg $0xC0  }
0xab: {  	_ =	task [dreg:s7], $0x5FFFF  }
0xac: {  	[dreg:$0x1] =	wrdreg $0xFFFFFFFF  }
0xad: {  	[dreg:$0x0] =	wrdreg $0x60  }
0xae: {  	[dreg:$0x2] =	wrdreg s24  }
0xaf: {  	[dreg:$0x3] =	wrdreg s2  }
0xb0: {  	[dreg:$0x4] =	wrdreg $0x9  }
0xb1: {  	_ =	task.clear_ibuf [dreg:s7], $0x5FFFF;
	_ =	strace $0x90000046  }
0xb2: {  	s29 =	simm.s32 $0x9;
	_ =	strace $0x80000048  }
0xb3: {  	_ =	swait.ge [sflag:s29], $0x1  }
0xb4: {  	[sflag:s29] =	ssyncadd.s32 $0xFFFFFFFF  }
0xb5: {  	_ =	strace $0x90000048  }
0xb6: {  	_ =	sfence  }
0xb7: {  	s30 =	sld [smem:$0x0];
	_ =	sdelay $0x2  }
0xb8: {  	s31 =	sshll.u32 s1, $0xD;
	s1 =	sshrl.u32 s1, $0x2  }
0xb9: {  	s3 =	sand.u32 $0x4000, s31;
	s1 =	sadd.s32 s1, s30  }
0xba: {  	s0 =	sor.u32 s3, s0;
	s1 =	sshll.u32 s1, $0x11  }
0xbb: {  	s0 =	sor.u32 s1, s0  }
0xbc: {  	s0 =	sadd.s32 $0x8F2B, s0  }
0xbd: {  	[sflag:s0] =	ssyncadd.remote.s32 $0x1  }
0xbe: {  	_ =	sfence.sel $0xFFFF  }
0xbf: {  	[dreg:$0x0] =	wrdreg $0xFFFFFFFF;
	(pc) =	sbr.abs _section_cstart, $3  }
0xc0: {  	[dreg:$0x1] =	wrdreg $0xFFFFFFFF  }
0xc1: {  	_ =	task.clear_ibuf [dreg:s7], $0x2FFFF;
	_ =	strace $0x9FFFFFFF  }
0xc2: {  	(tm) =	ssettm $0x7FFFFFFF  }
0xc3: {  	_ =	shalt  }
tec
execute0_lowered:
.L_overlay_start_1:
0x0: {  	(tag) =	ssettag $0x1  }
0x1: {  	s0 =	srdreg.scid;
	s1 =	rddreg [dreg:$0x0]  }
0x2: {  	s2 =	stileid.u32;
	s4 =	rddreg [dreg:$0x1]  }
0x3: {  	s5 =	simm.s32 $0x0;
	s0 =	sand.u32 $0x1, s0;
	s2 =	sshll.u32 s2, $0xC  }
0x4: {  	[smem:$0x7FF] =	sst s5;
	s25 =	sadd.s32 $0xC00, s1;
	s26 =	sadd.s32 $0xA00, s1  }
0x5: {  	s3 =	sshll.u32 s0, $0xB;
	_ =	strace $0x80000047;
	[dreg:$0x4] =	wrdreg s25  }
0x6: {  	[dreg:$0x5] =	wrdreg s26;
	s0 =	ssub.s32 $0x2, s0;
	s3 =	sor.u32 s3, s2  }
0x7: {  	s28 =	sshrl.u32 s0, $0x1;
	s2 =	sshrl.u32 s3, $0x3;
	[dreg:$0x3] =	wrdreg s3  }
0x8: {  	s3 =	sshll.u32 s3, $0x5;
	s2 =	sadd.s32 s2, s1;
	s1 =	sadd.s32 $0x800, s1  }
0x9: {  	s0 =	ssub.s32 s0, s28;
	s30 =	sadd.s32 s4, s3;
	[dreg:$0x6] =	wrdreg s1  }
0xa: {  	s0 =	smax.u32 s0, $0x1;
	[dreg:$0x8] =	wrdreg s30  }
0xb: {  	s29 =	sadd.s32 $0x5600, s2;
	[dreg:$0xc] =	wrdreg s0  }
0xc: {  	s31 =	sadd.s32 $0x3600, s2;
	[dreg:$0x7] =	wrdreg s29  }
0xd: {  	s2 =	sadd.s32 $0x1600, s2;
	[dreg:$0x9] =	wrdreg s31  }
0xe: {  	s1 =	sadd.s32 $0x1000, s30;
	[dreg:$0xa] =	wrdreg s2  }
0xf: {  	[dreg:$0xb] =	wrdreg s1;
	s2 =	simm.s32 $0x0  }
.LBB2_1:
0x10: {  	[dreg:$0xd] =	wrdreg s2;
	s4 =	simm.s32 $0x0  }
0x11: {  	s0 =	rddreg [dreg:$0x7];
	s1 =	simm.s32 $0x5000;
	s29 =	simm.s32 $0x3  }
0x12: {  	[tilespmem:s1], [sflag:$0x3] =	stream.linear.gather [hbm4b:s0+s4], $0x800, $0x38;
	[tilespmem:$0x16B80] =	vst v63  }
0x13: {  	_ =	swait.ge [sflag:s29], $0x800  }
0x14: {  	[sflag:s29] =	ssyncset.done $0x0  }
0x15: {  	s31 =	simm.s32 $0x5880;
	s30 =	rddreg [dreg:$0x9];
	[sflag:s29] =	ssyncadd.s32 $0xFFFFF800  }
0x16: {  	[tilespmem:s31], [sflag:$0x3] =	stream.linear.gather [hbm4b:s30+s4], $0x800, $0x38;
	[tilespmem:$0x16B80] =	vst v63  }
0x17: {  	_ =	swait.ge [sflag:s29], $0x800  }
0x18: {  	[sflag:s29] =	ssyncset.done $0x0  }
0x19: {  	s3 =	simm.s32 $0x6100;
	s2 =	rddreg [dreg:$0xa];
	[sflag:s29] =	ssyncadd.s32 $0xFFFFF800  }
0x1a: {  	[tilespmem:s3], [sflag:$0x3] =	stream.linear.gather [hbm4b:s2+s4], $0x800, $0x38;
	[tilespmem:$0x16B80] =	vst v63  }
0x1b: {  	_ =	swait.ge [sflag:s29], $0x800  }
0x1c: {  	[sflag:s29] =	ssyncset.done $0x0  }
0x1d: {  	s5 =	rddreg [dreg:$0x4];
	[sflag:s29] =	ssyncadd.s32 $0xFFFFF800  }
0x1e: {  	[tilespmem:s4], [sflag:$0x3] =	stream.linear.gather [hbm4b:s5+s4], $0x5000, $0x38;
	[tilespmem:$0x16B80] =	vst v63  }
0x1f: {  	_ =	swait.ge [sflag:s29], $0x5000  }
0x20: {  	[sflag:s29] =	ssyncset.done $0x0  }
0x21: {  	s7 =	simm.s32 $0x6980;
	s6 =	rddreg [dreg:$0x5];
	[sflag:s29] =	ssyncadd.s32 $0xFFFFB000  }
0x22: {  	[tilespmem:s7], [sflag:$0x3] =	stream.linear.gather [hbm4b:s6+s4], $0x100, $0x38;
	[tilespmem:$0x16B80] =	vst v63  }
0x23: {  	_ =	swait.ge [sflag:s29], $0x100  }
0x24: {  	[sflag:s29] =	ssyncset.done $0x0  }
0x25: {  	s9 =	simm.s32 $0x6A80;
	s8 =	rddreg [dreg:$0x6];
	[sflag:s29] =	ssyncadd.s32 $0xFFFFFF00  }
0x26: {  	[tilespmem:s9], [sflag:$0x3] =	stream.linear.gather [hbm4b:s8+s4], $0x100, $0x38;
	[tilespmem:$0x16B80] =	vst v63  }
0x27: {  	_ =	swait.ge [sflag:s29], $0x100  }
0x28: {  	[sflag:s29] =	ssyncset.done $0x0  }
0x29: {  	[sflag:s29] =	ssyncadd.s32 $0xFFFFFF00  }
0x2a: {  	v9 =	vld [tilespmem:$0x6980]  }
0x2b: {  	v10 =	vld [tilespmem:$0x6990]  }
0x2c: {  	v11 =	vld [tilespmem:$0x69A0]  }
0x2d: {  	v12 =	vld [tilespmem:$0x69B0]  }
0x2e: {  	s10 =	simm.s32 $0x6101;
	v13 =	vld [tilespmem:$0x69C0]  }
0x2f: {  	v0 =	vld [tilespmem:s10+$0x0]  }
0x30: {  	v1 =	vld [tilespmem:s10+$0xFFFFFFFF]  }
0x31: {  	v14 =	vld [tilespmem:$0x69D0]  }
0x32: {  	v15 =	vld [tilespmem:$0x69E0]  }
0x33: {  	v16 =	vld [tilespmem:$0x69F0]  }
0x34: {  	v20 =	vld [tilespmem:$0x6A00];
	(v2sf) =	vpush v0, $0x0  }
0x35: {  	v17 =	vld [tilespmem:$0x6A10];
	(v2sf) =	vpush v1, $0x0  }
0x36: {  	v18 =	vld [tilespmem:$0x6A20]  }
0x37: {  	v19 =	vld [tilespmem:$0x6A30]  }
0x38: {  	v21 =	vld [tilespmem:$0x6A40]  }
0x39: {  	v22 =	vld [tilespmem:$0x6A50]  }
0x3a: {  	v23 =	vld [tilespmem:$0x6A60]  }
0x3b: {  	v24 =	vld [tilespmem:$0x6A70]  }
0x3c: {  	v25 =	vld [tilespmem:$0x6A80]  }
0x3d: {  	v26 =	vld [tilespmem:$0x6A90]  }
0x3e: {  	v28 =	vld [tilespmem:$0x6AA0]  }
0x3f: {  	v27 =	vld [tilespmem:$0x6AB0]  }
0x40: {  	v29 =	vld [tilespmem:$0x6AC0]  }
0x41: {  	v30 =	vld [tilespmem:$0x6AD0]  }
0x42: {  	s11 =	simm.s32 $0x5001;
	v2 =	vld [tilespmem:$0x6AE0]  }
0x43: {  	s12 =	simm.s32 $0x5881;
	v44 =	vld.msk [tilespmem:s11+$0xFFFFFFFF ss:$0x0], $0xffff;
	s3 =	spop (v2sf)  }
0x44: {  	v46 =	vld.msk [tilespmem:s12+$0xFFFFFFFF ss:$0x0], $0xffff;
	s9 =	spop (v2sf)  }
0x45: {  	v0 =	vld [tilespmem:s9+$0x0]  }
0x46: {  	v3 =	vld [tilespmem:$0x6AF0]  }
0x47: {  	v62 =	vld [tilespmem:$0x6B00]  }
0x48: {  	v5 =	vld [tilespmem:$0x6B10];
	v1 =	vmul.f32 v44, v9  }
0x49: {  	v6 =	vld [tilespmem:$0x6B20]  }
0x4a: {  	v7 =	vld [tilespmem:$0x6B30];
	v31 =	vmul.f32 v46, v25;
	v0 =	vadd.f32 v0, v1  }
0x4b: {  	v8 =	vld [tilespmem:$0x6B40]  }
0x4c: {  	s13 =	sand.u32 $0x7800, s4;
	s4 =	sand.u32 $0x300, s4;
	v63 =	vld [tilespmem:$0x6B50];
	v0 =	vadd.f32 v0, v31  }
0x4d: {  	s0 =	sor.u32 s4, s13;
	v4 =	vld [tilespmem:$0x6B60]  }
0x4e: {  	v31 =	vmov v2;
	v2 =	vld [tilespmem:$0x6B70];
	[tilespmem:s0+$0x6B80] =	vst v0  }
0x4f: {  	v0 =	vld [tilespmem:s9+$0x10];
	_ =	sdelay $0x2  }
0x50: {  	v1 =	vmul.f32 v44, v10;
	_ =	sdelay $0x1  }
0x51: {  	v32 =	vmul.f32 v46, v26;
	v0 =	vadd.f32 v0, v1;
	_ =	sdelay $0x1  }
0x52: {  	s14 =	simm.s32 $0x6103;
	v0 =	vadd.f32 v0, v32  }
0x53: {  	v56 =	vld [tilespmem:s14+$0xFFFFFFFF]  }
0x54: {  	v1 =	vld [tilespmem:s14+$0x0];
	[tilespmem:s0+$0x6B90] =	vst v0  }
0x55: {  	v0 =	vld [tilespmem:s9+$0x20];
	_ =	sdelay $0x2  }
0x56: {  	v33 =	vmul.f32 v44, v11  }
0x57: {  	(v2sf) =	vpush v1, $0x0  }
0x58: {  	v1 =	vmul.f32 v46, v28;
	(v2sf) =	vpush v56, $0x0;
	v0 =	vadd.f32 v0, v33;
	_ =	sdelay $0x1  }
0x59: {  	v48 =	vld.msk [tilespmem:s11+$0x0 ss:$0x0], $0xffff;
	v0 =	vadd.f32 v0, v1  }
0x5a: {  	v49 =	vld.msk [tilespmem:s12+$0x0 ss:$0x0], $0xffff  }
0x5b: {  	v57 =	vld [tilespmem:s3+$0x0];
	[tilespmem:s0+$0x6BA0] =	vst v0  }
0x5c: {  	v1 =	vld [tilespmem:s9+$0x30];
	_ =	sdelay $0x1  }
0x5d: {  	v0 =	vmul.f32 v48, v9  }
0x5e: {  	v59 =	vmul.f32 v44, v12  }
0x5f: {  	v58 =	vmul.f32 v49, v25;
	v0 =	vadd.f32 v57, v0  }
0x60: {  	v60 =	vmul.f32 v46, v27;
	v1 =	vadd.f32 v1, v59  }
0x61: {  	s15 =	simm.s32 $0x5883;
	v0 =	vadd.f32 v0, v58  }
0x62: {  	s17 =	simm.s32 $0x5003;
	v32 =	vld.msk [tilespmem:s15+$0xFFFFFFFF ss:$0x0], $0xffff;
	v1 =	vadd.f32 v1, v60  }
0x63: {  	v33 =	vld.msk [tilespmem:s17+$0xFFFFFFFF ss:$0x0], $0xffff;
	[tilespmem:s0+$0x6C00] =	vst v0  }
0x64: {  	s14 =	spop (v2sf);
	v0 =	vld [tilespmem:s3+$0x10];
	[tilespmem:s0+$0x6BB0] =	vst v1  }
0x65: {  	s16 =	spop (v2sf);
	v1 =	vld [tilespmem:s9+$0x40]  }
0x66: {  	v34 =	vld [tilespmem:s16+$0x0]  }
0x67: {  	v35 =	vmul.f32 v48, v10  }
0x68: {  	v36 =	vmul.f32 v44, v13  }
0x69: {  	v37 =	vmul.f32 v49, v26;
	v61 =	vmul.f32 v33, v9;
	v0 =	vadd.f32 v0, v35  }
0x6a: {  	v38 =	vmul.f32 v46, v29;
	v1 =	vadd.f32 v1, v36  }
0x6b: {  	v40 =	vmul.f32 v32, v25;
	v34 =	vadd.f32 v34, v61;
	v0 =	vadd.f32 v0, v37  }
0x6c: {  	s18 =	simm.s32 $0x100;
	s5 =	simm.s32 $0x200;
	v1 =	vadd.f32 v1, v38  }
0x6d: {  	s1 =	sand.u32 $0x300, s18;
	s5 =	sand.u32 $0x7800, s5;
	[tilespmem:s0+$0x6C10] =	vst v0;
	v0 =	vadd.f32 v34, v40  }
0x6e: {  	s1 =	sor.u32 s1, s5;
	[tilespmem:s0+$0x6BC0] =	vst v1  }
0x6f: {  	[tilespmem:s1+$0x6B80] =	vst v0;
	v1 =	vld [tilespmem:s9+$0x50]  }
0x70: {  	v0 =	vld [tilespmem:s16+$0x10];
	_ =	sdelay $0x1  }
0x71: {  	v43 =	vmul.f32 v44, v14  }
0x72: {  	v47 =	vmul.f32 v33, v10;
	v41 =	vld [tilespmem:s3+$0x20]  }
0x73: {  	v50 =	vmul.f32 v46, v30;
	v1 =	vadd.f32 v1, v43  }
0x74: {  	v51 =	vmul.f32 v32, v26;
	v0 =	vadd.f32 v0, v47  }
0x75: {  	s19 =	simm.s32 $0x6105;
	v42 =	vmul.f32 v48, v11;
	v1 =	vadd.f32 v1, v50  }
0x76: {  	v52 =	vld [tilespmem:s19+$0x0];
	v0 =	vadd.f32 v0, v51  }
0x77: {  	v54 =	vld [tilespmem:s19+$0xFFFFFFFF];
	v45 =	vmul.f32 v49, v28;
	v34 =	vadd.f32 v41, v42;
	[tilespmem:s0+$0x6BD0] =	vst v1  }
0x78: {  	[tilespmem:s1+$0x6B90] =	vst v0;
	v1 =	vld [tilespmem:s9+$0x60]  }
0x79: {  	v34 =	vadd.f32 v34, v45;
	v0 =	vld [tilespmem:s16+$0x20]  }
0x7a: {  	v39 =	vld.msk [tilespmem:s17+$0x0 ss:$0x0], $0xffff  }
0x7b: {  	v53 =	vmul.f32 v44, v15;
	v55 =	vld [tilespmem:s14+$0x0];
	[tilespmem:s0+$0x6C20] =	vst v34  }
0x7c: {  	v40 =	vmul.f32 v33, v11;
	v34 =	vld [tilespmem:s3+$0x30]  }
0x7d: {  	v38 =	vld.msk [tilespmem:s15+$0x0 ss:$0x0], $0xffff;
	v41 =	vmul.f32 v46, v31;
	v1 =	vadd.f32 v1, v53  }
0x7e: {  	v56 =	vmul.f32 v32, v28;
	(v2sf) =	vpush v52, $0x0;
	v0 =	vadd.f32 v0, v40  }
0x7f: {  	v57 =	vmul.f32 v48, v12;
	(v2sf) =	vpush v54, $0x0;
	v1 =	vadd.f32 v1, v41  }
0x80: {  	v58 =	vmul.f32 v39, v9;
	v0 =	vadd.f32 v0, v56  }
0x81: {  	v59 =	vmul.f32 v49, v27;
	[tilespmem:s0+$0x6BE0] =	vst v1;
	v1 =	vadd.f32 v34, v57  }
0x82: {  	v36 =	vadd.f32 v55, v58;
	v61 =	vmul.f32 v38, v25;
	[tilespmem:s1+$0x6BA0] =	vst v0;
	v60 =	vld [tilespmem:s9+$0x70]  }
0x83: {  	v0 =	vadd.f32 v1, v59;
	v1 =	vld [tilespmem:s16+$0x30]  }
0x84: {  	v40 =	vadd.f32 v36, v61  }
0x85: {  	v41 =	vmul.f32 v44, v16;
	[tilespmem:s0+$0x6C30] =	vst v0  }
0x86: {  	v42 =	vmul.f32 v33, v12;
	[tilespmem:s1+$0x6C00] =	vst v40;
	v0 =	vld [tilespmem:s3+$0x40]  }
0x87: {  	v43 =	vmul.f32 v46, v3;
	v45 =	vld [tilespmem:s14+$0x10];
	v35 =	vadd.f32 v60, v41  }
0x88: {  	v47 =	vmul.f32 v32, v27;
	v1 =	vadd.f32 v1, v42  }
0x89: {  	v50 =	vmul.f32 v48, v13;
	v35 =	vadd.f32 v35, v43  }
0x8a: {  	s20 =	simm.s32 $0x5005;
	v51 =	vmul.f32 v39, v10;
	v1 =	vadd.f32 v1, v47  }
0x8b: {  	v52 =	vmul.f32 v49, v29;
	v34 =	vld.msk [tilespmem:s20+$0xFFFFFFFF ss:$0x0], $0xffff;
	[tilespmem:s0+$0x6BF0] =	vst v35;
	v0 =	vadd.f32 v0, v50  }
0x8c: {  	v54 =	vmul.f32 v38, v26;
	v37 =	vadd.f32 v45, v51;
	v53 =	vld [tilespmem:s9+$0x80];
	[tilespmem:s1+$0x6BB0] =	vst v1  }
0x8d: {  	s21 =	simm.s32 $0x5885;
	s5 =	spop (v2sf);
	v0 =	vadd.f32 v0, v52;
	v1 =	vld [tilespmem:s16+$0x40]  }
0x8e: {  	s7 =	spop (v2sf);
	v37 =	vadd.f32 v37, v54;
	v35 =	vld.msk [tilespmem:s21+$0xFFFFFFFF ss:$0x0], $0xffff  }
0x8f: {  	v55 =	vmul.f32 v44, v20;
	[tilespmem:s0+$0x6C40] =	vst v0;
	v0 =	vld [tilespmem:s7+$0x0]  }
0x90: {  	[tilespmem:s1+$0x6C10] =	vst v37;
	v42 =	vmul.f32 v33, v13;
	v56 =	vld [tilespmem:s3+$0x50]  }
0x91: {  	v58 =	vmul.f32 v46, v62;
	v43 =	vld [tilespmem:s14+$0x20];
	v57 =	vadd.f32 v53, v55  }
0x92: {  	v36 =	vld.msk [tilespmem:s20+$0x0 ss:$0x0], $0xffff;
	v45 =	vmul.f32 v32, v29;
	v47 =	vmul.f32 v34, v9;
	v1 =	vadd.f32 v1, v42  }
0x93: {  	v59 =	vmul.f32 v39, v11;
	v51 =	vld [tilespmem:s5+$0x0];
	v50 =	vmul.f32 v48, v14;
	v40 =	vadd.f32 v57, v58  }
0x94: {  	v37 =	vld.msk [tilespmem:s21+$0x0 ss:$0x0], $0xffff;
	v52 =	vmul.f32 v35, v25;
	v0 =	vadd.f32 v0, v47;
	v1 =	vadd.f32 v1, v45  }
0x95: {  	s22 =	simm.s32 $0x200;
	s23 =	simm.s32 $0x400;
	v61 =	vmul.f32 v49, v30;
	[tilespmem:s0+$0x6F80] =	vst v40;
	v60 =	vadd.f32 v56, v50  }
0x96: {  	s2 =	sand.u32 $0x300, s22;
	s4 =	sand.u32 $0x7800, s23;
	v53 =	vmul.f32 v38, v28;
	v42 =	vadd.f32 v43, v59;
	v50 =	vld [tilespmem:s9+$0x90];
	v0 =	vadd.f32 v0, v52;
	[tilespmem:s1+$0x6BC0] =	vst v1  }
0x97: {  	s6 =	sor.u32 s2, s4;
	v54 =	vmul.f32 v36, v9;
	v1 =	vadd.f32 v60, v61;
	v55 =	vld [tilespmem:s16+$0x50]  }
0x98: {  	v42 =	vadd.f32 v42, v53;
	[tilespmem:s6+$0x6B80] =	vst v0  }
0x99: {  	v56 =	vmul.f32 v44, v17;
	v0 =	vmul.f32 v37, v25;
	[tilespmem:s0+$0x6C50] =	vst v1;
	v1 =	vadd.f32 v51, v54;
	v40 =	vld [tilespmem:s7+$0x10]  }
0x9a: {  	v59 =	vmul.f32 v33, v14;
	v47 =	vld [tilespmem:s3+$0x60]  }
0x9b: {  	v58 =	vmul.f32 v46, v5;
	[tilespmem:s1+$0x6C20] =	vst v42;
	v57 =	vadd.f32 v50, v56;
	v0 =	vadd.f32 v1, v0  }
0x9c: {  	v60 =	vmul.f32 v32, v30;
	v50 =	vld [tilespmem:s14+$0x30];
	v1 =	vmul.f32 v34, v10;
	v41 =	vadd.f32 v55, v59  }
0x9d: {  	v61 =	vmul.f32 v48, v15;
	v42 =	vadd.f32 v57, v58;
	[tilespmem:s6+$0x6C00] =	vst v0  }
0x9e: {  	v57 =	vmul.f32 v35, v26;
	v0 =	vld [tilespmem:s5+$0x10];
	v1 =	vadd.f32 v40, v1;
	v58 =	vadd.f32 v41, v60  }
0x9f: {  	v56 =	vmul.f32 v39, v12;
	v60 =	vmul.f32 v49, v31;
	[tilespmem:s0+$0x6F90] =	vst v42;
	v59 =	vadd.f32 v47, v61  }
0xa0: {  	v53 =	vmul.f32 v36, v10;
	v42 =	vld [tilespmem:s9+$0xA0];
	v1 =	vadd.f32 v1, v57;
	[tilespmem:s1+$0x6BD0] =	vst v58  }
0xa1: {  	v52 =	vmul.f32 v38, v27;
	v61 =	vadd.f32 v50, v56;
	v54 =	vld [tilespmem:s16+$0x60];
	v41 =	vadd.f32 v59, v60  }
0xa2: {  	v55 =	vmul.f32 v44, v18;
	[tilespmem:s6+$0x6B90] =	vst v1  }
0xa3: {  	v56 =	vmul.f32 v37, v26;
	v1 =	vadd.f32 v61, v52;
	v0 =	vadd.f32 v0, v53;
	v45 =	vld [tilespmem:s7+$0x20];
	[tilespmem:s0+$0x6C60] =	vst v41  }
0xa4: {  	s24 =	simm.s32 $0x6107;
	v57 =	vmul.f32 v33, v15;
	v47 =	vld [tilespmem:s3+$0x70]  }
0xa5: {  	v58 =	vmul.f32 v46, v6;
	[tilespmem:s1+$0x6C30] =	vst v1;
	v1 =	vld [tilespmem:s24+$0x0];
	v42 =	vadd.f32 v42, v55;
	v0 =	vadd.f32 v0, v56  }
0xa6: {  	v59 =	vmul.f32 v32, v31;
	v40 =	vld [tilespmem:s14+$0x40];
	v41 =	vadd.f32 v54, v57  }
0xa7: {  	v60 =	vmul.f32 v48, v16;
	v42 =	vadd.f32 v42, v58;
	[tilespmem:s6+$0x6C10] =	vst v0;
	v0 =	vld [tilespmem:s24+$0xFFFFFFFF]  }
0xa8: {  	v57 =	vmul.f32 v34, v11;
	v41 =	vadd.f32 v41, v59  }
0xa9: {  	v61 =	vmul.f32 v39, v13;
	v54 =	vmul.f32 v49, v3;
	v53 =	vld [tilespmem:s5+$0x20];
	[tilespmem:s0+$0x6FA0] =	vst v42;
	v47 =	vadd.f32 v47, v60  }
0xaa: {  	v45 =	vadd.f32 v45, v57;
	v60 =	vmul.f32 v35, v28;
	(v2sf) =	vpush v1, $0x0;
	v59 =	vld [tilespmem:s9+$0xB0];
	[tilespmem:s1+$0x6BE0] =	vst v41  }
0xab: {  	v58 =	vmul.f32 v38, v29;
	v1 =	vadd.f32 v40, v61;
	v41 =	vld [tilespmem:s16+$0x70];
	v47 =	vadd.f32 v47, v54  }
0xac: {  	v61 =	vmul.f32 v36, v11;
	(v2sf) =	vpush v0, $0x0;
	v0 =	vadd.f32 v45, v60  }
0xad: {  	v55 =	vmul.f32 v44, v19;
	v56 =	vmul.f32 v37, v28;
	[tilespmem:s0+$0x6C70] =	vst v47  }
0xae: {  	v1 =	vadd.f32 v1, v58;
	v40 =	vadd.f32 v53, v61;
	[tilespmem:s6+$0x6BA0] =	vst v0;
	v0 =	vmul.f32 v33, v16;
	v47 =	vld [tilespmem:s3+$0x80]  }
0xaf: {  	v57 =	vmul.f32 v46, v7;
	v43 =	vadd.f32 v59, v55;
	v58 =	vld [tilespmem:s7+$0x30]  }
0xb0: {  	[tilespmem:s1+$0x6C40] =	vst v1;
	v40 =	vadd.f32 v40, v56;
	v59 =	vmul.f32 v32, v3;
	v0 =	vadd.f32 v41, v0  }
0xb1: {  	s25 =	simm.s32 $0x5007;
	v60 =	vmul.f32 v48, v20;
	v45 =	vld [tilespmem:s14+$0x50];
	v1 =	vadd.f32 v43, v57  }
0xb2: {  	v55 =	vmul.f32 v34, v12;
	[tilespmem:s6+$0x6C20] =	vst v40;
	v43 =	vld.msk [tilespmem:s25+$0xFFFFFFFF ss:$0x0], $0xffff;
	v0 =	vadd.f32 v0, v59  }
0xb3: {  	v56 =	vmul.f32 v49, v62;
	v61 =	vld [tilespmem:s5+$0x30];
	[tilespmem:s0+$0x6FB0] =	vst v1;
	v40 =	vadd.f32 v47, v60  }
0xb4: {  	v57 =	vmul.f32 v35, v27;
	v1 =	vld [tilespmem:s9+$0xC0];
	v42 =	vadd.f32 v58, v55;
	[tilespmem:s1+$0x6BF0] =	vst v0  }
0xb5: {  	s26 =	simm.s32 $0x5887;
	v0 =	vld [tilespmem:s16+$0x80];
	v41 =	vadd.f32 v40, v56  }
0xb6: {  	v40 =	vld.msk [tilespmem:s26+$0x0 ss:$0x0], $0xffff;
	v47 =	vadd.f32 v42, v57  }
0xb7: {  	v58 =	vmul.f32 v36, v12;
	v42 =	vld.msk [tilespmem:s25+$0x0 ss:$0x0], $0xffff;
	[tilespmem:s0+$0x7000] =	vst v41  }
0xb8: {  	v59 =	vmul.f32 v33, v20;
	[tilespmem:s6+$0x6BB0] =	vst v47;
	v47 =	vld [tilespmem:s3+$0x90]  }
0xb9: {  	v52 =	vmul.f32 v39, v14;
	v50 =	vadd.f32 v61, v58;
	v61 =	vmul.f32 v37, v27;
	s8 =	spop (v2sf);
	v53 =	vld [tilespmem:s7+$0x40]  }
0xba: {  	v60 =	vmul.f32 v44, v21;
	v56 =	vmul.f32 v32, v62;
	v55 =	vld [tilespmem:s8+$0x0];
	v0 =	vadd.f32 v0, v59  }
0xbb: {  	v51 =	vmul.f32 v48, v17;
	v45 =	vadd.f32 v45, v52;
	v41 =	vld.msk [tilespmem:s26+$0xFFFFFFFF ss:$0x0], $0xffff;
	v50 =	vadd.f32 v50, v61;
	s11 =	spop (v2sf)  }
0xbc: {  	v54 =	vmul.f32 v34, v13;
	v1 =	vadd.f32 v1, v60;
	v52 =	vld [tilespmem:s11+$0x0];
	v0 =	vadd.f32 v0, v56  }
0xbd: {  	v61 =	vmul.f32 v49, v5;
	[tilespmem:s6+$0x6C30] =	vst v50;
	v60 =	vmul.f32 v42, v9;
	v47 =	vadd.f32 v47, v51  }
0xbe: {  	v57 =	vmul.f32 v35, v29;
	v58 =	vmul.f32 v43, v9;
	v51 =	vld [tilespmem:s5+$0x40];
	v53 =	vadd.f32 v53, v54;
	[tilespmem:s1+$0x6F80] =	vst v0  }
0xbf: {  	v0 =	vmul.f32 v40, v25;
	v55 =	vadd.f32 v55, v60;
	v54 =	vld [tilespmem:s16+$0x90];
	v47 =	vadd.f32 v47, v61  }
0xc0: {  	s28 =	simm.s32 $0x300;
	s29 =	simm.s32 $0x600;
	v56 =	vmul.f32 v36, v13;
	v61 =	vmul.f32 v46, v8;
	v53 =	vadd.f32 v53, v57  }
0xc1: {  	s2 =	sand.u32 $0x300, s28;
	s4 =	sand.u32 $0x7800, s29;
	v57 =	vmul.f32 v41, v25;
	v0 =	vadd.f32 v55, v0;
	v52 =	vadd.f32 v52, v58;
	[tilespmem:s0+$0x7010] =	vst v47  }
0xc2: {  	s10 =	sor.u32 s2, s4;
	v59 =	vmul.f32 v38, v30;
	v60 =	vmul.f32 v33, v17;
	v1 =	vadd.f32 v1, v61;
	[tilespmem:s6+$0x6BC0] =	vst v53;
	v53 =	vld [tilespmem:s3+$0xA0]  }
0xc3: {  	v61 =	vmul.f32 v37, v29;
	v51 =	vadd.f32 v51, v56;
	[tilespmem:s10+$0x6C00] =	vst v0;
	v52 =	vadd.f32 v52, v57;
	v0 =	vld [tilespmem:s7+$0x50]  }
0xc4: {  	v45 =	vadd.f32 v45, v59;
	[tilespmem:s0+$0x6FC0] =	vst v1;
	v50 =	vld [tilespmem:s8+$0x10];
	v1 =	vadd.f32 v54, v60;
	v60 =	vmul.f32 v32, v5  }
0xc5: {  	v59 =	vmul.f32 v43, v10;
	v56 =	vld [tilespmem:s9+$0xD0];
	v51 =	vadd.f32 v51, v61;
	v61 =	vmul.f32 v48, v18;
	[tilespmem:s10+$0x6B80] =	vst v52  }
0xc6: {  	[tilespmem:s1+$0x6C50] =	vst v45;
	v45 =	vmul.f32 v44, v22;
	v55 =	vld [tilespmem:s11+$0x10];
	v1 =	vadd.f32 v1, v60;
	v60 =	vmul.f32 v34, v14  }
0xc7: {  	v58 =	vmul.f32 v42, v10;
	v57 =	vld [tilespmem:s14+$0x60];
	v52 =	vadd.f32 v53, v61;
	v61 =	vmul.f32 v49, v6  }
0xc8: {  	v54 =	vmul.f32 v39, v15;
	v0 =	vadd.f32 v0, v60;
	v60 =	vmul.f32 v35, v30  }
0xc9: {  	[tilespmem:s1+$0x6F90] =	vst v1;
	v1 =	vmul.f32 v40, v26;
	v50 =	vadd.f32 v50, v58;
	v52 =	vadd.f32 v52, v61  }
0xca: {  	[tilespmem:s6+$0x6C40] =	vst v51;
	v61 =	vmul.f32 v46, v63;
	v45 =	vadd.f32 v56, v45;
	v53 =	vld [tilespmem:s16+$0xA0];
	v0 =	vadd.f32 v0, v60  }
0xcb: {  	v47 =	vld [tilespmem:s5+$0x50];
	v60 =	vmul.f32 v41, v26;
	v1 =	vadd.f32 v50, v1;
	v55 =	vadd.f32 v55, v59;
	[tilespmem:s0+$0x7020] =	vst v52  }
0xcc: {  	v51 =	vmul.f32 v38, v31;
	v50 =	vadd.f32 v57, v54;
	v45 =	vadd.f32 v45, v61;
	[tilespmem:s6+$0x6BD0] =	vst v0;
	v0 =	vld [tilespmem:s3+$0xB0]  }
0xcd: {  	v61 =	vmul.f32 v33, v18;
	[tilespmem:s10+$0x6C10] =	vst v1;
	v60 =	vadd.f32 v55, v60;
	v1 =	vld [tilespmem:s7+$0x60]  }
0xce: {  	v56 =	vmul.f32 v36, v14;
	v57 =	vmul.f32 v42, v11;
	[tilespmem:s0+$0x6FD0] =	vst v45;
	v45 =	vadd.f32 v50, v51  }
0xcf: {  	v50 =	vld [tilespmem:s8+$0x20];
	v52 =	vadd.f32 v53, v61;
	v61 =	vmul.f32 v32, v6;
	[tilespmem:s10+$0x6B90] =	vst v60;
	v60 =	vmul.f32 v48, v19  }
0xd0: {  	v54 =	vmul.f32 v44, v23;
	v55 =	vmul.f32 v34, v15;
	v51 =	vld [tilespmem:s9+$0xE0];
	[tilespmem:s1+$0x6C60] =	vst v45  }
0xd1: {  	v53 =	vmul.f32 v49, v7;
	v45 =	vadd.f32 v52, v61;
	v52 =	vld [tilespmem:s14+$0x70];
	v0 =	vadd.f32 v0, v60  }
0xd2: {  	s30 =	simm.s32 $0x6109;
	v47 =	vadd.f32 v47, v56;
	v58 =	vld [tilespmem:s11+$0x20];
	v60 =	vmul.f32 v35, v31;
	v1 =	vadd.f32 v1, v55  }
0xd3: {  	v59 =	vld [tilespmem:s30+$0x0];
	v56 =	vmul.f32 v37, v30;
	v61 =	vmul.f32 v39, v16;
	v0 =	vadd.f32 v0, v53  }
0xd4: {  	[tilespmem:s1+$0x6FA0] =	vst v45;
	v45 =	vld [tilespmem:s30+$0xFFFFFFFF];
	v55 =	vmul.f32 v40, v28;
	v50 =	vadd.f32 v50, v57;
	v1 =	vadd.f32 v1, v60  }
0xd5: {  	v47 =	vadd.f32 v47, v56;
	v51 =	vadd.f32 v51, v54;
	v60 =	vmul.f32 v43, v11;
	[tilespmem:s0+$0x7030] =	vst v0  }
0xd6: {  	v53 =	vld [tilespmem:s16+$0xB0];
	v54 =	vmul.f32 v38, v3;
	v50 =	vadd.f32 v50, v55;
	[tilespmem:s6+$0x6BE0] =	vst v1;
	v1 =	vadd.f32 v52, v61  }
0xd7: {  	[tilespmem:s6+$0x6C50] =	vst v47;
	v0 =	vmul.f32 v41, v28;
	v52 =	vld [tilespmem:s3+$0xC0];
	v55 =	vadd.f32 v58, v60  }
0xd8: {  	(v2sf) =	vpush v59, $0x0;
	[tilespmem:s10+$0x6C20] =	vst v50;
	v57 =	vld [tilespmem:s7+$0x70];
	v1 =	vadd.f32 v1, v54  }
0xd9: {  	v60 =	vmul.f32 v46, v4;
	(v2sf) =	vpush v45, $0x0;
	v45 =	vld [tilespmem:s8+$0x30];
	[tilespmem:$0x1FF20] =	vst v7;
	v0 =	vadd.f32 v55, v0  }
0xda: {  	v61 =	vmul.f32 v33, v19;
	[tilespmem:s1+$0x6C70] =	vst v1  }
0xdb: {  	v51 =	vadd.f32 v51, v60;
	v60 =	vmul.f32 v43, v15;
	[tilespmem:s10+$0x6BA0] =	vst v0  }
0xdc: {  	v59 =	vmul.f32 v48, v21;
	v58 =	vmul.f32 v32, v7;
	v61 =	vadd.f32 v53, v61;
	v54 =	vld [tilespmem:s5+$0x60];
	[tilespmem:$0x1FF30] =	vst v16  }
0xdd: {  	v50 =	vmul.f32 v43, v12;
	v7 =	vmov v32;
	v1 =	vmul.f32 v34, v16;
	v53 =	vld [tilespmem:s14+$0x80];
	[tilespmem:$0x1FF40] =	vst v60  }
0xde: {  	v0 =	vmul.f32 v42, v12;
	v47 =	vadd.f32 v61, v58;
	v61 =	vmul.f32 v49, v8;
	[tilespmem:s0+$0x6FE0] =	vst v51;
	v51 =	vld [tilespmem:s11+$0x30]  }
0xdf: {  	v52 =	vadd.f32 v52, v59;
	v1 =	vadd.f32 v57, v1;
	v57 =	vmul.f32 v35, v3;
	v56 =	vld [tilespmem:s9+$0xF0];
	[tilespmem:$0x1FF50] =	vst v3  }
0xe0: {  	s2 =	simm.s32 $0x5009;
	v32 =	vmul.f32 v39, v20;
	v0 =	vadd.f32 v45, v0;
	[tilespmem:s1+$0x6FB0] =	vst v47;
	v47 =	vmul.f32 v40, v27  }
0xe1: {  	s15 =	simm.s32 $0x5889;
	v59 =	vmul.f32 v44, v24;
	v52 =	vadd.f32 v52, v61;
	v1 =	vadd.f32 v1, v57;
	v45 =	vld.msk [tilespmem:s2+$0xFFFFFFFF ss:$0x0], $0xffff  }
0xe2: {  	v61 =	vmul.f32 v38, v62;
	v44 =	vld.msk [tilespmem:s15+$0x0 ss:$0x0], $0xffff;
	v0 =	vadd.f32 v0, v47;
	v47 =	vadd.f32 v53, v32  }
0xe3: {  	[tilespmem:s0+$0x7040] =	vst v52;
	v58 =	vld [tilespmem:s16+$0xC0]  }
0xe4: {  	v60 =	vmul.f32 v41, v27;
	[tilespmem:s6+$0x6BF0] =	vst v1;
	v1 =	vld [tilespmem:s3+$0xD0];
	v51 =	vadd.f32 v51, v50;
	v47 =	vadd.f32 v47, v61  }
0xe5: {  	v32 =	vmul.f32 v36, v15;
	v50 =	vld.msk [tilespmem:s2+$0x0 ss:$0x0], $0xffff;
	[tilespmem:s10+$0x6C30] =	vst v0  }
0xe6: {  	v0 =	vld [tilespmem:s7+$0x80];
	v51 =	vadd.f32 v51, v60;
	[tilespmem:s1+$0x7000] =	vst v47  }
0xe7: {  	v46 =	vmul.f32 v46, v2;
	v56 =	vadd.f32 v56, v59;
	v3 =	vadd.f32 v54, v32;
	v54 =	vld [tilespmem:s8+$0x40];
	[tilespmem:$0x1FF60] =	vst v8  }
0xe8: {  	v61 =	vmul.f32 v33, v21;
	[tilespmem:s10+$0x6BB0] =	vst v51  }
0xe9: {  	v57 =	vmul.f32 v49, v63;
	v55 =	vadd.f32 v56, v46;
	v56 =	vmul.f32 v48, v22;
	[tilespmem:$0x1FF70] =	vst v20  }
0xea: {  	v32 =	vmul.f32 v7, v8;
	v47 =	vadd.f32 v58, v61;
	v46 =	vmul.f32 v34, v20;
	v58 =	vld [tilespmem:s14+$0x90]  }
0xeb: {  	s12 =	spop (v2sf);
	v59 =	vmul.f32 v39, v17;
	v61 =	vmul.f32 v42, v13;
	v1 =	vadd.f32 v1, v56;
	v60 =	vld [tilespmem:s11+$0x40]  }
0xec: {  	s9 =	spop (v2sf);
	v53 =	vadd.f32 v47, v32;
	v32 =	vmul.f32 v35, v62;
	v0 =	vadd.f32 v0, v46;
	v56 =	vld [tilespmem:s12+$0x0];
	[tilespmem:$0x1FF80] =	vst v62  }
0xed: {  	v20 =	vmovc v36;
	v36 =	vmul.f32 v40, v29;
	v54 =	vadd.f32 v54, v61;
	v1 =	vadd.f32 v1, v57;
	v57 =	vld [tilespmem:s9+$0x0]  }
0xee: {  	v46 =	vmul.f32 v43, v13;
	v47 =	vld.msk [tilespmem:s15+$0xFFFFFFFF ss:$0x0], $0xffff;
	[tilespmem:s1+$0x6FC0] =	vst v53;
	v53 =	vmul.f32 v38, v5;
	v0 =	vadd.f32 v0, v32  }
0xef: {  	v54 =	vadd.f32 v54, v36;
	v61 =	vld [tilespmem:s16+$0xD0];
	[tilespmem:s0+$0x7050] =	vst v1;
	v1 =	vmul.f32 v50, v9;
	v58 =	vadd.f32 v58, v59  }
0xf0: {  	[tilespmem:s6+$0x6F80] =	vst v0;
	v0 =	vld [tilespmem:s3+$0xE0];
	v51 =	vadd.f32 v60, v46  }
0xf1: {  	[tilespmem:s10+$0x6C40] =	vst v54;
	v59 =	vmul.f32 v41, v29;
	v1 =	vadd.f32 v56, v1;
	v56 =	vld [tilespmem:s7+$0x90];
	v53 =	vadd.f32 v58, v53  }
0xf2: {  	v32 =	vmul.f32 v45, v9;
	v58 =	vld [tilespmem:s8+$0x50];
	[tilespmem:$0x1FF90] =	vst v63  }
0xf3: {  	v36 =	vmul.f32 v44, v25;
	v46 =	vmul.f32 v33, v22;
	v51 =	vadd.f32 v51, v59;
	[tilespmem:s1+$0x7010] =	vst v53  }
0xf4: {  	s18 =	simm.s32 $0x800;
	s17 =	simm.s32 $0x400;
	v62 =	vmul.f32 v49, v2;
	v57 =	vadd.f32 v57, v32;
	v32 =	vmul.f32 v47, v25;
	[tilespmem:$0x1FFA0] =	vst v17  }
0xf5: {  	s31 =	sand.u32 $0x7800, s18;
	s13 =	sand.u32 $0x300, s17;
	v59 =	vmul.f32 v48, v23;
	v1 =	vadd.f32 v1, v36;
	v60 =	vadd.f32 v61, v46;
	[tilespmem:s10+$0x6BC0] =	vst v51  }
0xf6: {  	s13 =	sor.u32 s13, s31;
	v61 =	vmul.f32 v7, v63;
	v36 =	vmul.f32 v34, v17;
	v54 =	vadd.f32 v57, v32;
	v57 =	vld [tilespmem:s14+$0xA0];
	[tilespmem:$0x1FFB0] =	vst v2  }
0xf7: {  	v49 =	vmul.f32 v49, v4;
	v46 =	vmul.f32 v42, v14;
	v0 =	vadd.f32 v0, v59;
	[tilespmem:s13+$0x6C00] =	vst v1  }
0xf8: {  	v32 =	vmul.f32 v35, v5;
	v53 =	vadd.f32 v56, v36;
	v36 =	vadd.f32 v60, v61;
	v1 =	vld [tilespmem:s11+$0x50];
	[tilespmem:$0x1FFC0] =	vst v5  }
0xf9: {  	v52 =	vmov v40;
	v40 =	vmul.f32 v40, v30;
	v0 =	vadd.f32 v0, v49;
	[tilespmem:s13+$0x6B80] =	vst v54  }
0xfa: {  	v51 =	vadd.f32 v58, v46;
	v46 =	vmul.f32 v39, v18;
	v53 =	vadd.f32 v53, v32;
	v54 =	vld [tilespmem:s12+$0x10];
	[tilespmem:s1+$0x6FD0] =	vst v36  }
0xfb: {  	v36 =	vmul.f32 v43, v14;
	[tilespmem:s0+$0x7060] =	vst v0;
	v49 =	vld [tilespmem:s9+$0x10]  }
0xfc: {  	v51 =	vadd.f32 v51, v40;
	v40 =	vmul.f32 v38, v6;
	[tilespmem:s6+$0x6F90] =	vst v53;
	v58 =	vld [tilespmem:s16+$0xE0];
	v0 =	vadd.f32 v57, v46  }
0xfd: {  	v63 =	vmul.f32 v41, v30;
	v32 =	vmul.f32 v50, v10;
	[tilespmem:s0+$0x6FF0] =	vst v55;
	v61 =	vld [tilespmem:s3+$0xF0];
	v1 =	vadd.f32 v1, v36  }
0xfe: {  	v16 =	vmov v35;
	v48 =	vmul.f32 v48, v24;
	[tilespmem:s10+$0x6C50] =	vst v51;
	v56 =	vld [tilespmem:s7+$0xA0];
	v0 =	vadd.f32 v0, v40  }
0xff: {  	v57 =	vld [tilespmem:s8+$0x60];
	[tilespmem:$0x1FFD0] =	vst v18;
	v36 =	vmul.f32 v44, v26;
	v32 =	vadd.f32 v54, v32;
	v1 =	vadd.f32 v1, v63  }
0x100: {  	v8 =	vmovc v33;
	v5 =	vmov v37;
	v53 =	vmul.f32 v45, v15;
	v46 =	vmul.f32 v45, v10;
	[tilespmem:s1+$0x7020] =	vst v0  }
0x101: {  	v40 =	vmul.f32 v33, v23;
	v33 =	vmul.f32 v34, v18;
	v51 =	vadd.f32 v32, v36;
	[tilespmem:s10+$0x6BD0] =	vst v1  }
0x102: {  	v0 =	vmul.f32 v37, v31;
	v49 =	vadd.f32 v49, v46;
	v46 =	vmul.f32 v47, v26;
	v54 =	vld [tilespmem:s14+$0xB0];
	[tilespmem:$0x1FFE0] =	vst v6  }
0x103: {  	v55 =	vadd.f32 v56, v33;
	v56 =	vmul.f32 v45, v11;
	v32 =	vadd.f32 v58, v40;
	[tilespmem:s13+$0x6C10] =	vst v51  }
0x104: {  	v40 =	vmul.f32 v42, v15;
	v1 =	vadd.f32 v61, v48;
	v49 =	vadd.f32 v49, v46;
	[tilespmem:$0x1FFF0] =	vst v4  }
0x105: {  	v37 =	vmovc v42;
	v42 =	vmul.f32 v35, v6;
	v2 =	vadd.f32 v3, v0;
	v46 =	vmul.f32 v7, v4;
	v59 =	vld [tilespmem:s11+$0x60]  }
0x106: {  	v58 =	vmul.f32 v50, v11;
	v51 =	vadd.f32 v57, v40;
	v48 =	vadd.f32 v1, v62;
	[tilespmem:s13+$0x6B90] =	vst v49;
	v0 =	vld [tilespmem:s12+$0x20]  }
0x107: {  	s4 =	simm.s32 $0x610B;
	s3 =	simm.s32 $0x8;
	v55 =	vadd.f32 v55, v42;
	v57 =	vmul.f32 v39, v19;
	[tilespmem:s6+$0x6C60] =	vst v2;
	v49 =	vadd.f32 v32, v46;
	v1 =	vld [tilespmem:s9+$0x20]  }
.LBB2_2:
0x108: {  	v4 =	vld [tilespmem:$0x1FFB0];
	_ =	sdelay $0x2  }
0x109: {  	v60 =	vld [tilespmem:s5+$0x70]  }
0x10a: {  	v3 =	vld [tilespmem:$0x1FF20]  }
0x10b: {  	v6 =	vld [tilespmem:$0x1FF30];
	v2 =	vmul.f32 v38, v4  }
0x10c: {  	v18 =	vld [tilespmem:$0x1FFF0]  }
0x10d: {  	[tilespmem:$0x1FF10] =	vst v2;
	v2 =	vld [tilespmem:$0x1FF40]  }
0x10e: {  	v17 =	vld [tilespmem:$0x1FFA0];
	[tilespmem:s0+$0x7070] =	vst v48;
	s0 =	smov.u32 s1;
	s1 =	smov.u32 s6  }
0x10f: {  	v61 =	vld [tilespmem:s4+$0x0];
	[tilespmem:s1+$0x6FA0] =	vst v55  }
0x110: {  	v55 =	vld [tilespmem:s4+$0xFFFFFFFF];
	[tilespmem:s0+$0x6FE0] =	vst v49  }
0x111: {  	v42 =	vadd.f32 v54, v57;
	v0 =	vadd.f32 v0, v58;
	v58 =	vld [tilespmem:s7+$0xB0];
	v46 =	vmul.f32 v38, v3  }
0x112: {  	v63 =	vmul.f32 v44, v28;
	v36 =	vld [tilespmem:s16+$0xF0];
	v59 =	vadd.f32 v59, v2;
	v2 =	vmov v53  }
0x113: {  	v62 =	vmul.f32 v41, v31;
	v57 =	vmul.f32 v47, v28;
	v32 =	vadd.f32 v42, v46;
	[tilespmem:$0x1FF40] =	vst v2;
	v2 =	vld [tilespmem:$0x1FF50]  }
0x114: {  	v1 =	vadd.f32 v1, v56;
	v0 =	vadd.f32 v0, v63;
	v63 =	vmul.f32 v16, v3;
	v3 =	vld [tilespmem:$0x1FF60]  }
0x115: {  	s6 =	smov.u32 s10;
	s10 =	smov.u32 s13;
	v35 =	vmul.f32 v20, v6;
	[tilespmem:s0+$0x7030] =	vst v32;
	v32 =	vmul.f32 v7, v4;
	v4 =	vld [tilespmem:$0x1FF90];
	v33 =	vadd.f32 v59, v62  }
0x116: {  	v1 =	vadd.f32 v1, v57;
	v46 =	vld [tilespmem:s14+$0xC0];
	[tilespmem:s10+$0x6C20] =	vst v0  }
0x117: {  	s16 =	smov.u32 s7;
	s7 =	smov.u32 s11;
	v42 =	vmul.f32 v34, v19;
	v54 =	vadd.f32 v60, v35;
	v57 =	vld [tilespmem:s12+$0x30];
	v62 =	vmul.f32 v8, v24;
	[tilespmem:s6+$0x6BE0] =	vst v33  }
0x118: {  	(v2sf) =	vpush v61, $0x0;
	v35 =	vmul.f32 v39, v21;
	v8 =	vmovc v34;
	v34 =	vmovc v43;
	v0 =	vld [tilespmem:s7+$0x70];
	v40 =	vmul.f32 v5, v2  }
0x119: {  	s11 =	smov.u32 s9;
	v53 =	vadd.f32 v58, v42;
	[tilespmem:s10+$0x6BA0] =	vst v1;
	v1 =	vadd.f32 v36, v62;
	v36 =	vmul.f32 v34, v6;
	v6 =	vld [tilespmem:$0x1FF70]  }
0x11a: {  	s15 =	sadd.s32 $0x2, s15;
	(v2sf) =	vpush v55, $0x0;
	v55 =	vld [tilespmem:s11+$0x30];
	v54 =	vadd.f32 v54, v40  }
0x11b: {  	v56 =	vmul.f32 v50, v12;
	v53 =	vadd.f32 v53, v63;
	v43 =	vadd.f32 v46, v35;
	v60 =	vld.msk [tilespmem:s15+$0xFFFFFFFF ss:$0x0], $0xffff  }
0x11c: {  	v46 =	vmul.f32 v38, v3;
	v35 =	vmul.f32 v41, v2;
	v2 =	vld [tilespmem:$0x1FF80];
	v1 =	vadd.f32 v1, v32;
	[tilespmem:s1+$0x6C70] =	vst v54  }
0x11d: {  	v61 =	vmul.f32 v45, v12;
	[tilespmem:s1+$0x6FB0] =	vst v53;
	v0 =	vadd.f32 v0, v36;
	v54 =	vld [tilespmem:s5+$0x80]  }
0x11e: {  	s2 =	sadd.s32 $0x2, s2;
	v32 =	vmul.f32 v44, v27;
	v33 =	vld [tilespmem:s16+$0xC0];
	[tilespmem:s0+$0x6FF0] =	vst v1;
	v1 =	vadd.f32 v43, v46;
	v36 =	vadd.f32 v57, v56  }
0x11f: {  	v63 =	vmul.f32 v47, v27;
	v58 =	vld.msk [tilespmem:s2+$0xFFFFFFFF ss:$0x0], $0xffff;
	v0 =	vadd.f32 v0, v35  }
0x120: {  	v46 =	vmul.f32 v20, v6;
	v62 =	vld.msk [tilespmem:s15+$0x0 ss:$0x0], $0xffff;
	v61 =	vadd.f32 v55, v61;
	[tilespmem:s0+$0x7040] =	vst v1;
	v53 =	vadd.f32 v36, v32  }
0x121: {  	v48 =	vmul.f32 v39, v24;
	v49 =	vmul.f32 v38, v18;
	v56 =	vld [tilespmem:s14+$0xD0];
	[tilespmem:s6+$0x6BF0] =	vst v0  }
0x122: {  	v32 =	vmul.f32 v5, v2;
	v55 =	vadd.f32 v61, v63;
	[tilespmem:s10+$0x6C30] =	vst v53;
	v61 =	vld [tilespmem:s7+$0x80];
	v1 =	vadd.f32 v54, v46  }
0x123: {  	v59 =	vmul.f32 v39, v23;
	v0 =	vmul.f32 v8, v21;
	v63 =	vld [tilespmem:s12+$0x40]  }
0x124: {  	v7 =	vmovc v16;
	v39 =	vmul.f32 v39, v22;
	v38 =	vmul.f32 v38, v4;
	v54 =	vld.msk [tilespmem:s2+$0x0 ss:$0x0], $0xffff;
	v1 =	vadd.f32 v1, v32  }
0x125: {  	v16 =	vmovc v41;
	v41 =	vmov v45;
	[tilespmem:s10+$0x6BB0] =	vst v55;
	v0 =	vadd.f32 v33, v0;
	v33 =	vmul.f32 v7, v3;
	v3 =	vld [tilespmem:$0x1FFC0]  }
0x126: {  	v43 =	vmul.f32 v41, v13;
	v42 =	vmul.f32 v34, v6;
	v46 =	vmovc v47;
	v47 =	vmov v60;
	v60 =	vld [tilespmem:s11+$0x40];
	[tilespmem:s1+$0x7000] =	vst v1  }
0x127: {  	v57 =	vmul.f32 v50, v13;
	v6 =	vmovc v52;
	v39 =	vadd.f32 v56, v39;
	v0 =	vadd.f32 v0, v33;
	v32 =	vld [tilespmem:s5+$0x90]  }
0x128: {  	s19 =	spop (v2sf);
	v36 =	vmul.f32 v44, v29;
	v35 =	vmul.f32 v16, v2;
	v2 =	vmovc v44;
	v42 =	vadd.f32 v61, v42  }
0x129: {  	s9 =	spop (v2sf);
	v55 =	vmul.f32 v20, v17;
	v39 =	vadd.f32 v39, v38;
	[tilespmem:s1+$0x6FC0] =	vst v0;
	v0 =	vadd.f32 v63, v57;
	v33 =	vld [tilespmem:s19+$0x0]  }
0x12a: {  	v52 =	vmovc v2;
	v45 =	vmovc v58;
	v44 =	vmov v62;
	v1 =	vmul.f32 v46, v29;
	v61 =	vld [tilespmem:s9+$0x0];
	v42 =	vadd.f32 v42, v35  }
0x12b: {  	v63 =	vmul.f32 v45, v9;
	v57 =	vld [tilespmem:s16+$0xD0];
	[tilespmem:s0+$0x7050] =	vst v39;
	v43 =	vadd.f32 v60, v43;
	v0 =	vadd.f32 v0, v36  }
0x12c: {  	v40 =	vmul.f32 v5, v3;
	v35 =	vmul.f32 v54, v9;
	[tilespmem:s6+$0x6F80] =	vst v42;
	v42 =	vld [tilespmem:s14+$0xE0];
	v32 =	vadd.f32 v32, v55  }
0x12d: {  	v36 =	vmul.f32 v47, v25;
	v1 =	vadd.f32 v43, v1;
	[tilespmem:s10+$0x6C40] =	vst v0;
	v0 =	vld [tilespmem:s7+$0x90];
	v55 =	vmul.f32 v62, v25  }
0x12e: {  	v39 =	vmovc v20;
	v33 =	vadd.f32 v33, v35;
	v35 =	vld [tilespmem:s12+$0x50];
	v62 =	vmul.f32 v8, v22;
	v32 =	vadd.f32 v32, v40  }
0x12f: {  	s17 =	sadd.s32 $0x100, s17;
	s18 =	sadd.s32 $0x200, s18;
	v43 =	vmul.f32 v7, v4;
	v20 =	vmovc v37;
	v37 =	vmul.f32 v2, v30;
	v4 =	vld [tilespmem:$0x1FFD0];
	v61 =	vadd.f32 v61, v63  }
0x130: {  	s31 =	sand.u32 $0x7800, s18;
	s20 =	sand.u32 $0x300, s17;
	v2 =	vld [tilespmem:$0x1FFE0];
	v63 =	vmul.f32 v34, v17;
	v33 =	vadd.f32 v33, v55;
	v57 =	vadd.f32 v57, v62;
	[tilespmem:s1+$0x7010] =	vst v32  }
0x131: {  	s13 =	sor.u32 s20, s31;
	[tilespmem:s10+$0x6BC0] =	vst v1;
	v1 =	vmul.f32 v50, v14;
	v61 =	vadd.f32 v61, v36;
	v62 =	vadd.f32 v42, v59;
	v36 =	vld [tilespmem:s5+$0xA0]  }
0x132: {  	v0 =	vadd.f32 v0, v63;
	v63 =	vmul.f32 v16, v3;
	v43 =	vadd.f32 v57, v43;
	[tilespmem:s13+$0x6C00] =	vst v33;
	v33 =	vld [tilespmem:s11+$0x50]  }
0x133: {  	[tilespmem:s13+$0x6B80] =	vst v61;
	v1 =	vadd.f32 v35, v1;
	v40 =	vadd.f32 v62, v49;
	v32 =	vld [tilespmem:s19+$0x10]  }
0x134: {  	v53 =	vmul.f32 v58, v15;
	v49 =	vld [tilespmem:s9+$0x10];
	v0 =	vadd.f32 v0, v63;
	[tilespmem:s1+$0x6FD0] =	vst v43  }
0x135: {  	v56 =	vmul.f32 v45, v11;
	v58 =	vmul.f32 v54, v11;
	v1 =	vadd.f32 v1, v37;
	v35 =	vld [tilespmem:s16+$0xE0];
	[tilespmem:s0+$0x7060] =	vst v40  }
0x136: {  	v60 =	vmul.f32 v7, v18;
	v62 =	vmul.f32 v39, v4;
	[tilespmem:s6+$0x6F90] =	vst v0;
	v42 =	vld [tilespmem:s14+$0xF0]  }
0x137: {  	v38 =	vmov v5;
	v55 =	vmul.f32 v45, v10;
	v61 =	vmul.f32 v41, v14;
	[tilespmem:s10+$0x6C50] =	vst v1;
	v1 =	vld [tilespmem:s7+$0xA0]  }
0x138: {  	v63 =	vmul.f32 v54, v10;
	v0 =	vadd.f32 v36, v62;
	v36 =	vmul.f32 v38, v2  }
0x139: {  	v57 =	vmul.f32 v46, v30;
	v33 =	vadd.f32 v33, v61;
	v61 =	vmul.f32 v8, v23  }
0x13a: {  	s14 =	smov.u32 s5;
	s5 =	smov.u32 s8;
	s8 =	smov.u32 s12;
	v62 =	vmul.f32 v34, v4;
	v32 =	vadd.f32 v32, v63;
	v0 =	vadd.f32 v0, v36  }
0x13b: {  	s3 =	sadd.s32 $0x2, s3;
	v59 =	vmul.f32 v44, v26;
	v43 =	vld [tilespmem:s8+$0x60];
	v36 =	vadd.f32 v49, v55;
	v33 =	vadd.f32 v33, v57  }
0x13c: {  	p0 =	slt.u32 s3, $0x7E;
	v40 =	vmul.f32 v47, v26;
	v35 =	vadd.f32 v35, v61;
	v61 =	vadd.f32 v1, v62;
	v1 =	vld [tilespmem:$0x1FF10]  }
.Ltmp0:
0x13d: {  	v5 =	vmovc v6;
	v3 =	vmov v50;
	v63 =	vmul.f32 v6, v31;
	v32 =	vadd.f32 v32, v59;
	[tilespmem:s1+$0x7020] =	vst v0;
	(pc) =	sbr.rel @p0 .LBB2_2-.Ltmp0, $4  }
0x13e: {  	v50 =	vmovc v54;
	v37 =	vmov v3;
	v0 =	vadd.f32 v36, v40;
	[tilespmem:s10+$0x6BD0] =	vst v33;
	v33 =	vmul.f32 v3, v15;
	v54 =	vld [tilespmem:s14+$0xB0]  }
0x13f: {  	s12 =	smov.u32 s19;
	v63 =	vadd.f32 v51, v63;
	v36 =	vadd.f32 v42, v48;
	v62 =	vmul.f32 v16, v2;
	[tilespmem:s13+$0x6C10] =	vst v32;
	v59 =	vld [tilespmem:s11+$0x60]  }
0x140: {  	v57 =	vmul.f32 v39, v19;
	v49 =	vadd.f32 v35, v60;
	[tilespmem:s13+$0x6B90] =	vst v0;
	v0 =	vld [tilespmem:s12+$0x20];
	v51 =	vadd.f32 v43, v33  }
0x141: {  	s4 =	sadd.s32 $0x2, s4;
	v43 =	vmovc v41;
	v41 =	vmov v46;
	v55 =	vadd.f32 v61, v62;
	[tilespmem:s6+$0x6C60] =	vst v63;
	v48 =	vadd.f32 v36, v1;
	v1 =	vld [tilespmem:s9+$0x20]  }
0x142: {  	_ =	sdelay $0x2  }
0x143: {  	v33 =	vmul.f32 v44, v28;
	v0 =	vadd.f32 v0, v58  }
0x144: {  	v32 =	vmul.f32 v47, v28;
	v1 =	vadd.f32 v1, v56  }
0x145: {  	v0 =	vadd.f32 v0, v33  }
0x146: {  	v1 =	vadd.f32 v1, v32  }
0x147: {  	[tilespmem:s13+$0x6C20] =	vst v0  }
0x148: {  	[tilespmem:s13+$0x6BA0] =	vst v1;
	v1 =	vld [tilespmem:s12+$0x30]  }
0x149: {  	v0 =	vld [tilespmem:s9+$0x30];
	_ =	sdelay $0x1  }
0x14a: {  	v61 =	vmul.f32 v50, v12  }
0x14b: {  	v60 =	vmul.f32 v45, v12  }
0x14c: {  	v63 =	vmul.f32 v44, v27;
	v1 =	vadd.f32 v1, v61  }
0x14d: {  	v62 =	vmul.f32 v47, v27;
	v0 =	vadd.f32 v0, v60  }
0x14e: {  	v1 =	vadd.f32 v1, v63  }
0x14f: {  	v0 =	vadd.f32 v0, v62  }
0x150: {  	[tilespmem:s13+$0x6C30] =	vst v1  }
0x151: {  	[tilespmem:s13+$0x6BB0] =	vst v0;
	v1 =	vld [tilespmem:s12+$0x40]  }
0x152: {  	v0 =	vld [tilespmem:s9+$0x40];
	_ =	sdelay $0x1  }
0x153: {  	v40 =	vmul.f32 v50, v13  }
0x154: {  	v36 =	vmul.f32 v45, v13  }
0x155: {  	v42 =	vmul.f32 v44, v29;
	v1 =	vadd.f32 v1, v40  }
0x156: {  	v35 =	vmul.f32 v47, v29;
	v0 =	vadd.f32 v0, v36  }
0x157: {  	v1 =	vadd.f32 v1, v42  }
0x158: {  	v0 =	vadd.f32 v0, v35  }
0x159: {  	[tilespmem:s13+$0x6C40] =	vst v1  }
0x15a: {  	[tilespmem:s13+$0x6BC0] =	vst v0;
	v1 =	vld [tilespmem:s12+$0x50]  }
0x15b: {  	v0 =	vld [tilespmem:s9+$0x50];
	_ =	sdelay $0x1  }
0x15c: {  	v56 =	vmul.f32 v50, v14  }
0x15d: {  	v46 =	vmul.f32 v45, v14  }
0x15e: {  	v60 =	vmul.f32 v44, v30;
	v1 =	vadd.f32 v1, v56  }
0x15f: {  	v58 =	vmul.f32 v47, v30;
	v0 =	vadd.f32 v0, v46  }
0x160: {  	v1 =	vadd.f32 v1, v60  }
0x161: {  	v0 =	vadd.f32 v0, v58  }
0x162: {  	[tilespmem:s13+$0x6C50] =	vst v1  }
0x163: {  	[tilespmem:s13+$0x6BD0] =	vst v0  }
0x164: {  	v2 =	vld [tilespmem:$0x1FF40];
	_ =	sdelay $0x1  }
0x165: {  	v0 =	vld [tilespmem:s9+$0x60];
	_ =	sdelay $0x2  }
0x166: {  	v61 =	vmul.f32 v41, v31;
	v62 =	vadd.f32 v59, v2  }
0x167: {  	v63 =	vmul.f32 v52, v31  }
0x168: {  	v42 =	vmul.f32 v47, v31;
	v1 =	vld [tilespmem:s12+$0x60];
	v0 =	vadd.f32 v0, v53;
	v32 =	vadd.f32 v62, v61  }
0x169: {  	v35 =	vadd.f32 v51, v63  }
0x16a: {  	v0 =	vadd.f32 v0, v42;
	[tilespmem:s10+$0x6BE0] =	vst v32  }
0x16b: {  	v36 =	vmul.f32 v50, v15;
	v2 =	vmov v16;
	v16 =	vld [tilespmem:$0x1FF30];
	[tilespmem:s10+$0x6C60] =	vst v35  }
0x16c: {  	v40 =	vld [tilespmem:s5+$0x70];
	[tilespmem:s13+$0x6BE0] =	vst v0  }
0x16d: {  	v46 =	vmul.f32 v44, v31;
	v1 =	vadd.f32 v1, v36;
	v62 =	vld [tilespmem:$0x1FF50]  }
0x16e: {  	v53 =	vld [tilespmem:s11+$0x70]  }
0x16f: {  	v1 =	vadd.f32 v1, v46  }
0x170: {  	v36 =	vld [tilespmem:s9+$0x70];
	v51 =	vmul.f32 v20, v16  }
0x171: {  	v35 =	vld [tilespmem:s8+$0x70];
	[tilespmem:s13+$0x6C60] =	vst v1;
	v1 =	vmul.f32 v43, v16  }
0x172: {  	v0 =	vmul.f32 v5, v62;
	v32 =	vadd.f32 v40, v51  }
0x173: {  	v42 =	vmul.f32 v45, v16;
	v1 =	vadd.f32 v53, v1;
	v53 =	vmul.f32 v41, v62  }
0x174: {  	v46 =	vld [tilespmem:s12+$0x70];
	v56 =	vmul.f32 v50, v16;
	v51 =	vmul.f32 v37, v16;
	v0 =	vadd.f32 v32, v0  }
0x175: {  	v63 =	vmul.f32 v47, v62;
	v61 =	vadd.f32 v36, v42;
	v1 =	vadd.f32 v1, v53  }
0x176: {  	v32 =	vadd.f32 v35, v51;
	[tilespmem:s6+$0x6C70] =	vst v0;
	v0 =	vmul.f32 v52, v62  }
0x177: {  	[tilespmem:s10+$0x6BF0] =	vst v1;
	v1 =	vadd.f32 v61, v63  }
0x178: {  	v0 =	vadd.f32 v32, v0  }
0x179: {  	v35 =	vadd.f32 v46, v56;
	v56 =	vmov v20;
	v20 =	vld [tilespmem:$0x1FF70];
	[tilespmem:s13+$0x6BF0] =	vst v1  }
0x17a: {  	v60 =	vmov v43;
	v43 =	vld [tilespmem:s5+$0x80];
	[tilespmem:s10+$0x6C70] =	vst v0  }
0x17b: {  	v4 =	vld [tilespmem:$0x1FF80];
	_ =	sdelay $0x1  }
0x17c: {  	v42 =	vmul.f32 v44, v62  }
0x17d: {  	v51 =	vld [tilespmem:s11+$0x80];
	v46 =	vmul.f32 v56, v20  }
0x17e: {  	v0 =	vadd.f32 v35, v42;
	v53 =	vld [tilespmem:s8+$0x80]  }
0x17f: {  	v35 =	vld [tilespmem:s9+$0x80];
	v1 =	vadd.f32 v43, v46;
	v61 =	vmul.f32 v5, v4  }
0x180: {  	[tilespmem:s13+$0x6C70] =	vst v0;
	v0 =	vmul.f32 v60, v20  }
0x181: {  	v63 =	vmul.f32 v37, v20;
	v1 =	vadd.f32 v1, v61  }
0x182: {  	v0 =	vadd.f32 v51, v0;
	v51 =	vmul.f32 v45, v20;
	v46 =	vmul.f32 v41, v4  }
0x183: {  	[tilespmem:s6+$0x7000] =	vst v1;
	v1 =	vadd.f32 v53, v63;
	v53 =	vmul.f32 v52, v4  }
0x184: {  	v40 =	vld [tilespmem:s12+$0x80];
	v35 =	vadd.f32 v35, v51;
	v0 =	vadd.f32 v0, v46;
	v63 =	vmul.f32 v47, v4  }
0x185: {  	v1 =	vadd.f32 v1, v53  }
0x186: {  	[tilespmem:s10+$0x6F80] =	vst v0;
	v0 =	vadd.f32 v35, v63  }
0x187: {  	v61 =	vmul.f32 v50, v20;
	v63 =	vld [tilespmem:$0x1FFA0];
	[tilespmem:s10+$0x7000] =	vst v1  }
0x188: {  	v43 =	vld [tilespmem:s5+$0x90];
	[tilespmem:s13+$0x6F80] =	vst v0  }
0x189: {  	v59 =	vmov v5;
	v46 =	vmul.f32 v44, v4;
	v42 =	vadd.f32 v40, v61;
	v5 =	vld [tilespmem:$0x1FFC0]  }
0x18a: {  	v53 =	vld [tilespmem:s11+$0x90]  }
0x18b: {  	v1 =	vadd.f32 v42, v46;
	v32 =	vld [tilespmem:s8+$0x90]  }
0x18c: {  	v35 =	vld [tilespmem:s9+$0x90];
	v51 =	vmul.f32 v56, v63  }
0x18d: {  	[tilespmem:s13+$0x7000] =	vst v1;
	v1 =	vmul.f32 v60, v63  }
0x18e: {  	v46 =	vmul.f32 v37, v63;
	v61 =	vadd.f32 v43, v51;
	v0 =	vmul.f32 v59, v5  }
0x18f: {  	v1 =	vadd.f32 v53, v1;
	v53 =	vmul.f32 v45, v63;
	v51 =	vmul.f32 v41, v5  }
0x190: {  	v32 =	vadd.f32 v32, v46;
	v0 =	vadd.f32 v61, v0  }
0x191: {  	v46 =	vmul.f32 v47, v5;
	v35 =	vadd.f32 v35, v53;
	v1 =	vadd.f32 v1, v51  }
0x192: {  	[tilespmem:s6+$0x7010] =	vst v0;
	v0 =	vmul.f32 v52, v5  }
0x193: {  	v40 =	vld [tilespmem:s12+$0x90];
	[tilespmem:s10+$0x6F90] =	vst v1;
	v1 =	vadd.f32 v35, v46  }
0x194: {  	v0 =	vadd.f32 v32, v0  }
0x195: {  	v18 =	vld [tilespmem:$0x1FFD0];
	[tilespmem:s13+$0x6F90] =	vst v1  }
0x196: {  	v61 =	vmul.f32 v50, v63;
	v43 =	vld [tilespmem:s5+$0xA0];
	[tilespmem:s10+$0x7010] =	vst v0  }
0x197: {  	v17 =	vld [tilespmem:$0x1FFE0]  }
0x198: {  	v51 =	vmul.f32 v44, v5;
	v33 =	vadd.f32 v40, v61  }
0x199: {  	v61 =	vld [tilespmem:s11+$0xA0]  }
0x19a: {  	v0 =	vadd.f32 v33, v51;
	v53 =	vmul.f32 v56, v18  }
0x19b: {  	v35 =	vld [tilespmem:s9+$0xA0]  }
0x19c: {  	v46 =	vld [tilespmem:s8+$0xA0];
	[tilespmem:s13+$0x7010] =	vst v0;
	v0 =	vmul.f32 v60, v18;
	v1 =	vadd.f32 v43, v53;
	v53 =	vmul.f32 v59, v17;
	_ =	sdelay $0x1  }
0x19d: {  	v0 =	vadd.f32 v61, v0;
	v61 =	vmul.f32 v45, v18;
	v1 =	vadd.f32 v1, v53  }
0x19e: {  	v6 =	vmov v50;
	v42 =	vadd.f32 v54, v57;
	[tilespmem:s6+$0x6FA0] =	vst v55;
	v54 =	vmul.f32 v37, v18;
	v40 =	vld [tilespmem:s12+$0xA0]  }
0x19f: {  	v50 =	vld [tilespmem:s7+$0xB0];
	v57 =	vmul.f32 v41, v17;
	v35 =	vadd.f32 v35, v61;
	v55 =	vmul.f32 v47, v17;
	[tilespmem:s6+$0x7020] =	vst v1  }
0x1a0: {  	v61 =	vmul.f32 v44, v17;
	v1 =	vadd.f32 v46, v54;
	v46 =	vmul.f32 v52, v17;
	v17 =	vld [tilespmem:$0x1FF20]  }
0x1a1: {  	v0 =	vadd.f32 v0, v57;
	v54 =	vmul.f32 v6, v18  }
0x1a2: {  	v51 =	vld [tilespmem:s5+$0xB0]  }
0x1a3: {  	v53 =	vmul.f32 v34, v19;
	[tilespmem:s10+$0x6FA0] =	vst v0;
	v1 =	vadd.f32 v1, v46;
	v57 =	vadd.f32 v40, v54  }
0x1a4: {  	v0 =	vadd.f32 v35, v55;
	v54 =	vmul.f32 v56, v19;
	v36 =	vld [tilespmem:s11+$0xB0]  }
0x1a5: {  	[tilespmem:s10+$0x7020] =	vst v1;
	v1 =	vadd.f32 v57, v61;
	v57 =	vadd.f32 v50, v53;
	v61 =	vmul.f32 v2, v17  }
0x1a6: {  	[tilespmem:s13+$0x6FA0] =	vst v0;
	v46 =	vmul.f32 v38, v17  }
0x1a7: {  	v0 =	vadd.f32 v51, v54;
	[tilespmem:s13+$0x7020] =	vst v1;
	v54 =	vmul.f32 v60, v19;
	v1 =	vadd.f32 v57, v61  }
0x1a8: {  	v53 =	vmul.f32 v59, v17  }
0x1a9: {  	v55 =	vadd.f32 v42, v46;
	v46 =	vld [tilespmem:s8+$0xB0];
	v57 =	vmul.f32 v41, v17;
	[tilespmem:s6+$0x6FB0] =	vst v1;
	v1 =	vadd.f32 v36, v54  }
0x1aa: {  	v43 =	vld [tilespmem:s9+$0xB0];
	v0 =	vadd.f32 v0, v53  }
0x1ab: {  	v33 =	vld [tilespmem:s12+$0xB0];
	[tilespmem:s1+$0x7030] =	vst v55;
	v1 =	vadd.f32 v1, v57  }
0x1ac: {  	v55 =	vmul.f32 v37, v19;
	[tilespmem:s6+$0x7030] =	vst v0;
	v40 =	vld [tilespmem:s14+$0xC0]  }
0x1ad: {  	v51 =	vld [tilespmem:s7+$0xC0];
	[tilespmem:s10+$0x6FB0] =	vst v1  }
0x1ae: {  	v35 =	vmul.f32 v52, v17;
	v61 =	vmul.f32 v45, v19;
	v53 =	vmovc v7;
	v0 =	vadd.f32 v46, v55;
	v7 =	vld [tilespmem:$0x1FF60]  }
0x1af: {  	v3 =	vmov v52;
	v52 =	vld [tilespmem:s5+$0xC0];
	v46 =	vmul.f32 v6, v19  }
0x1b0: {  	v50 =	vmul.f32 v39, v21;
	v57 =	vadd.f32 v43, v61;
	v0 =	vadd.f32 v0, v35  }
0x1b1: {  	v61 =	vmul.f32 v47, v17;
	v33 =	vadd.f32 v33, v46;
	v46 =	vmul.f32 v44, v17  }
0x1b2: {  	v55 =	vmul.f32 v56, v21;
	v40 =	vadd.f32 v40, v50;
	v50 =	vmul.f32 v34, v21;
	[tilespmem:s10+$0x7030] =	vst v0  }
0x1b3: {  	v1 =	vadd.f32 v57, v61;
	v0 =	vadd.f32 v33, v46;
	v46 =	vld [tilespmem:s8+$0xC0];
	v54 =	vmul.f32 v38, v7  }
0x1b4: {  	v57 =	vadd.f32 v51, v50;
	v51 =	vadd.f32 v52, v55;
	v52 =	vmul.f32 v59, v7  }
0x1b5: {  	v43 =	vld [tilespmem:s11+$0xC0];
	[tilespmem:s13+$0x6FB0] =	vst v1;
	v61 =	vmul.f32 v2, v7;
	v1 =	vadd.f32 v40, v54  }
0x1b6: {  	v55 =	vmul.f32 v37, v21;
	[tilespmem:s13+$0x7030] =	vst v0;
	v40 =	vld [tilespmem:s9+$0xC0];
	v32 =	vadd.f32 v51, v52  }
0x1b7: {  	v0 =	vadd.f32 v57, v61;
	[tilespmem:s1+$0x7040] =	vst v1  }
0x1b8: {  	v35 =	vld [tilespmem:s12+$0xC0];
	v54 =	vmul.f32 v60, v21;
	v61 =	vmul.f32 v3, v7;
	[tilespmem:s6+$0x7040] =	vst v32;
	v32 =	vadd.f32 v46, v55  }
0x1b9: {  	v57 =	vmul.f32 v45, v21;
	[tilespmem:s6+$0x6FC0] =	vst v0;
	v50 =	vld [tilespmem:s14+$0xD0]  }
0x1ba: {  	v33 =	vmul.f32 v41, v7;
	v0 =	vadd.f32 v43, v54;
	v51 =	vld [tilespmem:s7+$0xD0];
	v32 =	vadd.f32 v32, v61  }
0x1bb: {  	v61 =	vmul.f32 v44, v7;
	v55 =	vadd.f32 v40, v57;
	v57 =	vmul.f32 v47, v7;
	v7 =	vld [tilespmem:$0x1FF90]  }
0x1bc: {  	v46 =	vmul.f32 v6, v21;
	v52 =	vld [tilespmem:s5+$0xD0]  }
0x1bd: {  	v0 =	vadd.f32 v0, v33  }
0x1be: {  	v1 =	vmul.f32 v39, v22;
	v35 =	vadd.f32 v35, v46  }
0x1bf: {  	v54 =	vmul.f32 v56, v22;
	v46 =	vmul.f32 v34, v22;
	[tilespmem:s10+$0x6FC0] =	vst v0;
	v0 =	vadd.f32 v55, v57  }
0x1c0: {  	[tilespmem:s10+$0x7040] =	vst v32;
	v40 =	vld [tilespmem:s11+$0xD0];
	v55 =	vadd.f32 v35, v61;
	v1 =	vadd.f32 v50, v1;
	v42 =	vmul.f32 v38, v7  }
0x1c1: {  	v61 =	vadd.f32 v51, v46;
	v46 =	vld [tilespmem:s8+$0xD0];
	v33 =	vadd.f32 v52, v54;
	[tilespmem:s13+$0x6FC0] =	vst v0  }
0x1c2: {  	[tilespmem:s13+$0x7040] =	vst v55;
	v57 =	vmul.f32 v2, v7;
	v0 =	vadd.f32 v1, v42;
	v1 =	vmul.f32 v59, v7;
	v42 =	vld [tilespmem:s9+$0xD0]  }
0x1c3: {  	v55 =	vmul.f32 v60, v22;
	v36 =	vld [tilespmem:s12+$0xD0]  }
0x1c4: {  	v54 =	vadd.f32 v61, v57;
	[tilespmem:s1+$0x7050] =	vst v0;
	v0 =	vadd.f32 v33, v1;
	v1 =	vmul.f32 v37, v22  }
0x1c5: {  	v57 =	vmul.f32 v41, v7;
	v35 =	vadd.f32 v40, v55;
	v61 =	vmul.f32 v45, v22  }
0x1c6: {  	[tilespmem:s6+$0x7050] =	vst v0;
	v0 =	vmul.f32 v3, v7;
	v1 =	vadd.f32 v46, v1;
	v46 =	vmul.f32 v6, v22  }
0x1c7: {  	v32 =	vadd.f32 v35, v57;
	v57 =	vmul.f32 v47, v7;
	v40 =	vadd.f32 v42, v61  }
0x1c8: {  	[tilespmem:s6+$0x6FD0] =	vst v54;
	v52 =	vld [tilespmem:s5+$0xE0];
	v0 =	vadd.f32 v1, v0;
	v1 =	vmul.f32 v44, v7;
	v36 =	vadd.f32 v36, v46  }
0x1c9: {  	v7 =	vld [tilespmem:$0x1FFF0];
	[tilespmem:s10+$0x6FD0] =	vst v32;
	v54 =	vadd.f32 v40, v57  }
0x1ca: {  	v33 =	vld [tilespmem:s14+$0xE0];
	[tilespmem:s10+$0x7050] =	vst v0;
	v0 =	vadd.f32 v36, v1  }
0x1cb: {  	v55 =	vmul.f32 v56, v23;
	v51 =	vld [tilespmem:s7+$0xE0];
	[tilespmem:s13+$0x6FD0] =	vst v54  }
0x1cc: {  	[tilespmem:s13+$0x7050] =	vst v0  }
0x1cd: {  	v50 =	vmul.f32 v39, v23;
	v35 =	vadd.f32 v52, v55;
	v52 =	vmov v8;
	v8 =	vld [tilespmem:$0x1FFB0]  }
0x1ce: {  	v46 =	vmul.f32 v34, v23  }
0x1cf: {  	v40 =	vld [tilespmem:s11+$0xE0];
	v33 =	vadd.f32 v33, v50;
	v61 =	vmul.f32 v38, v7  }
0x1d0: {  	v57 =	vadd.f32 v51, v46;
	v43 =	vld [tilespmem:s8+$0xE0];
	v1 =	vmul.f32 v2, v7  }
0x1d1: {  	v42 =	vld [tilespmem:s9+$0xE0];
	v46 =	vmul.f32 v59, v7;
	v61 =	vadd.f32 v33, v61  }
0x1d2: {  	v54 =	vmul.f32 v60, v23;
	[tilespmem:s1+$0x6FE0] =	vst v49;
	v1 =	vadd.f32 v57, v1;
	v0 =	vmul.f32 v38, v8;
	v38 =	vld [tilespmem:s12+$0xE0]  }
0x1d3: {  	v50 =	vmul.f32 v52, v24;
	v49 =	vld [tilespmem:s16+$0xF0];
	v55 =	vadd.f32 v35, v46;
	v57 =	vmul.f32 v37, v23;
	[tilespmem:s1+$0x7060] =	vst v61  }
0x1d4: {  	v36 =	vadd.f32 v40, v54;
	v40 =	vmul.f32 v45, v23;
	[tilespmem:s6+$0x6FE0] =	vst v1;
	v1 =	vmul.f32 v41, v7;
	v35 =	vld [tilespmem:s14+$0xF0]  }
0x1d5: {  	v46 =	vmul.f32 v6, v23;
	[tilespmem:s6+$0x7060] =	vst v55;
	v61 =	vmul.f32 v3, v7;
	v33 =	vadd.f32 v43, v57;
	v51 =	vld [tilespmem:s7+$0xF0]  }
0x1d6: {  	v57 =	vmul.f32 v47, v7;
	v40 =	vadd.f32 v42, v40;
	v52 =	vld [tilespmem:s5+$0xF0];
	v1 =	vadd.f32 v36, v1  }
0x1d7: {  	v32 =	vadd.f32 v33, v61;
	v61 =	vmul.f32 v44, v7;
	v38 =	vadd.f32 v38, v46  }
0x1d8: {  	v55 =	vmul.f32 v34, v24;
	[tilespmem:s10+$0x6FE0] =	vst v1;
	v1 =	vadd.f32 v40, v57;
	v46 =	vmul.f32 v39, v24  }
0x1d9: {  	v54 =	vmul.f32 v56, v24;
	v42 =	vadd.f32 v49, v50;
	[tilespmem:s10+$0x7060] =	vst v32;
	v56 =	vld [tilespmem:s11+$0xF0];
	v57 =	vadd.f32 v38, v61  }
0x1da: {  	v49 =	vmul.f32 v2, v8;
	[tilespmem:s13+$0x6FE0] =	vst v1;
	v1 =	vadd.f32 v51, v55;
	v35 =	vadd.f32 v35, v46;
	v46 =	vld [tilespmem:s8+$0xF0]  }
0x1db: {  	v43 =	vmul.f32 v59, v8;
	v59 =	vmul.f32 v6, v24;
	v36 =	vadd.f32 v52, v54;
	v50 =	vld [tilespmem:s9+$0xF0];
	[tilespmem:s13+$0x7060] =	vst v57  }
0x1dc: {  	v58 =	vmovc v37;
	v52 =	vmul.f32 v60, v24;
	v61 =	vmul.f32 v53, v8;
	v1 =	vadd.f32 v1, v49;
	v53 =	vld [tilespmem:s12+$0xF0]  }
0x1dd: {  	[tilespmem:s0+$0x7070] =	vst v48;
	v55 =	vmul.f32 v58, v24;
	v58 =	vmul.f32 v45, v24;
	v0 =	vadd.f32 v35, v0  }
0x1de: {  	v54 =	vadd.f32 v36, v43;
	v56 =	vadd.f32 v56, v52;
	v57 =	vmul.f32 v41, v8;
	[tilespmem:s6+$0x6FF0] =	vst v1  }
0x1df: {  	v51 =	vadd.f32 v42, v61;
	[tilespmem:s1+$0x7070] =	vst v0;
	v0 =	vmul.f32 v3, v8;
	v36 =	vadd.f32 v46, v55  }
0x1e0: {  	v61 =	vmul.f32 v47, v8;
	[tilespmem:s6+$0x7070] =	vst v54;
	v1 =	vadd.f32 v56, v57;
	v60 =	vadd.f32 v50, v58  }
0x1e1: {  	v37 =	vmul.f32 v44, v8;
	[tilespmem:s1+$0x6FF0] =	vst v51;
	v0 =	vadd.f32 v36, v0;
	v35 =	vadd.f32 v53, v59  }
0x1e2: {  	[tilespmem:s10+$0x6FF0] =	vst v1;
	v1 =	vadd.f32 v60, v61  }
0x1e3: {  	[tilespmem:s10+$0x7070] =	vst v0;
	v0 =	vadd.f32 v35, v37  }
0x1e4: {  	[tilespmem:s13+$0x6FF0] =	vst v1  }
0x1e5: {  	s4 =	simm.s32 $0x0;
	[tilespmem:s13+$0x7070] =	vst v0  }
0x1e6: {  	s2 =	simm.s32 $0x6B80;
	s5 =	simm.s32 $0x6181;
	s1 =	rddreg [dreg:$0x8]  }
0x1e7: {  	[hbm4b:s1+s4] =	stream.linear.scatter [tilespmem:s2], [sflag:$0x1], $0x8000, $0x38;
	[tilespmem:$0x16B80] =	vst v63  }
0x1e8: {  	v0 =	vld [tilespmem:s5+$0xFFFFFFFF]  }
0x1e9: {  	v1 =	vld [tilespmem:s5+$0x0];
	_ =	sdelay $0x3  }
0x1ea: {  	(v2sf) =	vpush v0, $0x0  }
0x1eb: {  	(v2sf) =	vpush v1, $0x0;
	_ =	sdelay $0xc  }
0x1ec: {  	s6 =	simm.s32 $0x5081  }
0x1ed: {  	s7 =	simm.s32 $0x5901;
	v6 =	vld.msk [tilespmem:s6+$0x0 ss:$0x0], $0xffff;
	s19 =	spop (v2sf)  }
0x1ee: {  	v56 =	vld.msk [tilespmem:s7+$0x0 ss:$0x0], $0xffff;
	s5 =	spop (v2sf)  }
0x1ef: {  	v0 =	vld [tilespmem:s5+$0x0]  }
0x1f0: {  	s3 =	simm.s32 $0x6183  }
0x1f1: {  	v1 =	vld [tilespmem:s3+$0xFFFFFFFF]  }
0x1f2: {  	v38 =	vld [tilespmem:s3+$0x0];
	v39 =	vmul.f32 v6, v9  }
0x1f3: {  	v54 =	vld.msk [tilespmem:s6+$0xFFFFFFFF ss:$0x0], $0xffff  }
0x1f4: {  	v48 =	vld.msk [tilespmem:s7+$0xFFFFFFFF ss:$0x0], $0xffff;
	v40 =	vmul.f32 v56, v25;
	v0 =	vadd.f32 v0, v39  }
0x1f5: {  	v41 =	vld [tilespmem:s19+$0x0]  }
0x1f6: {  	s0 =	sand.u32 $0x300, s4;
	s8 =	sand.u32 $0x7800, s4;
	(v2sf) =	vpush v1, $0x0;
	v0 =	vadd.f32 v0, v40  }
0x1f7: {  	s0 =	sor.u32 s0, s8;
	(v2sf) =	vpush v38, $0x0  }
0x1f8: {  	v1 =	vmul.f32 v54, v9;
	[tilespmem:s0+$0xEC00] =	vst v0  }
0x1f9: {  	v0 =	vld [tilespmem:s5+$0x10]  }
0x1fa: {  	v42 =	vmul.f32 v48, v25;
	v1 =	vadd.f32 v41, v1;
	_ =	sdelay $0x1  }
0x1fb: {  	v43 =	vmul.f32 v6, v10;
	v1 =	vadd.f32 v1, v42;
	_ =	sdelay $0x1  }
0x1fc: {  	v44 =	vmul.f32 v56, v26;
	[tilespmem:s0+$0xEB80] =	vst v1;
	v0 =	vadd.f32 v0, v43  }
0x1fd: {  	v1 =	vld [tilespmem:s19+$0x10]  }
0x1fe: {  	v0 =	vadd.f32 v0, v44;
	_ =	sdelay $0x1  }
0x1ff: {  	v45 =	vmul.f32 v54, v10;
	[tilespmem:s0+$0xEC10] =	vst v0  }
0x200: {  	v0 =	vld [tilespmem:s5+$0x20]  }
0x201: {  	s9 =	simm.s32 $0x5083;
	v46 =	vmul.f32 v48, v26;
	v1 =	vadd.f32 v1, v45  }
0x202: {  	s10 =	simm.s32 $0x5903;
	v3 =	vld.msk [tilespmem:s9+$0x0 ss:$0x0], $0xffff;
	s14 =	spop (v2sf)  }
0x203: {  	v7 =	vld.msk [tilespmem:s10+$0x0 ss:$0x0], $0xffff;
	v47 =	vmul.f32 v6, v11;
	s16 =	spop (v2sf);
	v1 =	vadd.f32 v1, v46  }
0x204: {  	s11 =	simm.s32 $0x6185;
	v49 =	vld [tilespmem:s16+$0x0]  }
0x205: {  	v50 =	vmul.f32 v56, v28;
	[tilespmem:s0+$0xEB90] =	vst v1;
	v1 =	vld [tilespmem:s11+$0xFFFFFFFF];
	v0 =	vadd.f32 v0, v47;
	_ =	sdelay $0x1  }
0x206: {  	v53 =	vld [tilespmem:s11+$0x0];
	v52 =	vmul.f32 v3, v9;
	v0 =	vadd.f32 v0, v50  }
0x207: {  	v58 =	vld.msk [tilespmem:s9+$0xFFFFFFFF ss:$0x0], $0xffff  }
0x208: {  	v55 =	vmul.f32 v7, v25;
	v51 =	vld [tilespmem:s19+$0x20];
	v36 =	vadd.f32 v49, v52;
	[tilespmem:s0+$0xEC20] =	vst v0  }
0x209: {  	s12 =	simm.s32 $0x100;
	s13 =	simm.s32 $0x200;
	(v2sf) =	vpush v1, $0x0;
	v0 =	vld [tilespmem:s5+$0x30]  }
0x20a: {  	s2 =	sand.u32 $0x7800, s13;
	s1 =	sand.u32 $0x300, s12;
	v40 =	vld.msk [tilespmem:s10+$0xFFFFFFFF ss:$0x0], $0xffff;
	v36 =	vadd.f32 v36, v55  }
0x20b: {  	s1 =	sor.u32 s1, s2;
	v57 =	vld [tilespmem:s14+$0x0];
	v1 =	vmul.f32 v54, v11;
	(v2sf) =	vpush v53, $0x0  }
0x20c: {  	v60 =	vmul.f32 v6, v12;
	[tilespmem:s1+$0xEC00] =	vst v36  }
0x20d: {  	v59 =	vmul.f32 v48, v28;
	v1 =	vadd.f32 v51, v1;
	v61 =	vld [tilespmem:s16+$0x10]  }
0x20e: {  	v32 =	vmul.f32 v58, v9;
	v33 =	vmul.f32 v56, v27;
	v0 =	vadd.f32 v0, v60  }
0x20f: {  	v35 =	vmul.f32 v40, v25;
	v1 =	vadd.f32 v1, v59  }
0x210: {  	v43 =	vmul.f32 v3, v10;
	v42 =	vadd.f32 v57, v32;
	v0 =	vadd.f32 v0, v33  }
0x211: {  	s15 =	simm.s32 $0x5085;
	[tilespmem:s0+$0xEBA0] =	vst v1  }
0x212: {  	v44 =	vmul.f32 v7, v26;
	v57 =	vld.msk [tilespmem:s15+$0x0 ss:$0x0], $0xffff;
	v1 =	vadd.f32 v42, v35;
	v34 =	vadd.f32 v61, v43;
	[tilespmem:s0+$0xEC30] =	vst v0  }
0x213: {  	v0 =	vld [tilespmem:s5+$0x40]  }
0x214: {  	s17 =	simm.s32 $0x5905;
	v45 =	vld [tilespmem:s19+$0x30];
	[tilespmem:s1+$0xEB80] =	vst v1;
	v1 =	vadd.f32 v34, v44  }
0x215: {  	v32 =	vld.msk [tilespmem:s17+$0x0 ss:$0x0], $0xffff  }
0x216: {  	v35 =	vld.msk [tilespmem:s15+$0xFFFFFFFF ss:$0x0], $0xffff;
	[tilespmem:s1+$0xEC10] =	vst v1;
	v1 =	vmul.f32 v6, v13  }
0x217: {  	v47 =	vmul.f32 v54, v12;
	v46 =	vld [tilespmem:s14+$0x10]  }
0x218: {  	v49 =	vmul.f32 v56, v29;
	v33 =	vld.msk [tilespmem:s17+$0xFFFFFFFF ss:$0x0], $0xffff;
	s18 =	spop (v2sf);
	v0 =	vadd.f32 v0, v1  }
0x219: {  	v37 =	vadd.f32 v45, v47;
	v51 =	vld [tilespmem:s18+$0x0];
	v1 =	vmul.f32 v48, v27  }
0x21a: {  	v36 =	vld [tilespmem:s16+$0x20];
	s25 =	spop (v2sf);
	v0 =	vadd.f32 v0, v49  }
0x21b: {  	v50 =	vmul.f32 v58, v10;
	v53 =	vld [tilespmem:s25+$0x0];
	v1 =	vadd.f32 v37, v1  }
0x21c: {  	v52 =	vmul.f32 v40, v26;
	[tilespmem:s0+$0xEC40] =	vst v0;
	v0 =	vmul.f32 v35, v9  }
0x21d: {  	v55 =	vmul.f32 v3, v11;
	v59 =	vmul.f32 v57, v9;
	v34 =	vadd.f32 v46, v50;
	[tilespmem:s0+$0xEBB0] =	vst v1;
	v1 =	vld [tilespmem:s5+$0x50]  }
0x21e: {  	v61 =	vmul.f32 v6, v14;
	v60 =	vmul.f32 v33, v25;
	v37 =	vld [tilespmem:s19+$0x40];
	v0 =	vadd.f32 v51, v0  }
0x21f: {  	s20 =	simm.s32 $0x200;
	s21 =	simm.s32 $0x400;
	v34 =	vadd.f32 v34, v52;
	v50 =	vadd.f32 v36, v55;
	v49 =	vmul.f32 v7, v28  }
0x220: {  	s2 =	sand.u32 $0x300, s20;
	s3 =	sand.u32 $0x7800, s21;
	v52 =	vmul.f32 v32, v25;
	v38 =	vadd.f32 v53, v59;
	v0 =	vadd.f32 v0, v60  }
0x221: {  	s17 =	sor.u32 s2, s3;
	[tilespmem:s1+$0xEB90] =	vst v34;
	v53 =	vmul.f32 v54, v13;
	v34 =	vadd.f32 v50, v49  }
0x222: {  	v55 =	vmul.f32 v56, v30;
	v38 =	vadd.f32 v38, v52;
	v51 =	vld [tilespmem:s14+$0x20];
	v1 =	vadd.f32 v1, v61;
	[tilespmem:s17+$0xEB80] =	vst v0  }
0x223: {  	[tilespmem:s1+$0xEC20] =	vst v34;
	v0 =	vmul.f32 v48, v29;
	v37 =	vadd.f32 v37, v53;
	v60 =	vld [tilespmem:s18+$0x10]  }
0x224: {  	[tilespmem:s17+$0xEC00] =	vst v38;
	v61 =	vld [tilespmem:s16+$0x30];
	v1 =	vadd.f32 v1, v55  }
0x225: {  	v59 =	vmul.f32 v58, v11;
	v38 =	vld [tilespmem:s25+$0x10];
	v0 =	vadd.f32 v37, v0  }
0x226: {  	[tilespmem:s0+$0xEC50] =	vst v1;
	v1 =	vmul.f32 v35, v10  }
0x227: {  	v47 =	vmul.f32 v40, v28;
	v49 =	vmul.f32 v3, v12;
	v36 =	vadd.f32 v51, v59;
	[tilespmem:s0+$0xEBC0] =	vst v0;
	v0 =	vld [tilespmem:s5+$0x60]  }
0x228: {  	s22 =	simm.s32 $0x6187;
	v50 =	vmul.f32 v57, v10;
	v51 =	vmul.f32 v33, v26;
	v37 =	vld [tilespmem:s19+$0x50];
	v1 =	vadd.f32 v60, v1  }
0x229: {  	v53 =	vmul.f32 v7, v27;
	v36 =	vadd.f32 v36, v47;
	v55 =	vadd.f32 v61, v49;
	v61 =	vld [tilespmem:s22+$0xFFFFFFFF]  }
0x22a: {  	v38 =	vadd.f32 v38, v50;
	v59 =	vmul.f32 v32, v26;
	v1 =	vadd.f32 v1, v51  }
0x22b: {  	v44 =	vld [tilespmem:s22+$0x0];
	v52 =	vmul.f32 v6, v15;
	[tilespmem:s1+$0xEBA0] =	vst v36;
	v36 =	vadd.f32 v55, v53  }
0x22c: {  	v39 =	vld [tilespmem:s14+$0x30];
	v60 =	vmul.f32 v54, v14;
	[tilespmem:s17+$0xEB90] =	vst v1;
	v1 =	vadd.f32 v38, v59  }
0x22d: {  	v49 =	vmul.f32 v56, v31;
	[tilespmem:s1+$0xEC30] =	vst v36;
	v0 =	vadd.f32 v0, v52;
	v51 =	vld [tilespmem:s18+$0x20]  }
0x22e: {  	v50 =	vmul.f32 v48, v30;
	v37 =	vadd.f32 v37, v60;
	v52 =	vld [tilespmem:s16+$0x40];
	(v2sf) =	vpush v61, $0x0;
	[tilespmem:s17+$0xEC10] =	vst v1  }
0x22f: {  	v53 =	vmul.f32 v58, v12;
	v0 =	vadd.f32 v0, v49;
	v55 =	vld [tilespmem:s25+$0x20]  }
0x230: {  	v59 =	vmul.f32 v35, v11;
	(v2sf) =	vpush v44, $0x0;
	v37 =	vadd.f32 v37, v50  }
0x231: {  	v38 =	vadd.f32 v39, v53;
	v1 =	vmul.f32 v40, v27;
	[tilespmem:s0+$0xEC60] =	vst v0;
	v0 =	vmul.f32 v3, v13  }
0x232: {  	v46 =	vmul.f32 v57, v11;
	v49 =	vmul.f32 v33, v28;
	[tilespmem:s0+$0xEBD0] =	vst v37;
	v61 =	vld [tilespmem:s5+$0x70];
	v36 =	vadd.f32 v51, v59  }
0x233: {  	v60 =	vmul.f32 v7, v29;
	v1 =	vadd.f32 v38, v1;
	v37 =	vld [tilespmem:s19+$0x60];
	v0 =	vadd.f32 v52, v0  }
0x234: {  	s23 =	simm.s32 $0x5087;
	v50 =	vmul.f32 v32, v28;
	v36 =	vadd.f32 v36, v49;
	v41 =	vadd.f32 v55, v46  }
0x235: {  	s24 =	simm.s32 $0x5907;
	v2 =	vld.msk [tilespmem:s23+$0x0 ss:$0x0], $0xffff;
	v51 =	vmul.f32 v6, v16;
	[tilespmem:s1+$0xEBB0] =	vst v1;
	v0 =	vadd.f32 v0, v60  }
0x236: {  	v43 =	vld.msk [tilespmem:s24+$0xFFFFFFFF ss:$0x0], $0xffff;
	v53 =	vmul.f32 v54, v15;
	[tilespmem:s17+$0xEBA0] =	vst v36;
	v34 =	vadd.f32 v41, v50  }
0x237: {  	v52 =	vmul.f32 v56, v62;
	v38 =	vadd.f32 v61, v51;
	[tilespmem:s1+$0xEC40] =	vst v0;
	v0 =	vld [tilespmem:s18+$0x30]  }
0x238: {  	v1 =	vld [tilespmem:s14+$0x40];
	v55 =	vmul.f32 v48, v31;
	v36 =	vadd.f32 v37, v53;
	[tilespmem:s17+$0xEC20] =	vst v34  }
0x239: {  	v38 =	vadd.f32 v38, v52;
	v59 =	vld [tilespmem:s25+$0x30]  }
0x23a: {  	v47 =	vmul.f32 v35, v12;
	v39 =	vld [tilespmem:s16+$0x50];
	v34 =	vadd.f32 v36, v55  }
0x23b: {  	v42 =	vmul.f32 v56, v4;
	v49 =	vmul.f32 v33, v27;
	v60 =	vld.msk [tilespmem:s23+$0xFFFFFFFF ss:$0x0], $0xffff;
	[tilespmem:s0+$0xEC70] =	vst v38  }
0x23c: {  	v50 =	vmul.f32 v57, v12;
	v51 =	vmul.f32 v58, v13;
	[tilespmem:s0+$0xEBE0] =	vst v34;
	v36 =	vld [tilespmem:s5+$0x80];
	v0 =	vadd.f32 v0, v47  }
0x23d: {  	v53 =	vmul.f32 v3, v14;
	v61 =	vmul.f32 v40, v29;
	v46 =	vld [tilespmem:s19+$0x70];
	s6 =	spop (v2sf)  }
0x23e: {  	v55 =	vmul.f32 v32, v27;
	v41 =	vld [tilespmem:s6+$0x0];
	v0 =	vadd.f32 v0, v49;
	v37 =	vadd.f32 v59, v50  }
0x23f: {  	v52 =	vmul.f32 v7, v30;
	v39 =	vadd.f32 v39, v53;
	v53 =	vmul.f32 v6, v20;
	s8 =	spop (v2sf);
	v59 =	vld.msk [tilespmem:s24+$0x0 ss:$0x0], $0xffff  }
0x240: {  	v1 =	vadd.f32 v1, v51;
	v47 =	vmul.f32 v35, v13;
	v49 =	vld [tilespmem:s8+$0x0];
	[tilespmem:s17+$0xEBB0] =	vst v0;
	v0 =	vadd.f32 v37, v55  }
0x241: {  	v37 =	vadd.f32 v39, v52;
	v34 =	vadd.f32 v36, v53;
	v55 =	vmul.f32 v54, v16;
	v44 =	vld [tilespmem:s18+$0x40]  }
0x242: {  	v50 =	vmul.f32 v48, v62;
	[tilespmem:s17+$0xEC30] =	vst v0;
	v0 =	vadd.f32 v1, v61;
	v61 =	vmul.f32 v60, v9  }
0x243: {  	[tilespmem:s1+$0xEC50] =	vst v37;
	v34 =	vadd.f32 v34, v42;
	v36 =	vadd.f32 v46, v55;
	v42 =	vmul.f32 v2, v9;
	v51 =	vld [tilespmem:s25+$0x40]  }
0x244: {  	v1 =	vmul.f32 v57, v13;
	v46 =	vmul.f32 v43, v25;
	[tilespmem:s1+$0xEBC0] =	vst v0;
	v0 =	vld [tilespmem:s16+$0x60];
	v38 =	vadd.f32 v41, v61  }
0x245: {  	s26 =	simm.s32 $0x300;
	s28 =	simm.s32 $0x600;
	v53 =	vmul.f32 v59, v25;
	v36 =	vadd.f32 v36, v50;
	v42 =	vadd.f32 v49, v42  }
0x246: {  	s3 =	sand.u32 $0x7800, s28;
	s2 =	sand.u32 $0x300, s26;
	v61 =	vmul.f32 v33, v29;
	v50 =	vadd.f32 v44, v47;
	v38 =	vadd.f32 v38, v46  }
0x247: {  	s7 =	sor.u32 s2, s3;
	v39 =	vmul.f32 v3, v15;
	[tilespmem:s0+$0xF000] =	vst v34;
	v41 =	vld [tilespmem:s14+$0x50];
	v34 =	vadd.f32 v42, v53  }
0x248: {  	v55 =	vmul.f32 v32, v29;
	v46 =	vld [tilespmem:s5+$0x90];
	v61 =	vadd.f32 v50, v61;
	v1 =	vadd.f32 v51, v1;
	[tilespmem:s7+$0xEB80] =	vst v38  }
0x249: {  	v52 =	vmul.f32 v58, v14;
	[tilespmem:s7+$0xEC00] =	vst v34;
	v0 =	vadd.f32 v0, v39;
	v39 =	vld [tilespmem:s6+$0x10]  }
0x24a: {  	v47 =	vmul.f32 v40, v30;
	v53 =	vmul.f32 v7, v31;
	v44 =	vld [tilespmem:s8+$0x10];
	[tilespmem:s17+$0xEBC0] =	vst v61;
	v1 =	vadd.f32 v1, v55  }
0x24b: {  	[tilespmem:s0+$0xEBF0] =	vst v36;
	v38 =	vmul.f32 v54, v20;
	v55 =	vmul.f32 v6, v63;
	v34 =	vld [tilespmem:s18+$0x50]  }
0x24c: {  	v49 =	vld [tilespmem:s19+$0x80];
	v50 =	vmul.f32 v2, v10;
	v61 =	vadd.f32 v41, v52;
	v0 =	vadd.f32 v0, v53;
	[tilespmem:s17+$0xEC40] =	vst v1  }
0x24d: {  	v1 =	vmul.f32 v56, v5;
	v41 =	vadd.f32 v46, v55;
	v46 =	vmul.f32 v60, v10;
	v51 =	vld [tilespmem:s25+$0x50]  }
0x24e: {  	v36 =	vadd.f32 v61, v47;
	v61 =	vmul.f32 v35, v14;
	v55 =	vmul.f32 v59, v26  }
0x24f: {  	[tilespmem:s1+$0xEC60] =	vst v0;
	v0 =	vadd.f32 v41, v1;
	v1 =	vmul.f32 v43, v26;
	v39 =	vadd.f32 v39, v46  }
0x250: {  	s29 =	simm.s32 $0x6189;
	v46 =	vmul.f32 v57, v14;
	v47 =	vld [tilespmem:s16+$0x70];
	v34 =	vadd.f32 v34, v61;
	v61 =	vadd.f32 v44, v50  }
0x251: {  	v53 =	vld [tilespmem:s29+$0xFFFFFFFF];
	v38 =	vadd.f32 v49, v38;
	[tilespmem:s1+$0xEBD0] =	vst v36;
	v36 =	vmul.f32 v33, v30;
	v1 =	vadd.f32 v39, v1  }
0x252: {  	v41 =	vld [tilespmem:s29+$0x0];
	[tilespmem:s0+$0xF010] =	vst v0;
	v46 =	vadd.f32 v51, v46;
	v51 =	vadd.f32 v61, v55  }
0x253: {  	v45 =	vld [tilespmem:s14+$0x60];
	v0 =	vmul.f32 v48, v4;
	v34 =	vadd.f32 v34, v36;
	[tilespmem:s7+$0xEB90] =	vst v1;
	v1 =	vmul.f32 v3, v16  }
0x254: {  	v37 =	vmul.f32 v58, v15;
	v50 =	vmul.f32 v32, v30;
	v39 =	vld [tilespmem:s6+$0x20];
	[tilespmem:s7+$0xEC10] =	vst v51  }
0x255: {  	v52 =	vmul.f32 v7, v62;
	v0 =	vadd.f32 v38, v0;
	v1 =	vadd.f32 v47, v1;
	[tilespmem:s17+$0xEBD0] =	vst v34;
	v34 =	vld [tilespmem:s8+$0x20]  }
0x256: {  	v42 =	vmul.f32 v40, v31;
	(v2sf) =	vpush v53, $0x0;
	v44 =	vadd.f32 v46, v50;
	v46 =	vld [tilespmem:s5+$0xA0]  }
0x257: {  	v55 =	vmul.f32 v60, v11;
	v61 =	vmul.f32 v6, v18;
	[tilespmem:s0+$0xEF80] =	vst v0;
	v49 =	vld [tilespmem:s18+$0x60];
	v1 =	vadd.f32 v1, v52  }
0x258: {  	(v2sf) =	vpush v41, $0x0;
	v53 =	vadd.f32 v45, v37;
	v37 =	vmul.f32 v2, v11;
	[tilespmem:s17+$0xEC50] =	vst v44  }
0x259: {  	v0 =	vmul.f32 v43, v28;
	v51 =	vmul.f32 v35, v15;
	v39 =	vadd.f32 v39, v55;
	[tilespmem:s1+$0xEC70] =	vst v1;
	v1 =	vld [tilespmem:s19+$0x90]  }
0x25a: {  	v36 =	vadd.f32 v53, v42;
	v42 =	vmul.f32 v59, v28;
	v44 =	vld [tilespmem:s25+$0x60];
	[tilespmem:$0x1FEA0] =	vst v33;
	v34 =	vadd.f32 v34, v37  }
0x25b: {  	s2 =	simm.s32 $0x5089;
	v53 =	vmul.f32 v33, v31;
	v41 =	vadd.f32 v46, v61;
	v33 =	vld [tilespmem:s16+$0x80];
	v0 =	vadd.f32 v39, v0  }
0x25c: {  	v61 =	vld.msk [tilespmem:s2+$0x0 ss:$0x0], $0xffff;
	v39 =	vadd.f32 v49, v51;
	v49 =	vmul.f32 v54, v63;
	[tilespmem:s1+$0xEBE0] =	vst v36;
	v34 =	vadd.f32 v34, v42  }
0x25d: {  	v50 =	vmov v57;
	v55 =	vmul.f32 v57, v15;
	v17 =	vld.msk [tilespmem:s2+$0xFFFFFFFF ss:$0x0], $0xffff;
	[tilespmem:s7+$0xEBA0] =	vst v0;
	v0 =	vmul.f32 v3, v20  }
0x25e: {  	v57 =	vadd.f32 v39, v53;
	v39 =	vmul.f32 v48, v5;
	v53 =	vld [tilespmem:s14+$0x70];
	v1 =	vadd.f32 v1, v49;
	[tilespmem:s7+$0xEC20] =	vst v34  }
0x25f: {  	v42 =	vld [tilespmem:s6+$0x30];
	[tilespmem:$0x1FEB0] =	vst v32  }
0x260: {  	s3 =	simm.s32 $0x5909;
	v45 =	vmul.f32 v7, v4;
	v0 =	vadd.f32 v33, v0;
	v1 =	vadd.f32 v1, v39;
	v39 =	vld [tilespmem:s8+$0x30]  }
0x261: {  	v18 =	vld.msk [tilespmem:s3+$0xFFFFFFFF ss:$0x0], $0xffff  }
0x262: {  	v51 =	vld.msk [tilespmem:s3+$0x0 ss:$0x0], $0xffff;
	[tilespmem:$0x1FEC0] =	vst v59;
	v0 =	vadd.f32 v0, v45  }
0x263: {  	v62 =	vmul.f32 v40, v62;
	[tilespmem:s0+$0xEF90] =	vst v1  }
0x264: {  	v38 =	vmul.f32 v43, v27;
	v46 =	vmov v56;
	v56 =	vmul.f32 v60, v12;
	v1 =	vld [tilespmem:$0x1FFD0];
	[tilespmem:s1+$0xF000] =	vst v0  }
0x265: {  	v52 =	vmul.f32 v2, v12;
	v45 =	vmul.f32 v58, v16;
	v36 =	vld [tilespmem:$0x1FFE0]  }
0x266: {  	v47 =	vmovc v63;
	v63 =	vmul.f32 v32, v31;
	v44 =	vadd.f32 v44, v55;
	v42 =	vadd.f32 v42, v56;
	v0 =	vld [tilespmem:s19+$0xA0]  }
0x267: {  	s10 =	spop (v2sf);
	v34 =	vadd.f32 v53, v45;
	v53 =	vld [tilespmem:s16+$0x90];
	v39 =	vadd.f32 v39, v52;
	v52 =	vmul.f32 v61, v11  }
0x268: {  	v37 =	vmul.f32 v59, v27;
	v44 =	vadd.f32 v44, v63;
	s11 =	spop (v2sf);
	v38 =	vadd.f32 v42, v38  }
0x269: {  	v16 =	vmov v7;
	v63 =	vld [tilespmem:s11+$0x0];
	v45 =	vmul.f32 v3, v47;
	v1 =	vmul.f32 v54, v1;
	[tilespmem:$0x1FED0] =	vst v52  }
0x26a: {  	v47 =	vmul.f32 v16, v5;
	v34 =	vadd.f32 v34, v62;
	v52 =	vld [tilespmem:s10+$0x0];
	[tilespmem:s7+$0xEBB0] =	vst v38;
	v56 =	vmul.f32 v46, v36  }
0x26b: {  	v55 =	vmovc v60;
	v37 =	vadd.f32 v39, v37;
	v0 =	vadd.f32 v0, v1;
	v1 =	vmul.f32 v48, v36;
	v62 =	vld [tilespmem:s6+$0x40]  }
0x26c: {  	v42 =	vmul.f32 v61, v9;
	[tilespmem:s1+$0xEBF0] =	vst v34;
	v39 =	vadd.f32 v53, v45;
	v41 =	vadd.f32 v41, v56  }
0x26d: {  	v49 =	vmul.f32 v60, v13;
	v60 =	vmul.f32 v17, v9;
	[tilespmem:s7+$0xEC30] =	vst v37;
	v0 =	vadd.f32 v0, v1  }
0x26e: {  	v63 =	vadd.f32 v63, v42;
	v45 =	vmul.f32 v51, v25;
	v37 =	vadd.f32 v39, v47;
	[tilespmem:s0+$0xF020] =	vst v41  }
0x26f: {  	s4 =	simm.s32 $0x400;
	s12 =	simm.s32 $0x800;
	v5 =	vmov v17;
	v38 =	vmul.f32 v18, v25;
	v42 =	vadd.f32 v52, v60;
	v17 =	vld [tilespmem:$0x1FF20];
	[tilespmem:s0+$0xEFA0] =	vst v0  }
0x270: {  	s30 =	sand.u32 $0x7800, s12;
	s31 =	sand.u32 $0x300, s4;
	v33 =	vmul.f32 v43, v29;
	v63 =	vadd.f32 v63, v45;
	v47 =	vadd.f32 v62, v49;
	[tilespmem:s1+$0xF010] =	vst v37  }
0x271: {  	s9 =	sor.u32 s31, s30;
	[tilespmem:s17+$0xEBE0] =	vst v57;
	v0 =	vadd.f32 v42, v38  }
0x272: {  	v53 =	vld [tilespmem:s5+$0xB0];
	[tilespmem:s9+$0xEC00] =	vst v63;
	v38 =	vadd.f32 v47, v33  }
0x273: {  	v36 =	vld [tilespmem:s8+$0x40];
	[tilespmem:s9+$0xEB80] =	vst v0  }
0x274: {  	v52 =	vld [tilespmem:s14+$0x80];
	[tilespmem:s7+$0xEBC0] =	vst v38  }
0x275: {  	v7 =	vmul.f32 v6, v19;
	v47 =	vmul.f32 v40, v4;
	v4 =	vld [tilespmem:$0x1FFD0]  }
0x276: {  	v32 =	vmul.f32 v2, v13  }
0x277: {  	v53 =	vadd.f32 v53, v7;
	v7 =	vld [tilespmem:s16+$0xA0]  }
0x278: {  	v59 =	vmul.f32 v59, v29;
	v1 =	vmul.f32 v58, v20;
	v32 =	vadd.f32 v36, v32  }
0x279: {  	v42 =	vld [tilespmem:s19+$0xB0];
	v39 =	vmul.f32 v46, v17  }
0x27a: {  	v32 =	vadd.f32 v32, v59;
	v1 =	vadd.f32 v52, v1;
	v33 =	vmul.f32 v3, v4  }
0x27b: {  	v39 =	vadd.f32 v53, v39  }
0x27c: {  	v62 =	vmul.f32 v54, v19;
	v36 =	vld [tilespmem:s11+$0x10];
	[tilespmem:s7+$0xEC40] =	vst v32;
	v59 =	vadd.f32 v1, v47;
	v1 =	vadd.f32 v7, v33  }
0x27d: {  	v34 =	vmul.f32 v18, v26;
	v45 =	vmovc v58;
	v58 =	vmov v61;
	v37 =	vmul.f32 v61, v10;
	v0 =	vld [tilespmem:s10+$0x10];
	[tilespmem:s0+$0xF030] =	vst v39  }
0x27e: {  	v61 =	vmul.f32 v48, v17;
	v52 =	vadd.f32 v42, v62;
	v39 =	vld [tilespmem:s6+$0x50];
	[tilespmem:$0x1FEE0] =	vst v1;
	v1 =	vmul.f32 v48, v8  }
0x27f: {  	v56 =	vmul.f32 v18, v27;
	v60 =	vmul.f32 v55, v14;
	v4 =	vmov v6;
	v42 =	vld [tilespmem:s5+$0xC0];
	[tilespmem:s17+$0xEC60] =	vst v44  }
0x280: {  	v41 =	vmul.f32 v5, v10;
	v44 =	vadd.f32 v52, v61;
	v52 =	vld [tilespmem:s8+$0x50];
	[tilespmem:$0x1FEF0] =	vst v1;
	v1 =	vmul.f32 v4, v24  }
0x281: {  	v20 =	vmovc v40;
	v49 =	vmovc v18;
	v63 =	vmul.f32 v43, v30;
	v57 =	vmov v3;
	v38 =	vmul.f32 v51, v26  }
0x282: {  	s13 =	simm.s32 $0x8;
	s15 =	simm.s32 $0x618B;
	v47 =	vmovc v2;
	v62 =	vmul.f32 v2, v14;
	v53 =	vmovc v35;
	v6 =	vmov v54;
	v8 =	vmov v43;
	[tilespmem:$0x1FF00] =	vst v1  }
.LBB2_4:
0x283: {  	v1 =	vmul.f32 v6, v24;
	_ =	sdelay $0x1  }
0x284: {  	[tilespmem:$0x1FE70] =	vst v1;
	v1 =	vld [tilespmem:$0x1FFB0];
	_ =	sdelay $0x4  }
0x285: {  	v2 =	vmul.f32 v46, v1;
	_ =	sdelay $0x1  }
0x286: {  	[tilespmem:$0x1FE50] =	vst v2;
	v2 =	vld [tilespmem:$0x1FEB0]  }
0x287: {  	v3 =	vld [tilespmem:$0x1FEC0];
	_ =	sdelay $0x1  }
0x288: {  	v61 =	vmul.f32 v4, v21;
	v40 =	vld [tilespmem:s15+$0x0];
	v0 =	vadd.f32 v0, v41  }
0x289: {  	v33 =	vmul.f32 v5, v11;
	v35 =	vmul.f32 v51, v28;
	v7 =	vld [tilespmem:$0x1FF30]  }
0x28a: {  	[tilespmem:s0+$0xEFB0] =	vst v44;
	v0 =	vadd.f32 v0, v34;
	v39 =	vadd.f32 v39, v60;
	v1 =	vmovc v16;
	v16 =	vmov v2;
	v2 =	vld [tilespmem:$0x1FF60]  }
0x28b: {  	v44 =	vmovc v46;
	v41 =	vld [tilespmem:s19+$0xC0];
	v46 =	vmov v51;
	v51 =	vadd.f32 v52, v62;
	[tilespmem:$0x1FE40] =	vst v1;
	v1 =	vmul.f32 v3, v30  }
0x28c: {  	s20 =	smov.u32 s17;
	s17 =	smov.u32 s7;
	s7 =	smov.u32 s9;
	v17 =	vmovc v5;
	v18 =	vmovc v49;
	v36 =	vadd.f32 v36, v37;
	v39 =	vadd.f32 v39, v63;
	v63 =	vmov v56;
	v56 =	vld [tilespmem:s25+$0x70]  }
0x28d: {  	v32 =	vld [tilespmem:s15+$0xFFFFFFFF];
	v34 =	vadd.f32 v42, v61;
	[tilespmem:s7+$0xEB90] =	vst v0;
	v0 =	vmul.f32 v49, v28;
	v1 =	vadd.f32 v51, v1  }
0x28e: {  	v5 =	vld [tilespmem:$0x1FFF0];
	v36 =	vadd.f32 v36, v38;
	v49 =	vmovc v58;
	v38 =	vmul.f32 v58, v12;
	v58 =	vmul.f32 v47, v15  }
0x28f: {  	v54 =	vmovc v4;
	v4 =	vmov v3;
	v3 =	vld [tilespmem:$0x1FF90];
	[tilespmem:s17+$0xEC50] =	vst v1;
	v1 =	vmul.f32 v50, v7;
	v42 =	vmul.f32 v44, v2  }
0x290: {  	v52 =	vmul.f32 v6, v21;
	[tilespmem:$0x1FEB0] =	vst v4;
	v51 =	vmul.f32 v48, v2;
	v2 =	vld [tilespmem:$0x1FF50]  }
0x291: {  	v1 =	vadd.f32 v56, v1;
	v56 =	vmovc v47;
	v47 =	vmul.f32 v4, v31;
	v4 =	vld [tilespmem:$0x1FFC0];
	v34 =	vadd.f32 v34, v42  }
0x292: {  	v42 =	vld [tilespmem:s10+$0x20];
	[tilespmem:s17+$0xEBD0] =	vst v39;
	v39 =	vadd.f32 v41, v52  }
0x293: {  	(v2sf) =	vpush v32, $0x0;
	v32 =	vld [tilespmem:s6+$0x60];
	[tilespmem:s0+$0xF040] =	vst v34  }
0x294: {  	v39 =	vadd.f32 v39, v51;
	v37 =	vld [tilespmem:s5+$0xD0]  }
0x295: {  	s2 =	sadd.s32 $0x2, s2;
	v52 =	vld [tilespmem:s8+$0x60];
	v61 =	vmul.f32 v16, v2  }
0x296: {  	(v2sf) =	vpush v40, $0x0;
	v40 =	vmul.f32 v55, v15;
	v43 =	vld.msk [tilespmem:s2+$0x0 ss:$0x0], $0xffff;
	[tilespmem:s0+$0xEFC0] =	vst v39  }
0x297: {  	[tilespmem:s7+$0xEC10] =	vst v36;
	v33 =	vadd.f32 v42, v33;
	v1 =	vadd.f32 v1, v61;
	v39 =	vld [tilespmem:s19+$0xD0]  }
0x298: {  	v41 =	vmul.f32 v54, v22;
	[tilespmem:s1+$0xEF80] =	vst v59;
	v32 =	vadd.f32 v32, v40;
	v40 =	vld [tilespmem:s11+$0x20]  }
0x299: {  	v62 =	vmul.f32 v8, v31;
	v34 =	vmul.f32 v44, v3;
	v0 =	vadd.f32 v33, v0;
	[tilespmem:s20+$0xEC70] =	vst v1;
	v1 =	vld [tilespmem:s14+$0x90]  }
0x29a: {  	v37 =	vadd.f32 v37, v41;
	v59 =	vadd.f32 v52, v58;
	v41 =	vmul.f32 v48, v3;
	v3 =	vld [tilespmem:$0x1FED0]  }
0x29b: {  	[tilespmem:s7+$0xEBA0] =	vst v0;
	v0 =	vld [tilespmem:s25+$0x80]  }
0x29c: {  	s3 =	sadd.s32 $0x2, s3;
	v32 =	vadd.f32 v32, v62;
	v34 =	vadd.f32 v37, v34;
	v37 =	vmul.f32 v54, v23;
	v54 =	vld [tilespmem:$0x1FFA0]  }
0x29d: {  	v62 =	vld.msk [tilespmem:s3+$0xFFFFFFFF ss:$0x0], $0xffff  }
0x29e: {  	v51 =	vmul.f32 v6, v22;
	[tilespmem:s17+$0xEBE0] =	vst v32;
	v32 =	vadd.f32 v59, v47;
	v59 =	vmov v8;
	v8 =	vld [tilespmem:$0x1FF70]  }
0x29f: {  	[tilespmem:$0x1FE90] =	vst v55;
	v42 =	vmul.f32 v6, v23;
	v6 =	vmul.f32 v17, v13;
	v55 =	vld [tilespmem:s18+$0x70]  }
0x2a0: {  	v60 =	vmul.f32 v48, v5;
	[tilespmem:s0+$0xF050] =	vst v34;
	v34 =	vadd.f32 v40, v3;
	v3 =	vld [tilespmem:$0x1FF80]  }
0x2a1: {  	v58 =	vmovc v45;
	v39 =	vadd.f32 v39, v51;
	v61 =	vld.msk [tilespmem:s2+$0xFFFFFFFF ss:$0x0], $0xffff;
	[tilespmem:s17+$0xEC60] =	vst v32;
	v47 =	vmul.f32 v45, v54;
	v45 =	vmov v21  }
0x2a2: {  	v52 =	vld [tilespmem:s5+$0xE0];
	v21 =	vmovc v31;
	v31 =	vmovc v19;
	v19 =	vmov v57;
	v34 =	vadd.f32 v34, v35;
	v57 =	vmul.f32 v53, v7  }
0x2a3: {  	[tilespmem:$0x1FE60] =	vst v6;
	v6 =	vmov v30;
	v39 =	vadd.f32 v39, v41;
	v30 =	vld.msk [tilespmem:s3+$0x0 ss:$0x0], $0xffff;
	v32 =	vmul.f32 v50, v8  }
0x2a4: {  	v48 =	vmul.f32 v20, v4;
	v1 =	vadd.f32 v1, v47;
	[tilespmem:s7+$0xEC20] =	vst v34;
	v34 =	vadd.f32 v55, v57;
	v57 =	vld [tilespmem:$0x1FEA0]  }
0x2a5: {  	v40 =	vmul.f32 v16, v3;
	v41 =	vld [tilespmem:s11+$0x30];
	v0 =	vadd.f32 v0, v32  }
0x2a6: {  	v32 =	vld [tilespmem:s10+$0x30];
	v1 =	vadd.f32 v1, v48;
	[tilespmem:s0+$0xEFD0] =	vst v39  }
0x2a7: {  	v0 =	vadd.f32 v0, v40;
	v40 =	vld [tilespmem:s19+$0xE0]  }
0x2a8: {  	s29 =	spop (v2sf);
	v36 =	vmul.f32 v46, v27;
	v33 =	vmul.f32 v17, v12;
	[tilespmem:s1+$0xEF90] =	vst v1;
	v1 =	vld [tilespmem:$0x1FFD0]  }
0x2a9: {  	s21 =	spop (v2sf);
	v37 =	vadd.f32 v52, v37;
	v39 =	vmul.f32 v44, v5;
	v44 =	vmul.f32 v46, v29;
	[tilespmem:s20+$0xF000] =	vst v0;
	v0 =	vld [tilespmem:s14+$0xA0]  }
0x2aa: {  	[tilespmem:$0x1FEC0] =	vst v46;
	v48 =	vmul.f32 v57, v2;
	v2 =	vmul.f32 v43, v11;
	v46 =	vld [tilespmem:s21+$0x0]  }
0x2ab: {  	v37 =	vadd.f32 v37, v39;
	v32 =	vadd.f32 v32, v33;
	v33 =	vld [tilespmem:s25+$0x90]  }
0x2ac: {  	[tilespmem:$0x1FED0] =	vst v2;
	v2 =	vld [tilespmem:$0x1FFE0]  }
0x2ad: {  	[tilespmem:s0+$0xF060] =	vst v37;
	v37 =	vadd.f32 v41, v38;
	v41 =	vld [tilespmem:$0x1FE40];
	_ =	sdelay $0x2  }
0x2ae: {  	v1 =	vmul.f32 v58, v1  }
0x2af: {  	v34 =	vadd.f32 v34, v48  }
0x2b0: {  	v0 =	vadd.f32 v0, v1;
	v48 =	vmul.f32 v41, v2;
	v1 =	vmul.f32 v20, v2;
	v2 =	vld [tilespmem:$0x1FEE0];
	_ =	sdelay $0x3  }
0x2b1: {  	v40 =	vadd.f32 v40, v42  }
0x2b2: {  	v51 =	vmul.f32 v49, v13;
	v32 =	vadd.f32 v32, v63;
	v38 =	vadd.f32 v2, v48;
	v2 =	vld [tilespmem:$0x1FF20]  }
0x2b3: {  	v55 =	vmov v49;
	v49 =	vld [tilespmem:s29+$0x0];
	[tilespmem:s20+$0xEBF0] =	vst v34  }
0x2b4: {  	v7 =	vmov v53;
	v53 =	vmul.f32 v43, v9;
	v60 =	vadd.f32 v40, v60;
	v40 =	vld [tilespmem:s5+$0xF0];
	[tilespmem:s7+$0xEBB0] =	vst v32  }
0x2b5: {  	[tilespmem:$0x1FE80] =	vst v51;
	v32 =	vld [tilespmem:s18+$0x80]  }
0x2b6: {  	v51 =	vmov v50;
	v42 =	vadd.f32 v46, v53;
	v53 =	vld [tilespmem:s10+$0x40];
	[tilespmem:s0+$0xEFE0] =	vst v60;
	v0 =	vadd.f32 v0, v1  }
0x2b7: {  	v63 =	vmovc v43;
	v46 =	vmov v41;
	v43 =	vmul.f32 v41, v2;
	v41 =	vmul.f32 v51, v54;
	v54 =	vld [tilespmem:s19+$0xF0]  }
0x2b8: {  	[tilespmem:s1+$0xEFA0] =	vst v0;
	v0 =	vld [tilespmem:$0x1FF00]  }
0x2b9: {  	v52 =	vmul.f32 v61, v9;
	v36 =	vadd.f32 v37, v36;
	v1 =	vmul.f32 v7, v8;
	v8 =	vmovc v59  }
0x2ba: {  	v34 =	vmul.f32 v16, v4;
	[tilespmem:$0x1FEA0] =	vst v8;
	v8 =	vld [tilespmem:$0x1FE50]  }
0x2bb: {  	[tilespmem:s7+$0xEC30] =	vst v36;
	v48 =	vmovc v20;
	v20 =	vmov v57;
	v57 =	vadd.f32 v49, v52;
	v52 =	vld [tilespmem:$0x1FE60];
	v33 =	vadd.f32 v33, v41  }
0x2bc: {  	s5 =	smov.u32 s16;
	v59 =	vmul.f32 v20, v3;
	v3 =	vld [tilespmem:$0x1FE70];
	[tilespmem:s1+$0xF020] =	vst v38  }
0x2bd: {  	s16 =	smov.u32 s25;
	s25 =	smov.u32 s8;
	s8 =	smov.u32 s11;
	v36 =	vld [tilespmem:s5+$0xB0];
	v33 =	vadd.f32 v33, v34;
	v0 =	vadd.f32 v40, v0  }
0x2be: {  	v49 =	vld [tilespmem:s8+$0x40];
	s19 =	smov.u32 s14  }
0x2bf: {  	v40 =	vld [tilespmem:s19+$0xB0];
	[tilespmem:s20+$0xF010] =	vst v33;
	v0 =	vadd.f32 v0, v8  }
0x2c0: {  	v35 =	vmul.f32 v18, v29;
	v39 =	vmul.f32 v62, v25;
	v33 =	vld [tilespmem:s16+$0xA0]  }
0x2c1: {  	v5 =	vmov v58;
	v58 =	vmul.f32 v30, v25;
	v1 =	vadd.f32 v32, v1;
	[tilespmem:s0+$0xF070] =	vst v0;
	v0 =	vld [tilespmem:$0x1FE80]  }
0x2c2: {  	v47 =	vmul.f32 v19, v31;
	v4 =	vmovc v19;
	v19 =	vmov v31;
	v39 =	vadd.f32 v57, v39  }
0x2c3: {  	s4 =	sadd.s32 $0x100, s4;
	s12 =	sadd.s32 $0x200, s12;
	v31 =	vmovc v21;
	v37 =	vmul.f32 v63, v10;
	v59 =	vadd.f32 v1, v59;
	v57 =	vadd.f32 v53, v52  }
0x2c4: {  	s30 =	sand.u32 $0x7800, s12;
	s31 =	sand.u32 $0x300, s4;
	v21 =	vmovc v45;
	v1 =	vmul.f32 v48, v2;
	v2 =	vld [tilespmem:$0x1FEF0];
	v45 =	vadd.f32 v54, v3;
	v3 =	vmul.f32 v5, v19  }
0x2c5: {  	s9 =	sor.u32 s31, s30;
	v42 =	vadd.f32 v42, v58;
	v58 =	vmovc v63;
	v63 =	vmul.f32 v18, v6;
	s14 =	smov.u32 s18;
	v35 =	vadd.f32 v57, v35  }
0x2c6: {  	s18 =	smov.u32 s6;
	s6 =	smov.u32 s10;
	s10 =	smov.u32 s29;
	[tilespmem:s9+$0xEB80] =	vst v39;
	v8 =	vmov v18;
	v18 =	vld [tilespmem:$0x1FFD0];
	v40 =	vadd.f32 v40, v3;
	v52 =	vadd.f32 v49, v0  }
0x2c7: {  	v47 =	vadd.f32 v36, v47;
	v0 =	vld [tilespmem:s10+$0x10]  }
0x2c8: {  	[tilespmem:s7+$0xEBC0] =	vst v35;
	v35 =	vadd.f32 v52, v44;
	v44 =	vadd.f32 v40, v1;
	v1 =	vld [tilespmem:$0x1FFB0]  }
0x2c9: {  	v32 =	vadd.f32 v45, v2;
	v2 =	vld [tilespmem:$0x1FE90]  }
0x2ca: {  	v54 =	vadd.f32 v47, v43  }
0x2cb: {  	s13 =	sadd.s32 $0x2, s13;
	v50 =	vmov v56;
	v56 =	vmul.f32 v62, v27;
	s11 =	smov.u32 s21;
	[tilespmem:s9+$0xEC00] =	vst v42  }
0x2cc: {  	p0 =	slt.u32 s13, $0x7E;
	v60 =	vmul.f32 v17, v14;
	v36 =	vld [tilespmem:s11+$0x10];
	[tilespmem:s1+$0xF030] =	vst v54;
	v42 =	vmul.f32 v51, v18  }
.Ltmp1:
0x2cd: {  	v38 =	vmul.f32 v30, v26;
	v39 =	vld [tilespmem:s6+$0x50];
	[tilespmem:s0+$0xEFF0] =	vst v32;
	v1 =	vmul.f32 v48, v1;
	(pc) =	sbr.rel @p0 .LBB2_4-.Ltmp1, $4  }
0x2ce: {  	v41 =	vmul.f32 v61, v10;
	v53 =	vmov v2;
	v2 =	vadd.f32 v33, v42;
	[tilespmem:s7+$0xEC40] =	vst v35  }
0x2cf: {  	v34 =	vmul.f32 v62, v26;
	[tilespmem:$0x1FEF0] =	vst v1;
	v1 =	vmul.f32 v4, v24  }
0x2d0: {  	v57 =	vmovc v51;
	v47 =	vmovc v55;
	v45 =	vmov v7;
	v51 =	vmov v30;
	v30 =	vmov v6;
	[tilespmem:$0x1FEE0] =	vst v2;
	v42 =	vld [tilespmem:s5+$0xC0]  }
0x2d1: {  	s15 =	sadd.s32 $0x2, s15;
	v6 =	vmovc v5;
	v5 =	vmovc v61;
	v49 =	vmov v62;
	v62 =	vmul.f32 v55, v14;
	v55 =	vmov v17;
	s0 =	smov.u32 s1;
	s1 =	smov.u32 s20;
	v52 =	vld [tilespmem:s8+$0x50];
	[tilespmem:$0x1FF00] =	vst v1  }
0x2d2: {  	v1 =	vadd.f32 v36, v37  }
0x2d3: {  	v0 =	vadd.f32 v0, v41  }
0x2d4: {  	v1 =	vadd.f32 v1, v38  }
0x2d5: {  	v0 =	vadd.f32 v0, v34  }
0x2d6: {  	[tilespmem:s9+$0xEC10] =	vst v1  }
0x2d7: {  	[tilespmem:s9+$0xEB90] =	vst v0;
	v37 =	vld [tilespmem:s11+$0x20]  }
0x2d8: {  	v2 =	vld [tilespmem:$0x1FED0];
	_ =	sdelay $0x4  }
0x2d9: {  	v33 =	vmul.f32 v51, v28;
	v0 =	vadd.f32 v37, v2  }
0x2da: {  	v38 =	vld [tilespmem:s10+$0x20]  }
0x2db: {  	v0 =	vadd.f32 v0, v33;
	_ =	sdelay $0x1  }
0x2dc: {  	v32 =	vmul.f32 v5, v11;
	[tilespmem:s9+$0xEC20] =	vst v0  }
0x2dd: {  	v0 =	vld [tilespmem:s11+$0x30]  }
0x2de: {  	v40 =	vmul.f32 v49, v28;
	v1 =	vadd.f32 v38, v32;
	_ =	sdelay $0x1  }
0x2df: {  	v41 =	vmul.f32 v58, v12;
	v1 =	vadd.f32 v1, v40;
	_ =	sdelay $0x1  }
0x2e0: {  	v54 =	vmul.f32 v51, v27;
	[tilespmem:s9+$0xEBA0] =	vst v1;
	v0 =	vadd.f32 v0, v41  }
0x2e1: {  	v1 =	vld [tilespmem:s10+$0x30]  }
0x2e2: {  	v0 =	vadd.f32 v0, v54;
	_ =	sdelay $0x1  }
0x2e3: {  	v43 =	vmul.f32 v5, v12;
	[tilespmem:s9+$0xEC30] =	vst v0  }
0x2e4: {  	v0 =	vld [tilespmem:s11+$0x40]  }
0x2e5: {  	v1 =	vadd.f32 v1, v43;
	_ =	sdelay $0x1  }
0x2e6: {  	v3 =	vmul.f32 v58, v13;
	v1 =	vadd.f32 v1, v56;
	_ =	sdelay $0x1  }
0x2e7: {  	v36 =	vmul.f32 v51, v29;
	[tilespmem:s9+$0xEBB0] =	vst v1;
	v0 =	vadd.f32 v0, v3  }
0x2e8: {  	v1 =	vld [tilespmem:s10+$0x40]  }
0x2e9: {  	[tilespmem:s0+$0xEFB0] =	vst v44;
	v0 =	vadd.f32 v0, v36  }
0x2ea: {  	v54 =	vmov v6;
	v6 =	vld [tilespmem:$0x1FF60]  }
0x2eb: {  	v7 =	vmul.f32 v5, v13;
	[tilespmem:s9+$0xEC40] =	vst v0  }
0x2ec: {  	v35 =	vadd.f32 v39, v60;
	v60 =	vld [tilespmem:$0x1FEC0]  }
0x2ed: {  	v37 =	vmul.f32 v49, v29;
	v38 =	vmul.f32 v4, v21;
	v1 =	vadd.f32 v1, v7;
	_ =	sdelay $0x1  }
0x2ee: {  	v41 =	vadd.f32 v42, v38;
	v42 =	vmul.f32 v46, v6;
	v1 =	vadd.f32 v1, v37  }
0x2ef: {  	v35 =	vadd.f32 v35, v63;
	v44 =	vadd.f32 v52, v62;
	v40 =	vld [tilespmem:s19+$0xC0]  }
0x2f0: {  	v38 =	vld [tilespmem:s25+$0x70];
	v52 =	vmul.f32 v54, v21;
	v32 =	vadd.f32 v41, v42;
	[tilespmem:s9+$0xEBC0] =	vst v1;
	v43 =	vmul.f32 v60, v30  }
0x2f1: {  	v1 =	vld [tilespmem:s11+$0x50];
	[tilespmem:s7+$0xEBD0] =	vst v35  }
0x2f2: {  	v62 =	vmul.f32 v58, v14;
	[tilespmem:s0+$0xF040] =	vst v32;
	v33 =	vld [tilespmem:s10+$0x50];
	v0 =	vadd.f32 v44, v43  }
0x2f3: {  	v7 =	vld [tilespmem:$0x1FF90]  }
0x2f4: {  	v34 =	vadd.f32 v40, v52;
	v52 =	vmov v16;
	v56 =	vmul.f32 v48, v6;
	v16 =	vld [tilespmem:$0x1FF30];
	[tilespmem:s7+$0xEC50] =	vst v0  }
0x2f5: {  	v2 =	vld [tilespmem:$0x1FF50]  }
0x2f6: {  	v1 =	vadd.f32 v1, v62;
	v62 =	vmovc v51;
	v0 =	vadd.f32 v34, v56;
	v56 =	vmul.f32 v51, v30;
	v51 =	vld [tilespmem:$0x1FEB0]  }
0x2f7: {  	v63 =	vmul.f32 v5, v14;
	_ =	sdelay $0x1  }
0x2f8: {  	v40 =	vmul.f32 v50, v16;
	v33 =	vadd.f32 v33, v63;
	v43 =	vmul.f32 v49, v30;
	_ =	sdelay $0x1  }
0x2f9: {  	v38 =	vadd.f32 v38, v40;
	v33 =	vadd.f32 v33, v43;
	[tilespmem:s1+$0xEF80] =	vst v59;
	v42 =	vmul.f32 v51, v2  }
0x2fa: {  	v41 =	vld [tilespmem:s5+$0xD0];
	[tilespmem:s0+$0xEFC0] =	vst v0;
	v0 =	vadd.f32 v1, v56  }
0x2fb: {  	[tilespmem:s9+$0xEBD0] =	vst v33;
	v38 =	vadd.f32 v38, v42  }
0x2fc: {  	v37 =	vld [tilespmem:s6+$0x60];
	[tilespmem:s9+$0xEC50] =	vst v0  }
0x2fd: {  	v35 =	vmul.f32 v4, v22;
	v39 =	vld [tilespmem:s8+$0x60];
	[tilespmem:s17+$0xEC70] =	vst v38  }
0x2fe: {  	v61 =	vmov v58;
	v58 =	vmul.f32 v55, v15;
	v17 =	vld [tilespmem:$0x1FFA0]  }
0x2ff: {  	v32 =	vmul.f32 v46, v7;
	v35 =	vadd.f32 v41, v35;
	v38 =	vmul.f32 v4, v23;
	v4 =	vld [tilespmem:$0x1FFC0]  }
0x300: {  	v44 =	vmul.f32 v47, v15  }
0x301: {  	v32 =	vadd.f32 v35, v32  }
0x302: {  	v3 =	vadd.f32 v37, v58;
	v56 =	vmovc v47;
	v47 =	vmul.f32 v60, v31;
	v37 =	vadd.f32 v39, v44  }
0x303: {  	v58 =	vmov v45;
	v36 =	vld [tilespmem:s19+$0xD0];
	[tilespmem:s0+$0xF050] =	vst v32  }
0x304: {  	v1 =	vadd.f32 v37, v47;
	v43 =	vmul.f32 v45, v17;
	v37 =	vmul.f32 v20, v4;
	v45 =	vmovc v20;
	v20 =	vld [tilespmem:$0x1FF70]  }
0x305: {  	v41 =	vld [tilespmem:s10+$0x60]  }
0x306: {  	v63 =	vmul.f32 v8, v31;
	v34 =	vmul.f32 v54, v22;
	v33 =	vld [tilespmem:s11+$0x60];
	_ =	sdelay $0x1  }
0x307: {  	v0 =	vadd.f32 v3, v63;
	v63 =	vmul.f32 v61, v15;
	v34 =	vadd.f32 v36, v34;
	v36 =	vld [tilespmem:s18+$0x70]  }
0x308: {  	v59 =	vmovc v55;
	v55 =	vmovc v46;
	v46 =	vmov v50;
	v40 =	vld [tilespmem:s14+$0x90];
	v32 =	vmul.f32 v50, v20;
	v50 =	vmul.f32 v5, v15;
	_ =	sdelay $0x1  }
0x309: {  	v33 =	vadd.f32 v33, v63;
	[tilespmem:s7+$0xEC60] =	vst v1;
	v63 =	vadd.f32 v41, v50;
	v50 =	vmul.f32 v53, v16  }
0x30a: {  	[tilespmem:s7+$0xEBE0] =	vst v0  }
0x30b: {  	v36 =	vadd.f32 v36, v50;
	v50 =	vld [tilespmem:$0x1FEA0]  }
0x30c: {  	v42 =	vld [tilespmem:s25+$0x80];
	v1 =	vadd.f32 v40, v43;
	v43 =	vmul.f32 v62, v31  }
0x30d: {  	v39 =	vmul.f32 v48, v7;
	v3 =	vld [tilespmem:$0x1FF80]  }
0x30e: {  	v47 =	vmul.f32 v49, v31;
	v33 =	vadd.f32 v33, v43  }
0x30f: {  	v0 =	vadd.f32 v34, v39;
	v34 =	vld [tilespmem:s8+$0x70]  }
0x310: {  	v40 =	vld [tilespmem:s5+$0xE0];
	v39 =	vadd.f32 v63, v47;
	[tilespmem:s9+$0xEC60] =	vst v33;
	v63 =	vmul.f32 v50, v2  }
0x311: {  	v44 =	vmov v8;
	v1 =	vadd.f32 v1, v37;
	v8 =	vld [tilespmem:$0x1FFF0]  }
0x312: {  	v43 =	vld [tilespmem:s6+$0x70];
	v37 =	vmul.f32 v51, v3;
	v32 =	vadd.f32 v42, v32;
	[tilespmem:s0+$0xEFD0] =	vst v0;
	v47 =	vadd.f32 v36, v63  }
0x313: {  	v42 =	vmul.f32 v56, v16;
	[tilespmem:s1+$0xEF90] =	vst v1  }
0x314: {  	v32 =	vadd.f32 v32, v37;
	[tilespmem:s9+$0xEBE0] =	vst v39;
	v39 =	vld [tilespmem:s11+$0x70]  }
0x315: {  	v37 =	vmul.f32 v59, v16;
	v34 =	vadd.f32 v34, v42;
	v1 =	vld [tilespmem:s19+$0xE0];
	v63 =	vmul.f32 v60, v2;
	[tilespmem:s17+$0xEBF0] =	vst v47  }
0x316: {  	v38 =	vadd.f32 v40, v38;
	v33 =	vmul.f32 v55, v8;
	v47 =	vmov v5;
	v5 =	vld [tilespmem:$0x1FFE0]  }
0x317: {  	v40 =	vmul.f32 v44, v2;
	v37 =	vadd.f32 v43, v37;
	v41 =	vld [tilespmem:s10+$0x70];
	v34 =	vadd.f32 v34, v63;
	[tilespmem:s17+$0xF000] =	vst v32  }
0x318: {  	v63 =	vmul.f32 v61, v16;
	v32 =	vadd.f32 v38, v33;
	v38 =	vmul.f32 v47, v16;
	v16 =	vld [tilespmem:$0x1FEE0]  }
0x319: {  	v35 =	vmul.f32 v54, v23;
	v33 =	vld [tilespmem:s18+$0x80]  }
0x31a: {  	v37 =	vadd.f32 v37, v40  }
0x31b: {  	v42 =	vld [tilespmem:s14+$0xA0];
	v1 =	vadd.f32 v1, v35;
	[tilespmem:s7+$0xEC70] =	vst v34;
	v43 =	vmul.f32 v52, v5  }
0x31c: {  	v35 =	vmul.f32 v53, v20;
	v36 =	vadd.f32 v39, v63;
	v34 =	vmul.f32 v62, v2;
	[tilespmem:s7+$0xEBF0] =	vst v37;
	v37 =	vld [tilespmem:s8+$0x80]  }
0x31d: {  	v38 =	vadd.f32 v41, v38;
	v41 =	vmul.f32 v49, v2;
	v0 =	vadd.f32 v16, v43  }
0x31e: {  	v63 =	vmul.f32 v58, v18;
	v34 =	vadd.f32 v36, v34;
	v33 =	vadd.f32 v33, v35  }
0x31f: {  	v35 =	vmul.f32 v50, v3;
	[tilespmem:s1+$0xF020] =	vst v0;
	v0 =	vadd.f32 v38, v41;
	v41 =	vmul.f32 v56, v20  }
0x320: {  	v39 =	vadd.f32 v42, v63;
	v63 =	vmul.f32 v45, v5;
	[tilespmem:s9+$0xEC70] =	vst v34  }
0x321: {  	v2 =	vmul.f32 v60, v3;
	v33 =	vadd.f32 v33, v35;
	[tilespmem:s9+$0xEBF0] =	vst v0;
	v0 =	vld [tilespmem:s11+$0x80];
	v37 =	vadd.f32 v37, v41  }
0x322: {  	v36 =	vld [tilespmem:s6+$0x80];
	v39 =	vadd.f32 v39, v63  }
0x323: {  	v40 =	vld [tilespmem:s25+$0x90];
	[tilespmem:s17+$0xEF80] =	vst v33;
	v33 =	vadd.f32 v37, v2  }
0x324: {  	[tilespmem:s1+$0xEFA0] =	vst v39;
	v38 =	vld [tilespmem:s16+$0xB0];
	v2 =	vmul.f32 v61, v20  }
0x325: {  	v63 =	vmul.f32 v59, v20;
	v41 =	vld [tilespmem:s10+$0x80];
	[tilespmem:s7+$0xF000] =	vst v33  }
0x326: {  	v34 =	vmul.f32 v46, v17;
	v0 =	vadd.f32 v0, v2;
	v2 =	vld [tilespmem:$0x1FF20]  }
0x327: {  	v42 =	vmul.f32 v57, v19;
	v36 =	vadd.f32 v36, v63;
	v63 =	vmul.f32 v44, v3;
	v39 =	vld [tilespmem:s18+$0x90]  }
0x328: {  	v34 =	vadd.f32 v40, v34;
	v37 =	vmul.f32 v51, v4  }
0x329: {  	v36 =	vadd.f32 v36, v63;
	v63 =	vmul.f32 v47, v20;
	v38 =	vadd.f32 v38, v42  }
0x32a: {  	v42 =	vld [tilespmem:s14+$0xB0];
	v33 =	vmul.f32 v62, v3;
	v34 =	vadd.f32 v34, v37;
	v37 =	vmul.f32 v53, v17  }
0x32b: {  	[tilespmem:s7+$0xEF80] =	vst v36;
	v36 =	vld [tilespmem:s8+$0x90];
	v40 =	vadd.f32 v41, v63;
	v63 =	vmul.f32 v49, v3;
	v35 =	vmul.f32 v52, v2  }
0x32c: {  	v37 =	vadd.f32 v39, v37;
	v0 =	vadd.f32 v0, v33;
	v33 =	vld [tilespmem:s6+$0x90]  }
0x32d: {  	v39 =	vmul.f32 v50, v4;
	v35 =	vadd.f32 v38, v35;
	v38 =	vadd.f32 v40, v63  }
0x32e: {  	v41 =	vmul.f32 v48, v8;
	[tilespmem:s9+$0xF000] =	vst v0;
	v63 =	vmul.f32 v58, v19  }
0x32f: {  	v48 =	vmul.f32 v59, v17;
	v0 =	vmul.f32 v56, v17;
	[tilespmem:s9+$0xEF80] =	vst v38;
	v38 =	vld [tilespmem:s11+$0x90]  }
0x330: {  	[tilespmem:s17+$0xF010] =	vst v34;
	v37 =	vadd.f32 v37, v39;
	v40 =	vadd.f32 v42, v63;
	v63 =	vmul.f32 v45, v2  }
0x331: {  	v39 =	vld [tilespmem:s25+$0xA0];
	v0 =	vadd.f32 v36, v0;
	v33 =	vadd.f32 v33, v48;
	[tilespmem:s1+$0xF030] =	vst v35;
	v35 =	vmul.f32 v60, v4  }
0x332: {  	v48 =	vmul.f32 v44, v4;
	v34 =	vadd.f32 v40, v63;
	v40 =	vld [tilespmem:s16+$0xC0];
	v63 =	vmul.f32 v61, v17  }
0x333: {  	v43 =	vmul.f32 v62, v4;
	[tilespmem:s17+$0xEF90] =	vst v37;
	v36 =	vld [tilespmem:s10+$0x90];
	v0 =	vadd.f32 v0, v35  }
0x334: {  	[tilespmem:s0+$0xF060] =	vst v32;
	v32 =	vld [tilespmem:s18+$0xA0];
	v33 =	vadd.f32 v33, v48;
	v48 =	vmul.f32 v46, v18;
	v37 =	vadd.f32 v38, v63  }
0x335: {  	v1 =	vadd.f32 v1, v41;
	[tilespmem:s7+$0xF010] =	vst v0;
	v63 =	vmul.f32 v57, v21  }
0x336: {  	v35 =	vmul.f32 v47, v17;
	v39 =	vadd.f32 v39, v48;
	[tilespmem:s7+$0xEF90] =	vst v33;
	v38 =	vld [tilespmem:s8+$0xA0];
	v37 =	vadd.f32 v37, v43  }
0x337: {  	v41 =	vld [tilespmem:s5+$0xF0];
	v48 =	vmul.f32 v53, v18;
	[tilespmem:s1+$0xEFB0] =	vst v34;
	v0 =	vadd.f32 v40, v63;
	v63 =	vmul.f32 v51, v5  }
0x338: {  	v4 =	vmul.f32 v49, v4;
	v35 =	vadd.f32 v36, v35;
	v40 =	vld [tilespmem:s6+$0xA0];
	[tilespmem:s9+$0xF010] =	vst v37  }
0x339: {  	v32 =	vadd.f32 v32, v48;
	v34 =	vadd.f32 v39, v63;
	v63 =	vmul.f32 v56, v18;
	v48 =	vld [tilespmem:$0x1FF00]  }
0x33a: {  	v36 =	vld [tilespmem:s14+$0xC0];
	v35 =	vadd.f32 v35, v4;
	v37 =	vmul.f32 v50, v5  }
0x33b: {  	v4 =	vmul.f32 v60, v5;
	v42 =	vld [tilespmem:s11+$0xA0];
	[tilespmem:s17+$0xF020] =	vst v34;
	v34 =	vadd.f32 v38, v63  }
0x33c: {  	v3 =	vmul.f32 v59, v18;
	[tilespmem:s9+$0xEF90] =	vst v35;
	v32 =	vadd.f32 v32, v37  }
0x33d: {  	v33 =	vmul.f32 v52, v6;
	v35 =	vld [tilespmem:s10+$0xA0];
	v37 =	vmul.f32 v58, v21;
	v34 =	vadd.f32 v34, v4  }
0x33e: {  	v39 =	vld [tilespmem:s25+$0xB0];
	[tilespmem:s17+$0xEFA0] =	vst v32;
	v41 =	vadd.f32 v41, v48;
	v48 =	vadd.f32 v40, v3;
	v3 =	vmul.f32 v61, v18  }
0x33f: {  	v63 =	vmul.f32 v44, v5;
	v36 =	vadd.f32 v36, v37;
	v37 =	vld [tilespmem:s18+$0xB0];
	[tilespmem:s7+$0xF020] =	vst v34  }
0x340: {  	v0 =	vadd.f32 v0, v33;
	v4 =	vmul.f32 v47, v18;
	v33 =	vadd.f32 v42, v3;
	v3 =	vld [tilespmem:$0x1FFB0]  }
0x341: {  	v34 =	vmul.f32 v46, v19;
	v32 =	vadd.f32 v48, v63  }
0x342: {  	v40 =	vmul.f32 v62, v5;
	v35 =	vadd.f32 v35, v4;
	v48 =	vmul.f32 v49, v5  }
0x343: {  	v43 =	vld [tilespmem:s8+$0xB0];
	v4 =	vmul.f32 v51, v2;
	v63 =	vmul.f32 v53, v19;
	v34 =	vadd.f32 v39, v34;
	[tilespmem:s7+$0xEFA0] =	vst v32  }
0x344: {  	[tilespmem:s1+$0xF040] =	vst v0;
	v5 =	vmul.f32 v45, v6;
	v33 =	vadd.f32 v33, v40;
	v35 =	vadd.f32 v35, v48;
	v39 =	vld [tilespmem:s6+$0xB0]  }
0x345: {  	v32 =	vadd.f32 v37, v63;
	v37 =	vld [tilespmem:s16+$0xD0];
	v48 =	vmul.f32 v50, v2;
	v55 =	vmul.f32 v55, v3  }
0x346: {  	v0 =	vadd.f32 v34, v4;
	v63 =	vmul.f32 v59, v19;
	[tilespmem:s9+$0xEFA0] =	vst v35;
	v35 =	vadd.f32 v36, v5  }
0x347: {  	[tilespmem:s9+$0xF020] =	vst v33;
	v32 =	vadd.f32 v32, v48;
	v36 =	vld [tilespmem:s10+$0xB0];
	v40 =	vadd.f32 v41, v55;
	v55 =	vmul.f32 v56, v19  }
0x348: {  	v4 =	vmul.f32 v57, v22;
	[tilespmem:s17+$0xF030] =	vst v0;
	v5 =	vmul.f32 v60, v2;
	v41 =	vld [tilespmem:s11+$0xB0]  }
0x349: {  	v42 =	vld [tilespmem:s25+$0xC0];
	[tilespmem:s17+$0xEFB0] =	vst v32;
	v33 =	vadd.f32 v39, v63;
	v34 =	vadd.f32 v43, v55;
	v43 =	vmul.f32 v44, v2  }
0x34a: {  	v48 =	vmul.f32 v61, v19;
	v37 =	vadd.f32 v37, v4;
	v38 =	vld [tilespmem:s18+$0xC0];
	v55 =	vmul.f32 v47, v19  }
0x34b: {  	[tilespmem:s1+$0xEFC0] =	vst v35;
	v4 =	vmul.f32 v46, v21;
	v0 =	vadd.f32 v34, v5;
	v32 =	vadd.f32 v33, v43  }
0x34c: {  	v39 =	vld [tilespmem:s14+$0xD0];
	v33 =	vmul.f32 v62, v2;
	v5 =	vmul.f32 v49, v2;
	v34 =	vadd.f32 v36, v55  }
0x34d: {  	v55 =	vmul.f32 v53, v21;
	v63 =	vadd.f32 v41, v48;
	v48 =	vmul.f32 v52, v7;
	[tilespmem:s7+$0xF030] =	vst v0  }
0x34e: {  	v41 =	vadd.f32 v42, v4;
	v4 =	vmul.f32 v58, v22;
	[tilespmem:s7+$0xEFB0] =	vst v32;
	v0 =	vadd.f32 v34, v5;
	v35 =	vld [tilespmem:s8+$0xC0]  }
0x34f: {  	v32 =	vadd.f32 v38, v55;
	v33 =	vadd.f32 v63, v33;
	v63 =	vmul.f32 v51, v6;
	v34 =	vld [tilespmem:s6+$0xC0]  }
0x350: {  	v5 =	vmul.f32 v50, v6;
	v55 =	vmul.f32 v56, v21;
	v36 =	vadd.f32 v37, v48;
	[tilespmem:s9+$0xEFB0] =	vst v0  }
0x351: {  	v0 =	vadd.f32 v39, v4;
	v4 =	vmul.f32 v45, v7;
	[tilespmem:s9+$0xF030] =	vst v33;
	v48 =	vadd.f32 v41, v63;
	v33 =	vld [tilespmem:s10+$0xC0]  }
0x352: {  	[tilespmem:s0+$0xEFE0] =	vst v1;
	v2 =	vmul.f32 v59, v21;
	v63 =	vadd.f32 v32, v5;
	v42 =	vld [tilespmem:s11+$0xC0]  }
0x353: {  	v5 =	vmul.f32 v60, v6;
	v0 =	vadd.f32 v0, v4;
	[tilespmem:s17+$0xF040] =	vst v48;
	v35 =	vadd.f32 v35, v55  }
0x354: {  	v4 =	vmul.f32 v47, v21;
	[tilespmem:s17+$0xEFC0] =	vst v63;
	v41 =	vld [tilespmem:s25+$0xD0];
	v48 =	vadd.f32 v34, v2;
	v55 =	vmul.f32 v44, v6  }
0x355: {  	[tilespmem:s1+$0xF050] =	vst v36;
	v63 =	vmul.f32 v61, v21;
	v36 =	vld [tilespmem:s18+$0xD0];
	v35 =	vadd.f32 v35, v5  }
0x356: {  	v38 =	vld [tilespmem:s19+$0xF0];
	v1 =	vadd.f32 v48, v55;
	v33 =	vadd.f32 v33, v4;
	v55 =	vmul.f32 v49, v6  }
0x357: {  	v32 =	vld [tilespmem:s16+$0xE0];
	[tilespmem:s1+$0xEFD0] =	vst v0;
	v5 =	vmul.f32 v62, v6;
	v48 =	vmul.f32 v46, v22;
	v34 =	vadd.f32 v42, v63  }
0x358: {  	v37 =	vld [tilespmem:s14+$0xE0];
	v4 =	vmul.f32 v53, v22;
	v63 =	vmul.f32 v54, v24;
	[tilespmem:s7+$0xF040] =	vst v35;
	v33 =	vadd.f32 v33, v55  }
0x359: {  	[tilespmem:s7+$0xEFC0] =	vst v1;
	v34 =	vadd.f32 v34, v5;
	v5 =	vld [tilespmem:s8+$0xD0];
	v35 =	vadd.f32 v41, v48;
	v48 =	vmul.f32 v51, v7  }
0x35a: {  	v6 =	vmul.f32 v57, v23;
	v41 =	vld [tilespmem:s6+$0xD0];
	v1 =	vadd.f32 v36, v4;
	[tilespmem:s9+$0xEFC0] =	vst v33  }
0x35b: {  	v54 =	vmul.f32 v50, v7;
	v38 =	vadd.f32 v38, v63;
	[tilespmem:s9+$0xF040] =	vst v34;
	v63 =	vadd.f32 v35, v48;
	v35 =	vld [tilespmem:s10+$0xD0]  }
0x35c: {  	v2 =	vmul.f32 v59, v22;
	v0 =	vadd.f32 v32, v6;
	v55 =	vmul.f32 v56, v22;
	v42 =	vld [tilespmem:s11+$0xD0]  }
0x35d: {  	v6 =	vmul.f32 v44, v7;
	v4 =	vmul.f32 v58, v23;
	v1 =	vadd.f32 v1, v54  }
0x35e: {  	v32 =	vadd.f32 v5, v55;
	v5 =	vmul.f32 v60, v7;
	v55 =	vmul.f32 v47, v22  }
0x35f: {  	v48 =	vmul.f32 v61, v22;
	v36 =	vadd.f32 v37, v4;
	v34 =	vadd.f32 v41, v2  }
0x360: {  	[tilespmem:s17+$0xF050] =	vst v63;
	v54 =	vadd.f32 v32, v5;
	v5 =	vmul.f32 v49, v7;
	v32 =	vadd.f32 v35, v55  }
0x361: {  	[tilespmem:s17+$0xEFD0] =	vst v1;
	v63 =	vmul.f32 v62, v7;
	v37 =	vld [tilespmem:s25+$0xE0];
	v33 =	vadd.f32 v34, v6;
	v41 =	vadd.f32 v42, v48  }
0x362: {  	v39 =	vld [tilespmem:s18+$0xE0];
	[tilespmem:s7+$0xF050] =	vst v54;
	v1 =	vadd.f32 v32, v5  }
0x363: {  	v4 =	vmul.f32 v52, v8;
	[tilespmem:s7+$0xEFD0] =	vst v33;
	v34 =	vadd.f32 v41, v63  }
0x364: {  	v7 =	vmul.f32 v46, v23;
	v41 =	vld [tilespmem:s8+$0xE0];
	[tilespmem:s9+$0xEFD0] =	vst v1  }
0x365: {  	v0 =	vadd.f32 v0, v4;
	v6 =	vmul.f32 v45, v8;
	v48 =	vmul.f32 v53, v23;
	v32 =	vld [tilespmem:s6+$0xE0];
	[tilespmem:s9+$0xF050] =	vst v34  }
0x366: {  	v4 =	vmul.f32 v56, v23;
	v54 =	vmul.f32 v51, v8;
	v33 =	vadd.f32 v37, v7;
	v5 =	vld [tilespmem:$0x1FEF0]  }
0x367: {  	v55 =	vmul.f32 v50, v8;
	v35 =	vadd.f32 v36, v6;
	v63 =	vadd.f32 v39, v48;
	v1 =	vld [tilespmem:s11+$0xE0]  }
0x368: {  	v7 =	vmul.f32 v59, v23;
	v48 =	vmul.f32 v60, v8;
	v6 =	vadd.f32 v33, v54;
	v36 =	vld [tilespmem:s10+$0xE0];
	[tilespmem:s1+$0xF060] =	vst v0  }
0x369: {  	v34 =	vadd.f32 v63, v55;
	v54 =	vmul.f32 v44, v8;
	v55 =	vmul.f32 v61, v23;
	[tilespmem:s1+$0xEFE0] =	vst v35  }
0x36a: {  	v63 =	vmul.f32 v57, v24;
	v57 =	vmul.f32 v53, v24;
	v35 =	vld [tilespmem:s16+$0xF0];
	[tilespmem:s17+$0xF060] =	vst v6;
	v39 =	vadd.f32 v41, v4  }
0x36b: {  	v32 =	vadd.f32 v32, v7;
	v4 =	vld [tilespmem:s25+$0xF0];
	v38 =	vadd.f32 v38, v5;
	v5 =	vmul.f32 v47, v23  }
0x36c: {  	v6 =	vmul.f32 v62, v8;
	v41 =	vld [tilespmem:s14+$0xF0];
	v37 =	vadd.f32 v39, v48;
	v1 =	vadd.f32 v1, v55  }
0x36d: {  	[tilespmem:s17+$0xEFE0] =	vst v34;
	v0 =	vadd.f32 v32, v54;
	v48 =	vmul.f32 v49, v8;
	v36 =	vadd.f32 v36, v5  }
0x36e: {  	v53 =	vmul.f32 v61, v24;
	v32 =	vld [tilespmem:s18+$0xF0];
	v54 =	vmul.f32 v46, v24;
	[tilespmem:s7+$0xF060] =	vst v37;
	v1 =	vadd.f32 v1, v6  }
0x36f: {  	v7 =	vmul.f32 v58, v24;
	v46 =	vmul.f32 v56, v24;
	[tilespmem:s7+$0xEFE0] =	vst v0;
	v58 =	vld [tilespmem:s8+$0xF0];
	v36 =	vadd.f32 v36, v48  }
0x370: {  	v35 =	vadd.f32 v35, v63;
	v33 =	vadd.f32 v4, v54;
	v4 =	vmul.f32 v52, v3;
	v5 =	vld [tilespmem:s6+$0xF0];
	[tilespmem:s9+$0xF060] =	vst v1  }
0x371: {  	v63 =	vmul.f32 v45, v3;
	v55 =	vadd.f32 v41, v7;
	v6 =	vmul.f32 v50, v3;
	v45 =	vld [tilespmem:s11+$0xF0];
	[tilespmem:s9+$0xEFE0] =	vst v36  }
0x372: {  	[tilespmem:s0+$0xF070] =	vst v40;
	v7 =	vmul.f32 v51, v3;
	v50 =	vmul.f32 v59, v24;
	v35 =	vadd.f32 v35, v4;
	v48 =	vld [tilespmem:s10+$0xF0]  }
0x373: {  	[tilespmem:s0+$0xEFF0] =	vst v38;
	v52 =	vmul.f32 v60, v3;
	v0 =	vadd.f32 v32, v57;
	v34 =	vadd.f32 v55, v63  }
0x374: {  	v54 =	vmul.f32 v44, v3;
	v33 =	vadd.f32 v33, v7;
	[tilespmem:s1+$0xF070] =	vst v35;
	v51 =	vadd.f32 v58, v46  }
0x375: {  	v55 =	vmul.f32 v47, v24;
	v0 =	vadd.f32 v0, v6;
	[tilespmem:s1+$0xEFF0] =	vst v34;
	v1 =	vadd.f32 v5, v50  }
0x376: {  	[tilespmem:s17+$0xF070] =	vst v33;
	v58 =	vmul.f32 v62, v3;
	v56 =	vadd.f32 v51, v52;
	v57 =	vadd.f32 v45, v53  }
0x377: {  	v61 =	vmul.f32 v49, v3;
	[tilespmem:s17+$0xEFF0] =	vst v0;
	v59 =	vadd.f32 v1, v54;
	v60 =	vadd.f32 v48, v55  }
0x378: {  	[tilespmem:s7+$0xF070] =	vst v56;
	v62 =	vadd.f32 v57, v58  }
0x379: {  	[tilespmem:s7+$0xEFF0] =	vst v59;
	v63 =	vadd.f32 v60, v61  }
0x37a: {  	[tilespmem:s9+$0xF070] =	vst v62  }
0x37b: {  	[tilespmem:s9+$0xEFF0] =	vst v63  }
0x37c: {  	[tilespmem:$0x1FDF0] =	vst v24  }
0x37d: {  	s26 =	simm.s32 $0x0;
	[tilespmem:$0x1FE00] =	vst v19  }
0x37e: {  	s2 =	simm.s32 $0xEB80;
	s4 =	simm.s32 $0x5101;
	s28 =	simm.s32 $0x5981;
	[tilespmem:$0x1FE10] =	vst v21  }
0x37f: {  	s29 =	simm.s32 $0x6201;
	s30 =	simm.s32 $0x5181;
	s1 =	rddreg [dreg:$0xb];
	[tilespmem:$0x1FE20] =	vst v22  }
0x380: {  	[hbm4b:s1+s26] =	stream.linear.scatter [tilespmem:s2], [sflag:$0x2], $0x8000, $0x38;
	[tilespmem:$0x16B80] =	vst v63  }
0x381: {  	s31 =	simm.s32 $0x5A01;
	[tilespmem:$0x1FE30] =	vst v23;
	s26 =	simm.s32 $0x1;
	s1 =	simm.s32 $0x6281  }
.LBB2_6:
0x382: {  	s0 =	simm.s32 $0x1  }
0x383: {  	_ =	swait.ge [sflag:s0], $0x8000  }
0x384: {  	[sflag:s0] =	ssyncset.done $0x0  }
0x385: {  	[sflag:s0] =	ssyncadd.s32 $0xFFFF8000  }
0x386: {  	v0 =	vld [tilespmem:s29+$0x0];
	_ =	sdelay $0x4  }
0x387: {  	(v2sf) =	vpush v0, $0x0;
	_ =	sdelay $0xd  }
0x388: {  	v45 =	vld.msk [tilespmem:s4+$0x0 ss:$0x0], $0xffff  }
0x389: {  	v44 =	vld.msk [tilespmem:s28+$0x0 ss:$0x0], $0xffff;
	s3 =	spop (v2sf)  }
0x38a: {  	v0 =	vld [tilespmem:s3+$0x0];
	_ =	sdelay $0x2  }
0x38b: {  	v1 =	vmul.f32 v45, v9;
	_ =	sdelay $0x1  }
0x38c: {  	s24 =	simm.s32 $0x0;
	v32 =	vmul.f32 v44, v25;
	v0 =	vadd.f32 v0, v1  }
0x38d: {  	s2 =	simm.s32 $0x80;
	s0 =	sand.u32 $0x7800, s24  }
0x38e: {  	s25 =	sand.u32 $0x380, s2;
	s6 =	sadd.s32 $0x6B80, s0;
	v0 =	vadd.f32 v0, v32  }
0x38f: {  	s0 =	sadd.s32 s25, s6  }
0x390: {  	[tilespmem:s0+$0x0] =	vst v0  }
0x391: {  	v0 =	vld [tilespmem:s3+$0x10];
	_ =	sdelay $0x2  }
0x392: {  	v53 =	vmul.f32 v45, v10;
	v1 =	vld [tilespmem:s29+$0xFFFFFFFF];
	_ =	sdelay $0x1  }
0x393: {  	v33 =	vmul.f32 v44, v26;
	v0 =	vadd.f32 v0, v53;
	_ =	sdelay $0x1  }
0x394: {  	v0 =	vadd.f32 v0, v33  }
0x395: {  	s5 =	sadd.s32 $0x2, s29;
	(v2sf) =	vpush v1, $0x0  }
0x396: {  	v1 =	vld [tilespmem:s5+$0x0];
	[tilespmem:s0+$0x10] =	vst v0  }
0x397: {  	v0 =	vld [tilespmem:s3+$0x20];
	_ =	sdelay $0x2  }
0x398: {  	v54 =	vmul.f32 v45, v11;
	_ =	sdelay $0x1  }
0x399: {  	v56 =	vld [tilespmem:s5+$0xFFFFFFFF];
	v55 =	vmul.f32 v44, v28;
	(v2sf) =	vpush v1, $0x0;
	v0 =	vadd.f32 v0, v54;
	_ =	sdelay $0x1  }
0x39a: {  	v0 =	vadd.f32 v0, v55;
	_ =	sdelay $0x1  }
0x39b: {  	[tilespmem:s0+$0x20] =	vst v0  }
0x39c: {  	(v2sf) =	vpush v56, $0x0;
	v0 =	vld [tilespmem:s3+$0x30];
	_ =	sdelay $0x1  }
0x39d: {  	v63 =	vld.msk [tilespmem:s4+$0xFFFFFFFF ss:$0x0], $0xffff  }
0x39e: {  	v3 =	vld.msk [tilespmem:s28+$0xFFFFFFFF ss:$0x0], $0xffff;
	v1 =	vmul.f32 v45, v12;
	s21 =	spop (v2sf)  }
0x39f: {  	v57 =	vld [tilespmem:s21+$0x0]  }
0x3a0: {  	v58 =	vmul.f32 v44, v27;
	v0 =	vadd.f32 v0, v1;
	_ =	sdelay $0x1  }
0x3a1: {  	s2 =	sadd.s32 $0x2, s4;
	[dreg:$0xf] =	wrdreg s4;
	v1 =	vmul.f32 v63, v9;
	v0 =	vadd.f32 v0, v58  }
0x3a2: {  	s8 =	sadd.s32 $0x2, s28;
	v35 =	vld.msk [tilespmem:s2+$0x0 ss:$0x0], $0xffff  }
0x3a3: {  	v59 =	vmul.f32 v3, v25;
	v32 =	vld.msk [tilespmem:s8+$0x0 ss:$0x0], $0xffff;
	v1 =	vadd.f32 v57, v1;
	[tilespmem:s0+$0x30] =	vst v0  }
0x3a4: {  	s7 =	simm.s32 $0x0;
	s19 =	spop (v2sf);
	v0 =	vld [tilespmem:s3+$0x40]  }
0x3a5: {  	s7 =	sand.u32 $0x300, s7;
	v36 =	vld [tilespmem:s19+$0x0];
	v1 =	vadd.f32 v1, v59  }
0x3a6: {  	s14 =	sadd.s32 s7, s6  }
0x3a7: {  	[tilespmem:s14+$0x0] =	vst v1;
	v1 =	vmul.f32 v45, v13  }
0x3a8: {  	v33 =	vld.msk [tilespmem:s2+$0xFFFFFFFF ss:$0x0], $0xffff;
	v39 =	vmul.f32 v35, v9  }
0x3a9: {  	v38 =	vmul.f32 v44, v29;
	v34 =	vld.msk [tilespmem:s8+$0xFFFFFFFF ss:$0x0], $0xffff;
	s18 =	spop (v2sf);
	v0 =	vadd.f32 v0, v1  }
0x3aa: {  	s9 =	simm.s32 $0x200;
	v40 =	vmul.f32 v32, v25;
	v36 =	vadd.f32 v36, v39;
	v1 =	vld [tilespmem:s18+$0x0]  }
0x3ab: {  	s10 =	simm.s32 $0x180;
	s6 =	sand.u32 $0x7800, s9;
	v37 =	vld [tilespmem:s21+$0x10];
	v0 =	vadd.f32 v0, v38  }
0x3ac: {  	s7 =	sand.u32 $0x380, s10;
	s6 =	sadd.s32 $0x6B80, s6;
	v36 =	vadd.f32 v36, v40  }
0x3ad: {  	s16 =	sadd.s32 s7, s6;
	v60 =	vmul.f32 v33, v9;
	[tilespmem:s0+$0x40] =	vst v0  }
0x3ae: {  	[tilespmem:s16+$0x0] =	vst v36;
	v0 =	vmul.f32 v63, v10;
	v61 =	vld [tilespmem:s3+$0x50]  }
0x3af: {  	v4 =	vmul.f32 v34, v25;
	v5 =	vld [tilespmem:s19+$0x10];
	v1 =	vadd.f32 v1, v60  }
0x3b0: {  	s11 =	simm.s32 $0x100;
	v62 =	vmul.f32 v3, v26;
	v0 =	vadd.f32 v37, v0  }
0x3b1: {  	s7 =	sand.u32 $0x300, s11;
	v6 =	vmul.f32 v45, v14;
	v1 =	vadd.f32 v1, v4  }
0x3b2: {  	s17 =	sadd.s32 s7, s6;
	v46 =	vmul.f32 v35, v10;
	v0 =	vadd.f32 v0, v62  }
0x3b3: {  	v7 =	vmul.f32 v44, v30;
	[tilespmem:s17+$0x0] =	vst v1;
	v38 =	vadd.f32 v61, v6  }
0x3b4: {  	v37 =	vadd.f32 v5, v46;
	v1 =	vmul.f32 v32, v26;
	[tilespmem:s14+$0x10] =	vst v0  }
0x3b5: {  	v0 =	vld [tilespmem:s21+$0x20];
	v36 =	vadd.f32 v38, v7  }
0x3b6: {  	s9 =	sadd.s32 $0x2, s5;
	v47 =	vld [tilespmem:s18+$0x10];
	v1 =	vadd.f32 v37, v1  }
0x3b7: {  	v41 =	vld [tilespmem:s9+$0x0];
	[tilespmem:s0+$0x50] =	vst v36  }
0x3b8: {  	v48 =	vmul.f32 v63, v11;
	[tilespmem:s16+$0x10] =	vst v1;
	v49 =	vld [tilespmem:s3+$0x60]  }
0x3b9: {  	v50 =	vmul.f32 v33, v10;
	v51 =	vld [tilespmem:s19+$0x20]  }
0x3ba: {  	v1 =	vmul.f32 v3, v28;
	v0 =	vadd.f32 v0, v48  }
0x3bb: {  	v53 =	vmul.f32 v45, v15;
	v52 =	vmul.f32 v34, v26;
	v38 =	vadd.f32 v47, v50  }
0x3bc: {  	(v2sf) =	vpush v41, $0x0;
	v0 =	vadd.f32 v0, v1;
	v1 =	vmul.f32 v35, v11  }
0x3bd: {  	v54 =	vmul.f32 v44, v31;
	v38 =	vadd.f32 v38, v52;
	v37 =	vadd.f32 v49, v53  }
0x3be: {  	v56 =	vmul.f32 v32, v28;
	v1 =	vadd.f32 v51, v1  }
0x3bf: {  	[tilespmem:s17+$0x10] =	vst v38;
	v37 =	vadd.f32 v37, v54  }
0x3c0: {  	[tilespmem:s14+$0x20] =	vst v0;
	v1 =	vadd.f32 v1, v56  }
0x3c1: {  	v55 =	vld [tilespmem:s9+$0xFFFFFFFF];
	[tilespmem:s0+$0x60] =	vst v37  }
0x3c2: {  	v0 =	vld [tilespmem:s21+$0x30];
	[tilespmem:s16+$0x20] =	vst v1  }
0x3c3: {  	v20 =	vld [tilespmem:$0x1FF30]  }
0x3c4: {  	v59 =	vld [tilespmem:s3+$0x70]  }
0x3c5: {  	v2 =	vld [tilespmem:$0x1FF50]  }
0x3c6: {  	v58 =	vmul.f32 v63, v12;
	v57 =	vld [tilespmem:s18+$0x20]  }
0x3c7: {  	v61 =	vld [tilespmem:s19+$0x30]  }
0x3c8: {  	v1 =	vmul.f32 v3, v27;
	v0 =	vadd.f32 v0, v58;
	v4 =	vmul.f32 v45, v20  }
0x3c9: {  	(v2sf) =	vpush v55, $0x0;
	v60 =	vmul.f32 v33, v11;
	v5 =	vmul.f32 v35, v12  }
0x3ca: {  	v0 =	vadd.f32 v0, v1;
	v1 =	vmul.f32 v44, v2;
	v38 =	vadd.f32 v59, v4  }
0x3cb: {  	v62 =	vmul.f32 v34, v28;
	v36 =	vadd.f32 v57, v60  }
0x3cc: {  	s7 =	spop (v2sf);
	v6 =	vmul.f32 v32, v27;
	v37 =	vadd.f32 v61, v5;
	v1 =	vadd.f32 v38, v1  }
0x3cd: {  	v46 =	vld [tilespmem:s7+$0x0];
	v36 =	vadd.f32 v36, v62;
	[tilespmem:s14+$0x30] =	vst v0  }
0x3ce: {  	s4 =	sadd.s32 $0x2, s2;
	v0 =	vld [tilespmem:s21+$0x40];
	[tilespmem:s0+$0x70] =	vst v1;
	v1 =	vadd.f32 v37, v6  }
0x3cf: {  	[tilespmem:s17+$0x20] =	vst v36;
	v38 =	vld.msk [tilespmem:s4+$0x0 ss:$0x0], $0xffff  }
0x3d0: {  	v54 =	vld [tilespmem:s3+$0x80];
	[tilespmem:s16+$0x30] =	vst v1  }
0x3d1: {  	v49 =	vld [tilespmem:$0x1FF70]  }
0x3d2: {  	v1 =	vld [tilespmem:s19+$0x40]  }
0x3d3: {  	v43 =	vmul.f32 v63, v13;
	v50 =	vld [tilespmem:$0x1FF80]  }
0x3d4: {  	s2 =	sadd.s32 $0x2, s8;
	v7 =	vld [tilespmem:s18+$0x30]  }
0x3d5: {  	v55 =	vmul.f32 v3, v29;
	v48 =	vmul.f32 v35, v13;
	v36 =	vld.msk [tilespmem:s2+$0x0 ss:$0x0], $0xffff;
	v0 =	vadd.f32 v0, v43  }
0x3d6: {  	v56 =	vmul.f32 v32, v29;
	v42 =	vmul.f32 v45, v49  }
0x3d7: {  	v58 =	vmul.f32 v33, v12;
	v0 =	vadd.f32 v0, v55;
	v1 =	vadd.f32 v1, v48  }
0x3d8: {  	v39 =	vld.msk [tilespmem:s4+$0xFFFFFFFF ss:$0x0], $0xffff;
	s8 =	spop (v2sf);
	v57 =	vmul.f32 v38, v9;
	v47 =	vmul.f32 v44, v50;
	v41 =	vadd.f32 v54, v42  }
0x3d9: {  	v51 =	vld [tilespmem:s8+$0x0];
	v40 =	vadd.f32 v7, v58;
	[tilespmem:s14+$0x40] =	vst v0;
	v0 =	vmul.f32 v34, v27;
	v1 =	vadd.f32 v1, v56  }
0x3da: {  	s12 =	simm.s32 $0x400;
	v60 =	vmul.f32 v36, v25;
	v37 =	vld.msk [tilespmem:s2+$0xFFFFFFFF ss:$0x0], $0xffff;
	v46 =	vadd.f32 v46, v57;
	v41 =	vadd.f32 v41, v47  }
0x3db: {  	s13 =	simm.s32 $0x280;
	s5 =	sand.u32 $0x7800, s12;
	v0 =	vadd.f32 v40, v0;
	[tilespmem:s16+$0x40] =	vst v1  }
0x3dc: {  	s15 =	sand.u32 $0x380, s13;
	s10 =	sadd.s32 $0x6B80, s5;
	v62 =	vld [tilespmem:s21+$0x50];
	[tilespmem:s0+$0x400] =	vst v41;
	v41 =	vadd.f32 v46, v60  }
0x3dd: {  	s5 =	sadd.s32 s15, s10;
	v59 =	vmul.f32 v39, v9;
	[tilespmem:s17+$0x30] =	vst v0;
	v1 =	vld [tilespmem:s19+$0x50]  }
0x3de: {  	v61 =	vld [tilespmem:s3+$0x90];
	[tilespmem:s5+$0x0] =	vst v41  }
0x3df: {  	v53 =	vmul.f32 v63, v14;
	v7 =	vmul.f32 v37, v25;
	v48 =	vadd.f32 v51, v59;
	v4 =	vld [tilespmem:$0x1FFC0]  }
0x3e0: {  	s20 =	simm.s32 $0x200;
	v57 =	vmul.f32 v3, v30;
	v0 =	vld [tilespmem:s7+$0x10]  }
0x3e1: {  	s6 =	sand.u32 $0x300, s20;
	v52 =	vadd.f32 v48, v7;
	v54 =	vld [tilespmem:s18+$0x40];
	v56 =	vmul.f32 v35, v14;
	v41 =	vadd.f32 v62, v53  }
0x3e2: {  	s6 =	sadd.s32 s6, s10;
	v58 =	vmul.f32 v32, v30;
	v51 =	vmul.f32 v45, v17  }
0x3e3: {  	v60 =	vmul.f32 v38, v10;
	[tilespmem:s6+$0x0] =	vst v52;
	v1 =	vadd.f32 v1, v56;
	v41 =	vadd.f32 v41, v57  }
0x3e4: {  	v59 =	vld [tilespmem:s8+$0x10];
	v40 =	vadd.f32 v61, v51;
	v61 =	vmul.f32 v33, v13;
	v55 =	vmul.f32 v44, v4  }
0x3e5: {  	v5 =	vmul.f32 v36, v26;
	v1 =	vadd.f32 v1, v58;
	v0 =	vadd.f32 v0, v60  }
0x3e6: {  	v6 =	vmul.f32 v34, v29;
	[tilespmem:s14+$0x50] =	vst v41;
	v7 =	vadd.f32 v54, v61;
	v40 =	vadd.f32 v40, v55  }
0x3e7: {  	v62 =	vmul.f32 v39, v10;
	[tilespmem:s16+$0x50] =	vst v1;
	v0 =	vadd.f32 v0, v5  }
0x3e8: {  	v53 =	vld [tilespmem:s21+$0x60];
	v1 =	vadd.f32 v7, v6;
	[tilespmem:s0+$0x410] =	vst v40  }
0x3e9: {  	v54 =	vmul.f32 v37, v26;
	v48 =	vadd.f32 v59, v62;
	v55 =	vld [tilespmem:s19+$0x60];
	[tilespmem:s5+$0x10] =	vst v0  }
0x3ea: {  	[tilespmem:s17+$0x40] =	vst v1;
	v52 =	vld [tilespmem:s3+$0xA0]  }
0x3eb: {  	v57 =	vadd.f32 v48, v54;
	v5 =	vld [tilespmem:$0x1FFE0]  }
0x3ec: {  	v0 =	vmul.f32 v63, v15;
	v1 =	vld [tilespmem:s7+$0x20]  }
0x3ed: {  	v56 =	vmul.f32 v45, v18;
	v59 =	vmul.f32 v35, v15;
	[tilespmem:s6+$0x10] =	vst v57  }
0x3ee: {  	s9 =	sadd.s32 $0x2, s9;
	v60 =	vmul.f32 v3, v31;
	v61 =	vmul.f32 v38, v11;
	v0 =	vadd.f32 v53, v0;
	v62 =	vld [tilespmem:s8+$0x20]  }
0x3ef: {  	v6 =	vld [tilespmem:s9+$0x0];
	v7 =	vmul.f32 v32, v31;
	v53 =	vmul.f32 v36, v28;
	v40 =	vadd.f32 v55, v59  }
0x3f0: {  	v47 =	vld [tilespmem:s18+$0x50];
	v0 =	vadd.f32 v0, v60;
	v58 =	vmul.f32 v44, v5;
	v41 =	vadd.f32 v52, v56  }
0x3f1: {  	v40 =	vadd.f32 v40, v7;
	v56 =	vmul.f32 v39, v11;
	v52 =	vld [tilespmem:s9+$0xFFFFFFFF];
	v1 =	vadd.f32 v1, v61  }
0x3f2: {  	[tilespmem:s14+$0x60] =	vst v0;
	v41 =	vadd.f32 v41, v58  }
0x3f3: {  	v57 =	vmul.f32 v37, v28;
	v43 =	vld [tilespmem:s21+$0x70];
	[tilespmem:s16+$0x60] =	vst v40;
	v58 =	vadd.f32 v62, v56;
	v1 =	vadd.f32 v1, v53  }
0x3f4: {  	v0 =	vmul.f32 v33, v14;
	v60 =	vld [tilespmem:s19+$0x70];
	[tilespmem:s0+$0x420] =	vst v41  }
0x3f5: {  	v59 =	vmul.f32 v34, v30;
	(v2sf) =	vpush v6, $0x0;
	v40 =	vadd.f32 v58, v57;
	[tilespmem:s5+$0x20] =	vst v1;
	v41 =	vld [tilespmem:s3+$0xB0]  }
0x3f6: {  	v0 =	vadd.f32 v47, v0;
	v1 =	vmul.f32 v63, v20;
	(v2sf) =	vpush v52, $0x0;
	v6 =	vld [tilespmem:$0x1FF20]  }
0x3f7: {  	v55 =	vmul.f32 v35, v20;
	v62 =	vld [tilespmem:s7+$0x30];
	[tilespmem:s6+$0x20] =	vst v40  }
0x3f8: {  	v56 =	vmul.f32 v3, v2;
	v0 =	vadd.f32 v0, v59;
	v1 =	vadd.f32 v43, v1;
	v58 =	vld [tilespmem:s8+$0x30]  }
0x3f9: {  	s2 =	sadd.s32 $0x2, s2;
	v61 =	vmul.f32 v45, v19;
	v57 =	vmul.f32 v32, v2;
	v47 =	vadd.f32 v60, v55  }
0x3fa: {  	s4 =	sadd.s32 $0x2, s4;
	v42 =	vld.msk [tilespmem:s2+$0xFFFFFFFF ss:$0x0], $0xffff;
	v59 =	vmul.f32 v39, v12;
	[tilespmem:s17+$0x50] =	vst v0;
	v0 =	vmul.f32 v38, v12;
	v1 =	vadd.f32 v1, v56  }
0x3fb: {  	v40 =	vld.msk [tilespmem:s4+$0xFFFFFFFF ss:$0x0], $0xffff;
	v43 =	vadd.f32 v47, v57;
	v54 =	vmul.f32 v44, v6;
	v41 =	vadd.f32 v41, v61  }
0x3fc: {  	v51 =	vld [tilespmem:s18+$0x60];
	v60 =	vmul.f32 v36, v27;
	v0 =	vadd.f32 v62, v0;
	[tilespmem:s14+$0x70] =	vst v1  }
0x3fd: {  	v61 =	vmul.f32 v37, v27;
	[tilespmem:s16+$0x70] =	vst v43;
	v7 =	vld [tilespmem:s21+$0x80];
	v41 =	vadd.f32 v41, v54;
	v62 =	vadd.f32 v58, v59  }
0x3fe: {  	v0 =	vadd.f32 v0, v60;
	v48 =	vld [tilespmem:s19+$0x80]  }
0x3ff: {  	[tilespmem:s0+$0x430] =	vst v41;
	v41 =	vld.msk [tilespmem:s4+$0x0 ss:$0x0], $0xffff;
	v43 =	vadd.f32 v62, v61  }
0x400: {  	[tilespmem:s5+$0x30] =	vst v0;
	v0 =	vmul.f32 v63, v49;
	v1 =	vld [tilespmem:s3+$0xC0]  }
0x401: {  	v53 =	vld [tilespmem:s7+$0x40];
	[tilespmem:s6+$0x30] =	vst v43  }
0x402: {  	v52 =	vmul.f32 v33, v15;
	v0 =	vadd.f32 v7, v0;
	v7 =	vld [tilespmem:$0x1FF60]  }
0x403: {  	v55 =	vmul.f32 v45, v21;
	v56 =	vmul.f32 v35, v49;
	v43 =	vld.msk [tilespmem:s2+$0x0 ss:$0x0], $0xffff  }
0x404: {  	v47 =	vmul.f32 v3, v50;
	v59 =	vmul.f32 v38, v13;
	s11 =	spop (v2sf);
	v57 =	vld [tilespmem:s8+$0x40]  }
0x405: {  	v60 =	vmul.f32 v32, v50;
	v51 =	vadd.f32 v51, v52;
	v48 =	vadd.f32 v48, v56;
	v56 =	vld [tilespmem:s11+$0x0];
	s10 =	spop (v2sf)  }
0x406: {  	v61 =	vmul.f32 v36, v29;
	v0 =	vadd.f32 v0, v47;
	v47 =	vmul.f32 v39, v13;
	v62 =	vld [tilespmem:s10+$0x0]  }
0x407: {  	v48 =	vadd.f32 v48, v60;
	v1 =	vadd.f32 v1, v55;
	v58 =	vmul.f32 v44, v7  }
0x408: {  	v60 =	vmul.f32 v40, v9;
	v53 =	vadd.f32 v53, v59;
	[tilespmem:s14+$0x400] =	vst v0;
	v0 =	vmul.f32 v41, v9  }
0x409: {  	v55 =	vmul.f32 v37, v29;
	v47 =	vadd.f32 v57, v47;
	v1 =	vadd.f32 v1, v58  }
0x40a: {  	s12 =	simm.s32 $0x600;
	[tilespmem:s16+$0x400] =	vst v48;
	v53 =	vadd.f32 v53, v61;
	v0 =	vadd.f32 v56, v0;
	v58 =	vmul.f32 v43, v25  }
0x40b: {  	s13 =	simm.s32 $0x380;
	s12 =	sand.u32 $0x7800, s12;
	v47 =	vadd.f32 v47, v55;
	[tilespmem:s0+$0x440] =	vst v1;
	v1 =	vmul.f32 v42, v25;
	v52 =	vadd.f32 v62, v60  }
0x40c: {  	s22 =	sand.u32 $0x380, s13;
	s15 =	simm.s32 $0x300;
	s20 =	sadd.s32 $0x6B80, s12;
	v57 =	vld [tilespmem:s21+$0x90];
	[tilespmem:s5+$0x40] =	vst v53;
	v0 =	vadd.f32 v0, v58  }
0x40d: {  	s23 =	sand.u32 $0x300, s15;
	s12 =	sadd.s32 s22, s20;
	v48 =	vld [tilespmem:s19+$0x90];
	[tilespmem:s6+$0x40] =	vst v47;
	v1 =	vadd.f32 v52, v1  }
0x40e: {  	s13 =	sadd.s32 s23, s20;
	v55 =	vld [tilespmem:s7+$0x50];
	[tilespmem:s12+$0x0] =	vst v0  }
0x40f: {  	v54 =	vmul.f32 v34, v31;
	v59 =	vld [tilespmem:s3+$0xD0];
	[tilespmem:s13+$0x0] =	vst v1  }
0x410: {  	v53 =	vmul.f32 v63, v17;
	v8 =	vld [tilespmem:$0x1FF90]  }
0x411: {  	v51 =	vadd.f32 v51, v54;
	v54 =	vmul.f32 v39, v14;
	v61 =	vmul.f32 v35, v17  }
0x412: {  	v56 =	vmul.f32 v3, v4;
	v53 =	vadd.f32 v57, v53;
	v57 =	vmul.f32 v38, v14;
	v52 =	vld [tilespmem:s8+$0x50]  }
0x413: {  	v60 =	vmul.f32 v45, v22;
	v62 =	vmul.f32 v32, v4;
	v0 =	vadd.f32 v48, v61;
	v48 =	vld [tilespmem:s11+$0x10]  }
0x414: {  	v61 =	vmul.f32 v36, v30;
	v1 =	vadd.f32 v53, v56;
	v55 =	vadd.f32 v55, v57;
	v58 =	vld [tilespmem:s10+$0x10]  }
0x415: {  	v0 =	vadd.f32 v0, v62;
	[tilespmem:s17+$0x60] =	vst v51;
	v47 =	vadd.f32 v59, v60;
	v57 =	vmul.f32 v44, v8  }
0x416: {  	v53 =	vmul.f32 v37, v30;
	[tilespmem:s14+$0x410] =	vst v1;
	v1 =	vmul.f32 v41, v10;
	v60 =	vadd.f32 v55, v61  }
0x417: {  	v61 =	vmul.f32 v40, v10;
	[tilespmem:s16+$0x410] =	vst v0;
	v62 =	vadd.f32 v52, v54;
	v0 =	vadd.f32 v47, v57  }
0x418: {  	v55 =	vld [tilespmem:s18+$0x70];
	v1 =	vadd.f32 v48, v1;
	v47 =	vmul.f32 v43, v26  }
0x419: {  	v54 =	vld [tilespmem:s21+$0xA0];
	v48 =	vmul.f32 v42, v26;
	v51 =	vadd.f32 v62, v53;
	[tilespmem:s0+$0x450] =	vst v0;
	v0 =	vadd.f32 v58, v61  }
0x41a: {  	[tilespmem:s5+$0x50] =	vst v60;
	v57 =	vld [tilespmem:s19+$0xA0];
	v1 =	vadd.f32 v1, v47  }
0x41b: {  	v46 =	vmul.f32 v39, v15;
	v56 =	vmul.f32 v33, v20;
	v53 =	vld [tilespmem:s7+$0x60];
	[tilespmem:s6+$0x50] =	vst v51;
	v0 =	vadd.f32 v0, v48  }
0x41c: {  	v59 =	vmul.f32 v3, v5;
	v52 =	vmul.f32 v63, v18;
	v60 =	vld [tilespmem:s3+$0xE0];
	[tilespmem:s12+$0x10] =	vst v1  }
0x41d: {  	v62 =	vmul.f32 v45, v23;
	v47 =	vmul.f32 v35, v18;
	v48 =	vld [tilespmem:s8+$0x60];
	[tilespmem:s13+$0x10] =	vst v0  }
0x41e: {  	s25 =	sadd.s32 $0x2, s9;
	v51 =	vadd.f32 v54, v52;
	v52 =	vadd.f32 v55, v56;
	v61 =	vmul.f32 v38, v15;
	v16 =	vld [tilespmem:$0x1FFF0]  }
0x41f: {  	v56 =	vld [tilespmem:s25+$0x0];
	v55 =	vmul.f32 v36, v31;
	v1 =	vmul.f32 v32, v5;
	v47 =	vadd.f32 v57, v47  }
0x420: {  	v58 =	vmul.f32 v34, v2;
	v51 =	vadd.f32 v51, v59;
	v53 =	vadd.f32 v53, v61;
	v0 =	vld [tilespmem:s11+$0x20]  }
0x421: {  	v61 =	vmul.f32 v63, v19;
	v59 =	vld [tilespmem:s10+$0x20];
	v1 =	vadd.f32 v47, v1;
	v47 =	vadd.f32 v60, v62  }
0x422: {  	[tilespmem:s14+$0x420] =	vst v51;
	v51 =	vmul.f32 v37, v31;
	v60 =	vld [tilespmem:s25+$0xFFFFFFFF];
	v46 =	vadd.f32 v48, v46;
	v48 =	vadd.f32 v53, v55  }
0x423: {  	v57 =	vmul.f32 v41, v11;
	v53 =	vld [tilespmem:s21+$0xB0];
	[tilespmem:s16+$0x420] =	vst v1;
	v54 =	vmul.f32 v44, v16  }
0x424: {  	(v2sf) =	vpush v56, $0x0;
	v55 =	vmul.f32 v40, v11;
	v46 =	vadd.f32 v46, v51;
	[tilespmem:s5+$0x60] =	vst v48;
	v48 =	vld [tilespmem:s19+$0xB0]  }
0x425: {  	v0 =	vadd.f32 v0, v57;
	v1 =	vadd.f32 v47, v54;
	v47 =	vmul.f32 v43, v28;
	v54 =	vld [tilespmem:s7+$0x70]  }
0x426: {  	v62 =	vmul.f32 v3, v6;
	v51 =	vmul.f32 v42, v28;
	v55 =	vadd.f32 v59, v55  }
0x427: {  	v57 =	vmul.f32 v35, v19;
	[tilespmem:s6+$0x60] =	vst v46;
	(v2sf) =	vpush v60, $0x0;
	v0 =	vadd.f32 v0, v47  }
0x428: {  	v60 =	vmul.f32 v38, v20;
	v59 =	vadd.f32 v53, v61;
	v47 =	vld [tilespmem:s8+$0x70];
	[tilespmem:s0+$0x460] =	vst v1;
	v1 =	vadd.f32 v55, v51  }
0x429: {  	v52 =	vadd.f32 v52, v58;
	v46 =	vadd.f32 v48, v57;
	v53 =	vld [tilespmem:s3+$0xF0];
	[tilespmem:s12+$0x20] =	vst v0;
	v0 =	vmul.f32 v32, v6  }
0x42a: {  	v61 =	vadd.f32 v59, v62;
	v62 =	vmul.f32 v36, v2;
	[tilespmem:s13+$0x20] =	vst v1;
	v1 =	vld [tilespmem:s11+$0x30];
	v54 =	vadd.f32 v54, v60  }
0x42b: {  	v45 =	vmul.f32 v45, v24;
	v58 =	vmul.f32 v41, v12;
	[tilespmem:s17+$0x70] =	vst v52;
	v55 =	vld [tilespmem:s10+$0x30];
	v0 =	vadd.f32 v46, v0  }
0x42c: {  	v51 =	vmul.f32 v40, v15;
	v57 =	vmul.f32 v39, v20;
	[tilespmem:s14+$0x430] =	vst v61;
	v54 =	vadd.f32 v54, v62  }
0x42d: {  	v48 =	vmul.f32 v37, v2;
	v59 =	vmul.f32 v38, v49;
	v56 =	vld [tilespmem:s21+$0xC0];
	[tilespmem:s16+$0x430] =	vst v0  }
0x42e: {  	v6 =	vmul.f32 v40, v12;
	v60 =	vmul.f32 v42, v27;
	v47 =	vadd.f32 v47, v57;
	[tilespmem:s5+$0x70] =	vst v54;
	v54 =	vld [tilespmem:s19+$0xC0]  }
0x42f: {  	v62 =	vmul.f32 v63, v21;
	v0 =	vmul.f32 v43, v27;
	v1 =	vadd.f32 v1, v58;
	v2 =	vld [tilespmem:$0x1FFB0]  }
0x430: {  	s3 =	sadd.s32 $0x2, s4;
	v45 =	vadd.f32 v53, v45;
	v53 =	vmul.f32 v34, v50;
	v57 =	vld [tilespmem:s7+$0x80];
	v55 =	vadd.f32 v55, v6  }
0x431: {  	v46 =	vld.msk [tilespmem:s3+$0xFFFFFFFF ss:$0x0], $0xffff;
	v20 =	vadd.f32 v47, v48;
	v48 =	vmul.f32 v63, v24;
	v0 =	vadd.f32 v1, v0  }
0x432: {  	v47 =	vld.msk [tilespmem:s3+$0x0 ss:$0x0], $0xffff;
	v52 =	vadd.f32 v56, v62;
	v1 =	vmul.f32 v3, v7;
	v55 =	vadd.f32 v55, v60  }
0x433: {  	v6 =	vmov v63;
	v58 =	vld [tilespmem:s18+$0x80];
	v62 =	vmul.f32 v40, v13;
	[tilespmem:s12+$0x30] =	vst v0;
	v0 =	vmul.f32 v35, v21  }
0x434: {  	v63 =	vmul.f32 v3, v8;
	[tilespmem:s13+$0x30] =	vst v55;
	v1 =	vadd.f32 v52, v1;
	v44 =	vmul.f32 v44, v2;
	v55 =	vld [tilespmem:s11+$0x40]  }
0x435: {  	s2 =	sadd.s32 $0x2, s2;
	v60 =	vmul.f32 v32, v7;
	v57 =	vadd.f32 v57, v59;
	v59 =	vld [tilespmem:s10+$0x40];
	v0 =	vadd.f32 v54, v0  }
0x436: {  	s9 =	spop (v2sf);
	[tilespmem:s14+$0x440] =	vst v1;
	v56 =	vadd.f32 v45, v44;
	v44 =	vmul.f32 v33, v49;
	v45 =	vld.msk [tilespmem:s2+$0xFFFFFFFF ss:$0x0], $0xffff;
	v49 =	vmul.f32 v36, v50  }
0x437: {  	v7 =	vmul.f32 v41, v13;
	v52 =	vmul.f32 v46, v15;
	s20 =	spop (v2sf);
	v61 =	vld [tilespmem:s21+$0xD0];
	v0 =	vadd.f32 v0, v60  }
0x438: {  	v50 =	vld [tilespmem:s20+$0x0];
	v60 =	vmul.f32 v43, v29;
	v1 =	vadd.f32 v58, v44;
	v57 =	vadd.f32 v57, v49  }
0x439: {  	v54 =	vld [tilespmem:s9+$0x0];
	v49 =	vmul.f32 v42, v29;
	v58 =	vmul.f32 v6, v22;
	v55 =	vadd.f32 v55, v7  }
0x43a: {  	v44 =	vld.msk [tilespmem:s2+$0x0 ss:$0x0], $0xffff;
	v59 =	vadd.f32 v59, v62;
	v62 =	vmul.f32 v41, v14;
	v1 =	vadd.f32 v1, v53;
	[tilespmem:s5+$0x400] =	vst v57  }
0x43b: {  	[tilespmem:s0+$0x470] =	vst v56;
	v57 =	vmul.f32 v46, v9;
	v53 =	vmul.f32 v38, v17;
	v7 =	vld [tilespmem:s7+$0x90];
	v60 =	vadd.f32 v55, v60  }
0x43c: {  	v55 =	vmul.f32 v47, v11;
	v58 =	vadd.f32 v61, v58;
	[tilespmem:s17+$0x400] =	vst v1;
	v1 =	vmul.f32 v47, v9  }
0x43d: {  	[tilespmem:s16+$0x440] =	vst v0;
	v0 =	vadd.f32 v59, v49;
	v49 =	vmul.f32 v45, v25;
	v50 =	vadd.f32 v50, v57;
	v59 =	vld [tilespmem:s18+$0x90]  }
0x43e: {  	[tilespmem:s12+$0x40] =	vst v60;
	v60 =	vmul.f32 v33, v17;
	v58 =	vadd.f32 v58, v63;
	v1 =	vadd.f32 v54, v1;
	v54 =	vld [tilespmem:s19+$0xD0]  }
0x43f: {  	s22 =	simm.s32 $0x800;
	[tilespmem:s13+$0x40] =	vst v0;
	v0 =	vmul.f32 v44, v25;
	v56 =	vmul.f32 v44, v26;
	v61 =	vld [tilespmem:s11+$0x50]  }
0x440: {  	s24 =	simm.s32 $0x400;
	s4 =	sand.u32 $0x7800, s22;
	v49 =	vadd.f32 v50, v49;
	v50 =	vld [tilespmem:s10+$0x50];
	[tilespmem:s14+$0x450] =	vst v58;
	v58 =	vmul.f32 v46, v10;
	v57 =	vadd.f32 v7, v53  }
0x441: {  	s15 =	sand.u32 $0x300, s24;
	s23 =	simm.s32 $0x480;
	s4 =	sadd.s32 $0x6B80, s4;
	v7 =	vmul.f32 v36, v4;
	v0 =	vadd.f32 v1, v0;
	v1 =	vmul.f32 v34, v4  }
0x442: {  	s24 =	sand.u32 $0x380, s23;
	s15 =	sadd.s32 s15, s4;
	v53 =	vmul.f32 v35, v22;
	v4 =	vmul.f32 v32, v8  }
0x443: {  	s24 =	sadd.s32 s24, s4;
	[tilespmem:s15+$0x0] =	vst v49;
	v49 =	vld [tilespmem:s21+$0xE0];
	v57 =	vadd.f32 v57, v7;
	v59 =	vadd.f32 v59, v60;
	v60 =	vmul.f32 v40, v14  }
0x444: {  	[tilespmem:s24+$0x0] =	vst v0;
	v7 =	vmul.f32 v43, v30;
	v54 =	vadd.f32 v54, v53;
	v53 =	vld [tilespmem:s20+$0x10];
	v61 =	vadd.f32 v61, v62  }
0x445: {  	v0 =	vmul.f32 v35, v23;
	v62 =	vld [tilespmem:s9+$0x10];
	v1 =	vadd.f32 v59, v1;
	[tilespmem:s5+$0x410] =	vst v57;
	v50 =	vadd.f32 v50, v60  }
0x446: {  	v54 =	vadd.f32 v54, v4;
	v59 =	vadd.f32 v61, v7;
	v60 =	vld [tilespmem:s7+$0xA0];
	v61 =	vmul.f32 v6, v23  }
0x447: {  	v4 =	vmul.f32 v42, v30;
	v6 =	vmul.f32 v3, v16;
	[tilespmem:s17+$0x410] =	vst v1  }
0x448: {  	v7 =	vmul.f32 v38, v18;
	v1 =	vmul.f32 v47, v10;
	[tilespmem:s16+$0x450] =	vst v54;
	v49 =	vadd.f32 v49, v61;
	v63 =	vld [tilespmem:s18+$0xA0]  }
0x449: {  	v4 =	vadd.f32 v50, v4;
	v50 =	vmul.f32 v3, v2;
	v53 =	vadd.f32 v53, v58;
	v2 =	vld [tilespmem:s19+$0xE0]  }
0x44a: {  	v54 =	vmul.f32 v45, v26;
	[tilespmem:s12+$0x50] =	vst v59;
	v58 =	vadd.f32 v62, v1;
	v49 =	vadd.f32 v49, v6  }
0x44b: {  	v62 =	vmul.f32 v33, v18;
	v6 =	vmul.f32 v36, v5;
	[tilespmem:s13+$0x50] =	vst v4;
	v7 =	vadd.f32 v60, v7  }
0x44c: {  	v57 =	vmul.f32 v34, v5;
	v61 =	vld [tilespmem:s11+$0x60];
	v1 =	vadd.f32 v53, v54;
	v56 =	vadd.f32 v58, v56;
	[tilespmem:s14+$0x460] =	vst v49  }
0x44d: {  	v60 =	vmul.f32 v42, v31;
	v59 =	vadd.f32 v63, v62;
	v58 =	vadd.f32 v7, v6;
	v49 =	vld [tilespmem:s21+$0xF0];
	[dreg:$0xe] =	wrdreg s26  }
0x44e: {  	s4 =	simm.s32 $0x8;
	s26 =	sshll.u32 s26, $0x8;
	v63 =	vmul.f32 v41, v15;
	s21 =	sadd.s32 $0x2, s25;
	[tilespmem:s6+$0x70] =	vst v20;
	v62 =	vld [tilespmem:s10+$0x60];
	v53 =	vadd.f32 v2, v0;
	v0 =	vmul.f32 v46, v11  }
.LBB2_7:
0x44f: {  	v2 =	vld [tilespmem:s21+$0x0]  }
0x450: {  	v16 =	vld [tilespmem:$0x1FFF0]  }
0x451: {  	v5 =	vld [tilespmem:$0x1FF20]  }
0x452: {  	v20 =	vld [tilespmem:$0x1FFB0]  }
0x453: {  	v8 =	vld [tilespmem:$0x1FF90];
	[tilespmem:s24+$0x10] =	vst v56  }
0x454: {  	s0 =	smov.u32 s10;
	s10 =	smov.u32 s20;
	[tilespmem:s15+$0x10] =	vst v1;
	v57 =	vadd.f32 v59, v57;
	v1 =	vld [tilespmem:s9+$0x20]  }
0x455: {  	v7 =	vmul.f32 v43, v31;
	v59 =	vld [tilespmem:s10+$0x20];
	[tilespmem:s5+$0x420] =	vst v58;
	v51 =	vadd.f32 v62, v51;
	v6 =	vadd.f32 v61, v63  }
0x456: {  	v58 =	vld [tilespmem:s21+$0xFFFFFFFF];
	[tilespmem:s17+$0x420] =	vst v57  }
0x457: {  	v54 =	vmovc v46;
	v56 =	vmov v34;
	v46 =	vadd.f32 v51, v60;
	v51 =	vld [tilespmem:s18+$0xB0];
	v34 =	vadd.f32 v6, v7  }
0x458: {  	v48 =	vadd.f32 v49, v48;
	v6 =	vld [tilespmem:$0x1FF30]  }
0x459: {  	v3 =	vmul.f32 v33, v19;
	v4 =	vmul.f32 v32, v16;
	v1 =	vadd.f32 v1, v55;
	v55 =	vld [tilespmem:$0x1FF50];
	[tilespmem:s12+$0x60] =	vst v34  }
0x45a: {  	v61 =	vmul.f32 v45, v28;
	v48 =	vadd.f32 v48, v50;
	v0 =	vadd.f32 v59, v0;
	v49 =	vld [tilespmem:s7+$0xB0]  }
0x45b: {  	v63 =	vmul.f32 v44, v28;
	v57 =	vmul.f32 v56, v5;
	v4 =	vadd.f32 v53, v4;
	[tilespmem:s13+$0x60] =	vst v46;
	v46 =	vld [tilespmem:s11+$0x70]  }
0x45c: {  	(v2sf) =	vpush v2, $0x0;
	v53 =	vmul.f32 v35, v24;
	v35 =	vmovc v38;
	v2 =	vld [tilespmem:s0+$0x70];
	[tilespmem:s14+$0x470] =	vst v48;
	v0 =	vadd.f32 v0, v61;
	s14 =	smov.u32 s17  }
0x45d: {  	v62 =	vmul.f32 v36, v5;
	v5 =	vld [tilespmem:$0x1FF80];
	v38 =	vmov v41;
	v60 =	vmul.f32 v35, v19;
	s17 =	smov.u32 s6;
	s6 =	smov.u32 s13;
	s13 =	smov.u32 s15;
	[tilespmem:s16+$0x460] =	vst v4  }
0x45e: {  	v1 =	vadd.f32 v1, v63;
	v63 =	vld [tilespmem:s19+$0xF0];
	v3 =	vadd.f32 v51, v3;
	[tilespmem:s13+$0x20] =	vst v0;
	v7 =	vmul.f32 v38, v6  }
0x45f: {  	v41 =	vmovc v47;
	(v2sf) =	vpush v58, $0x0;
	v50 =	vmul.f32 v40, v6;
	v61 =	vld [tilespmem:s10+$0x30];
	v49 =	vadd.f32 v49, v60  }
0x460: {  	s19 =	smov.u32 s7;
	s7 =	smov.u32 s11;
	s11 =	smov.u32 s9;
	[tilespmem:s24+$0x20] =	vst v1;
	v6 =	vld [tilespmem:$0x1FF70];
	v47 =	vmul.f32 v43, v55;
	v3 =	vadd.f32 v3, v57;
	v48 =	vadd.f32 v46, v7  }
0x461: {  	s3 =	sadd.s32 $0x2, s3;
	v4 =	vmul.f32 v42, v55;
	v2 =	vadd.f32 v2, v50;
	v60 =	vld [tilespmem:s11+$0x30];
	v49 =	vadd.f32 v49, v62  }
0x462: {  	v34 =	vmov v37;
	v46 =	vld.msk [tilespmem:s3+$0xFFFFFFFF ss:$0x0], $0xffff;
	[tilespmem:s14+$0x430] =	vst v3;
	v47 =	vadd.f32 v48, v47  }
0x463: {  	v37 =	vmovc v42;
	v42 =	vmov v45;
	v45 =	vmul.f32 v54, v12;
	v2 =	vadd.f32 v2, v4;
	v4 =	vld [tilespmem:s18+$0xC0];
	[tilespmem:s5+$0x430] =	vst v49  }
0x464: {  	v1 =	vmul.f32 v41, v12;
	v3 =	vadd.f32 v63, v53;
	v63 =	vld [tilespmem:$0x1FF60];
	v62 =	vmul.f32 v32, v20;
	[tilespmem:s12+$0x70] =	vst v47  }
0x465: {  	v59 =	vmul.f32 v44, v27;
	v55 =	vadd.f32 v61, v45;
	v49 =	vld [tilespmem:s19+$0xC0]  }
0x466: {  	v0 =	vmul.f32 v42, v27;
	[tilespmem:s6+$0x70] =	vst v2;
	v3 =	vadd.f32 v3, v62;
	v1 =	vadd.f32 v60, v1;
	v2 =	vld [tilespmem:s7+$0x80]  }
0x467: {  	s2 =	sadd.s32 $0x2, s2;
	v58 =	vmul.f32 v35, v21;
	v32 =	vmovc v36;
	v36 =	vmovc v43;
	v43 =	vmov v44;
	v44 =	vmul.f32 v33, v21;
	v57 =	vld [tilespmem:s8+$0x80]  }
0x468: {  	v7 =	vmul.f32 v34, v5;
	v45 =	vld.msk [tilespmem:s2+$0xFFFFFFFF ss:$0x0], $0xffff;
	v0 =	vadd.f32 v55, v0;
	[tilespmem:s16+$0x470] =	vst v3;
	v1 =	vadd.f32 v1, v59  }
0x469: {  	v53 =	vmul.f32 v56, v63;
	s16 =	smov.u32 s5;
	s5 =	smov.u32 s12;
	s12 =	smov.u32 s24;
	v3 =	vmul.f32 v38, v6;
	v4 =	vadd.f32 v4, v44;
	v47 =	vld.msk [tilespmem:s3+$0x0 ss:$0x0], $0xffff  }
0x46a: {  	v48 =	vmul.f32 v33, v24;
	v60 =	vmul.f32 v32, v63;
	v44 =	vld.msk [tilespmem:s2+$0x0 ss:$0x0], $0xffff;
	[tilespmem:s12+$0x30] =	vst v1;
	v49 =	vadd.f32 v49, v58  }
0x46b: {  	v50 =	vmul.f32 v39, v6;
	[tilespmem:s13+$0x30] =	vst v0;
	v58 =	vld [tilespmem:s11+$0x40];
	v2 =	vadd.f32 v2, v3;
	v3 =	vadd.f32 v4, v53  }
0x46c: {  	v51 =	vmovc v52;
	v61 =	vmul.f32 v54, v13;
	s9 =	spop (v2sf);
	v59 =	vmul.f32 v36, v5;
	v4 =	vld [tilespmem:s10+$0x40];
	v49 =	vadd.f32 v49, v60  }
0x46d: {  	v52 =	vmul.f32 v46, v15;
	v0 =	vmul.f32 v42, v29;
	v50 =	vadd.f32 v57, v50;
	v57 =	vld [tilespmem:s9+$0x0];
	[tilespmem:s14+$0x440] =	vst v3  }
0x46e: {  	s20 =	spop (v2sf);
	v1 =	vmul.f32 v41, v13;
	v53 =	vmul.f32 v56, v8;
	v2 =	vadd.f32 v2, v59;
	[tilespmem:s16+$0x440] =	vst v49;
	v49 =	vld [tilespmem:s18+$0xD0]  }
0x46f: {  	v50 =	vadd.f32 v50, v7;
	v60 =	vmul.f32 v43, v29;
	v3 =	vmul.f32 v33, v22;
	v62 =	vld [tilespmem:s20+$0x0]  }
0x470: {  	v7 =	vld [tilespmem:$0x1FFC0];
	v59 =	vmul.f32 v46, v9;
	v63 =	vmul.f32 v47, v9;
	[tilespmem:s5+$0x400] =	vst v2;
	v1 =	vadd.f32 v58, v1  }
0x471: {  	s23 =	sadd.s32 $0x100, s23;
	s22 =	sadd.s32 $0x200, s22;
	v55 =	vmul.f32 v47, v11;
	v5 =	vmul.f32 v44, v25;
	[tilespmem:s17+$0x400] =	vst v50;
	v58 =	vld [tilespmem:s7+$0x90];
	v4 =	vadd.f32 v4, v61  }
0x472: {  	s25 =	sadd.s32 $0xFFFFFF80, s23;
	s15 =	sand.u32 $0x7800, s22;
	v2 =	vmul.f32 v45, v25;
	v61 =	vld [tilespmem:s8+$0x90];
	v57 =	vadd.f32 v57, v63;
	v1 =	vadd.f32 v1, v60  }
0x473: {  	s24 =	sand.u32 $0x300, s25;
	s25 =	sadd.s32 $0x6B80, s15;
	v50 =	vmul.f32 v39, v17;
	v60 =	vld [tilespmem:s19+$0xD0];
	v0 =	vadd.f32 v4, v0;
	v3 =	vadd.f32 v49, v3  }
0x474: {  	s15 =	sadd.s32 s24, s25;
	s24 =	sand.u32 $0x380, s23;
	v4 =	vmul.f32 v38, v17;
	v5 =	vadd.f32 v57, v5;
	v49 =	vadd.f32 v62, v59;
	[tilespmem:s12+$0x40] =	vst v1  }
0x475: {  	s24 =	sadd.s32 s24, s25;
	v63 =	vmul.f32 v35, v22;
	v6 =	vmul.f32 v34, v7;
	[tilespmem:s13+$0x40] =	vst v0;
	v3 =	vadd.f32 v3, v53  }
0x476: {  	v62 =	vmul.f32 v36, v7;
	v0 =	vld [tilespmem:s11+$0x50];
	v1 =	vadd.f32 v58, v4;
	[tilespmem:s24+$0x0] =	vst v5;
	v2 =	vadd.f32 v49, v2  }
0x477: {  	v57 =	vmul.f32 v54, v14;
	v59 =	vmul.f32 v43, v30;
	v50 =	vadd.f32 v61, v50;
	v49 =	vld [tilespmem:s10+$0x50];
	[tilespmem:s14+$0x450] =	vst v3  }
0x478: {  	v1 =	vadd.f32 v1, v62;
	[tilespmem:s15+$0x0] =	vst v2;
	v3 =	vadd.f32 v60, v63;
	v60 =	vmul.f32 v32, v8;
	v63 =	vld [tilespmem:s9+$0x10]  }
0x479: {  	v7 =	vmul.f32 v39, v18;
	v58 =	vmul.f32 v41, v14;
	v4 =	vadd.f32 v50, v6;
	v61 =	vld [tilespmem:s18+$0xE0]  }
0x47a: {  	v5 =	vmul.f32 v47, v10;
	v53 =	vmul.f32 v42, v30;
	v62 =	vld [tilespmem:s20+$0x10];
	[tilespmem:s5+$0x410] =	vst v1;
	v1 =	vadd.f32 v3, v60  }
0x47b: {  	v50 =	vmul.f32 v56, v20;
	v6 =	vmul.f32 v45, v26;
	[tilespmem:s17+$0x410] =	vst v4;
	v0 =	vadd.f32 v0, v58;
	v58 =	vld [tilespmem:s7+$0xA0]  }
0x47c: {  	v60 =	vmul.f32 v33, v23;
	v49 =	vadd.f32 v49, v57;
	[tilespmem:s16+$0x450] =	vst v1;
	v1 =	vmul.f32 v56, v16;
	v56 =	vld [tilespmem:$0x1FFE0]  }
0x47d: {  	s4 =	sadd.s32 $0x2, s4;
	v2 =	vmul.f32 v46, v10;
	v8 =	vmul.f32 v35, v23;
	v0 =	vadd.f32 v0, v59;
	v59 =	vld [tilespmem:s8+$0xA0]  }
0x47e: {  	p0 =	slt.u32 s4, $0x7E;
	v3 =	vmul.f32 v44, v26;
	v33 =	vmovc v39;
	v49 =	vadd.f32 v49, v53;
	v53 =	vld [tilespmem:s19+$0xE0];
	v4 =	vadd.f32 v61, v60  }
.Ltmp2:
0x47f: {  	v5 =	vadd.f32 v63, v5;
	v2 =	vadd.f32 v62, v2;
	[tilespmem:s12+$0x50] =	vst v0;
	v0 =	vmul.f32 v38, v18;
	(pc) =	sbr.rel @p0 .LBB2_7-.Ltmp2, $4  }
0x480: {  	v39 =	vmovc v40;
	v63 =	vmul.f32 v41, v15;
	v60 =	vmul.f32 v42, v31;
	v4 =	vadd.f32 v4, v1  }
0x481: {  	[tilespmem:s13+$0x50] =	vst v49;
	v61 =	vld [tilespmem:s11+$0x60];
	v1 =	vadd.f32 v2, v6;
	v2 =	vadd.f32 v58, v0;
	v49 =	vmul.f32 v36, v56  }
0x482: {  	v62 =	vld [tilespmem:s10+$0x60];
	v57 =	vmul.f32 v34, v56;
	v56 =	vadd.f32 v5, v3;
	v59 =	vadd.f32 v59, v7;
	[tilespmem:s14+$0x460] =	vst v4  }
0x483: {  	s21 =	sadd.s32 $0x2, s21;
	v40 =	vmovc v54;
	v0 =	vmul.f32 v46, v11;
	v53 =	vadd.f32 v53, v8;
	v58 =	vadd.f32 v2, v49;
	v49 =	vld [tilespmem:s18+$0xF0];
	s18 =	smov.u32 s8;
	s8 =	smov.u32 s0  }
0x484: {  	[tilespmem:s24+$0x10] =	vst v56  }
0x485: {  	[tilespmem:s15+$0x10] =	vst v1;
	v1 =	vld [tilespmem:s9+$0x20]  }
0x486: {  	v2 =	vld [tilespmem:s20+$0x20];
	_ =	sdelay $0x3  }
0x487: {  	v3 =	vmul.f32 v44, v28;
	v1 =	vadd.f32 v1, v55  }
0x488: {  	v4 =	vmul.f32 v45, v28;
	v0 =	vadd.f32 v2, v0  }
0x489: {  	v1 =	vadd.f32 v1, v3  }
0x48a: {  	v0 =	vadd.f32 v0, v4  }
0x48b: {  	[tilespmem:s24+$0x20] =	vst v1  }
0x48c: {  	[tilespmem:s15+$0x20] =	vst v0;
	v0 =	vld [tilespmem:s9+$0x30]  }
0x48d: {  	v1 =	vld [tilespmem:s20+$0x30];
	_ =	sdelay $0x1  }
0x48e: {  	v2 =	vmul.f32 v47, v12  }
0x48f: {  	v3 =	vmul.f32 v46, v12  }
0x490: {  	v54 =	vmul.f32 v44, v27;
	v0 =	vadd.f32 v0, v2  }
0x491: {  	v2 =	vmul.f32 v45, v27;
	v1 =	vadd.f32 v1, v3  }
0x492: {  	v0 =	vadd.f32 v0, v54  }
0x493: {  	v1 =	vadd.f32 v1, v2  }
0x494: {  	[tilespmem:s24+$0x30] =	vst v0  }
0x495: {  	[tilespmem:s15+$0x30] =	vst v1;
	v0 =	vld [tilespmem:s9+$0x40]  }
0x496: {  	v1 =	vld [tilespmem:s20+$0x40];
	_ =	sdelay $0x1  }
0x497: {  	v2 =	vmul.f32 v47, v13  }
0x498: {  	v3 =	vmul.f32 v46, v13  }
0x499: {  	v55 =	vmul.f32 v44, v29;
	v0 =	vadd.f32 v0, v2  }
0x49a: {  	v2 =	vmul.f32 v45, v29;
	v1 =	vadd.f32 v1, v3  }
0x49b: {  	v0 =	vadd.f32 v0, v55  }
0x49c: {  	v1 =	vadd.f32 v1, v2  }
0x49d: {  	[tilespmem:s24+$0x40] =	vst v0  }
0x49e: {  	[tilespmem:s15+$0x40] =	vst v1;
	v0 =	vld [tilespmem:s9+$0x50]  }
0x49f: {  	v1 =	vld [tilespmem:s20+$0x50];
	_ =	sdelay $0x1  }
0x4a0: {  	v2 =	vmul.f32 v47, v14  }
0x4a1: {  	v3 =	vmul.f32 v46, v14  }
0x4a2: {  	v56 =	vmul.f32 v44, v30;
	v0 =	vadd.f32 v0, v2  }
0x4a3: {  	v2 =	vmul.f32 v45, v30;
	v1 =	vadd.f32 v1, v3  }
0x4a4: {  	v0 =	vadd.f32 v0, v56  }
0x4a5: {  	v1 =	vadd.f32 v1, v2  }
0x4a6: {  	[tilespmem:s24+$0x50] =	vst v0  }
0x4a7: {  	[tilespmem:s15+$0x50] =	vst v1;
	v0 =	vld [tilespmem:s9+$0x60]  }
0x4a8: {  	v1 =	vld [tilespmem:s20+$0x60]  }
0x4a9: {  	v5 =	vadd.f32 v62, v51  }
0x4aa: {  	v3 =	vmul.f32 v43, v31;
	v2 =	vadd.f32 v61, v63;
	v61 =	vmul.f32 v47, v15  }
0x4ab: {  	v63 =	vadd.f32 v5, v60  }
0x4ac: {  	v2 =	vadd.f32 v2, v3;
	v3 =	vmul.f32 v44, v31;
	v0 =	vadd.f32 v0, v61  }
0x4ad: {  	v51 =	vmul.f32 v45, v31;
	v1 =	vadd.f32 v1, v52  }
0x4ae: {  	[tilespmem:s13+$0x60] =	vst v63;
	v0 =	vadd.f32 v0, v3  }
0x4af: {  	[tilespmem:s12+$0x60] =	vst v2;
	v1 =	vadd.f32 v1, v51  }
0x4b0: {  	[tilespmem:s24+$0x60] =	vst v0  }
0x4b1: {  	[tilespmem:s15+$0x60] =	vst v1  }
0x4b2: {  	v20 =	vld [tilespmem:$0x1FF30]  }
0x4b3: {  	v2 =	vld [tilespmem:s11+$0x70]  }
0x4b4: {  	v63 =	vld [tilespmem:$0x1FF50]  }
0x4b5: {  	v3 =	vld [tilespmem:s10+$0x70];
	_ =	sdelay $0x1  }
0x4b6: {  	v0 =	vld [tilespmem:s9+$0x70];
	v1 =	vmul.f32 v41, v20  }
0x4b7: {  	v54 =	vmul.f32 v40, v20  }
0x4b8: {  	v6 =	vmul.f32 v43, v63;
	v1 =	vadd.f32 v2, v1  }
0x4b9: {  	v7 =	vmul.f32 v42, v63;
	v2 =	vmul.f32 v47, v20;
	v3 =	vadd.f32 v3, v54  }
0x4ba: {  	v52 =	vld [tilespmem:s20+$0x70];
	v1 =	vadd.f32 v1, v6  }
0x4bb: {  	v8 =	vmul.f32 v44, v63;
	v0 =	vadd.f32 v0, v2;
	v2 =	vadd.f32 v3, v7  }
0x4bc: {  	[tilespmem:s12+$0x70] =	vst v1  }
0x4bd: {  	v55 =	vmul.f32 v46, v20;
	v0 =	vadd.f32 v0, v8;
	[tilespmem:s13+$0x70] =	vst v2  }
0x4be: {  	v60 =	vld [tilespmem:$0x1FF70]  }
0x4bf: {  	v56 =	vld [tilespmem:s8+$0x80];
	v4 =	vadd.f32 v52, v55;
	v3 =	vmul.f32 v45, v63;
	[tilespmem:s24+$0x70] =	vst v0  }
0x4c0: {  	v62 =	vld [tilespmem:$0x1FF80]  }
0x4c1: {  	v3 =	vadd.f32 v4, v3;
	v1 =	vld [tilespmem:s11+$0x80];
	_ =	sdelay $0x1  }
0x4c2: {  	[tilespmem:s15+$0x70] =	vst v3;
	v3 =	vld [tilespmem:s9+$0x80];
	v2 =	vmul.f32 v39, v60  }
0x4c3: {  	v0 =	vld [tilespmem:s10+$0x80];
	v52 =	vmul.f32 v41, v60  }
0x4c4: {  	v2 =	vadd.f32 v56, v2;
	v51 =	vmul.f32 v37, v62  }
0x4c5: {  	v61 =	vmul.f32 v47, v60;
	v56 =	vmul.f32 v43, v62;
	v1 =	vadd.f32 v1, v52  }
0x4c6: {  	v55 =	vmul.f32 v40, v60;
	v2 =	vadd.f32 v2, v51  }
0x4c7: {  	v8 =	vmul.f32 v44, v62;
	v3 =	vadd.f32 v3, v61;
	v1 =	vadd.f32 v1, v56  }
0x4c8: {  	v54 =	vld [tilespmem:s20+$0x80];
	v0 =	vadd.f32 v0, v55;
	[tilespmem:s6+$0x400] =	vst v2;
	v2 =	vmul.f32 v42, v62  }
0x4c9: {  	[tilespmem:s12+$0x400] =	vst v1;
	v1 =	vadd.f32 v3, v8  }
0x4ca: {  	v0 =	vadd.f32 v0, v2  }
0x4cb: {  	v51 =	vmul.f32 v46, v60;
	[tilespmem:s24+$0x400] =	vst v1  }
0x4cc: {  	v52 =	vld [tilespmem:s8+$0x90];
	[tilespmem:s13+$0x400] =	vst v0  }
0x4cd: {  	v2 =	vadd.f32 v54, v51;
	v54 =	vmul.f32 v45, v62;
	v61 =	vld [tilespmem:$0x1FFC0]  }
0x4ce: {  	v3 =	vld [tilespmem:s11+$0x90]  }
0x4cf: {  	v0 =	vadd.f32 v2, v54  }
0x4d0: {  	v55 =	vmul.f32 v39, v17;
	v51 =	vld [tilespmem:s9+$0x90]  }
0x4d1: {  	v1 =	vld [tilespmem:s10+$0x90];
	[tilespmem:s15+$0x400] =	vst v0;
	v0 =	vmul.f32 v41, v17  }
0x4d2: {  	v56 =	vadd.f32 v52, v55;
	v2 =	vmul.f32 v37, v61  }
0x4d3: {  	v55 =	vmul.f32 v47, v17;
	v0 =	vadd.f32 v3, v0;
	v3 =	vmul.f32 v43, v61  }
0x4d4: {  	v54 =	vmul.f32 v40, v17;
	v2 =	vadd.f32 v56, v2  }
0x4d5: {  	v5 =	vadd.f32 v51, v55;
	v51 =	vmul.f32 v44, v61;
	v0 =	vadd.f32 v0, v3  }
0x4d6: {  	v52 =	vld [tilespmem:s20+$0x90];
	v1 =	vadd.f32 v1, v54;
	[tilespmem:s6+$0x410] =	vst v2;
	v2 =	vmul.f32 v42, v61  }
0x4d7: {  	[tilespmem:s12+$0x410] =	vst v0;
	v0 =	vadd.f32 v5, v51  }
0x4d8: {  	v1 =	vadd.f32 v1, v2  }
0x4d9: {  	v56 =	vmul.f32 v46, v17;
	[tilespmem:s24+$0x410] =	vst v0  }
0x4da: {  	v3 =	vld [tilespmem:s8+$0xA0];
	[tilespmem:s13+$0x410] =	vst v1  }
0x4db: {  	v4 =	vadd.f32 v52, v56;
	v56 =	vld [tilespmem:$0x1FFE0];
	_ =	sdelay $0x1  }
0x4dc: {  	v2 =	vmul.f32 v45, v61  }
0x4dd: {  	v52 =	vmul.f32 v39, v18;
	v5 =	vld [tilespmem:s11+$0xA0]  }
0x4de: {  	v6 =	vld [tilespmem:s9+$0xA0];
	v1 =	vadd.f32 v4, v2  }
0x4df: {  	v2 =	vadd.f32 v59, v57;
	v0 =	vld [tilespmem:s10+$0xA0];
	v3 =	vadd.f32 v3, v52;
	v57 =	vmul.f32 v37, v56  }
0x4e0: {  	[tilespmem:s15+$0x410] =	vst v1  }
0x4e1: {  	v1 =	vmul.f32 v41, v18;
	[tilespmem:s17+$0x420] =	vst v2;
	v2 =	vadd.f32 v3, v57  }
0x4e2: {  	[tilespmem:s5+$0x420] =	vst v58;
	v7 =	vld [tilespmem:s20+$0xA0];
	v3 =	vmul.f32 v40, v18;
	v57 =	vmul.f32 v47, v18  }
0x4e3: {  	v4 =	vld [tilespmem:s18+$0xB0];
	v1 =	vadd.f32 v5, v1;
	v59 =	vmul.f32 v43, v56;
	[tilespmem:s6+$0x420] =	vst v2  }
0x4e4: {  	v2 =	vmul.f32 v42, v56;
	v0 =	vadd.f32 v0, v3;
	v5 =	vadd.f32 v6, v57;
	v57 =	vld [tilespmem:$0x1FF20]  }
0x4e5: {  	v52 =	vld [tilespmem:s7+$0xB0];
	v54 =	vmul.f32 v44, v56;
	v1 =	vadd.f32 v1, v59  }
0x4e6: {  	v3 =	vmul.f32 v46, v18;
	v51 =	vld [tilespmem:s8+$0xB0];
	v0 =	vadd.f32 v0, v2  }
0x4e7: {  	v8 =	vmul.f32 v33, v19;
	[tilespmem:s12+$0x420] =	vst v1;
	v1 =	vadd.f32 v5, v54  }
0x4e8: {  	v59 =	vmul.f32 v38, v19;
	v2 =	vmul.f32 v45, v56;
	v3 =	vadd.f32 v7, v3;
	[tilespmem:s13+$0x420] =	vst v0  }
0x4e9: {  	v55 =	vmul.f32 v39, v19;
	v4 =	vadd.f32 v4, v8;
	[tilespmem:s24+$0x420] =	vst v1;
	v1 =	vld [tilespmem:s10+$0xB0];
	v58 =	vmul.f32 v34, v57  }
0x4ea: {  	v8 =	vld [tilespmem:s11+$0xB0];
	v0 =	vadd.f32 v3, v2;
	v3 =	vadd.f32 v52, v59;
	v2 =	vmul.f32 v36, v57  }
0x4eb: {  	v5 =	vadd.f32 v51, v55;
	v4 =	vadd.f32 v4, v58;
	v58 =	vmul.f32 v37, v57  }
0x4ec: {  	v59 =	vmul.f32 v40, v19;
	v7 =	vld [tilespmem:s9+$0xB0];
	[tilespmem:s15+$0x420] =	vst v0;
	v0 =	vadd.f32 v3, v2  }
0x4ed: {  	v2 =	vmul.f32 v41, v19;
	v3 =	vld [tilespmem:s20+$0xB0];
	[tilespmem:s17+$0x430] =	vst v4;
	v5 =	vadd.f32 v5, v58  }
0x4ee: {  	[tilespmem:s5+$0x430] =	vst v0;
	v58 =	vmul.f32 v42, v57;
	v1 =	vadd.f32 v1, v59  }
0x4ef: {  	v51 =	vmul.f32 v43, v57;
	v2 =	vadd.f32 v8, v2;
	v8 =	vmul.f32 v47, v19;
	v0 =	vld [tilespmem:s18+$0xC0];
	[tilespmem:s6+$0x430] =	vst v5  }
0x4f0: {  	v59 =	vmul.f32 v46, v19;
	v1 =	vadd.f32 v1, v58;
	v58 =	vld [tilespmem:$0x1FF60]  }
0x4f1: {  	v54 =	vmul.f32 v44, v57;
	v52 =	vld [tilespmem:s7+$0xC0];
	v2 =	vadd.f32 v2, v51;
	v7 =	vadd.f32 v7, v8  }
0x4f2: {  	v5 =	vmul.f32 v45, v57;
	v51 =	vld [tilespmem:s8+$0xC0];
	v3 =	vadd.f32 v3, v59  }
0x4f3: {  	v4 =	vmul.f32 v33, v21;
	[tilespmem:s12+$0x430] =	vst v2;
	v2 =	vadd.f32 v7, v54  }
0x4f4: {  	v8 =	vmul.f32 v38, v21;
	[tilespmem:s13+$0x430] =	vst v1;
	v1 =	vadd.f32 v3, v5  }
0x4f5: {  	v59 =	vmul.f32 v39, v21;
	v0 =	vadd.f32 v0, v4;
	[tilespmem:s24+$0x430] =	vst v2;
	v2 =	vld [tilespmem:s10+$0xC0];
	v55 =	vmul.f32 v34, v58  }
0x4f6: {  	v4 =	vld [tilespmem:s11+$0xC0];
	v54 =	vadd.f32 v52, v8;
	[tilespmem:s15+$0x430] =	vst v1;
	v3 =	vmul.f32 v36, v58  }
0x4f7: {  	v7 =	vadd.f32 v51, v59;
	v51 =	vld [tilespmem:s20+$0xC0];
	v0 =	vadd.f32 v0, v55;
	v55 =	vmul.f32 v37, v58  }
0x4f8: {  	v8 =	vld [tilespmem:s9+$0xC0];
	v59 =	vmul.f32 v40, v21;
	v3 =	vadd.f32 v54, v3  }
0x4f9: {  	v16 =	vld [tilespmem:$0x1FFF0];
	[tilespmem:s17+$0x440] =	vst v0;
	v6 =	vadd.f32 v7, v55  }
0x4fa: {  	v5 =	vmul.f32 v41, v21;
	v2 =	vadd.f32 v2, v59;
	v59 =	vmul.f32 v46, v21;
	[tilespmem:s5+$0x440] =	vst v3  }
0x4fb: {  	v52 =	vmul.f32 v43, v58;
	v3 =	vld [tilespmem:s18+$0xD0];
	[tilespmem:s6+$0x440] =	vst v6  }
0x4fc: {  	v4 =	vadd.f32 v4, v5;
	v5 =	vmul.f32 v47, v21;
	v7 =	vadd.f32 v51, v59;
	v59 =	vld [tilespmem:$0x1FF90]  }
0x4fd: {  	v0 =	vmul.f32 v33, v22;
	v54 =	vld [tilespmem:s7+$0xD0];
	v6 =	vmul.f32 v42, v58  }
0x4fe: {  	v55 =	vmul.f32 v44, v58;
	v4 =	vadd.f32 v4, v52;
	v5 =	vadd.f32 v8, v5;
	v52 =	vld [tilespmem:s8+$0xD0]  }
0x4ff: {  	v2 =	vadd.f32 v2, v6;
	v6 =	vmul.f32 v45, v58  }
0x500: {  	v51 =	vmul.f32 v38, v22;
	[tilespmem:s12+$0x440] =	vst v4;
	v4 =	vadd.f32 v5, v55;
	v0 =	vadd.f32 v3, v0  }
0x501: {  	v5 =	vld [tilespmem:s11+$0xD0];
	v3 =	vmul.f32 v39, v22;
	[tilespmem:s13+$0x440] =	vst v2;
	v2 =	vadd.f32 v7, v6;
	v8 =	vmul.f32 v34, v59  }
0x502: {  	v1 =	vmul.f32 v32, v16;
	[tilespmem:s24+$0x440] =	vst v4;
	v55 =	vadd.f32 v54, v51;
	v4 =	vld [tilespmem:s10+$0xD0];
	v54 =	vmul.f32 v36, v59  }
0x503: {  	v51 =	vld [tilespmem:s9+$0xD0];
	v3 =	vadd.f32 v52, v3;
	[tilespmem:s15+$0x440] =	vst v2;
	v0 =	vadd.f32 v0, v8;
	v8 =	vmul.f32 v37, v59  }
0x504: {  	v7 =	vmul.f32 v41, v22;
	v2 =	vmul.f32 v35, v24;
	v35 =	vld [tilespmem:s20+$0xD0];
	v6 =	vadd.f32 v55, v54  }
0x505: {  	v1 =	vadd.f32 v53, v1;
	[tilespmem:s17+$0x450] =	vst v0;
	v3 =	vadd.f32 v3, v8;
	v8 =	vmul.f32 v40, v22  }
0x506: {  	v5 =	vadd.f32 v5, v7;
	v7 =	vmul.f32 v47, v22;
	[tilespmem:s5+$0x450] =	vst v6;
	v6 =	vmul.f32 v43, v59  }
0x507: {  	v53 =	vld [tilespmem:s7+$0xE0];
	[tilespmem:s6+$0x450] =	vst v3;
	v3 =	vmul.f32 v42, v59;
	v4 =	vadd.f32 v4, v8;
	v8 =	vmul.f32 v46, v22  }
0x508: {  	v52 =	vld [tilespmem:s18+$0xE0];
	v5 =	vadd.f32 v5, v6;
	v6 =	vadd.f32 v51, v7;
	v7 =	vmul.f32 v44, v59  }
0x509: {  	[tilespmem:s16+$0x460] =	vst v1;
	v1 =	vadd.f32 v4, v3;
	v3 =	vmul.f32 v45, v59;
	v55 =	vadd.f32 v35, v8  }
0x50a: {  	v54 =	vld [tilespmem:s8+$0xE0];
	v59 =	vmul.f32 v38, v23;
	[tilespmem:s12+$0x450] =	vst v5  }
0x50b: {  	v0 =	vmul.f32 v33, v23;
	v5 =	vadd.f32 v6, v7;
	v7 =	vld [tilespmem:s11+$0xE0];
	[tilespmem:s13+$0x450] =	vst v1;
	v1 =	vadd.f32 v55, v3  }
0x50c: {  	v3 =	vadd.f32 v49, v48;
	v55 =	vadd.f32 v53, v59;
	v59 =	vmul.f32 v36, v16  }
0x50d: {  	v35 =	vmul.f32 v34, v16;
	v6 =	vmul.f32 v39, v23;
	v0 =	vadd.f32 v52, v0  }
0x50e: {  	v53 =	vmul.f32 v41, v23;
	[tilespmem:s15+$0x450] =	vst v1;
	v1 =	vadd.f32 v3, v50;
	v3 =	vadd.f32 v55, v59  }
0x50f: {  	[tilespmem:s24+$0x450] =	vst v5;
	v52 =	vmul.f32 v37, v16;
	v0 =	vadd.f32 v0, v35;
	v6 =	vadd.f32 v54, v6  }
0x510: {  	v49 =	vld [tilespmem:s10+$0xE0];
	v55 =	vmul.f32 v43, v16;
	[tilespmem:s5+$0x460] =	vst v3;
	v3 =	vadd.f32 v7, v53  }
0x511: {  	v8 =	vld [tilespmem:s19+$0xF0];
	[tilespmem:s17+$0x460] =	vst v0;
	v0 =	vadd.f32 v6, v52  }
0x512: {  	v35 =	vld [tilespmem:s9+$0xE0];
	v3 =	vadd.f32 v3, v55  }
0x513: {  	v54 =	vmul.f32 v40, v23;
	v48 =	vld [tilespmem:s20+$0xE0];
	[tilespmem:s6+$0x460] =	vst v0  }
0x514: {  	v59 =	vmul.f32 v47, v23;
	v6 =	vld [tilespmem:s18+$0xF0];
	v0 =	vmul.f32 v42, v16;
	[tilespmem:s12+$0x460] =	vst v3  }
0x515: {  	v5 =	vadd.f32 v49, v54;
	v54 =	vmul.f32 v44, v16;
	v55 =	vmul.f32 v45, v16;
	v16 =	vld [tilespmem:$0x1FFB0]  }
0x516: {  	v2 =	vadd.f32 v8, v2;
	v52 =	vmul.f32 v46, v23;
	v8 =	vld [tilespmem:s7+$0xF0]  }
0x517: {  	v53 =	vadd.f32 v35, v59;
	v0 =	vadd.f32 v5, v0  }
0x518: {  	v50 =	vld [tilespmem:s8+$0xF0];
	v59 =	vadd.f32 v48, v52;
	v48 =	vmul.f32 v33, v24  }
0x519: {  	v49 =	vmul.f32 v38, v24;
	v52 =	vmul.f32 v39, v24;
	v3 =	vadd.f32 v53, v54;
	v53 =	vld [tilespmem:s11+$0xF0];
	[tilespmem:s13+$0x460] =	vst v0  }
0x51a: {  	v0 =	vadd.f32 v59, v55;
	v6 =	vadd.f32 v6, v48;
	v55 =	vld [tilespmem:s10+$0xF0];
	v51 =	vmul.f32 v32, v16  }
0x51b: {  	v8 =	vadd.f32 v8, v49;
	[tilespmem:s24+$0x460] =	vst v3;
	v54 =	vmul.f32 v34, v16;
	v3 =	vmul.f32 v36, v16  }
0x51c: {  	[tilespmem:s15+$0x460] =	vst v0;
	v59 =	vmul.f32 v37, v16;
	v37 =	vmul.f32 v41, v24;
	v0 =	vadd.f32 v2, v51  }
0x51d: {  	v39 =	vmul.f32 v40, v24;
	[tilespmem:s14+$0x470] =	vst v1;
	v7 =	vadd.f32 v50, v52;
	v36 =	vld [tilespmem:s9+$0xF0];
	v2 =	vadd.f32 v6, v54  }
0x51e: {  	v38 =	vld [tilespmem:s20+$0xF0];
	v40 =	vmul.f32 v43, v16;
	v1 =	vadd.f32 v8, v3;
	[tilespmem:s16+$0x470] =	vst v0;
	v0 =	vadd.f32 v53, v37  }
0x51f: {  	v3 =	vadd.f32 v7, v59;
	v6 =	vadd.f32 v55, v39;
	[tilespmem:s17+$0x470] =	vst v2;
	v2 =	vmul.f32 v42, v16  }
0x520: {  	v41 =	vmul.f32 v47, v24;
	[tilespmem:s5+$0x470] =	vst v1;
	v0 =	vadd.f32 v0, v40  }
0x521: {  	v8 =	vmul.f32 v46, v24;
	[tilespmem:s6+$0x470] =	vst v3;
	v2 =	vadd.f32 v6, v2  }
0x522: {  	v42 =	vmul.f32 v44, v16;
	v1 =	vadd.f32 v36, v41;
	[tilespmem:s12+$0x470] =	vst v0  }
0x523: {  	v3 =	vmul.f32 v45, v16;
	v5 =	vadd.f32 v38, v8;
	[tilespmem:s13+$0x470] =	vst v2  }
0x524: {  	v0 =	vadd.f32 v1, v42;
	s0 =	rddreg [dreg:$0x3]  }
0x525: {  	v1 =	vadd.f32 v5, v3;
	s0 =	sadd.s32 s0, s26  }
0x526: {  	s2 =	rddreg [dreg:$0x1];
	s3 =	simm.s32 $0x6B80;
	[tilespmem:s24+$0x470] =	vst v0;
	s0 =	sshll.u32 s0, $0x5  }
0x527: {  	s8 =	simm.s32 $0x0;
	s10 =	simm.s32 $0x2;
	[tilespmem:s15+$0x470] =	vst v1;
	s0 =	sadd.s32 s2, s0  }
0x528: {  	[hbm4b:s0+s8] =	stream.linear.scatter [tilespmem:s3], [sflag:$0x1], $0x8000, $0x38;
	[tilespmem:$0x16B80] =	vst v63  }
0x529: {  	_ =	swait.ge [sflag:s10], $0x8000  }
0x52a: {  	[sflag:s10] =	ssyncset.done $0x0  }
0x52b: {  	[sflag:s10] =	ssyncadd.s32 $0xFFFF8000  }
0x52c: {  	v0 =	vld [tilespmem:s1+$0x0];
	_ =	sdelay $0x4  }
0x52d: {  	(v2sf) =	vpush v0, $0x0;
	_ =	sdelay $0xd  }
0x52e: {  	v45 =	vld.msk [tilespmem:s30+$0x0 ss:$0x0], $0xffff  }
0x52f: {  	v44 =	vld.msk [tilespmem:s31+$0x0 ss:$0x0], $0xffff;
	s9 =	spop (v2sf)  }
0x530: {  	v0 =	vld [tilespmem:s9+$0x0];
	_ =	sdelay $0x2  }
0x531: {  	v1 =	vmul.f32 v45, v9;
	_ =	sdelay $0x1  }
0x532: {  	v2 =	vmul.f32 v44, v25;
	v0 =	vadd.f32 v0, v1  }
0x533: {  	s11 =	simm.s32 $0x80;
	s2 =	sand.u32 $0x7800, s8  }
0x534: {  	s12 =	sadd.s32 $0xEB80, s2;
	s0 =	sand.u32 $0x380, s11;
	v0 =	vadd.f32 v0, v2  }
0x535: {  	s21 =	sadd.s32 s0, s12  }
0x536: {  	[tilespmem:s21+$0x0] =	vst v0  }
0x537: {  	v0 =	vld [tilespmem:s9+$0x10];
	_ =	sdelay $0x2  }
0x538: {  	v1 =	vld [tilespmem:s1+$0xFFFFFFFF];
	v2 =	vmul.f32 v45, v10;
	_ =	sdelay $0x1  }
0x539: {  	v3 =	vmul.f32 v44, v26;
	v0 =	vadd.f32 v0, v2;
	_ =	sdelay $0x1  }
0x53a: {  	v0 =	vadd.f32 v0, v3  }
0x53b: {  	(v2sf) =	vpush v1, $0x0  }
0x53c: {  	[tilespmem:s21+$0x10] =	vst v0  }
0x53d: {  	s13 =	sadd.s32 $0x2, s1;
	v0 =	vld [tilespmem:s9+$0x20]  }
0x53e: {  	v1 =	vld [tilespmem:s13+$0x0];
	_ =	sdelay $0x1  }
0x53f: {  	v2 =	vmul.f32 v45, v11;
	_ =	sdelay $0x1  }
0x540: {  	v3 =	vmul.f32 v44, v28;
	v0 =	vadd.f32 v0, v2  }
0x541: {  	(v2sf) =	vpush v1, $0x0  }
0x542: {  	v2 =	vld [tilespmem:s13+$0xFFFFFFFF];
	v0 =	vadd.f32 v0, v3;
	_ =	sdelay $0x1  }
0x543: {  	[tilespmem:s21+$0x20] =	vst v0  }
0x544: {  	v0 =	vld [tilespmem:s9+$0x30];
	_ =	sdelay $0x1  }
0x545: {  	v50 =	vld.msk [tilespmem:s30+$0xFFFFFFFF ss:$0x0], $0xffff;
	(v2sf) =	vpush v2, $0x0  }
0x546: {  	v49 =	vld.msk [tilespmem:s31+$0xFFFFFFFF ss:$0x0], $0xffff;
	v1 =	vmul.f32 v45, v12;
	s3 =	spop (v2sf)  }
0x547: {  	v2 =	vld [tilespmem:s3+$0x0]  }
0x548: {  	v3 =	vmul.f32 v44, v27;
	v0 =	vadd.f32 v0, v1;
	_ =	sdelay $0x1  }
0x549: {  	v1 =	vmul.f32 v50, v9;
	v0 =	vadd.f32 v0, v3  }
0x54a: {  	s15 =	sadd.s32 $0x2, s30  }
0x54b: {  	v35 =	vld.msk [tilespmem:s15+$0x0 ss:$0x0], $0xffff;
	v3 =	vmul.f32 v49, v25;
	v1 =	vadd.f32 v2, v1;
	[tilespmem:s21+$0x30] =	vst v0  }
0x54c: {  	s4 =	sadd.s32 $0x2, s31;
	s16 =	simm.s32 $0x0;
	v0 =	vld [tilespmem:s9+$0x40]  }
0x54d: {  	s6 =	sand.u32 $0x300, s16;
	v32 =	vld.msk [tilespmem:s4+$0x0 ss:$0x0], $0xffff;
	s19 =	spop (v2sf);
	v1 =	vadd.f32 v1, v3  }
0x54e: {  	s14 =	sadd.s32 s6, s12;
	v2 =	vld [tilespmem:s19+$0x0]  }
0x54f: {  	[tilespmem:s14+$0x0] =	vst v1;
	v1 =	vmul.f32 v45, v13;
	_ =	sdelay $0x1  }
0x550: {  	v33 =	vld.msk [tilespmem:s15+$0xFFFFFFFF ss:$0x0], $0xffff;
	v43 =	vmul.f32 v44, v29;
	v46 =	vmul.f32 v35, v9;
	v0 =	vadd.f32 v0, v1  }
0x551: {  	v34 =	vld.msk [tilespmem:s4+$0xFFFFFFFF ss:$0x0], $0xffff  }
0x552: {  	s17 =	simm.s32 $0x200;
	v47 =	vmul.f32 v32, v25;
	v3 =	vld [tilespmem:s3+$0x10];
	v2 =	vadd.f32 v2, v46;
	s18 =	spop (v2sf);
	v0 =	vadd.f32 v0, v43  }
0x553: {  	s20 =	simm.s32 $0x180;
	s5 =	sand.u32 $0x7800, s17;
	v1 =	vld [tilespmem:s18+$0x0]  }
0x554: {  	s5 =	sadd.s32 $0xEB80, s5;
	s6 =	sand.u32 $0x380, s20;
	v2 =	vadd.f32 v2, v47;
	[tilespmem:s21+$0x40] =	vst v0  }
0x555: {  	s16 =	sadd.s32 s6, s5;
	v0 =	vmul.f32 v50, v10;
	v51 =	vld [tilespmem:s9+$0x50]  }
0x556: {  	v48 =	vmul.f32 v33, v9;
	[tilespmem:s16+$0x0] =	vst v2  }
0x557: {  	v52 =	vmul.f32 v49, v26;
	v0 =	vadd.f32 v3, v0;
	v3 =	vld [tilespmem:s19+$0x10]  }
0x558: {  	v53 =	vmul.f32 v45, v14;
	v2 =	vmul.f32 v34, v25;
	v1 =	vadd.f32 v1, v48  }
0x559: {  	s22 =	simm.s32 $0x100;
	s0 =	sadd.s32 $0x2, s13;
	v54 =	vmul.f32 v35, v10;
	v0 =	vadd.f32 v0, v52  }
0x55a: {  	s6 =	sand.u32 $0x300, s22;
	v38 =	vld [tilespmem:s0+$0x0];
	v1 =	vadd.f32 v1, v2;
	v2 =	vmul.f32 v44, v30;
	v4 =	vadd.f32 v51, v53  }
0x55b: {  	s17 =	sadd.s32 s6, s5;
	v40 =	vld [tilespmem:s0+$0xFFFFFFFF];
	[tilespmem:s14+$0x10] =	vst v0  }
0x55c: {  	[tilespmem:s17+$0x0] =	vst v1;
	v1 =	vmul.f32 v32, v26;
	v0 =	vld [tilespmem:s3+$0x20];
	v3 =	vadd.f32 v3, v54;
	v2 =	vadd.f32 v4, v2  }
0x55d: {  	v55 =	vld [tilespmem:s18+$0x10]  }
0x55e: {  	v1 =	vadd.f32 v3, v1;
	[tilespmem:s21+$0x50] =	vst v2  }
0x55f: {  	v2 =	vmul.f32 v50, v11;
	v3 =	vld [tilespmem:s9+$0x60]  }
0x560: {  	v59 =	vmul.f32 v33, v10;
	v36 =	vmul.f32 v34, v26;
	[tilespmem:s16+$0x10] =	vst v1  }
0x561: {  	(v2sf) =	vpush v38, $0x0;
	v1 =	vmul.f32 v49, v28;
	v0 =	vadd.f32 v0, v2;
	v2 =	vld [tilespmem:s19+$0x20]  }
0x562: {  	v37 =	vmul.f32 v45, v15;
	(v2sf) =	vpush v40, $0x0;
	v4 =	vadd.f32 v55, v59  }
0x563: {  	v39 =	vmul.f32 v44, v31;
	v0 =	vadd.f32 v0, v1  }
0x564: {  	v1 =	vmul.f32 v35, v11;
	v4 =	vadd.f32 v4, v36;
	v3 =	vadd.f32 v3, v37  }
0x565: {  	[tilespmem:s14+$0x20] =	vst v0  }
0x566: {  	v41 =	vmul.f32 v32, v28;
	[tilespmem:s17+$0x10] =	vst v4;
	v0 =	vld [tilespmem:s3+$0x30];
	v1 =	vadd.f32 v2, v1;
	v3 =	vadd.f32 v3, v39  }
0x567: {  	v2 =	vld [tilespmem:s18+$0x20]  }
0x568: {  	v1 =	vadd.f32 v1, v41;
	[tilespmem:s21+$0x60] =	vst v3  }
0x569: {  	v3 =	vmul.f32 v50, v12;
	v42 =	vld [tilespmem:s9+$0x70]  }
0x56a: {  	v43 =	vmul.f32 v33, v11;
	[tilespmem:s16+$0x20] =	vst v1  }
0x56b: {  	v1 =	vmul.f32 v49, v27;
	v0 =	vadd.f32 v0, v3;
	v3 =	vld [tilespmem:s19+$0x30]  }
0x56c: {  	v46 =	vmul.f32 v34, v28;
	v47 =	vmul.f32 v45, v20;
	v2 =	vadd.f32 v2, v43  }
0x56d: {  	v48 =	vmul.f32 v35, v12;
	v0 =	vadd.f32 v0, v1  }
0x56e: {  	v1 =	vmul.f32 v44, v63;
	v2 =	vadd.f32 v2, v46;
	v4 =	vadd.f32 v42, v47  }
0x56f: {  	s2 =	sadd.s32 $0x2, s15  }
0x570: {  	v38 =	vld.msk [tilespmem:s2+$0x0 ss:$0x0], $0xffff;
	s7 =	spop (v2sf);
	[tilespmem:s17+$0x20] =	vst v2;
	v2 =	vmul.f32 v32, v27;
	v3 =	vadd.f32 v3, v48;
	v1 =	vadd.f32 v4, v1  }
0x571: {  	s8 =	spop (v2sf);
	v53 =	vld [tilespmem:s7+$0x0]  }
0x572: {  	v59 =	vld [tilespmem:s8+$0x0];
	[tilespmem:s21+$0x70] =	vst v1;
	v1 =	vadd.f32 v3, v2  }
0x573: {  	[tilespmem:s14+$0x30] =	vst v0;
	v2 =	vld [tilespmem:s9+$0x80]  }
0x574: {  	v0 =	vld [tilespmem:s3+$0x40];
	[tilespmem:s16+$0x30] =	vst v1  }
0x575: {  	s4 =	sadd.s32 $0x2, s4;
	v1 =	vld [tilespmem:s19+$0x40]  }
0x576: {  	v36 =	vld.msk [tilespmem:s4+$0x0 ss:$0x0], $0xffff;
	v3 =	vmul.f32 v45, v60  }
0x577: {  	v52 =	vmul.f32 v50, v13;
	v39 =	vld.msk [tilespmem:s2+$0xFFFFFFFF ss:$0x0], $0xffff  }
0x578: {  	v8 =	vmul.f32 v35, v13;
	v54 =	vmul.f32 v44, v62;
	v51 =	vld [tilespmem:s18+$0x30];
	v2 =	vadd.f32 v2, v3  }
0x579: {  	v37 =	vld.msk [tilespmem:s4+$0xFFFFFFFF ss:$0x0], $0xffff;
	v46 =	vmul.f32 v38, v9;
	v0 =	vadd.f32 v0, v52;
	v3 =	vmul.f32 v49, v29  }
0x57a: {  	v55 =	vmul.f32 v32, v29;
	v2 =	vadd.f32 v2, v54;
	v1 =	vadd.f32 v1, v8  }
0x57b: {  	v6 =	vadd.f32 v53, v46;
	v0 =	vadd.f32 v0, v3;
	v3 =	vmul.f32 v33, v12  }
0x57c: {  	s23 =	simm.s32 $0x400;
	v8 =	vmul.f32 v39, v9;
	[tilespmem:s21+$0x400] =	vst v2;
	v2 =	vmul.f32 v36, v25;
	v1 =	vadd.f32 v1, v55  }
0x57d: {  	s24 =	simm.s32 $0x280;
	s5 =	sand.u32 $0x7800, s23;
	[tilespmem:s14+$0x40] =	vst v0;
	v0 =	vmul.f32 v34, v27;
	v3 =	vadd.f32 v51, v3;
	v47 =	vld [tilespmem:s9+$0x90]  }
0x57e: {  	s11 =	sand.u32 $0x380, s24;
	s25 =	sadd.s32 $0xEB80, s5;
	v51 =	vmul.f32 v37, v25;
	v8 =	vadd.f32 v59, v8;
	v48 =	vld [tilespmem:s3+$0x50];
	v2 =	vadd.f32 v6, v2;
	[tilespmem:s16+$0x40] =	vst v1  }
0x57f: {  	s12 =	simm.s32 $0x200;
	s5 =	sadd.s32 s11, s25;
	v0 =	vadd.f32 v3, v0;
	v1 =	vld [tilespmem:s19+$0x50]  }
0x580: {  	s6 =	sand.u32 $0x300, s12;
	v3 =	vmul.f32 v45, v17;
	v52 =	vadd.f32 v8, v51;
	[tilespmem:s5+$0x0] =	vst v2  }
0x581: {  	s6 =	sadd.s32 s6, s25;
	v2 =	vmul.f32 v50, v14;
	[tilespmem:s17+$0x30] =	vst v0;
	v0 =	vld [tilespmem:s7+$0x10]  }
0x582: {  	v54 =	vmul.f32 v44, v61;
	v8 =	vmul.f32 v35, v14;
	[tilespmem:s6+$0x0] =	vst v52;
	v53 =	vld [tilespmem:s18+$0x40];
	v3 =	vadd.f32 v47, v3  }
0x583: {  	v55 =	vmul.f32 v49, v30;
	v59 =	vmul.f32 v32, v30;
	v46 =	vld [tilespmem:s8+$0x10];
	v2 =	vadd.f32 v48, v2  }
0x584: {  	v47 =	vmul.f32 v38, v10;
	v3 =	vadd.f32 v3, v54;
	v1 =	vadd.f32 v1, v8  }
0x585: {  	v48 =	vmul.f32 v33, v13;
	v2 =	vadd.f32 v2, v55;
	v8 =	vmul.f32 v39, v10  }
0x586: {  	[tilespmem:s21+$0x410] =	vst v3;
	v3 =	vmul.f32 v36, v26;
	v1 =	vadd.f32 v1, v59;
	v0 =	vadd.f32 v0, v47  }
0x587: {  	[tilespmem:s14+$0x50] =	vst v2;
	v2 =	vmul.f32 v34, v29;
	v51 =	vadd.f32 v53, v48;
	v52 =	vld [tilespmem:s9+$0xA0]  }
0x588: {  	v54 =	vmul.f32 v37, v26;
	v8 =	vadd.f32 v46, v8;
	v53 =	vld [tilespmem:s3+$0x60];
	[tilespmem:s16+$0x50] =	vst v1;
	v0 =	vadd.f32 v0, v3  }
0x589: {  	v1 =	vadd.f32 v51, v2;
	v2 =	vld [tilespmem:s19+$0x60]  }
0x58a: {  	v3 =	vmul.f32 v45, v18;
	v55 =	vadd.f32 v8, v54;
	[tilespmem:s5+$0x10] =	vst v0  }
0x58b: {  	v0 =	vmul.f32 v50, v15;
	[tilespmem:s17+$0x40] =	vst v1  }
0x58c: {  	v59 =	vmul.f32 v35, v15;
	v8 =	vmul.f32 v44, v56;
	[tilespmem:s6+$0x10] =	vst v55;
	v1 =	vld [tilespmem:s7+$0x20];
	v3 =	vadd.f32 v52, v3  }
0x58d: {  	s0 =	sadd.s32 $0x2, s0;
	v46 =	vmul.f32 v49, v31;
	v48 =	vld [tilespmem:s8+$0x20];
	v0 =	vadd.f32 v53, v0  }
0x58e: {  	v51 =	vmul.f32 v32, v31;
	v3 =	vadd.f32 v3, v8;
	v8 =	vld [tilespmem:s0+$0x0];
	v2 =	vadd.f32 v2, v59  }
0x58f: {  	v47 =	vmul.f32 v38, v11;
	v53 =	vld [tilespmem:s0+$0xFFFFFFFF];
	v0 =	vadd.f32 v0, v46  }
0x590: {  	v7 =	vld [tilespmem:s18+$0x50];
	v52 =	vmul.f32 v39, v11;
	[tilespmem:s21+$0x420] =	vst v3;
	v2 =	vadd.f32 v2, v51  }
0x591: {  	v54 =	vmul.f32 v36, v28;
	v1 =	vadd.f32 v1, v47;
	[tilespmem:s14+$0x60] =	vst v0  }
0x592: {  	v59 =	vmul.f32 v37, v28;
	v3 =	vld [tilespmem:s9+$0xB0];
	[tilespmem:s16+$0x60] =	vst v2;
	v2 =	vadd.f32 v48, v52  }
0x593: {  	v0 =	vmul.f32 v33, v14;
	v55 =	vld [tilespmem:s3+$0x70];
	v1 =	vadd.f32 v1, v54;
	(v2sf) =	vpush v8, $0x0  }
0x594: {  	v43 =	vmul.f32 v34, v30;
	v46 =	vld [tilespmem:s19+$0x70];
	(v2sf) =	vpush v53, $0x0  }
0x595: {  	v0 =	vadd.f32 v7, v0;
	v8 =	vmul.f32 v45, v19;
	v2 =	vadd.f32 v2, v59;
	[tilespmem:s5+$0x20] =	vst v1  }
0x596: {  	v51 =	vmul.f32 v35, v20;
	v1 =	vmul.f32 v50, v20;
	v47 =	vld [tilespmem:s7+$0x30]  }
0x597: {  	v48 =	vmul.f32 v44, v57;
	v0 =	vadd.f32 v0, v43;
	v3 =	vadd.f32 v3, v8;
	[tilespmem:s6+$0x20] =	vst v2  }
0x598: {  	v52 =	vmul.f32 v32, v63;
	v2 =	vmul.f32 v49, v63;
	v1 =	vadd.f32 v55, v1;
	v8 =	vld [tilespmem:s8+$0x30]  }
0x599: {  	s2 =	sadd.s32 $0x2, s2;
	[tilespmem:s17+$0x50] =	vst v0;
	v0 =	vmul.f32 v38, v12;
	v7 =	vadd.f32 v46, v51;
	v3 =	vadd.f32 v3, v48  }
0x59a: {  	v40 =	vld.msk [tilespmem:s2+$0xFFFFFFFF ss:$0x0], $0xffff;
	v54 =	vmul.f32 v36, v27;
	v1 =	vadd.f32 v1, v2  }
0x59b: {  	s4 =	sadd.s32 $0x2, s4;
	v41 =	vld.msk [tilespmem:s2+$0x0 ss:$0x0], $0xffff;
	v53 =	vmul.f32 v39, v12;
	v5 =	vadd.f32 v7, v52;
	[tilespmem:s21+$0x430] =	vst v3;
	v0 =	vadd.f32 v47, v0  }
0x59c: {  	v42 =	vld.msk [tilespmem:s4+$0xFFFFFFFF ss:$0x0], $0xffff;
	[tilespmem:s14+$0x70] =	vst v1  }
0x59d: {  	v3 =	vmul.f32 v37, v27;
	v59 =	vld [tilespmem:s3+$0x80];
	[tilespmem:s16+$0x70] =	vst v5;
	v55 =	vadd.f32 v8, v53;
	v0 =	vadd.f32 v0, v54  }
0x59e: {  	v6 =	vld [tilespmem:s19+$0x80]  }
0x59f: {  	v1 =	vld [tilespmem:s9+$0xC0];
	v3 =	vadd.f32 v55, v3;
	[tilespmem:s5+$0x30] =	vst v0  }
0x5a0: {  	v0 =	vmul.f32 v50, v60;
	v4 =	vld [tilespmem:s7+$0x40]  }
0x5a1: {  	v43 =	vld.msk [tilespmem:s4+$0x0 ss:$0x0], $0xffff;
	v51 =	vmul.f32 v44, v58;
	[tilespmem:s6+$0x30] =	vst v3;
	v3 =	vmul.f32 v35, v60  }
0x5a2: {  	v47 =	vmul.f32 v45, v21;
	v5 =	vmul.f32 v49, v62;
	v0 =	vadd.f32 v59, v0;
	v48 =	vld [tilespmem:s8+$0x40];
	s11 =	spop (v2sf)  }
0x5a3: {  	v52 =	vmul.f32 v38, v13;
	v53 =	vmul.f32 v32, v62;
	v3 =	vadd.f32 v6, v3;
	v6 =	vld [tilespmem:s11+$0x0];
	s10 =	spop (v2sf)  }
0x5a4: {  	v54 =	vmul.f32 v36, v29;
	v1 =	vadd.f32 v1, v47;
	v0 =	vadd.f32 v0, v5;
	v55 =	vld [tilespmem:s10+$0x0]  }
0x5a5: {  	v59 =	vmovc v62;
	v62 =	vmul.f32 v37, v29;
	v5 =	vmul.f32 v39, v13;
	v4 =	vadd.f32 v4, v52  }
0x5a6: {  	v1 =	vadd.f32 v1, v51;
	v3 =	vadd.f32 v3, v53;
	[tilespmem:s14+$0x400] =	vst v0;
	v0 =	vmul.f32 v41, v9  }
0x5a7: {  	v5 =	vadd.f32 v48, v5;
	v4 =	vadd.f32 v4, v54;
	v54 =	vmul.f32 v40, v9  }
0x5a8: {  	s13 =	simm.s32 $0x600;
	v2 =	vld [tilespmem:s18+$0x60];
	v51 =	vmul.f32 v43, v25;
	[tilespmem:s21+$0x440] =	vst v1;
	v0 =	vadd.f32 v6, v0  }
0x5a9: {  	s15 =	simm.s32 $0x380;
	s12 =	sand.u32 $0x7800, s13;
	v1 =	vmul.f32 v42, v25;
	[tilespmem:s16+$0x400] =	vst v3;
	v5 =	vadd.f32 v5, v62;
	v62 =	vadd.f32 v55, v54  }
0x5aa: {  	s20 =	simm.s32 $0x300;
	s23 =	sand.u32 $0x380, s15;
	s22 =	sadd.s32 $0xEB80, s12;
	v48 =	vld [tilespmem:s3+$0x90];
	[tilespmem:s5+$0x40] =	vst v4;
	v0 =	vadd.f32 v0, v51  }
0x5ab: {  	s24 =	sand.u32 $0x300, s20;
	s12 =	sadd.s32 s23, s22;
	v7 =	vmul.f32 v33, v15;
	v52 =	vld [tilespmem:s9+$0xD0];
	[tilespmem:s6+$0x40] =	vst v5;
	v1 =	vadd.f32 v62, v1  }
0x5ac: {  	s13 =	sadd.s32 s24, s22;
	v3 =	vld [tilespmem:s19+$0x90];
	[tilespmem:s12+$0x0] =	vst v0  }
0x5ad: {  	v2 =	vadd.f32 v2, v7;
	v4 =	vmul.f32 v50, v17;
	v7 =	vld [tilespmem:s7+$0x50];
	[tilespmem:s13+$0x0] =	vst v1  }
0x5ae: {  	v8 =	vmul.f32 v34, v31;
	v16 =	vld [tilespmem:$0x1FF90]  }
0x5af: {  	v47 =	vmul.f32 v49, v61;
	v55 =	vmul.f32 v35, v17;
	v62 =	vld [tilespmem:s8+$0x50];
	v4 =	vadd.f32 v48, v4  }
0x5b0: {  	v2 =	vadd.f32 v2, v8;
	v53 =	vmul.f32 v45, v22;
	v54 =	vmul.f32 v38, v14  }
0x5b1: {  	v0 =	vadd.f32 v3, v55;
	v3 =	vmul.f32 v32, v61;
	v1 =	vadd.f32 v4, v47;
	v4 =	vld [tilespmem:s11+$0x10]  }
0x5b2: {  	v8 =	vmul.f32 v39, v14;
	v55 =	vmul.f32 v36, v30;
	v51 =	vld [tilespmem:s10+$0x10];
	v7 =	vadd.f32 v7, v54  }
0x5b3: {  	v0 =	vadd.f32 v0, v3;
	v3 =	vadd.f32 v52, v53;
	[tilespmem:s17+$0x60] =	vst v2;
	v61 =	vmul.f32 v44, v16  }
0x5b4: {  	[tilespmem:s14+$0x410] =	vst v1;
	v1 =	vmul.f32 v41, v10;
	v2 =	vadd.f32 v62, v8;
	v62 =	vadd.f32 v7, v55  }
0x5b5: {  	v5 =	vmul.f32 v37, v30;
	v52 =	vmul.f32 v40, v10;
	v7 =	vld [tilespmem:s3+$0xA0];
	[tilespmem:s16+$0x410] =	vst v0;
	v0 =	vadd.f32 v3, v61  }
0x5b6: {  	v8 =	vld [tilespmem:s18+$0x70];
	[tilespmem:s5+$0x50] =	vst v62;
	v1 =	vadd.f32 v4, v1;
	v3 =	vmul.f32 v43, v26  }
0x5b7: {  	v48 =	vld [tilespmem:s19+$0xA0];
	v2 =	vadd.f32 v2, v5;
	v61 =	vmul.f32 v42, v26;
	[tilespmem:s21+$0x450] =	vst v0;
	v0 =	vadd.f32 v51, v52  }
0x5b8: {  	v6 =	vld [tilespmem:s7+$0x60];
	v1 =	vadd.f32 v1, v3  }
0x5b9: {  	v47 =	vmul.f32 v33, v20;
	[tilespmem:s6+$0x50] =	vst v2;
	v0 =	vadd.f32 v0, v61  }
0x5ba: {  	v46 =	vmul.f32 v39, v15;
	v62 =	vmul.f32 v50, v18;
	v3 =	vld [tilespmem:s8+$0x60];
	[tilespmem:s12+$0x10] =	vst v1  }
0x5bb: {  	v2 =	vmul.f32 v35, v18;
	v5 =	vadd.f32 v8, v47;
	v8 =	vmul.f32 v38, v15;
	v53 =	vld [tilespmem:s9+$0xE0];
	[tilespmem:s13+$0x10] =	vst v0  }
0x5bc: {  	s0 =	sadd.s32 $0x2, s0;
	v52 =	vmul.f32 v49, v56;
	v61 =	vadd.f32 v7, v62;
	v1 =	vmul.f32 v32, v56;
	v56 =	vld [tilespmem:$0x1FFF0]  }
0x5bd: {  	v47 =	vld [tilespmem:s0+$0x0];
	v2 =	vadd.f32 v48, v2;
	v6 =	vadd.f32 v6, v8;
	v8 =	vmul.f32 v36, v31  }
0x5be: {  	v48 =	vmul.f32 v41, v11;
	v62 =	vmul.f32 v45, v23;
	v0 =	vld [tilespmem:s11+$0x20];
	v4 =	vadd.f32 v61, v52  }
0x5bf: {  	v51 =	vmul.f32 v34, v63;
	v6 =	vadd.f32 v6, v8;
	v1 =	vadd.f32 v2, v1;
	v52 =	vld [tilespmem:s10+$0x20]  }
0x5c0: {  	v61 =	vmul.f32 v37, v31;
	v3 =	vadd.f32 v3, v46;
	v2 =	vadd.f32 v53, v62;
	v53 =	vld [tilespmem:s0+$0xFFFFFFFF];
	[tilespmem:s14+$0x420] =	vst v4  }
0x5c1: {  	v62 =	vmul.f32 v40, v11;
	[tilespmem:s16+$0x420] =	vst v1;
	v8 =	vld [tilespmem:s3+$0xB0];
	v7 =	vmul.f32 v44, v56  }
0x5c2: {  	v54 =	vmul.f32 v50, v19;
	v5 =	vadd.f32 v5, v51;
	[tilespmem:s5+$0x60] =	vst v6;
	v3 =	vadd.f32 v3, v61;
	v4 =	vld [tilespmem:s19+$0xB0]  }
0x5c3: {  	v0 =	vadd.f32 v0, v48;
	v1 =	vadd.f32 v2, v7;
	v2 =	vmul.f32 v43, v28;
	v7 =	vld [tilespmem:s7+$0x70]  }
0x5c4: {  	v6 =	vmul.f32 v42, v28;
	v48 =	vmul.f32 v49, v57;
	v46 =	vadd.f32 v52, v62  }
0x5c5: {  	(v2sf) =	vpush v47, $0x0;
	[tilespmem:s6+$0x60] =	vst v3;
	v62 =	vmovc v22;
	v0 =	vadd.f32 v0, v2;
	v2 =	vmul.f32 v35, v19  }
0x5c6: {  	v22 =	vmul.f32 v38, v20;
	v61 =	vadd.f32 v8, v54;
	[tilespmem:s21+$0x460] =	vst v1;
	v1 =	vadd.f32 v46, v6  }
0x5c7: {  	(v2sf) =	vpush v53, $0x0;
	v53 =	vmovc v23;
	[tilespmem:s12+$0x20] =	vst v0;
	v0 =	vmul.f32 v32, v57;
	v2 =	vadd.f32 v4, v2  }
0x5c8: {  	v23 =	vadd.f32 v61, v48;
	[tilespmem:s13+$0x20] =	vst v1;
	v57 =	vmul.f32 v36, v63;
	v1 =	vld [tilespmem:s11+$0x30];
	v7 =	vadd.f32 v7, v22  }
0x5c9: {  	[tilespmem:s17+$0x70] =	vst v5;
	v3 =	vld [tilespmem:s8+$0x70];
	v0 =	vadd.f32 v2, v0  }
0x5ca: {  	[tilespmem:s14+$0x430] =	vst v23;
	v47 =	vld [tilespmem:s10+$0x30];
	v6 =	vadd.f32 v7, v57  }
0x5cb: {  	v8 =	vld [tilespmem:s9+$0xF0];
	v23 =	vmul.f32 v41, v12;
	[tilespmem:s16+$0x430] =	vst v0  }
0x5cc: {  	v22 =	vmul.f32 v39, v20;
	v7 =	vld [tilespmem:s3+$0xC0];
	[tilespmem:s5+$0x70] =	vst v6  }
0x5cd: {  	v56 =	vmovc v27;
	v2 =	vmul.f32 v37, v63;
	v63 =	vmul.f32 v40, v12;
	v1 =	vadd.f32 v1, v23;
	v23 =	vld [tilespmem:$0x1FFB0]  }
0x5ce: {  	v52 =	vmul.f32 v42, v56;
	v3 =	vadd.f32 v3, v22;
	v0 =	vmul.f32 v43, v56  }
0x5cf: {  	v61 =	vmovc v18;
	v18 =	vmovc v29;
	v29 =	vmov v56;
	v56 =	vmul.f32 v50, v21;
	v63 =	vadd.f32 v47, v63  }
0x5d0: {  	v45 =	vmul.f32 v45, v24;
	v22 =	vadd.f32 v3, v2;
	v2 =	vld [tilespmem:s18+$0x80];
	v0 =	vadd.f32 v1, v0  }
0x5d1: {  	v54 =	vmovc v60;
	v6 =	vld [tilespmem:s19+$0xC0];
	v1 =	vmul.f32 v49, v58;
	v3 =	vadd.f32 v63, v52;
	v5 =	vadd.f32 v7, v56  }
0x5d2: {  	v60 =	vmovc v17;
	v17 =	vmov v54;
	v8 =	vadd.f32 v8, v45;
	[tilespmem:s12+$0x30] =	vst v0;
	v55 =	vmul.f32 v44, v23;
	v44 =	vld [tilespmem:s7+$0x80]  }
0x5d3: {  	v57 =	vmovc v13;
	v13 =	vmov v12;
	v7 =	vmul.f32 v33, v54;
	[tilespmem:s13+$0x30] =	vst v3;
	v1 =	vadd.f32 v5, v1;
	v3 =	vld [tilespmem:s11+$0x40]  }
0x5d4: {  	s2 =	sadd.s32 $0x2, s2;
	v12 =	vmovc v14;
	v63 =	vmul.f32 v40, v57;
	v0 =	vmul.f32 v35, v21;
	v4 =	vadd.f32 v8, v55;
	v55 =	vld [tilespmem:s10+$0x40]  }
0x5d5: {  	s9 =	spop (v2sf);
	v47 =	vld.msk [tilespmem:s2+$0x0 ss:$0x0], $0xffff;
	[tilespmem:s14+$0x440] =	vst v1;
	v1 =	vadd.f32 v2, v7;
	v2 =	vmul.f32 v34, v59;
	v8 =	vmul.f32 v38, v54  }
0x5d6: {  	v14 =	vmovc v57;
	v57 =	vmul.f32 v41, v57;
	v0 =	vadd.f32 v6, v0;
	v6 =	vld [tilespmem:s9+$0x0];
	v54 =	vmul.f32 v32, v58  }
0x5d7: {  	v21 =	vmul.f32 v36, v59;
	v7 =	vld [tilespmem:s3+$0xD0];
	v1 =	vadd.f32 v1, v2;
	v8 =	vadd.f32 v44, v8  }
0x5d8: {  	s22 =	sadd.s32 $0x2, s4;
	v46 =	vld.msk [tilespmem:s2+$0xFFFFFFFF ss:$0x0], $0xffff;
	v0 =	vadd.f32 v0, v54;
	v54 =	vmul.f32 v43, v18;
	v3 =	vadd.f32 v3, v57  }
0x5d9: {  	v45 =	vld.msk [tilespmem:s22+$0xFFFFFFFF ss:$0x0], $0xffff;
	s20 =	spop (v2sf);
	[tilespmem:s17+$0x400] =	vst v1;
	v5 =	vadd.f32 v8, v21;
	v8 =	vmul.f32 v42, v18;
	v56 =	vadd.f32 v55, v63  }
0x5da: {  	v58 =	vld [tilespmem:s20+$0x0];
	v2 =	vmul.f32 v50, v62;
	v1 =	vmul.f32 v47, v9;
	[tilespmem:s16+$0x440] =	vst v0;
	v3 =	vadd.f32 v3, v54  }
0x5db: {  	v44 =	vld.msk [tilespmem:s22+$0x0 ss:$0x0], $0xffff;
	[tilespmem:s5+$0x400] =	vst v5;
	v0 =	vadd.f32 v56, v8  }
0x5dc: {  	v57 =	vmul.f32 v49, v16;
	v2 =	vadd.f32 v7, v2;
	v1 =	vadd.f32 v6, v1;
	v6 =	vld [tilespmem:s19+$0xD0];
	[tilespmem:s12+$0x40] =	vst v3  }
0x5dd: {  	v21 =	vmul.f32 v46, v9;
	v63 =	vld [tilespmem:s7+$0x90];
	[tilespmem:s13+$0x40] =	vst v0  }
0x5de: {  	v2 =	vadd.f32 v2, v57;
	v20 =	vld [tilespmem:$0x1FFC0]  }
0x5df: {  	v51 =	vmul.f32 v40, v15;
	v7 =	vld [tilespmem:s18+$0x90];
	v8 =	vmul.f32 v45, v25;
	v5 =	vadd.f32 v58, v21  }
0x5e0: {  	s23 =	simm.s32 $0x800;
	v21 =	vmul.f32 v38, v60;
	[tilespmem:s14+$0x450] =	vst v2;
	v2 =	vmul.f32 v35, v62  }
0x5e1: {  	s25 =	simm.s32 $0x400;
	s15 =	sand.u32 $0x7800, s23;
	v3 =	vmul.f32 v33, v60;
	v56 =	vld [tilespmem:s11+$0x50];
	v0 =	vmul.f32 v44, v25;
	v5 =	vadd.f32 v5, v8  }
0x5e2: {  	s24 =	sand.u32 $0x300, s25;
	s25 =	sadd.s32 $0xEB80, s15;
	s4 =	simm.s32 $0x480;
	v2 =	vadd.f32 v6, v2;
	v54 =	vadd.f32 v63, v21;
	v21 =	vmul.f32 v32, v16  }
0x5e3: {  	s15 =	sadd.s32 s24, s25;
	s24 =	sand.u32 $0x380, s4;
	v57 =	vmul.f32 v41, v12;
	v0 =	vadd.f32 v1, v0;
	v63 =	vmul.f32 v36, v20  }
0x5e4: {  	s24 =	sadd.s32 s24, s25;
	v8 =	vld [tilespmem:s10+$0x50];
	v3 =	vadd.f32 v7, v3;
	[tilespmem:s15+$0x0] =	vst v5;
	v1 =	vmul.f32 v34, v20;
	v2 =	vadd.f32 v2, v21  }
0x5e5: {  	v48 =	vmul.f32 v50, v24;
	v19 =	vmov v30;
	[tilespmem:s24+$0x0] =	vst v0;
	v54 =	vadd.f32 v54, v63  }
0x5e6: {  	v5 =	vld [tilespmem:s3+$0xE0];
	v56 =	vadd.f32 v56, v57;
	v1 =	vadd.f32 v3, v1;
	v3 =	vmul.f32 v43, v19;
	[tilespmem:s16+$0x450] =	vst v2  }
0x5e7: {  	v52 =	vmul.f32 v46, v15;
	v7 =	vmul.f32 v40, v12;
	v0 =	vld [tilespmem:s20+$0x10];
	[tilespmem:s5+$0x410] =	vst v54  }
0x5e8: {  	v30 =	vmovc v18;
	v55 =	vmul.f32 v47, v11;
	v18 =	vmov v60;
	v60 =	vld [tilespmem:s9+$0x10];
	v3 =	vadd.f32 v56, v3;
	[tilespmem:s17+$0x410] =	vst v1  }
0x5e9: {  	v62 =	vmul.f32 v42, v19;
	v7 =	vadd.f32 v8, v7;
	v8 =	vmul.f32 v46, v10;
	v16 =	vld [tilespmem:$0x1FFF0];
	[tilespmem:s21+$0x470] =	vst v4  }
0x5ea: {  	v21 =	vmul.f32 v50, v53;
	v50 =	vmul.f32 v49, v23;
	v54 =	vld [tilespmem:s7+$0xA0];
	[tilespmem:s12+$0x50] =	vst v3  }
0x5eb: {  	v23 =	vmul.f32 v33, v61;
	v6 =	vadd.f32 v7, v62;
	v1 =	vmul.f32 v47, v10;
	v3 =	vld [tilespmem:$0x1FFE0]  }
0x5ec: {  	v2 =	vmul.f32 v45, v26;
	v5 =	vadd.f32 v5, v21;
	v62 =	vmul.f32 v38, v61;
	v7 =	vld [tilespmem:s18+$0xA0]  }
0x5ed: {  	v27 =	vmovc v28;
	v21 =	vmul.f32 v44, v26;
	v0 =	vadd.f32 v0, v8;
	v60 =	vadd.f32 v60, v1  }
0x5ee: {  	v8 =	vld [tilespmem:s19+$0xE0];
	v63 =	vmovc v15;
	v15 =	vmovc v12;
	v12 =	vmov v31;
	v31 =	vmov v19;
	v49 =	vmul.f32 v49, v16  }
0x5ef: {  	v19 =	vmovc v61;
	v1 =	vadd.f32 v0, v2;
	v56 =	vadd.f32 v60, v21;
	v60 =	vmul.f32 v42, v12  }
0x5f0: {  	[tilespmem:s13+$0x50] =	vst v6;
	v2 =	vadd.f32 v54, v62;
	v5 =	vadd.f32 v5, v49;
	v0 =	vmul.f32 v36, v3  }
0x5f1: {  	v61 =	vld [tilespmem:s11+$0x60];
	[tilespmem:s6+$0x70] =	vst v22;
	v59 =	vadd.f32 v7, v23;
	v57 =	vmul.f32 v34, v3;
	v3 =	vmul.f32 v35, v53  }
0x5f2: {  	v24 =	vmovc v12;
	v62 =	vld [tilespmem:s10+$0x60];
	v16 =	vmov v63;
	v63 =	vmul.f32 v41, v63;
	[tilespmem:s14+$0x460] =	vst v5;
	v58 =	vadd.f32 v2, v0  }
0x5f3: {  	s26 =	sor.u32 $0x80, s26;
	s21 =	sadd.s32 $0x2, s0;
	v12 =	vmovc v11;
	v53 =	vadd.f32 v8, v3;
	v0 =	vmul.f32 v46, v11;
	v11 =	vmovc v10;
	v10 =	vmov v9;
	v49 =	vld [tilespmem:s3+$0xF0];
	s3 =	simm.s32 $0x8  }
.LBB2_9:
0x5f4: {  	v2 =	vld [tilespmem:s21+$0x0]  }
0x5f5: {  	v9 =	vld [tilespmem:$0x1FE00]  }
0x5f6: {  	v23 =	vld [tilespmem:$0x1FFF0]  }
0x5f7: {  	v21 =	vld [tilespmem:$0x1FF20]  }
0x5f8: {  	s0 =	smov.u32 s10;
	s10 =	smov.u32 s20;
	[tilespmem:s15+$0x10] =	vst v1;
	v7 =	vadd.f32 v59, v57;
	v59 =	vld [tilespmem:$0x1FDF0]  }
0x5f9: {  	[tilespmem:s24+$0x10] =	vst v56;
	v8 =	vld [tilespmem:s10+$0x20]  }
0x5fa: {  	v6 =	vmul.f32 v43, v24;
	v56 =	vmov v34;
	v1 =	vld [tilespmem:s9+$0x20];
	v5 =	vadd.f32 v61, v63  }
0x5fb: {  	[tilespmem:s5+$0x420] =	vst v58;
	v22 =	vadd.f32 v62, v51;
	v51 =	vld [tilespmem:s21+$0xFFFFFFFF];
	v20 =	vadd.f32 v49, v48;
	v4 =	vmul.f32 v32, v23  }
0x5fc: {  	[tilespmem:s17+$0x420] =	vst v7;
	v58 =	vmul.f32 v56, v21;
	v49 =	vmul.f32 v36, v21;
	v21 =	vld [tilespmem:$0x1FF50];
	v5 =	vadd.f32 v5, v6  }
0x5fd: {  	v6 =	vmul.f32 v35, v59;
	v35 =	vmov v38;
	v4 =	vadd.f32 v53, v4;
	v53 =	vld [tilespmem:s18+$0xB0]  }
0x5fe: {  	v3 =	vmul.f32 v33, v9;
	v61 =	vadd.f32 v22, v60;
	v62 =	vmul.f32 v35, v9;
	v9 =	vld [tilespmem:$0x1FF30];
	[tilespmem:s12+$0x60] =	vst v5  }
0x5ff: {  	v54 =	vmovc v46;
	v46 =	vmul.f32 v45, v27;
	v50 =	vadd.f32 v20, v50;
	v0 =	vadd.f32 v8, v0;
	v5 =	vld [tilespmem:s7+$0xB0]  }
0x600: {  	v57 =	vmul.f32 v44, v27;
	v1 =	vadd.f32 v1, v55;
	[tilespmem:s13+$0x60] =	vst v61;
	v63 =	vld [tilespmem:s11+$0x70]  }
0x601: {  	(v2sf) =	vpush v2, $0x0;
	v2 =	vld [tilespmem:s0+$0x70];
	[tilespmem:s14+$0x470] =	vst v50;
	v0 =	vadd.f32 v0, v46;
	s14 =	smov.u32 s17  }
0x602: {  	v38 =	vmov v41;
	v20 =	vld [tilespmem:$0x1FFB0];
	s17 =	smov.u32 s6;
	s6 =	smov.u32 s13;
	s13 =	smov.u32 s15;
	[tilespmem:s16+$0x460] =	vst v4;
	v1 =	vadd.f32 v1, v57  }
0x603: {  	s2 =	sadd.s32 $0x2, s2;
	v60 =	vld [tilespmem:s19+$0xF0];
	[tilespmem:s13+$0x20] =	vst v0;
	v61 =	vmul.f32 v38, v9;
	v3 =	vadd.f32 v53, v3  }
0x604: {  	v22 =	vmul.f32 v43, v21;
	s19 =	smov.u32 s7;
	s7 =	smov.u32 s11;
	s11 =	smov.u32 s9;
	[tilespmem:s24+$0x20] =	vst v1;
	v46 =	vld.msk [tilespmem:s2+$0xFFFFFFFF ss:$0x0], $0xffff;
	v5 =	vadd.f32 v5, v62  }
0x605: {  	v8 =	vmul.f32 v40, v9;
	v62 =	vld [tilespmem:s11+$0x30];
	v7 =	vadd.f32 v63, v61;
	v3 =	vadd.f32 v3, v58  }
0x606: {  	(v2sf) =	vpush v51, $0x0;
	v63 =	vld [tilespmem:s10+$0x30];
	v5 =	vadd.f32 v5, v49  }
0x607: {  	v4 =	vmul.f32 v42, v21;
	v2 =	vadd.f32 v2, v8;
	v61 =	vld [tilespmem:$0x1FF60];
	v7 =	vadd.f32 v7, v22;
	[tilespmem:s14+$0x430] =	vst v3  }
0x608: {  	v3 =	vadd.f32 v60, v6;
	v60 =	vld [tilespmem:$0x1FE10];
	[tilespmem:s5+$0x430] =	vst v5  }
0x609: {  	v41 =	vmov v47;
	v58 =	vmul.f32 v32, v20;
	v2 =	vadd.f32 v2, v4;
	v4 =	vld [tilespmem:s18+$0xC0];
	[tilespmem:s12+$0x70] =	vst v7  }
0x60a: {  	v34 =	vmov v37;
	v1 =	vmul.f32 v41, v13;
	v5 =	vld [tilespmem:s19+$0xC0]  }
0x60b: {  	v37 =	vmovc v42;
	v42 =	vmov v45;
	v45 =	vmul.f32 v54, v13;
	v3 =	vadd.f32 v3, v58;
	[tilespmem:s6+$0x70] =	vst v2;
	v2 =	vld [tilespmem:s7+$0x80]  }
0x60c: {  	s22 =	sadd.s32 $0x2, s22;
	v57 =	vmul.f32 v44, v29;
	v1 =	vadd.f32 v62, v1;
	v62 =	vld [tilespmem:s8+$0x80]  }
0x60d: {  	v32 =	vmovc v36;
	v36 =	vmov v43;
	v43 =	vmov v44;
	v44 =	vadd.f32 v63, v45;
	v45 =	vld.msk [tilespmem:s22+$0xFFFFFFFF ss:$0x0], $0xffff;
	[tilespmem:s16+$0x470] =	vst v3  }
0x60e: {  	v0 =	vmul.f32 v42, v29;
	v47 =	vld.msk [tilespmem:s2+$0x0 ss:$0x0], $0xffff;
	v1 =	vadd.f32 v1, v57  }
0x60f: {  	s16 =	smov.u32 s5;
	s5 =	smov.u32 s12;
	s12 =	smov.u32 s24;
	v7 =	vmul.f32 v33, v60;
	v63 =	vmul.f32 v35, v60;
	v60 =	vld [tilespmem:$0x1FF80]  }
0x610: {  	v3 =	vmul.f32 v38, v17;
	v0 =	vadd.f32 v44, v0;
	v44 =	vld.msk [tilespmem:s22+$0x0 ss:$0x0], $0xffff;
	[tilespmem:s12+$0x30] =	vst v1  }
0x611: {  	v6 =	vmul.f32 v39, v17;
	v8 =	vmul.f32 v56, v61;
	s9 =	spop (v2sf);
	v4 =	vadd.f32 v4, v7;
	v50 =	vld [tilespmem:s11+$0x40]  }
0x612: {  	v22 =	vmul.f32 v32, v61;
	v5 =	vadd.f32 v5, v63;
	v2 =	vadd.f32 v2, v3;
	v49 =	vld [tilespmem:s9+$0x0]  }
0x613: {  	v48 =	vmul.f32 v33, v59;
	[tilespmem:s13+$0x30] =	vst v0;
	v6 =	vadd.f32 v62, v6;
	v62 =	vld [tilespmem:$0x1FE20];
	v3 =	vadd.f32 v4, v8  }
0x614: {  	v9 =	vmul.f32 v39, v19;
	v53 =	vmul.f32 v43, v30;
	v4 =	vld [tilespmem:s10+$0x40];
	v5 =	vadd.f32 v5, v22  }
0x615: {  	v51 =	vmov v52;
	v52 =	vmul.f32 v46, v16;
	v57 =	vmul.f32 v46, v10;
	v22 =	vld [tilespmem:$0x1FF90];
	[tilespmem:s14+$0x440] =	vst v3  }
0x616: {  	v7 =	vmul.f32 v54, v14;
	s20 =	spop (v2sf);
	v61 =	vmul.f32 v36, v60;
	[tilespmem:s16+$0x440] =	vst v5;
	v5 =	vld [tilespmem:s18+$0xD0]  }
0x617: {  	v1 =	vmul.f32 v41, v14;
	v8 =	vmul.f32 v34, v60;
	v58 =	vld [tilespmem:s20+$0x0]  }
0x618: {  	v21 =	vld [tilespmem:$0x1FFC0];
	v0 =	vmul.f32 v42, v30;
	v59 =	vmul.f32 v47, v10;
	v2 =	vadd.f32 v2, v61  }
0x619: {  	v6 =	vadd.f32 v6, v8;
	v3 =	vmul.f32 v33, v62;
	v1 =	vadd.f32 v50, v1  }
0x61a: {  	v55 =	vmul.f32 v47, v12;
	v60 =	vmul.f32 v44, v25;
	[tilespmem:s5+$0x400] =	vst v2;
	v4 =	vadd.f32 v4, v7  }
0x61b: {  	[tilespmem:s17+$0x400] =	vst v6;
	v8 =	vmul.f32 v56, v22;
	v50 =	vld [tilespmem:s7+$0x90];
	v1 =	vadd.f32 v1, v53;
	v3 =	vadd.f32 v5, v3  }
0x61c: {  	s4 =	sadd.s32 $0x100, s4;
	s23 =	sadd.s32 $0x200, s23;
	v2 =	vmul.f32 v45, v25;
	v7 =	vld [tilespmem:s8+$0x90];
	v0 =	vadd.f32 v4, v0;
	v63 =	vadd.f32 v58, v57  }
0x61d: {  	s25 =	sadd.s32 $0xFFFFFF80, s4;
	s15 =	sand.u32 $0x7800, s23;
	v61 =	vmul.f32 v34, v21;
	v49 =	vadd.f32 v49, v59;
	v53 =	vld [tilespmem:s19+$0xD0];
	[tilespmem:s12+$0x40] =	vst v1;
	v3 =	vadd.f32 v3, v8  }
0x61e: {  	s24 =	sand.u32 $0x300, s25;
	s25 =	sadd.s32 $0xEB80, s15;
	v59 =	vmul.f32 v35, v62;
	v62 =	vmul.f32 v38, v18;
	[tilespmem:s13+$0x40] =	vst v0;
	v0 =	vld [tilespmem:s11+$0x50];
	v2 =	vadd.f32 v63, v2  }
0x61f: {  	s15 =	sadd.s32 s24, s25;
	v6 =	vmul.f32 v39, v18;
	v49 =	vadd.f32 v49, v60;
	v60 =	vmul.f32 v43, v31;
	v5 =	vld [tilespmem:s10+$0x50];
	[tilespmem:s14+$0x450] =	vst v3  }
0x620: {  	s24 =	sand.u32 $0x380, s4;
	v22 =	vmul.f32 v32, v22;
	v1 =	vadd.f32 v50, v62;
	v50 =	vmul.f32 v36, v21;
	v62 =	vld [tilespmem:$0x1FE30];
	[tilespmem:s15+$0x0] =	vst v2  }
0x621: {  	s24 =	sadd.s32 s24, s25;
	v57 =	vmul.f32 v54, v15;
	v58 =	vmul.f32 v41, v15;
	v21 =	vadd.f32 v7, v6;
	v7 =	vld [tilespmem:s18+$0xE0]  }
0x622: {  	[tilespmem:s24+$0x0] =	vst v49;
	v49 =	vmul.f32 v47, v11;
	v3 =	vadd.f32 v53, v59;
	v1 =	vadd.f32 v1, v50;
	v53 =	vld [tilespmem:s20+$0x10]  }
0x623: {  	v8 =	vmul.f32 v42, v31;
	v2 =	vmul.f32 v46, v11;
	v4 =	vadd.f32 v21, v61;
	v61 =	vld [tilespmem:s9+$0x10]  }
0x624: {  	v59 =	vmul.f32 v45, v26;
	v21 =	vld [tilespmem:$0x1FFE0];
	v0 =	vadd.f32 v0, v58;
	[tilespmem:s5+$0x410] =	vst v1;
	v1 =	vadd.f32 v3, v22  }
0x625: {  	v50 =	vmul.f32 v56, v20;
	v5 =	vadd.f32 v5, v57;
	[tilespmem:s17+$0x410] =	vst v4;
	v6 =	vld [tilespmem:s7+$0xA0];
	v63 =	vmul.f32 v33, v62  }
0x626: {  	s3 =	sadd.s32 $0x2, s3;
	v3 =	vmul.f32 v44, v26;
	v0 =	vadd.f32 v0, v60;
	v58 =	vld [tilespmem:s8+$0xA0];
	v60 =	vmul.f32 v42, v24;
	[tilespmem:s16+$0x450] =	vst v1  }
0x627: {  	p0 =	slt.u32 s3, $0x7E;
	v33 =	vmovc v39;
	v1 =	vmul.f32 v56, v23;
	v5 =	vadd.f32 v5, v8;
	v8 =	vld [tilespmem:s19+$0xE0];
	v4 =	vadd.f32 v7, v63  }
.Ltmp3:
0x628: {  	v23 =	vmul.f32 v35, v62;
	v2 =	vadd.f32 v53, v2;
	[tilespmem:s12+$0x50] =	vst v0;
	v0 =	vmul.f32 v38, v19;
	(pc) =	sbr.rel @p0 .LBB2_9-.Ltmp3, $4  }
0x629: {  	v39 =	vmovc v40;
	v57 =	vmul.f32 v34, v21;
	v49 =	vadd.f32 v61, v49;
	v4 =	vadd.f32 v4, v1  }
0x62a: {  	v53 =	vmul.f32 v36, v21;
	[tilespmem:s13+$0x50] =	vst v5;
	v61 =	vld [tilespmem:s11+$0x60];
	v1 =	vadd.f32 v2, v59;
	v2 =	vadd.f32 v6, v0  }
0x62b: {  	v63 =	vmul.f32 v41, v16;
	v62 =	vld [tilespmem:s10+$0x60];
	v56 =	vadd.f32 v49, v3;
	v59 =	vadd.f32 v58, v9;
	[tilespmem:s14+$0x460] =	vst v4  }
0x62c: {  	s21 =	sadd.s32 $0x2, s21;
	v40 =	vmovc v54;
	v0 =	vmul.f32 v46, v12;
	v58 =	vadd.f32 v2, v53;
	v53 =	vadd.f32 v8, v23;
	v49 =	vld [tilespmem:s18+$0xF0];
	s18 =	smov.u32 s8;
	s8 =	smov.u32 s0  }
0x62d: {  	[tilespmem:s24+$0x10] =	vst v56  }
0x62e: {  	[tilespmem:s15+$0x10] =	vst v1;
	v7 =	vld [tilespmem:s9+$0x20]  }
0x62f: {  	v2 =	vld [tilespmem:s20+$0x20];
	_ =	sdelay $0x3  }
0x630: {  	v3 =	vmul.f32 v44, v27;
	v1 =	vadd.f32 v7, v55  }
0x631: {  	v4 =	vmul.f32 v45, v27;
	v0 =	vadd.f32 v2, v0  }
0x632: {  	v1 =	vadd.f32 v1, v3  }
0x633: {  	v0 =	vadd.f32 v0, v4  }
0x634: {  	[tilespmem:s24+$0x20] =	vst v1  }
0x635: {  	[tilespmem:s15+$0x20] =	vst v0;
	v0 =	vld [tilespmem:s9+$0x30]  }
0x636: {  	v1 =	vld [tilespmem:s20+$0x30];
	_ =	sdelay $0x1  }
0x637: {  	v54 =	vmul.f32 v47, v13  }
0x638: {  	v55 =	vmul.f32 v46, v13  }
0x639: {  	v56 =	vmul.f32 v44, v29;
	v0 =	vadd.f32 v0, v54  }
0x63a: {  	v54 =	vmul.f32 v45, v29;
	v1 =	vadd.f32 v1, v55  }
0x63b: {  	v0 =	vadd.f32 v0, v56  }
0x63c: {  	v1 =	vadd.f32 v1, v54  }
0x63d: {  	[tilespmem:s24+$0x30] =	vst v0  }
0x63e: {  	[tilespmem:s15+$0x30] =	vst v1;
	v0 =	vld [tilespmem:s9+$0x40]  }
0x63f: {  	v1 =	vld [tilespmem:s20+$0x40];
	_ =	sdelay $0x1  }
0x640: {  	v55 =	vmul.f32 v47, v14  }
0x641: {  	v56 =	vmul.f32 v46, v14  }
0x642: {  	v54 =	vmul.f32 v44, v30;
	v0 =	vadd.f32 v0, v55  }
0x643: {  	v55 =	vmul.f32 v45, v30;
	v1 =	vadd.f32 v1, v56  }
0x644: {  	v0 =	vadd.f32 v0, v54  }
0x645: {  	v1 =	vadd.f32 v1, v55  }
0x646: {  	[tilespmem:s24+$0x40] =	vst v0  }
0x647: {  	[tilespmem:s15+$0x40] =	vst v1;
	v0 =	vld [tilespmem:s9+$0x50]  }
0x648: {  	v1 =	vld [tilespmem:s20+$0x50];
	_ =	sdelay $0x1  }
0x649: {  	v56 =	vmul.f32 v47, v15  }
0x64a: {  	v54 =	vmul.f32 v46, v15  }
0x64b: {  	v55 =	vmul.f32 v44, v31;
	v0 =	vadd.f32 v0, v56  }
0x64c: {  	v56 =	vmul.f32 v45, v31;
	v1 =	vadd.f32 v1, v54  }
0x64d: {  	v0 =	vadd.f32 v0, v55  }
0x64e: {  	v1 =	vadd.f32 v1, v56  }
0x64f: {  	[tilespmem:s24+$0x50] =	vst v0  }
0x650: {  	[tilespmem:s15+$0x50] =	vst v1;
	v0 =	vld [tilespmem:s9+$0x60]  }
0x651: {  	v1 =	vld [tilespmem:s20+$0x60];
	_ =	sdelay $0x1  }
0x652: {  	v2 =	vadd.f32 v61, v63;
	v63 =	vmul.f32 v43, v24;
	v61 =	vmul.f32 v47, v16  }
0x653: {  	v5 =	vadd.f32 v62, v51  }
0x654: {  	v62 =	vmul.f32 v44, v24;
	v2 =	vadd.f32 v2, v63;
	v0 =	vadd.f32 v0, v61  }
0x655: {  	v51 =	vmul.f32 v45, v24;
	v63 =	vadd.f32 v5, v60;
	v1 =	vadd.f32 v1, v52  }
0x656: {  	[tilespmem:s12+$0x60] =	vst v2;
	v0 =	vadd.f32 v0, v62  }
0x657: {  	[tilespmem:s13+$0x60] =	vst v63;
	v1 =	vadd.f32 v1, v51  }
0x658: {  	[tilespmem:s24+$0x60] =	vst v0  }
0x659: {  	[tilespmem:s15+$0x60] =	vst v1  }
0x65a: {  	v8 =	vld [tilespmem:$0x1FF30]  }
0x65b: {  	v2 =	vld [tilespmem:s11+$0x70]  }
0x65c: {  	v9 =	vld [tilespmem:$0x1FF50]  }
0x65d: {  	v54 =	vld [tilespmem:s10+$0x70]  }
0x65e: {  	v0 =	vld [tilespmem:s9+$0x70]  }
0x65f: {  	v60 =	vmul.f32 v41, v8  }
0x660: {  	v62 =	vmul.f32 v40, v8  }
0x661: {  	v6 =	vmul.f32 v43, v9;
	v63 =	vmul.f32 v47, v8;
	v1 =	vadd.f32 v2, v60  }
0x662: {  	v61 =	vld [tilespmem:s20+$0x70];
	v7 =	vmul.f32 v42, v9;
	v51 =	vmul.f32 v46, v8;
	v3 =	vadd.f32 v54, v62  }
0x663: {  	v8 =	vmul.f32 v44, v9;
	v0 =	vadd.f32 v0, v63;
	v1 =	vadd.f32 v1, v6  }
0x664: {  	v54 =	vadd.f32 v3, v7  }
0x665: {  	v0 =	vadd.f32 v0, v8;
	[tilespmem:s12+$0x70] =	vst v1  }
0x666: {  	[tilespmem:s13+$0x70] =	vst v54  }
0x667: {  	v52 =	vld [tilespmem:s8+$0x80];
	v60 =	vmul.f32 v45, v9;
	v4 =	vadd.f32 v61, v51;
	[tilespmem:s24+$0x70] =	vst v0  }
0x668: {  	v9 =	vld [tilespmem:$0x1FF80]  }
0x669: {  	v3 =	vadd.f32 v4, v60;
	v1 =	vld [tilespmem:s11+$0x80]  }
0x66a: {  	v62 =	vld [tilespmem:s10+$0x80]  }
0x66b: {  	v61 =	vmul.f32 v39, v17;
	[tilespmem:s15+$0x70] =	vst v3;
	v3 =	vld [tilespmem:s9+$0x80]  }
0x66c: {  	v51 =	vmul.f32 v41, v17  }
0x66d: {  	v2 =	vadd.f32 v52, v61;
	v54 =	vmul.f32 v40, v17;
	v63 =	vmul.f32 v37, v9  }
0x66e: {  	v61 =	vmul.f32 v47, v17;
	v60 =	vmul.f32 v43, v9;
	v1 =	vadd.f32 v1, v51  }
0x66f: {  	v0 =	vadd.f32 v62, v54;
	v62 =	vmul.f32 v42, v9;
	v2 =	vadd.f32 v2, v63  }
0x670: {  	v8 =	vmul.f32 v44, v9;
	v3 =	vadd.f32 v3, v61;
	v1 =	vadd.f32 v1, v60  }
0x671: {  	v0 =	vadd.f32 v0, v62;
	[tilespmem:s6+$0x400] =	vst v2  }
0x672: {  	v52 =	vld [tilespmem:s20+$0x80];
	v60 =	vadd.f32 v3, v8;
	[tilespmem:s12+$0x400] =	vst v1  }
0x673: {  	[tilespmem:s13+$0x400] =	vst v0  }
0x674: {  	[tilespmem:s24+$0x400] =	vst v60;
	v51 =	vld [tilespmem:s8+$0x90]  }
0x675: {  	v63 =	vmul.f32 v46, v17;
	v8 =	vld [tilespmem:$0x1FFC0]  }
0x676: {  	v3 =	vld [tilespmem:s11+$0x90]  }
0x677: {  	v54 =	vmul.f32 v45, v9;
	v52 =	vadd.f32 v52, v63;
	v1 =	vld [tilespmem:s10+$0x90]  }
0x678: {  	v61 =	vmul.f32 v39, v18;
	v5 =	vld [tilespmem:s9+$0x90]  }
0x679: {  	v62 =	vadd.f32 v52, v54;
	v52 =	vmul.f32 v41, v18  }
0x67a: {  	v60 =	vmul.f32 v40, v18;
	v63 =	vmul.f32 v37, v8;
	v51 =	vadd.f32 v51, v61  }
0x67b: {  	[tilespmem:s15+$0x400] =	vst v62;
	v62 =	vmul.f32 v47, v18;
	v0 =	vadd.f32 v3, v52;
	v61 =	vmul.f32 v43, v8  }
0x67c: {  	v1 =	vadd.f32 v1, v60;
	v2 =	vadd.f32 v51, v63;
	v63 =	vmul.f32 v42, v8  }
0x67d: {  	v5 =	vadd.f32 v5, v62;
	v0 =	vadd.f32 v0, v61;
	v61 =	vmul.f32 v44, v8  }
0x67e: {  	[tilespmem:s6+$0x410] =	vst v2;
	v1 =	vadd.f32 v1, v63  }
0x67f: {  	v54 =	vld [tilespmem:s20+$0x90];
	[tilespmem:s12+$0x410] =	vst v0;
	v63 =	vadd.f32 v5, v61  }
0x680: {  	[tilespmem:s13+$0x410] =	vst v1  }
0x681: {  	v52 =	vld [tilespmem:s8+$0xA0];
	[tilespmem:s24+$0x410] =	vst v63  }
0x682: {  	v51 =	vmul.f32 v46, v18;
	v21 =	vld [tilespmem:$0x1FFE0];
	_ =	sdelay $0x1  }
0x683: {  	v62 =	vmul.f32 v45, v8;
	v4 =	vadd.f32 v54, v51  }
0x684: {  	v54 =	vmul.f32 v39, v19  }
0x685: {  	v51 =	vld [tilespmem:s11+$0xA0];
	v60 =	vadd.f32 v4, v62  }
0x686: {  	v61 =	vadd.f32 v59, v57;
	v0 =	vld [tilespmem:s10+$0xA0];
	v3 =	vadd.f32 v52, v54;
	v62 =	vmul.f32 v37, v21  }
0x687: {  	v63 =	vld [tilespmem:s9+$0xA0];
	[tilespmem:s15+$0x410] =	vst v60  }
0x688: {  	v17 =	vmovc v18;
	v18 =	vmov v19;
	v52 =	vmul.f32 v41, v19;
	v19 =	vld [tilespmem:$0x1FE00];
	[tilespmem:s17+$0x420] =	vst v61;
	v54 =	vadd.f32 v3, v62  }
0x689: {  	v7 =	vld [tilespmem:s20+$0xA0];
	[tilespmem:s5+$0x420] =	vst v58  }
0x68a: {  	v57 =	vmul.f32 v40, v18;
	v4 =	vld [tilespmem:s18+$0xB0];
	[tilespmem:s6+$0x420] =	vst v54  }
0x68b: {  	v56 =	vmovc v24;
	v59 =	vmul.f32 v47, v18;
	v9 =	vmul.f32 v43, v21;
	v1 =	vadd.f32 v51, v52;
	v24 =	vld [tilespmem:$0x1FF20]  }
0x68c: {  	v61 =	vmul.f32 v46, v18;
	v51 =	vld [tilespmem:s7+$0xB0];
	v60 =	vmul.f32 v42, v21;
	v0 =	vadd.f32 v0, v57  }
0x68d: {  	v5 =	vadd.f32 v63, v59;
	v63 =	vmul.f32 v45, v21;
	v1 =	vadd.f32 v1, v9;
	v9 =	vld [tilespmem:s8+$0xB0]  }
0x68e: {  	v62 =	vmul.f32 v44, v21;
	v0 =	vadd.f32 v0, v60;
	v8 =	vmul.f32 v33, v19  }
0x68f: {  	v3 =	vadd.f32 v7, v61;
	v57 =	vmul.f32 v38, v19;
	v59 =	vmul.f32 v39, v19  }
0x690: {  	v58 =	vadd.f32 v5, v62;
	[tilespmem:s12+$0x420] =	vst v1;
	v4 =	vadd.f32 v4, v8;
	v54 =	vmul.f32 v34, v24  }
0x691: {  	v60 =	vadd.f32 v3, v63;
	[tilespmem:s13+$0x420] =	vst v0;
	v62 =	vadd.f32 v51, v57;
	v8 =	vld [tilespmem:s11+$0xB0];
	v61 =	vmul.f32 v36, v24  }
0x692: {  	[tilespmem:s24+$0x420] =	vst v58;
	v63 =	vld [tilespmem:s10+$0xB0];
	v52 =	vmul.f32 v37, v24;
	v5 =	vadd.f32 v9, v59;
	v4 =	vadd.f32 v4, v54  }
0x693: {  	[tilespmem:s15+$0x420] =	vst v60;
	v7 =	vld [tilespmem:s9+$0xB0];
	v54 =	vadd.f32 v62, v61  }
0x694: {  	v57 =	vmul.f32 v41, v19;
	v58 =	vld [tilespmem:s20+$0xB0];
	v5 =	vadd.f32 v5, v52;
	[tilespmem:s17+$0x430] =	vst v4  }
0x695: {  	v59 =	vmul.f32 v40, v19;
	v9 =	vmul.f32 v43, v24;
	v21 =	vld [tilespmem:$0x1FE10];
	[tilespmem:s5+$0x430] =	vst v54  }
0x696: {  	v2 =	vadd.f32 v8, v57;
	v8 =	vmul.f32 v47, v19;
	v61 =	vmul.f32 v42, v24;
	v60 =	vld [tilespmem:s18+$0xC0];
	[tilespmem:s6+$0x430] =	vst v5  }
0x697: {  	v1 =	vadd.f32 v63, v59;
	v63 =	vmul.f32 v44, v24;
	v54 =	vmul.f32 v45, v24;
	v24 =	vld [tilespmem:$0x1FF60]  }
0x698: {  	v62 =	vmul.f32 v46, v19;
	v2 =	vadd.f32 v2, v9;
	v51 =	vld [tilespmem:s7+$0xC0]  }
0x699: {  	v7 =	vadd.f32 v7, v8;
	v1 =	vadd.f32 v1, v61;
	v9 =	vld [tilespmem:s8+$0xC0]  }
0x69a: {  	v3 =	vadd.f32 v58, v62;
	v4 =	vmul.f32 v33, v21  }
0x69b: {  	v58 =	vadd.f32 v7, v63;
	[tilespmem:s13+$0x430] =	vst v1;
	v8 =	vmul.f32 v38, v21;
	v59 =	vmul.f32 v39, v21  }
0x69c: {  	[tilespmem:s12+$0x430] =	vst v2;
	v63 =	vld [tilespmem:s10+$0xC0];
	v57 =	vmul.f32 v34, v24;
	v0 =	vadd.f32 v60, v4;
	v60 =	vadd.f32 v3, v54  }
0x69d: {  	[tilespmem:s24+$0x430] =	vst v58;
	v61 =	vmul.f32 v36, v24;
	v4 =	vld [tilespmem:s11+$0xC0];
	v62 =	vadd.f32 v51, v8  }
0x69e: {  	v54 =	vmul.f32 v37, v24;
	v7 =	vadd.f32 v9, v59;
	v8 =	vld [tilespmem:s9+$0xC0];
	v0 =	vadd.f32 v0, v57;
	[tilespmem:s15+$0x430] =	vst v60  }
0x69f: {  	v55 =	vmov v16;
	v3 =	vadd.f32 v62, v61;
	v16 =	vld [tilespmem:$0x1FFF0]  }
0x6a0: {  	v58 =	vmul.f32 v40, v21;
	v6 =	vadd.f32 v7, v54;
	v9 =	vld [tilespmem:s20+$0xC0];
	[tilespmem:s17+$0x440] =	vst v0  }
0x6a1: {  	v57 =	vmul.f32 v41, v21;
	v22 =	vld [tilespmem:$0x1FE20];
	[tilespmem:s5+$0x440] =	vst v3  }
0x6a2: {  	v59 =	vmul.f32 v43, v24;
	v2 =	vadd.f32 v63, v58;
	v3 =	vld [tilespmem:s18+$0xD0];
	[tilespmem:s6+$0x440] =	vst v6  }
0x6a3: {  	v63 =	vmul.f32 v45, v24;
	v60 =	vmul.f32 v47, v21;
	v4 =	vadd.f32 v4, v57;
	v57 =	vld [tilespmem:$0x1FF90]  }
0x6a4: {  	v61 =	vmul.f32 v42, v24;
	v62 =	vmul.f32 v46, v21  }
0x6a5: {  	v54 =	vmul.f32 v44, v24;
	v5 =	vadd.f32 v8, v60;
	v52 =	vld [tilespmem:s7+$0xD0];
	v4 =	vadd.f32 v4, v59  }
0x6a6: {  	v2 =	vadd.f32 v2, v61;
	v7 =	vadd.f32 v9, v62;
	v0 =	vmul.f32 v33, v22  }
0x6a7: {  	v51 =	vld [tilespmem:s8+$0xD0];
	v54 =	vadd.f32 v5, v54;
	[tilespmem:s12+$0x440] =	vst v4;
	v9 =	vmul.f32 v38, v22  }
0x6a8: {  	[tilespmem:s13+$0x440] =	vst v2;
	v59 =	vld [tilespmem:s11+$0xD0];
	v60 =	vadd.f32 v7, v63;
	v8 =	vmul.f32 v34, v57;
	v0 =	vadd.f32 v3, v0  }
0x6a9: {  	v28 =	vmov v27;
	v27 =	vmov v29;
	v1 =	vmul.f32 v32, v16;
	[tilespmem:s24+$0x440] =	vst v54;
	v63 =	vld [tilespmem:s10+$0xD0]  }
0x6aa: {  	v58 =	vmul.f32 v39, v22;
	v61 =	vadd.f32 v52, v9;
	v9 =	vld [tilespmem:s9+$0xD0];
	[tilespmem:s15+$0x440] =	vst v60;
	v0 =	vadd.f32 v0, v8  }
0x6ab: {  	v29 =	vmovc v30;
	v30 =	vmovc v31;
	v31 =	vmov v56;
	v54 =	vmul.f32 v41, v22;
	v62 =	vmul.f32 v36, v57;
	v24 =	vld [tilespmem:$0x1FDF0]  }
0x6ac: {  	v3 =	vadd.f32 v51, v58;
	v58 =	vmul.f32 v43, v57;
	v56 =	vld [tilespmem:s20+$0xD0];
	v8 =	vmul.f32 v37, v57;
	[tilespmem:s17+$0x450] =	vst v0  }
0x6ad: {  	v6 =	vadd.f32 v61, v62;
	v5 =	vadd.f32 v59, v54;
	v59 =	vmul.f32 v47, v22;
	v23 =	vld [tilespmem:$0x1FE30]  }
0x6ae: {  	v1 =	vadd.f32 v53, v1;
	v3 =	vadd.f32 v3, v8;
	v8 =	vmul.f32 v40, v22  }
0x6af: {  	v62 =	vmul.f32 v44, v57;
	v51 =	vld [tilespmem:s18+$0xE0];
	[tilespmem:s5+$0x450] =	vst v6;
	v5 =	vadd.f32 v5, v58;
	v61 =	vadd.f32 v9, v59  }
0x6b0: {  	v60 =	vmul.f32 v42, v57;
	v52 =	vld [tilespmem:s7+$0xE0];
	[tilespmem:s6+$0x450] =	vst v3;
	v4 =	vadd.f32 v63, v8;
	v8 =	vmul.f32 v46, v22  }
0x6b1: {  	v54 =	vmul.f32 v45, v57;
	v53 =	vld [tilespmem:s8+$0xE0];
	[tilespmem:s12+$0x450] =	vst v5;
	v58 =	vadd.f32 v61, v62;
	v61 =	vadd.f32 v49, v48  }
0x6b2: {  	v9 =	vmul.f32 v34, v16;
	v56 =	vadd.f32 v56, v8;
	v7 =	vld [tilespmem:s11+$0xE0];
	v0 =	vmul.f32 v33, v23  }
0x6b3: {  	[tilespmem:s16+$0x460] =	vst v1;
	v63 =	vadd.f32 v4, v60;
	v1 =	vadd.f32 v61, v50;
	v57 =	vmul.f32 v38, v23  }
0x6b4: {  	v59 =	vmul.f32 v39, v23;
	v60 =	vadd.f32 v56, v54;
	v0 =	vadd.f32 v51, v0  }
0x6b5: {  	[tilespmem:s13+$0x450] =	vst v63;
	v63 =	vmul.f32 v36, v16;
	v62 =	vadd.f32 v52, v57;
	v57 =	vmul.f32 v41, v23  }
0x6b6: {  	v8 =	vld [tilespmem:s19+$0xF0];
	[tilespmem:s24+$0x450] =	vst v58;
	v54 =	vmul.f32 v37, v16;
	v6 =	vadd.f32 v53, v59;
	v0 =	vadd.f32 v0, v9  }
0x6b7: {  	v61 =	vmul.f32 v43, v16;
	v52 =	vld [tilespmem:s10+$0xE0];
	[tilespmem:s15+$0x450] =	vst v60;
	v56 =	vadd.f32 v62, v63;
	v60 =	vadd.f32 v7, v57  }
0x6b8: {  	v9 =	vld [tilespmem:s9+$0xE0];
	v58 =	vadd.f32 v6, v54;
	[tilespmem:s17+$0x460] =	vst v0  }
0x6b9: {  	v2 =	vmul.f32 v35, v24;
	v35 =	vld [tilespmem:s20+$0xE0];
	[tilespmem:s5+$0x460] =	vst v56;
	v3 =	vadd.f32 v60, v61  }
0x6ba: {  	v59 =	vmul.f32 v40, v23;
	v62 =	vmul.f32 v47, v23;
	[tilespmem:s6+$0x460] =	vst v58  }
0x6bb: {  	v63 =	vmul.f32 v42, v16;
	v57 =	vmul.f32 v45, v16;
	v6 =	vld [tilespmem:s18+$0xF0];
	[tilespmem:s12+$0x460] =	vst v3  }
0x6bc: {  	v56 =	vmul.f32 v44, v16;
	v5 =	vadd.f32 v52, v59;
	v52 =	vmul.f32 v46, v23;
	v16 =	vld [tilespmem:$0x1FFB0]  }
0x6bd: {  	v2 =	vadd.f32 v8, v2;
	v8 =	vld [tilespmem:s7+$0xF0];
	v54 =	vadd.f32 v9, v62  }
0x6be: {  	v53 =	vld [tilespmem:s8+$0xF0];
	v0 =	vadd.f32 v5, v63;
	v9 =	vadd.f32 v35, v52  }
0x6bf: {  	v51 =	vmul.f32 v41, v24;
	v58 =	vmul.f32 v33, v24;
	v61 =	vld [tilespmem:s11+$0xF0];
	v60 =	vadd.f32 v54, v56  }
0x6c0: {  	v59 =	vmul.f32 v38, v24;
	v63 =	vmul.f32 v39, v24;
	[tilespmem:s13+$0x460] =	vst v0;
	v38 =	vadd.f32 v9, v57  }
0x6c1: {  	v56 =	vmul.f32 v47, v24;
	v39 =	vld [tilespmem:s10+$0xF0];
	v6 =	vadd.f32 v6, v58;
	[tilespmem:s24+$0x460] =	vst v60;
	v62 =	vmul.f32 v32, v16  }
0x6c2: {  	v8 =	vadd.f32 v8, v59;
	[tilespmem:s15+$0x460] =	vst v38;
	v9 =	vmul.f32 v34, v16;
	v3 =	vld [tilespmem:s9+$0xF0];
	v48 =	vmul.f32 v36, v16  }
0x6c3: {  	v50 =	vmul.f32 v37, v16;
	v32 =	vadd.f32 v53, v63;
	v0 =	vld [tilespmem:s20+$0xF0];
	v2 =	vadd.f32 v2, v62  }
0x6c4: {  	[tilespmem:s14+$0x470] =	vst v1;
	v53 =	vadd.f32 v61, v51;
	v6 =	vadd.f32 v6, v9;
	v9 =	vmul.f32 v40, v24  }
0x6c5: {  	v54 =	vmul.f32 v43, v16;
	v57 =	vmul.f32 v42, v16;
	v52 =	vadd.f32 v8, v48;
	[tilespmem:s16+$0x470] =	vst v2  }
0x6c6: {  	v8 =	vadd.f32 v32, v50;
	[tilespmem:s17+$0x470] =	vst v6;
	v5 =	vadd.f32 v39, v9;
	v9 =	vmul.f32 v46, v24  }
0x6c7: {  	v60 =	vmul.f32 v44, v16;
	v58 =	vadd.f32 v53, v54;
	[tilespmem:s5+$0x470] =	vst v52;
	v59 =	vadd.f32 v3, v56  }
0x6c8: {  	v62 =	vmul.f32 v45, v16;
	[tilespmem:s6+$0x470] =	vst v8;
	v61 =	vadd.f32 v5, v57;
	v0 =	vadd.f32 v0, v9  }
0x6c9: {  	[tilespmem:s12+$0x470] =	vst v58;
	v63 =	vadd.f32 v59, v60  }
0x6ca: {  	[tilespmem:s13+$0x470] =	vst v61;
	v0 =	vadd.f32 v0, v62  }
0x6cb: {  	s0 =	rddreg [dreg:$0x3];
	[tilespmem:s24+$0x470] =	vst v63  }
0x6cc: {  	[tilespmem:s15+$0x470] =	vst v0  }
0x6cd: {  	s25 =	rddreg [dreg:$0xe]  }
0x6ce: {  	s0 =	sadd.s32 s0, s26;
	s26 =	sadd.s32 $0x1, s25  }
0x6cf: {  	s2 =	rddreg [dreg:$0x1];
	p0 =	sne.s32 s26, $0x8  }
.Ltmp4:
0x6d0: {  	s3 =	simm.s32 $0xEB80;
	s28 =	sadd.s32 $0x100, s28;
	(pc) =	sbr.rel @p0 .LBB2_6-.Ltmp4, $4  }
0x6d1: {  	s29 =	sadd.s32 $0x100, s29;
	s30 =	sadd.s32 $0x100, s30;
	s31 =	sadd.s32 $0x100, s31  }
0x6d2: {  	s1 =	sadd.s32 $0x100, s1;
	s0 =	sshll.u32 s0, $0x5;
	s4 =	rddreg [dreg:$0xf]  }
0x6d3: {  	v9 =	vmov v10;
	v10 =	vmov v11;
	s24 =	simm.s32 $0x0;
	s0 =	sadd.s32 s2, s0;
	s4 =	sadd.s32 $0x100, s4  }
0x6d4: {  	v11 =	vmovc v12;
	v12 =	vmovc v13;
	v13 =	vmov v14;
	v14 =	vmov v15;
	v15 =	vmov v55;
	[hbm4b:s0+s24] =	stream.linear.scatter [tilespmem:s3], [sflag:$0x2], $0x8000, $0x38;
	[tilespmem:$0x16B80] =	vst v63  }
0x6d5: {  	s0 =	simm.s32 $0x1  }
0x6d6: {  	_ =	swait.ge [sflag:s0], $0x8000  }
0x6d7: {  	[sflag:s0] =	ssyncset.done $0x0  }
0x6d8: {  	s1 =	simm.s32 $0x2;
	[sflag:s0] =	ssyncadd.s32 $0xFFFF8000  }
0x6d9: {  	_ =	swait.ge [sflag:s1], $0x8000  }
0x6da: {  	s2 =	rddreg [dreg:$0xd]  }
0x6db: {  	s31 =	rddreg [dreg:$0xc];
	s2 =	sadd.s32 $0x1, s2  }
0x6dc: {  	p0 =	sne.s32 s2, s31  }
.Ltmp5:
0x6dd: {  	_ = 	snop;
	(pc) =	sbr.rel @p0 .LBB2_1-.Ltmp5, $3  }
0x6de: {  	_ =	sdelay $0x1  }
0x6df: {  	[sflag:s1] =	ssyncset.done $0x0  }
0x6e0: {  	[sflag:s1] =	ssyncadd.s32 $0xFFFF8000  }
0x6e1: {  	_ =	sfence.sel $0x180000  }
0x6e2: {  	[bflag:$0x0] =	sbarrier.arrive $0xFFFF  }
0x6e3: {  	_ =	strace $0x90000047  }
0x6e4: {  	s0 =	stileid.u32;
	[bflag:$0x2] =	sbarrier.arrive $0xFFFF  }
0x6e5: {  	p0 =	sne.s32 s0, $0x0;
	s0 =	rddreg [dreg:$0x2]  }
0x6e6: {  	s0 =	sadd.s32 @!p0 $0x100000, s0  }
0x6e7: {  	[sflag:s0] =	ssyncadd.tile.s32 @!p0 $0x1;
	_ =	shalt  }
.Lfunc_end2:
_tile_overlayer_lowered:
.L_overlay_start_2:
0x6e8: {  	(tag) =	ssettag $0x2  }
0x6e9: {  	s0 =	rddreg [dreg:$0x0];
	s2 =	stileid.u32  }
0x6ea: {  	s1 =	rddreg [dreg:$0x1];
	p0 =	sne.s32 s2, $0x0  }
0x6eb: {  	s3 =	rddreg [dreg:$0x2];
	[bflag:$0x3] =	sbarrier.arrive $0xFFFF;
	s2 =	simm.s32 @!p0 $0x1C03  }
0x6ec: {  	[timem:s3], [sflag:s2] =	dma.local @!p0 [hbm:s0], s1  }
0x6ed: {  	s0 =	simm.s32 @!p0 $0x3  }
0x6ee: {  	_ =	swait.ge @!p0 [sflag:s0], s1  }
0x6ef: {  	s1 =	ssub.s32 @!p0 $0x0, s1;
	[sflag:s0] =	ssyncset.done @!p0 $0x0  }
0x6f0: {  	[sflag:s0] =	ssyncadd.s32 @!p0 s1  }
0x6f1: {  	[bflag:$0x3] =	sbarrier.arrive $0xFFFF  }
0x6f2: {  	_ =	shalt  }

</sc_bundles>
